<compile_context>
chip_gen: v7x
topology: tpu7x:2x2x1
jax: 0.10.2.dev20260603
libtpu: 0.0.44.dev20260713+nightly
codegen_flags: <defaults>
</compile_context>

<pallas_src>
import functools

import jax
import jax.numpy as jnp
from jax import lax
from jax.experimental import pallas as pl
from jax.experimental.pallas import tpu as pltpu
from jax.experimental.pallas import tpu_sc as plsc

_B, _L, _D = 16384, 200, 64
_BW = 512
_BT = 128
_NBT = _BW // _BT
_NOB = 2


@functools.lru_cache(maxsize=1)
def _build():
    info = plsc.get_sparse_core_info()
    nw = info.num_cores * info.num_subcores
    assert _B // nw == _BW

    mesh = plsc.VectorSubcoreMesh(core_axis_name="c", subcore_axis_name="s")

    @functools.partial(
        pl.kernel,
        out_type=jax.ShapeDtypeStruct((_D, _L, _B), jnp.float32),
        mesh=mesh,
        scratch_types=[
            pltpu.VMEM((_D * 16,), jnp.float32),
            pltpu.VMEM((_D * 16,), jnp.float32),
            pltpu.VMEM((_L, _BT), jnp.int32),
            pltpu.VMEM((_L, _BT), jnp.float32),
            pltpu.VMEM((_NOB, _L, _BT), jnp.float32),
            [pltpu.SemaphoreType.DMA] * _NOB,
        ],
    )
    def k(xt_hbm, r0s_hbm, drs_hbm, out_hbm,
          r0s_v, drs_v, xb_v, bit_v, obuf_v, osems):
        c = lax.axis_index("c")
        s = lax.axis_index("s")
        wid = s * info.num_cores + c
        bbase = pl.multiple_of(wid * _BW, _BW)

        pltpu.sync_copy(r0s_hbm, r0s_v)
        pltpu.sync_copy(drs_hbm, drs_v)

        dummy_dst = out_hbm.at[0, pl.ds(0, _L), pl.ds(0, _BT)]

        def blk_wait(q):
            pltpu.make_async_copy(obuf_v.at[q], dummy_dst, osems[q]).wait()

        def blk_emit(d_idx, bcol, q, skip_wait):
            if not skip_wait:
                blk_wait(q)
            r0 = r0s_v[pl.ds(d_idx * 16, 16)]
            dr = drs_v[pl.ds(d_idx * 16, 16)]

            def lp_body(lp, cc):
                for j in range(_BT // 16):
                    o = j * 16
                    obuf_v[q, lp, pl.ds(o, 16)] = (
                        bit_v[lp, pl.ds(o, 16)] * dr + r0)
                return cc

            lax.fori_loop(0, _L, lp_body, 0, unroll=False)
            pltpu.async_copy(
                obuf_v.at[q],
                out_hbm.at[d_idx, pl.ds(0, _L), pl.ds(bcol, _BT)],
                osems[q])

        for bt in range(_NBT):
            bcol = pl.multiple_of(bbase + bt * _BT, _BT)
            pltpu.sync_copy(xt_hbm.at[pl.ds(0, _L), pl.ds(bcol, _BT)], xb_v)

            def bin_body(lp, cc):
                for j in range(_BT // 16):
                    o = j * 16
                    bit_v[lp, pl.ds(o, 16)] = (
                        jnp.maximum(
                            1 - jnp.abs(xb_v[lp, pl.ds(o, 16)] - 1), 0)
                        .astype(jnp.float32))
                return cc

            lax.fori_loop(0, _L, bin_body, 0, unroll=False)

            def dd_body(dd, carry):
                d2 = dd * _NOB
                for q in range(_NOB):
                    blk_emit(d2 + q, bcol, q, skip_wait=False)
                return carry

            if bt == 0:
                for q in range(_NOB):
                    blk_emit(q, bcol, q, skip_wait=True)
                lax.fori_loop(1, _D // _NOB, dd_body, 0, unroll=False)
            else:
                lax.fori_loop(0, _D // _NOB, dd_body, 0, unroll=False)

        for q in range(_NOB):
            blk_wait(q)

    return k


def kernel(x, table):
    t0 = table[0]
    r0s = jnp.repeat(t0, 16)
    drs = jnp.repeat(table[1] - t0, 16)
    out3 = _build()(x.T, r0s, drs)
    return jnp.transpose(out3, (2, 0, 1))

# --- scband reference (transcript-rebuilt; emitter-appended) ---
"""Pipeline reference for scband-parity-backbone-3642132267086 (READ-ONLY COPY).

The authoritative reference and input builder live on the scoring server;
editing this copy changes nothing except your own understanding.
"""

import jax, jax.numpy as jnp
import numpy as np


def setup_inputs(seed: int = 0) -> dict:
    key = jax.random.key(seed)
    k1, k2 = jax.random.split(key)
    # forward input: token ids (any ints; module binarizes via (x == 1))
    x = jax.random.randint(k1, (16384, 200), 0, 2, dtype=jnp.int32)
    # learned parameter: embedding table [n_embeddings=2, d_embedding=64]
    table = jax.random.normal(k2, (2, 64), dtype=jnp.float32)
    return {"x": x, "table": table}


def reference(x, table):
    # x = (x == 1).long()
    idx = (x == 1).astype(jnp.int32)
    # self.embedding(x)  -> [B, L, d]
    emb = jnp.take(table, idx, axis=0)
    # .transpose(1, 2)   -> [B, d, L]
    return jnp.transpose(emb, (0, 2, 1))

if __name__ == "__main__":
    import jax
    _d = setup_inputs()
    print(jax.jit(kernel)(*tuple(_d.values())))

</pallas_src>

<mosaic_0001>
#map = affine_map<(d0, d1) -> (0, 0)>
#map1 = affine_map<(d0, d1) -> (0)>
#map2 = affine_map<(d0, d1) -> (0, 0, 0)>
module attributes {stable_mosaic.version = 14 : i64} {
  func.func @k(%arg0: i32, %arg1: i32, %arg2: memref<200x16384xi32, #tpu.memory_space<hbm>>, %arg3: memref<1024xf32, #tpu.memory_space<hbm>>, %arg4: memref<1024xf32, #tpu.memory_space<hbm>>, %arg5: memref<64x200x16384xf32, #tpu.memory_space<hbm>>, %arg6: memref<1024xf32, #tpu.memory_space<vmem>>, %arg7: memref<1024xf32, #tpu.memory_space<vmem>>, %arg8: memref<200x128xi32, #tpu.memory_space<vmem>>, %arg9: memref<200x128xf32, #tpu.memory_space<vmem>>, %arg10: memref<2x200x128xf32, #tpu.memory_space<vmem>>, %arg11: memref<!tpu.dma_semaphore, #tpu.memory_space<semaphore_mem>>, %arg12: memref<!tpu.dma_semaphore, #tpu.memory_space<semaphore_mem>>) attributes {dimension_semantics = [#tpu.dimension_semantics<core_parallel>, #tpu.dimension_semantics<subcore_parallel>], iteration_bounds = array<i64: 2, 16>, scalar_prefetch = 0 : i64, scratch_operands = 7 : i64, tpu.core_type = #tpu.core_type<sc_vector_subcore>, window_params = [{transform_indices = #map}, {transform_indices = #map1}, {transform_indices = #map1}, {transform_indices = #map2}]} {
    %mul3A = arith.constant 2 : i32
    %mul3A_0 = arith.muli %arg1, %mul3A : i32
    %add3A = arith.addi %mul3A_0, %arg0 : i32
    %mul3A_1 = arith.constant 512 : i32
    %mul3A_2 = arith.muli %add3A, %mul3A_1 : i32
    %multiple_of3A = tpu.assume_multiple %mul3A_2, 512 : i32
    "tpu.region"() ({
      %run_scoped3A = tpu.sem_alloc : memref<!tpu.dma_semaphore, #tpu.memory_space<semaphore_mem>>
      tpu.enqueue_dma source(%arg3 : memref<1024xf32, #tpu.memory_space<hbm>>) target(%arg6 : memref<1024xf32, #tpu.memory_space<vmem>>) target_semaphore(%run_scoped3A : memref<!tpu.dma_semaphore, #tpu.memory_space<semaphore_mem>>)
      tpu.wait_dma2 semaphore(%run_scoped3A : memref<!tpu.dma_semaphore, #tpu.memory_space<semaphore_mem>>) src(%arg3 : memref<1024xf32, #tpu.memory_space<hbm>>) dst(%arg6 : memref<1024xf32, #tpu.memory_space<vmem>>)
      tpu.yield
    }) : () -> ()
    "tpu.region"() ({
      %run_scoped3A = tpu.sem_alloc : memref<!tpu.dma_semaphore, #tpu.memory_space<semaphore_mem>>
      tpu.enqueue_dma source(%arg4 : memref<1024xf32, #tpu.memory_space<hbm>>) target(%arg7 : memref<1024xf32, #tpu.memory_space<vmem>>) target_semaphore(%run_scoped3A : memref<!tpu.dma_semaphore, #tpu.memory_space<semaphore_mem>>)
      tpu.wait_dma2 semaphore(%run_scoped3A : memref<!tpu.dma_semaphore, #tpu.memory_space<semaphore_mem>>) src(%arg4 : memref<1024xf32, #tpu.memory_space<hbm>>) dst(%arg7 : memref<1024xf32, #tpu.memory_space<vmem>>)
      tpu.yield
    }) : () -> ()
    %add3A_3 = arith.constant 0 : i32
    %add3A_4 = arith.addi %multiple_of3A, %add3A_3 : i32
    %multiple_of3A_5 = tpu.assume_multiple %add3A_4, 128 : i32
    "tpu.region"() ({
      %run_scoped3A = tpu.sem_alloc : memref<!tpu.dma_semaphore, #tpu.memory_space<semaphore_mem>>
      %dma_start3A_155 = arith.constant 0 : i32
      %dma_start3A_156 = tpu.memref_slice %arg2[%dma_start3A_155, %multiple_of3A_5] : memref<200x16384xi32, #tpu.memory_space<hbm>> -> memref<200x128xi32, #tpu.memory_space<hbm>>
      %dma_start3A_157 = arith.constant 0 : i32
      %dma_start3A_158 = tpu.memref_slice %arg2[%dma_start3A_157, %multiple_of3A_5] : memref<200x16384xi32, #tpu.memory_space<hbm>> -> memref<200x128xi32, #tpu.memory_space<hbm>>
      tpu.enqueue_dma source(%dma_start3A_158 : memref<200x128xi32, #tpu.memory_space<hbm>>) target(%arg8 : memref<200x128xi32, #tpu.memory_space<vmem>>) target_semaphore(%run_scoped3A : memref<!tpu.dma_semaphore, #tpu.memory_space<semaphore_mem>>)
      %dma_wait3A_159 = arith.constant 0 : i32
      %dma_wait3A_160 = tpu.memref_slice %arg2[%dma_wait3A_159, %multiple_of3A_5] : memref<200x16384xi32, #tpu.memory_space<hbm>> -> memref<200x128xi32, #tpu.memory_space<hbm>>
      %dma_wait3A_161 = arith.constant 0 : i32
      %dma_wait3A_162 = tpu.memref_slice %arg2[%dma_wait3A_161, %multiple_of3A_5] : memref<200x16384xi32, #tpu.memory_space<hbm>> -> memref<200x128xi32, #tpu.memory_space<hbm>>
      tpu.wait_dma2 semaphore(%run_scoped3A : memref<!tpu.dma_semaphore, #tpu.memory_space<semaphore_mem>>) src(%dma_wait3A_162 : memref<200x128xi32, #tpu.memory_space<hbm>>) dst(%arg8 : memref<200x128xi32, #tpu.memory_space<vmem>>)
      tpu.yield
    }) : () -> ()
    %scan3A = arith.constant 0 : i32
    %scan3A_6 = arith.constant 0 : i32
    %scan3A_7 = arith.constant 200 : i32
    %scan3A_8 = arith.addi %scan3A_6, %scan3A_7 : i32
    %scan3A_9 = arith.constant 1 : i32
    scf.for %scan3A_155 = %scan3A_6 to %scan3A_8 step %scan3A_9  : i32 {
      %get3A_156 = arith.index_cast %scan3A_155 : i32 to index
      %get3A_157 = arith.constant 0 : index
      %get3A_158 = tpu.vector_load %arg8[%get3A_156, %get3A_157] {strides = array<i32>} : memref<200x128xi32, #tpu.memory_space<vmem>>, vector<1x16xi32>,
      %get3A_159 = vector.shape_cast %get3A_158 : vector<1x16xi32> to vector<16xi32>
      %sub3A = arith.constant 1 : i32
      %sub3A_160 = vector.broadcast %sub3A : i32 to vector<16xi32>
      %sub3A_161 = arith.subi %get3A_159, %sub3A_160 : vector<16xi32>
      %abs3A = math.absi %sub3A_161 : vector<16xi32>
      %sub3A_162 = arith.constant 1 : i32
      %sub3A_163 = vector.broadcast %sub3A_162 : i32 to vector<16xi32>
      %sub3A_164 = arith.subi %sub3A_163, %abs3A : vector<16xi32>
      %max3A = arith.constant 0 : i32
      %max3A_165 = vector.broadcast %max3A : i32 to vector<16xi32>
      %max3A_166 = arith.maxsi %sub3A_164, %max3A_165 : vector<16xi32>
      %convert_element_type3A = arith.sitofp %max3A_166 : vector<16xi32> to vector<16xf32>
      %swap3A = arith.index_cast %scan3A_155 : i32 to index
      %swap3A_167 = arith.constant 0 : index
      %swap3A_168 = tpu.vector_load %arg9[%swap3A, %swap3A_167] {strides = array<i32>} : memref<200x128xf32, #tpu.memory_space<vmem>>, vector<1x16xf32>,
      %swap3A_169 = vector.shape_cast %swap3A_168 : vector<1x16xf32> to vector<16xf32>
      %swap3A_170 = vector.shape_cast %convert_element_type3A : vector<16xf32> to vector<1x16xf32>
      tpu.vector_store %arg9[%swap3A, %swap3A_167], %swap3A_170 {strides = array<i32>} : memref<200x128xf32, #tpu.memory_space<vmem>>, vector<1x16xf32>,
      %get3A_171 = arith.index_cast %scan3A_155 : i32 to index
      %get3A_172 = arith.constant 16 : index
      %get3A_173 = tpu.vector_load %arg8[%get3A_171, %get3A_172] {strides = array<i32>} : memref<200x128xi32, #tpu.memory_space<vmem>>, vector<1x16xi32>,
      %get3A_174 = vector.shape_cast %get3A_173 : vector<1x16xi32> to vector<16xi32>
      %sub3A_175 = arith.constant 1 : i32
      %sub3A_176 = vector.broadcast %sub3A_175 : i32 to vector<16xi32>
      %sub3A_177 = arith.subi %get3A_174, %sub3A_176 : vector<16xi32>
      %abs3A_178 = math.absi %sub3A_177 : vector<16xi32>
      %sub3A_179 = arith.constant 1 : i32
      %sub3A_180 = vector.broadcast %sub3A_179 : i32 to vector<16xi32>
      %sub3A_181 = arith.subi %sub3A_180, %abs3A_178 : vector<16xi32>
      %max3A_182 = arith.constant 0 : i32
      %max3A_183 = vector.broadcast %max3A_182 : i32 to vector<16xi32>
      %max3A_184 = arith.maxsi %sub3A_181, %max3A_183 : vector<16xi32>
      %convert_element_type3A_185 = arith.sitofp %max3A_184 : vector<16xi32> to vector<16xf32>
      %swap3A_186 = arith.index_cast %scan3A_155 : i32 to index
      %swap3A_187 = arith.constant 16 : index
      %swap3A_188 = tpu.vector_load %arg9[%swap3A_186, %swap3A_187] {strides = array<i32>} : memref<200x128xf32, #tpu.memory_space<vmem>>, vector<1x16xf32>,
      %swap3A_189 = vector.shape_cast %swap3A_188 : vector<1x16xf32> to vector<16xf32>
      %swap3A_190 = vector.shape_cast %convert_element_type3A_185 : vector<16xf32> to vector<1x16xf32>
      tpu.vector_store %arg9[%swap3A_186, %swap3A_187], %swap3A_190 {strides = array<i32>} : memref<200x128xf32, #tpu.memory_space<vmem>>, vector<1x16xf32>,
      %get3A_191 = arith.index_cast %scan3A_155 : i32 to index
      %get3A_192 = arith.constant 32 : index
      %get3A_193 = tpu.vector_load %arg8[%get3A_191, %get3A_192] {strides = array<i32>} : memref<200x128xi32, #tpu.memory_space<vmem>>, vector<1x16xi32>,
      %get3A_194 = vector.shape_cast %get3A_193 : vector<1x16xi32> to vector<16xi32>
      %sub3A_195 = arith.constant 1 : i32
      %sub3A_196 = vector.broadcast %sub3A_195 : i32 to vector<16xi32>
      %sub3A_197 = arith.subi %get3A_194, %sub3A_196 : vector<16xi32>
      %abs3A_198 = math.absi %sub3A_197 : vector<16xi32>
      %sub3A_199 = arith.constant 1 : i32
      %sub3A_200 = vector.broadcast %sub3A_199 : i32 to vector<16xi32>
      %sub3A_201 = arith.subi %sub3A_200, %abs3A_198 : vector<16xi32>
      %max3A_202 = arith.constant 0 : i32
      %max3A_203 = vector.broadcast %max3A_202 : i32 to vector<16xi32>
      %max3A_204 = arith.maxsi %sub3A_201, %max3A_203 : vector<16xi32>
      %convert_element_type3A_205 = arith.sitofp %max3A_204 : vector<16xi32> to vector<16xf32>
      %swap3A_206 = arith.index_cast %scan3A_155 : i32 to index
      %swap3A_207 = arith.constant 32 : index
      %swap3A_208 = tpu.vector_load %arg9[%swap3A_206, %swap3A_207] {strides = array<i32>} : memref<200x128xf32, #tpu.memory_space<vmem>>, vector<1x16xf32>,
      %swap3A_209 = vector.shape_cast %swap3A_208 : vector<1x16xf32> to vector<16xf32>
      %swap3A_210 = vector.shape_cast %convert_element_type3A_205 : vector<16xf32> to vector<1x16xf32>
      tpu.vector_store %arg9[%swap3A_206, %swap3A_207], %swap3A_210 {strides = array<i32>} : memref<200x128xf32, #tpu.memory_space<vmem>>, vector<1x16xf32>,
      %get3A_211 = arith.index_cast %scan3A_155 : i32 to index
      %get3A_212 = arith.constant 48 : index
      %get3A_213 = tpu.vector_load %arg8[%get3A_211, %get3A_212] {strides = array<i32>} : memref<200x128xi32, #tpu.memory_space<vmem>>, vector<1x16xi32>,
      %get3A_214 = vector.shape_cast %get3A_213 : vector<1x16xi32> to vector<16xi32>
      %sub3A_215 = arith.constant 1 : i32
      %sub3A_216 = vector.broadcast %sub3A_215 : i32 to vector<16xi32>
      %sub3A_217 = arith.subi %get3A_214, %sub3A_216 : vector<16xi32>
      %abs3A_218 = math.absi %sub3A_217 : vector<16xi32>
      %sub3A_219 = arith.constant 1 : i32
      %sub3A_220 = vector.broadcast %sub3A_219 : i32 to vector<16xi32>
      %sub3A_221 = arith.subi %sub3A_220, %abs3A_218 : vector<16xi32>
      %max3A_222 = arith.constant 0 : i32
      %max3A_223 = vector.broadcast %max3A_222 : i32 to vector<16xi32>
      %max3A_224 = arith.maxsi %sub3A_221, %max3A_223 : vector<16xi32>
      %convert_element_type3A_225 = arith.sitofp %max3A_224 : vector<16xi32> to vector<16xf32>
      %swap3A_226 = arith.index_cast %scan3A_155 : i32 to index
      %swap3A_227 = arith.constant 48 : index
      %swap3A_228 = tpu.vector_load %arg9[%swap3A_226, %swap3A_227] {strides = array<i32>} : memref<200x128xf32, #tpu.memory_space<vmem>>, vector<1x16xf32>,
      %swap3A_229 = vector.shape_cast %swap3A_228 : vector<1x16xf32> to vector<16xf32>
      %swap3A_230 = vector.shape_cast %convert_element_type3A_225 : vector<16xf32> to vector<1x16xf32>
      tpu.vector_store %arg9[%swap3A_226, %swap3A_227], %swap3A_230 {strides = array<i32>} : memref<200x128xf32, #tpu.memory_space<vmem>>, vector<1x16xf32>,
      %get3A_231 = arith.index_cast %scan3A_155 : i32 to index
      %get3A_232 = arith.constant 64 : index
      %get3A_233 = tpu.vector_load %arg8[%get3A_231, %get3A_232] {strides = array<i32>} : memref<200x128xi32, #tpu.memory_space<vmem>>, vector<1x16xi32>,
      %get3A_234 = vector.shape_cast %get3A_233 : vector<1x16xi32> to vector<16xi32>
      %sub3A_235 = arith.constant 1 : i32
      %sub3A_236 = vector.broadcast %sub3A_235 : i32 to vector<16xi32>
      %sub3A_237 = arith.subi %get3A_234, %sub3A_236 : vector<16xi32>
      %abs3A_238 = math.absi %sub3A_237 : vector<16xi32>
      %sub3A_239 = arith.constant 1 : i32
      %sub3A_240 = vector.broadcast %sub3A_239 : i32 to vector<16xi32>
      %sub3A_241 = arith.subi %sub3A_240, %abs3A_238 : vector<16xi32>
      %max3A_242 = arith.constant 0 : i32
      %max3A_243 = vector.broadcast %max3A_242 : i32 to vector<16xi32>
      %max3A_244 = arith.maxsi %sub3A_241, %max3A_243 : vector<16xi32>
      %convert_element_type3A_245 = arith.sitofp %max3A_244 : vector<16xi32> to vector<16xf32>
      %swap3A_246 = arith.index_cast %scan3A_155 : i32 to index
      %swap3A_247 = arith.constant 64 : index
      %swap3A_248 = tpu.vector_load %arg9[%swap3A_246, %swap3A_247] {strides = array<i32>} : memref<200x128xf32, #tpu.memory_space<vmem>>, vector<1x16xf32>,
      %swap3A_249 = vector.shape_cast %swap3A_248 : vector<1x16xf32> to vector<16xf32>
      %swap3A_250 = vector.shape_cast %convert_element_type3A_245 : vector<16xf32> to vector<1x16xf32>
      tpu.vector_store %arg9[%swap3A_246, %swap3A_247], %swap3A_250 {strides = array<i32>} : memref<200x128xf32, #tpu.memory_space<vmem>>, vector<1x16xf32>,
      %get3A_251 = arith.index_cast %scan3A_155 : i32 to index
      %get3A_252 = arith.constant 80 : index
      %get3A_253 = tpu.vector_load %arg8[%get3A_251, %get3A_252] {strides = array<i32>} : memref<200x128xi32, #tpu.memory_space<vmem>>, vector<1x16xi32>,
      %get3A_254 = vector.shape_cast %get3A_253 : vector<1x16xi32> to vector<16xi32>
      %sub3A_255 = arith.constant 1 : i32
      %sub3A_256 = vector.broadcast %sub3A_255 : i32 to vector<16xi32>
      %sub3A_257 = arith.subi %get3A_254, %sub3A_256 : vector<16xi32>
      %abs3A_258 = math.absi %sub3A_257 : vector<16xi32>
      %sub3A_259 = arith.constant 1 : i32
      %sub3A_260 = vector.broadcast %sub3A_259 : i32 to vector<16xi32>
      %sub3A_261 = arith.subi %sub3A_260, %abs3A_258 : vector<16xi32>
      %max3A_262 = arith.constant 0 : i32
      %max3A_263 = vector.broadcast %max3A_262 : i32 to vector<16xi32>
      %max3A_264 = arith.maxsi %sub3A_261, %max3A_263 : vector<16xi32>
      %convert_element_type3A_265 = arith.sitofp %max3A_264 : vector<16xi32> to vector<16xf32>
      %swap3A_266 = arith.index_cast %scan3A_155 : i32 to index
      %swap3A_267 = arith.constant 80 : index
      %swap3A_268 = tpu.vector_load %arg9[%swap3A_266, %swap3A_267] {strides = array<i32>} : memref<200x128xf32, #tpu.memory_space<vmem>>, vector<1x16xf32>,
      %swap3A_269 = vector.shape_cast %swap3A_268 : vector<1x16xf32> to vector<16xf32>
      %swap3A_270 = vector.shape_cast %convert_element_type3A_265 : vector<16xf32> to vector<1x16xf32>
      tpu.vector_store %arg9[%swap3A_266, %swap3A_267], %swap3A_270 {strides = array<i32>} : memref<200x128xf32, #tpu.memory_space<vmem>>, vector<1x16xf32>,
      %get3A_271 = arith.index_cast %scan3A_155 : i32 to index
      %get3A_272 = arith.constant 96 : index
      %get3A_273 = tpu.vector_load %arg8[%get3A_271, %get3A_272] {strides = array<i32>} : memref<200x128xi32, #tpu.memory_space<vmem>>, vector<1x16xi32>,
      %get3A_274 = vector.shape_cast %get3A_273 : vector<1x16xi32> to vector<16xi32>
      %sub3A_275 = arith.constant 1 : i32
      %sub3A_276 = vector.broadcast %sub3A_275 : i32 to vector<16xi32>
      %sub3A_277 = arith.subi %get3A_274, %sub3A_276 : vector<16xi32>
      %abs3A_278 = math.absi %sub3A_277 : vector<16xi32>
      %sub3A_279 = arith.constant 1 : i32
      %sub3A_280 = vector.broadcast %sub3A_279 : i32 to vector<16xi32>
      %sub3A_281 = arith.subi %sub3A_280, %abs3A_278 : vector<16xi32>
      %max3A_282 = arith.constant 0 : i32
      %max3A_283 = vector.broadcast %max3A_282 : i32 to vector<16xi32>
      %max3A_284 = arith.maxsi %sub3A_281, %max3A_283 : vector<16xi32>
      %convert_element_type3A_285 = arith.sitofp %max3A_284 : vector<16xi32> to vector<16xf32>
      %swap3A_286 = arith.index_cast %scan3A_155 : i32 to index
      %swap3A_287 = arith.constant 96 : index
      %swap3A_288 = tpu.vector_load %arg9[%swap3A_286, %swap3A_287] {strides = array<i32>} : memref<200x128xf32, #tpu.memory_space<vmem>>, vector<1x16xf32>,
      %swap3A_289 = vector.shape_cast %swap3A_288 : vector<1x16xf32> to vector<16xf32>
      %swap3A_290 = vector.shape_cast %convert_element_type3A_285 : vector<16xf32> to vector<1x16xf32>
      tpu.vector_store %arg9[%swap3A_286, %swap3A_287], %swap3A_290 {strides = array<i32>} : memref<200x128xf32, #tpu.memory_space<vmem>>, vector<1x16xf32>,
      %get3A_291 = arith.index_cast %scan3A_155 : i32 to index
      %get3A_292 = arith.constant 112 : index
      %get3A_293 = tpu.vector_load %arg8[%get3A_291, %get3A_292] {strides = array<i32>} : memref<200x128xi32, #tpu.memory_space<vmem>>, vector<1x16xi32>,
      %get3A_294 = vector.shape_cast %get3A_293 : vector<1x16xi32> to vector<16xi32>
      %sub3A_295 = arith.constant 1 : i32
      %sub3A_296 = vector.broadcast %sub3A_295 : i32 to vector<16xi32>
      %sub3A_297 = arith.subi %get3A_294, %sub3A_296 : vector<16xi32>
      %abs3A_298 = math.absi %sub3A_297 : vector<16xi32>
      %sub3A_299 = arith.constant 1 : i32
      %sub3A_300 = vector.broadcast %sub3A_299 : i32 to vector<16xi32>
      %sub3A_301 = arith.subi %sub3A_300, %abs3A_298 : vector<16xi32>
      %max3A_302 = arith.constant 0 : i32
      %max3A_303 = vector.broadcast %max3A_302 : i32 to vector<16xi32>
      %max3A_304 = arith.maxsi %sub3A_301, %max3A_303 : vector<16xi32>
      %convert_element_type3A_305 = arith.sitofp %max3A_304 : vector<16xi32> to vector<16xf32>
      %swap3A_306 = arith.index_cast %scan3A_155 : i32 to index
      %swap3A_307 = arith.constant 112 : index
      %swap3A_308 = tpu.vector_load %arg9[%swap3A_306, %swap3A_307] {strides = array<i32>} : memref<200x128xf32, #tpu.memory_space<vmem>>, vector<1x16xf32>,
      %swap3A_309 = vector.shape_cast %swap3A_308 : vector<1x16xf32> to vector<16xf32>
      %swap3A_310 = vector.shape_cast %convert_element_type3A_305 : vector<16xf32> to vector<1x16xf32>
      tpu.vector_store %arg9[%swap3A_306, %swap3A_307], %swap3A_310 {strides = array<i32>} : memref<200x128xf32, #tpu.memory_space<vmem>>, vector<1x16xf32>,
    }
    %scan3A_10 = arith.constant 200 : i32
    %get3A = arith.constant 0 : index
    %get3A_11 = tpu.vector_load %arg6[%get3A] {strides = array<i32>} : memref<1024xf32, #tpu.memory_space<vmem>>, vector<16xf32>,
    %get3A_12 = vector.shape_cast %get3A_11 : vector<16xf32> to vector<16xf32>
    %get3A_13 = arith.constant 0 : index
    %get3A_14 = tpu.vector_load %arg7[%get3A_13] {strides = array<i32>} : memref<1024xf32, #tpu.memory_space<vmem>>, vector<16xf32>,
    %get3A_15 = vector.shape_cast %get3A_14 : vector<16xf32> to vector<16xf32>
    %scan3A_16 = arith.constant 0 : i32
    %scan3A_17 = arith.constant 0 : i32
    %scan3A_18 = arith.constant 200 : i32
    %scan3A_19 = arith.addi %scan3A_17, %scan3A_18 : i32
    %scan3A_20 = arith.constant 1 : i32
    scf.for %scan3A_155 = %scan3A_17 to %scan3A_19 step %scan3A_20  : i32 {
      %get3A_156 = arith.index_cast %scan3A_155 : i32 to index
      %get3A_157 = arith.constant 0 : index
      %get3A_158 = tpu.vector_load %arg9[%get3A_156, %get3A_157] {strides = array<i32>} : memref<200x128xf32, #tpu.memory_space<vmem>>, vector<1x16xf32>,
      %get3A_159 = vector.shape_cast %get3A_158 : vector<1x16xf32> to vector<16xf32>
      %mul3A_160 = arith.mulf %get3A_159, %get3A_15 : vector<16xf32>
      %add3A_161 = arith.addf %mul3A_160, %get3A_12 : vector<16xf32>
      %swap3A = arith.constant 0 : i32
      %swap3A_162 = arith.index_cast %swap3A : i32 to index
      %swap3A_163 = arith.index_cast %scan3A_155 : i32 to index
      %swap3A_164 = arith.constant 0 : index
      %swap3A_165 = tpu.vector_load %arg10[%swap3A_162, %swap3A_163, %swap3A_164] {strides = array<i32>} : memref<2x200x128xf32, #tpu.memory_space<vmem>>, vector<1x1x16xf32>,
      %swap3A_166 = vector.shape_cast %swap3A_165 : vector<1x1x16xf32> to vector<16xf32>
      %swap3A_167 = vector.shape_cast %add3A_161 : vector<16xf32> to vector<1x1x16xf32>
      tpu.vector_store %arg10[%swap3A_162, %swap3A_163, %swap3A_164], %swap3A_167 {strides = array<i32>} : memref<2x200x128xf32, #tpu.memory_space<vmem>>, vector<1x1x16xf32>,
      %get3A_168 = arith.index_cast %scan3A_155 : i32 to index
      %get3A_169 = arith.constant 16 : index
      %get3A_170 = tpu.vector_load %arg9[%get3A_168, %get3A_169] {strides = array<i32>} : memref<200x128xf32, #tpu.memory_space<vmem>>, vector<1x16xf32>,
      %get3A_171 = vector.shape_cast %get3A_170 : vector<1x16xf32> to vector<16xf32>
      %mul3A_172 = arith.mulf %get3A_171, %get3A_15 : vector<16xf32>
      %add3A_173 = arith.addf %mul3A_172, %get3A_12 : vector<16xf32>
      %swap3A_174 = arith.constant 0 : i32
      %swap3A_175 = arith.index_cast %swap3A_174 : i32 to index
      %swap3A_176 = arith.index_cast %scan3A_155 : i32 to index
      %swap3A_177 = arith.constant 16 : index
      %swap3A_178 = tpu.vector_load %arg10[%swap3A_175, %swap3A_176, %swap3A_177] {strides = array<i32>} : memref<2x200x128xf32, #tpu.memory_space<vmem>>, vector<1x1x16xf32>,
      %swap3A_179 = vector.shape_cast %swap3A_178 : vector<1x1x16xf32> to vector<16xf32>
      %swap3A_180 = vector.shape_cast %add3A_173 : vector<16xf32> to vector<1x1x16xf32>
      tpu.vector_store %arg10[%swap3A_175, %swap3A_176, %swap3A_177], %swap3A_180 {strides = array<i32>} : memref<2x200x128xf32, #tpu.memory_space<vmem>>, vector<1x1x16xf32>,
      %get3A_181 = arith.index_cast %scan3A_155 : i32 to index
      %get3A_182 = arith.constant 32 : index
      %get3A_183 = tpu.vector_load %arg9[%get3A_181, %get3A_182] {strides = array<i32>} : memref<200x128xf32, #tpu.memory_space<vmem>>, vector<1x16xf32>,
      %get3A_184 = vector.shape_cast %get3A_183 : vector<1x16xf32> to vector<16xf32>
      %mul3A_185 = arith.mulf %get3A_184, %get3A_15 : vector<16xf32>
      %add3A_186 = arith.addf %mul3A_185, %get3A_12 : vector<16xf32>
      %swap3A_187 = arith.constant 0 : i32
      %swap3A_188 = arith.index_cast %swap3A_187 : i32 to index
      %swap3A_189 = arith.index_cast %scan3A_155 : i32 to index
      %swap3A_190 = arith.constant 32 : index
      %swap3A_191 = tpu.vector_load %arg10[%swap3A_188, %swap3A_189, %swap3A_190] {strides = array<i32>} : memref<2x200x128xf32, #tpu.memory_space<vmem>>, vector<1x1x16xf32>,
      %swap3A_192 = vector.shape_cast %swap3A_191 : vector<1x1x16xf32> to vector<16xf32>
      %swap3A_193 = vector.shape_cast %add3A_186 : vector<16xf32> to vector<1x1x16xf32>
      tpu.vector_store %arg10[%swap3A_188, %swap3A_189, %swap3A_190], %swap3A_193 {strides = array<i32>} : memref<2x200x128xf32, #tpu.memory_space<vmem>>, vector<1x1x16xf32>,
      %get3A_194 = arith.index_cast %scan3A_155 : i32 to index
      %get3A_195 = arith.constant 48 : index
      %get3A_196 = tpu.vector_load %arg9[%get3A_194, %get3A_195] {strides = array<i32>} : memref<200x128xf32, #tpu.memory_space<vmem>>, vector<1x16xf32>,
      %get3A_197 = vector.shape_cast %get3A_196 : vector<1x16xf32> to vector<16xf32>
      %mul3A_198 = arith.mulf %get3A_197, %get3A_15 : vector<16xf32>
      %add3A_199 = arith.addf %mul3A_198, %get3A_12 : vector<16xf32>
      %swap3A_200 = arith.constant 0 : i32
      %swap3A_201 = arith.index_cast %swap3A_200 : i32 to index
      %swap3A_202 = arith.index_cast %scan3A_155 : i32 to index
      %swap3A_203 = arith.constant 48 : index
      %swap3A_204 = tpu.vector_load %arg10[%swap3A_201, %swap3A_202, %swap3A_203] {strides = array<i32>} : memref<2x200x128xf32, #tpu.memory_space<vmem>>, vector<1x1x16xf32>,
      %swap3A_205 = vector.shape_cast %swap3A_204 : vector<1x1x16xf32> to vector<16xf32>
      %swap3A_206 = vector.shape_cast %add3A_199 : vector<16xf32> to vector<1x1x16xf32>
      tpu.vector_store %arg10[%swap3A_201, %swap3A_202, %swap3A_203], %swap3A_206 {strides = array<i32>} : memref<2x200x128xf32, #tpu.memory_space<vmem>>, vector<1x1x16xf32>,
      %get3A_207 = arith.index_cast %scan3A_155 : i32 to index
      %get3A_208 = arith.constant 64 : index
      %get3A_209 = tpu.vector_load %arg9[%get3A_207, %get3A_208] {strides = array<i32>} : memref<200x128xf32, #tpu.memory_space<vmem>>, vector<1x16xf32>,
      %get3A_210 = vector.shape_cast %get3A_209 : vector<1x16xf32> to vector<16xf32>
      %mul3A_211 = arith.mulf %get3A_210, %get3A_15 : vector<16xf32>
      %add3A_212 = arith.addf %mul3A_211, %get3A_12 : vector<16xf32>
      %swap3A_213 = arith.constant 0 : i32
      %swap3A_214 = arith.index_cast %swap3A_213 : i32 to index
      %swap3A_215 = arith.index_cast %scan3A_155 : i32 to index
      %swap3A_216 = arith.constant 64 : index
      %swap3A_217 = tpu.vector_load %arg10[%swap3A_214, %swap3A_215, %swap3A_216] {strides = array<i32>} : memref<2x200x128xf32, #tpu.memory_space<vmem>>, vector<1x1x16xf32>,
      %swap3A_218 = vector.shape_cast %swap3A_217 : vector<1x1x16xf32> to vector<16xf32>
      %swap3A_219 = vector.shape_cast %add3A_212 : vector<16xf32> to vector<1x1x16xf32>
      tpu.vector_store %arg10[%swap3A_214, %swap3A_215, %swap3A_216], %swap3A_219 {strides = array<i32>} : memref<2x200x128xf32, #tpu.memory_space<vmem>>, vector<1x1x16xf32>,
      %get3A_220 = arith.index_cast %scan3A_155 : i32 to index
      %get3A_221 = arith.constant 80 : index
      %get3A_222 = tpu.vector_load %arg9[%get3A_220, %get3A_221] {strides = array<i32>} : memref<200x128xf32, #tpu.memory_space<vmem>>, vector<1x16xf32>,
      %get3A_223 = vector.shape_cast %get3A_222 : vector<1x16xf32> to vector<16xf32>
      %mul3A_224 = arith.mulf %get3A_223, %get3A_15 : vector<16xf32>
      %add3A_225 = arith.addf %mul3A_224, %get3A_12 : vector<16xf32>
      %swap3A_226 = arith.constant 0 : i32
      %swap3A_227 = arith.index_cast %swap3A_226 : i32 to index
      %swap3A_228 = arith.index_cast %scan3A_155 : i32 to index
      %swap3A_229 = arith.constant 80 : index
      %swap3A_230 = tpu.vector_load %arg10[%swap3A_227, %swap3A_228, %swap3A_229] {strides = array<i32>} : memref<2x200x128xf32, #tpu.memory_space<vmem>>, vector<1x1x16xf32>,
      %swap3A_231 = vector.shape_cast %swap3A_230 : vector<1x1x16xf32> to vector<16xf32>
      %swap3A_232 = vector.shape_cast %add3A_225 : vector<16xf32> to vector<1x1x16xf32>
      tpu.vector_store %arg10[%swap3A_227, %swap3A_228, %swap3A_229], %swap3A_232 {strides = array<i32>} : memref<2x200x128xf32, #tpu.memory_space<vmem>>, vector<1x1x16xf32>,
      %get3A_233 = arith.index_cast %scan3A_155 : i32 to index
      %get3A_234 = arith.constant 96 : index
      %get3A_235 = tpu.vector_load %arg9[%get3A_233, %get3A_234] {strides = array<i32>} : memref<200x128xf32, #tpu.memory_space<vmem>>, vector<1x16xf32>,
      %get3A_236 = vector.shape_cast %get3A_235 : vector<1x16xf32> to vector<16xf32>
      %mul3A_237 = arith.mulf %get3A_236, %get3A_15 : vector<16xf32>
      %add3A_238 = arith.addf %mul3A_237, %get3A_12 : vector<16xf32>
      %swap3A_239 = arith.constant 0 : i32
      %swap3A_240 = arith.index_cast %swap3A_239 : i32 to index
      %swap3A_241 = arith.index_cast %scan3A_155 : i32 to index
      %swap3A_242 = arith.constant 96 : index
      %swap3A_243 = tpu.vector_load %arg10[%swap3A_240, %swap3A_241, %swap3A_242] {strides = array<i32>} : memref<2x200x128xf32, #tpu.memory_space<vmem>>, vector<1x1x16xf32>,
      %swap3A_244 = vector.shape_cast %swap3A_243 : vector<1x1x16xf32> to vector<16xf32>
      %swap3A_245 = vector.shape_cast %add3A_238 : vector<16xf32> to vector<1x1x16xf32>
      tpu.vector_store %arg10[%swap3A_240, %swap3A_241, %swap3A_242], %swap3A_245 {strides = array<i32>} : memref<2x200x128xf32, #tpu.memory_space<vmem>>, vector<1x1x16xf32>,
      %get3A_246 = arith.index_cast %scan3A_155 : i32 to index
      %get3A_247 = arith.constant 112 : index
      %get3A_248 = tpu.vector_load %arg9[%get3A_246, %get3A_247] {strides = array<i32>} : memref<200x128xf32, #tpu.memory_space<vmem>>, vector<1x16xf32>,
      %get3A_249 = vector.shape_cast %get3A_248 : vector<1x16xf32> to vector<16xf32>
      %mul3A_250 = arith.mulf %get3A_249, %get3A_15 : vector<16xf32>
      %add3A_251 = arith.addf %mul3A_250, %get3A_12 : vector<16xf32>
      %swap3A_252 = arith.constant 0 : i32
      %swap3A_253 = arith.index_cast %swap3A_252 : i32 to index
      %swap3A_254 = arith.index_cast %scan3A_155 : i32 to index
      %swap3A_255 = arith.constant 112 : index
      %swap3A_256 = tpu.vector_load %arg10[%swap3A_253, %swap3A_254, %swap3A_255] {strides = array<i32>} : memref<2x200x128xf32, #tpu.memory_space<vmem>>, vector<1x1x16xf32>,
      %swap3A_257 = vector.shape_cast %swap3A_256 : vector<1x1x16xf32> to vector<16xf32>
      %swap3A_258 = vector.shape_cast %add3A_251 : vector<16xf32> to vector<1x1x16xf32>
      tpu.vector_store %arg10[%swap3A_253, %swap3A_254, %swap3A_255], %swap3A_258 {strides = array<i32>} : memref<2x200x128xf32, #tpu.memory_space<vmem>>, vector<1x1x16xf32>,
    }
    %scan3A_21 = arith.constant 200 : i32
    %dma_start3A = arith.constant 0 : i32
    %dma_start3A_22 = arith.constant 0 : i32
    %dma_start3A_23 = arith.constant 0 : i32
    %dma_start3A_24 = arith.constant 0 : i32
    %dma_start3A_25 = tpu.memref_slice %arg10[%dma_start3A, %dma_start3A_23, %dma_start3A_24] : memref<2x200x128xf32, #tpu.memory_space<vmem>> -> memref<1x200x128xf32, #tpu.memory_space<vmem>>
    %dma_start3A_26 = tpu.memref_squeeze %dma_start3A_25 : memref<1x200x128xf32, #tpu.memory_space<vmem>> -> memref<200x128xf32, #tpu.memory_space<vmem>>
    %dma_start3A_27 = arith.constant 0 : i32
    %dma_start3A_28 = tpu.memref_slice %arg5[%dma_start3A_22, %dma_start3A_27, %multiple_of3A_5] : memref<64x200x16384xf32, #tpu.memory_space<hbm>> -> memref<1x200x128xf32, #tpu.memory_space<hbm>>
    %dma_start3A_29 = tpu.memref_squeeze %dma_start3A_28 : memref<1x200x128xf32, #tpu.memory_space<hbm>> -> memref<200x128xf32, #tpu.memory_space<hbm>>
    %dma_start3A_30 = arith.constant 0 : i32
    %dma_start3A_31 = tpu.memref_slice %arg5[%dma_start3A_22, %dma_start3A_30, %multiple_of3A_5] : memref<64x200x16384xf32, #tpu.memory_space<hbm>> -> memref<1x200x128xf32, #tpu.memory_space<hbm>>
    %dma_start3A_32 = tpu.memref_squeeze %dma_start3A_31 : memref<1x200x128xf32, #tpu.memory_space<hbm>> -> memref<200x128xf32, #tpu.memory_space<hbm>>
    %dma_start3A_33 = arith.constant 0 : i32
    %dma_start3A_34 = arith.constant 0 : i32
    %dma_start3A_35 = tpu.memref_slice %arg10[%dma_start3A, %dma_start3A_33, %dma_start3A_34] : memref<2x200x128xf32, #tpu.memory_space<vmem>> -> memref<1x200x128xf32, #tpu.memory_space<vmem>>
    %dma_start3A_36 = tpu.memref_squeeze %dma_start3A_35 : memref<1x200x128xf32, #tpu.memory_space<vmem>> -> memref<200x128xf32, #tpu.memory_space<vmem>>
    tpu.enqueue_dma source(%dma_start3A_36 : memref<200x128xf32, #tpu.memory_space<vmem>>) target(%dma_start3A_32 : memref<200x128xf32, #tpu.memory_space<hbm>>) target_semaphore(%arg11 : memref<!tpu.dma_semaphore, #tpu.memory_space<semaphore_mem>>)
    %get3A_37 = arith.constant 16 : index
    %get3A_38 = tpu.vector_load %arg6[%get3A_37] {strides = array<i32>} : memref<1024xf32, #tpu.memory_space<vmem>>, vector<16xf32>,
    %get3A_39 = vector.shape_cast %get3A_38 : vector<16xf32> to vector<16xf32>
    %get3A_40 = arith.constant 16 : index
    %get3A_41 = tpu.vector_load %arg7[%get3A_40] {strides = array<i32>} : memref<1024xf32, #tpu.memory_space<vmem>>, vector<16xf32>,
    %get3A_42 = vector.shape_cast %get3A_41 : vector<16xf32> to vector<16xf32>
    %scan3A_43 = arith.constant 0 : i32
    %scan3A_44 = arith.constant 0 : i32
    %scan3A_45 = arith.constant 200 : i32
    %scan3A_46 = arith.addi %scan3A_44, %scan3A_45 : i32
    %scan3A_47 = arith.constant 1 : i32
    scf.for %scan3A_155 = %scan3A_44 to %scan3A_46 step %scan3A_47  : i32 {
      %get3A_156 = arith.index_cast %scan3A_155 : i32 to index
      %get3A_157 = arith.constant 0 : index
      %get3A_158 = tpu.vector_load %arg9[%get3A_156, %get3A_157] {strides = array<i32>} : memref<200x128xf32, #tpu.memory_space<vmem>>, vector<1x16xf32>,
      %get3A_159 = vector.shape_cast %get3A_158 : vector<1x16xf32> to vector<16xf32>
      %mul3A_160 = arith.mulf %get3A_159, %get3A_42 : vector<16xf32>
      %add3A_161 = arith.addf %mul3A_160, %get3A_39 : vector<16xf32>
      %swap3A = arith.constant 1 : i32
      %swap3A_162 = arith.index_cast %swap3A : i32 to index
      %swap3A_163 = arith.index_cast %scan3A_155 : i32 to index
      %swap3A_164 = arith.constant 0 : index
      %swap3A_165 = tpu.vector_load %arg10[%swap3A_162, %swap3A_163, %swap3A_164] {strides = array<i32>} : memref<2x200x128xf32, #tpu.memory_space<vmem>>, vector<1x1x16xf32>,
      %swap3A_166 = vector.shape_cast %swap3A_165 : vector<1x1x16xf32> to vector<16xf32>
      %swap3A_167 = vector.shape_cast %add3A_161 : vector<16xf32> to vector<1x1x16xf32>
      tpu.vector_store %arg10[%swap3A_162, %swap3A_163, %swap3A_164], %swap3A_167 {strides = array<i32>} : memref<2x200x128xf32, #tpu.memory_space<vmem>>, vector<1x1x16xf32>,
      %get3A_168 = arith.index_cast %scan3A_155 : i32 to index
      %get3A_169 = arith.constant 16 : index
      %get3A_170 = tpu.vector_load %arg9[%get3A_168, %get3A_169] {strides = array<i32>} : memref<200x128xf32, #tpu.memory_space<vmem>>, vector<1x16xf32>,
      %get3A_171 = vector.shape_cast %get3A_170 : vector<1x16xf32> to vector<16xf32>
      %mul3A_172 = arith.mulf %get3A_171, %get3A_42 : vector<16xf32>
      %add3A_173 = arith.addf %mul3A_172, %get3A_39 : vector<16xf32>
      %swap3A_174 = arith.constant 1 : i32
      %swap3A_175 = arith.index_cast %swap3A_174 : i32 to index
      %swap3A_176 = arith.index_cast %scan3A_155 : i32 to index
      %swap3A_177 = arith.constant 16 : index
      %swap3A_178 = tpu.vector_load %arg10[%swap3A_175, %swap3A_176, %swap3A_177] {strides = array<i32>} : memref<2x200x128xf32, #tpu.memory_space<vmem>>, vector<1x1x16xf32>,
      %swap3A_179 = vector.shape_cast %swap3A_178 : vector<1x1x16xf32> to vector<16xf32>
      %swap3A_180 = vector.shape_cast %add3A_173 : vector<16xf32> to vector<1x1x16xf32>
      tpu.vector_store %arg10[%swap3A_175, %swap3A_176, %swap3A_177], %swap3A_180 {strides = array<i32>} : memref<2x200x128xf32, #tpu.memory_space<vmem>>, vector<1x1x16xf32>,
      %get3A_181 = arith.index_cast %scan3A_155 : i32 to index
      %get3A_182 = arith.constant 32 : index
      %get3A_183 = tpu.vector_load %arg9[%get3A_181, %get3A_182] {strides = array<i32>} : memref<200x128xf32, #tpu.memory_space<vmem>>, vector<1x16xf32>,
      %get3A_184 = vector.shape_cast %get3A_183 : vector<1x16xf32> to vector<16xf32>
      %mul3A_185 = arith.mulf %get3A_184, %get3A_42 : vector<16xf32>
      %add3A_186 = arith.addf %mul3A_185, %get3A_39 : vector<16xf32>
      %swap3A_187 = arith.constant 1 : i32
      %swap3A_188 = arith.index_cast %swap3A_187 : i32 to index
      %swap3A_189 = arith.index_cast %scan3A_155 : i32 to index
      %swap3A_190 = arith.constant 32 : index
      %swap3A_191 = tpu.vector_load %arg10[%swap3A_188, %swap3A_189, %swap3A_190] {strides = array<i32>} : memref<2x200x128xf32, #tpu.memory_space<vmem>>, vector<1x1x16xf32>,
      %swap3A_192 = vector.shape_cast %swap3A_191 : vector<1x1x16xf32> to vector<16xf32>
      %swap3A_193 = vector.shape_cast %add3A_186 : vector<16xf32> to vector<1x1x16xf32>
      tpu.vector_store %arg10[%swap3A_188, %swap3A_189, %swap3A_190], %swap3A_193 {strides = array<i32>} : memref<2x200x128xf32, #tpu.memory_space<vmem>>, vector<1x1x16xf32>,
      %get3A_194 = arith.index_cast %scan3A_155 : i32 to index
      %get3A_195 = arith.constant 48 : index
      %get3A_196 = tpu.vector_load %arg9[%get3A_194, %get3A_195] {strides = array<i32>} : memref<200x128xf32, #tpu.memory_space<vmem>>, vector<1x16xf32>,
      %get3A_197 = vector.shape_cast %get3A_196 : vector<1x16xf32> to vector<16xf32>
      %mul3A_198 = arith.mulf %get3A_197, %get3A_42 : vector<16xf32>
      %add3A_199 = arith.addf %mul3A_198, %get3A_39 : vector<16xf32>
      %swap3A_200 = arith.constant 1 : i32
      %swap3A_201 = arith.index_cast %swap3A_200 : i32 to index
      %swap3A_202 = arith.index_cast %scan3A_155 : i32 to index
      %swap3A_203 = arith.constant 48 : index
      %swap3A_204 = tpu.vector_load %arg10[%swap3A_201, %swap3A_202, %swap3A_203] {strides = array<i32>} : memref<2x200x128xf32, #tpu.memory_space<vmem>>, vector<1x1x16xf32>,
      %swap3A_205 = vector.shape_cast %swap3A_204 : vector<1x1x16xf32> to vector<16xf32>
      %swap3A_206 = vector.shape_cast %add3A_199 : vector<16xf32> to vector<1x1x16xf32>
      tpu.vector_store %arg10[%swap3A_201, %swap3A_202, %swap3A_203], %swap3A_206 {strides = array<i32>} : memref<2x200x128xf32, #tpu.memory_space<vmem>>, vector<1x1x16xf32>,
      %get3A_207 = arith.index_cast %scan3A_155 : i32 to index
      %get3A_208 = arith.constant 64 : index
      %get3A_209 = tpu.vector_load %arg9[%get3A_207, %get3A_208] {strides = array<i32>} : memref<200x128xf32, #tpu.memory_space<vmem>>, vector<1x16xf32>,
      %get3A_210 = vector.shape_cast %get3A_209 : vector<1x16xf32> to vector<16xf32>
      %mul3A_211 = arith.mulf %get3A_210, %get3A_42 : vector<16xf32>
      %add3A_212 = arith.addf %mul3A_211, %get3A_39 : vector<16xf32>
      %swap3A_213 = arith.constant 1 : i32
      %swap3A_214 = arith.index_cast %swap3A_213 : i32 to index
      %swap3A_215 = arith.index_cast %scan3A_155 : i32 to index
      %swap3A_216 = arith.constant 64 : index
      %swap3A_217 = tpu.vector_load %arg10[%swap3A_214, %swap3A_215, %swap3A_216] {strides = array<i32>} : memref<2x200x128xf32, #tpu.memory_space<vmem>>, vector<1x1x16xf32>,
      %swap3A_218 = vector.shape_cast %swap3A_217 : vector<1x1x16xf32> to vector<16xf32>
      %swap3A_219 = vector.shape_cast %add3A_212 : vector<16xf32> to vector<1x1x16xf32>
      tpu.vector_store %arg10[%swap3A_214, %swap3A_215, %swap3A_216], %swap3A_219 {strides = array<i32>} : memref<2x200x128xf32, #tpu.memory_space<vmem>>, vector<1x1x16xf32>,
      %get3A_220 = arith.index_cast %scan3A_155 : i32 to index
      %get3A_221 = arith.constant 80 : index
      %get3A_222 = tpu.vector_load %arg9[%get3A_220, %get3A_221] {strides = array<i32>} : memref<200x128xf32, #tpu.memory_space<vmem>>, vector<1x16xf32>,
      %get3A_223 = vector.shape_cast %get3A_222 : vector<1x16xf32> to vector<16xf32>
      %mul3A_224 = arith.mulf %get3A_223, %get3A_42 : vector<16xf32>
      %add3A_225 = arith.addf %mul3A_224, %get3A_39 : vector<16xf32>
      %swap3A_226 = arith.constant 1 : i32
      %swap3A_227 = arith.index_cast %swap3A_226 : i32 to index
      %swap3A_228 = arith.index_cast %scan3A_155 : i32 to index
      %swap3A_229 = arith.constant 80 : index
      %swap3A_230 = tpu.vector_load %arg10[%swap3A_227, %swap3A_228, %swap3A_229] {strides = array<i32>} : memref<2x200x128xf32, #tpu.memory_space<vmem>>, vector<1x1x16xf32>,
      %swap3A_231 = vector.shape_cast %swap3A_230 : vector<1x1x16xf32> to vector<16xf32>
      %swap3A_232 = vector.shape_cast %add3A_225 : vector<16xf32> to vector<1x1x16xf32>
      tpu.vector_store %arg10[%swap3A_227, %swap3A_228, %swap3A_229], %swap3A_232 {strides = array<i32>} : memref<2x200x128xf32, #tpu.memory_space<vmem>>, vector<1x1x16xf32>,
      %get3A_233 = arith.index_cast %scan3A_155 : i32 to index
      %get3A_234 = arith.constant 96 : index
      %get3A_235 = tpu.vector_load %arg9[%get3A_233, %get3A_234] {strides = array<i32>} : memref<200x128xf32, #tpu.memory_space<vmem>>, vector<1x16xf32>,
      %get3A_236 = vector.shape_cast %get3A_235 : vector<1x16xf32> to vector<16xf32>
      %mul3A_237 = arith.mulf %get3A_236, %get3A_42 : vector<16xf32>
      %add3A_238 = arith.addf %mul3A_237, %get3A_39 : vector<16xf32>
      %swap3A_239 = arith.constant 1 : i32
      %swap3A_240 = arith.index_cast %swap3A_239 : i32 to index
      %swap3A_241 = arith.index_cast %scan3A_155 : i32 to index
      %swap3A_242 = arith.constant 96 : index
      %swap3A_243 = tpu.vector_load %arg10[%swap3A_240, %swap3A_241, %swap3A_242] {strides = array<i32>} : memref<2x200x128xf32, #tpu.memory_space<vmem>>, vector<1x1x16xf32>,
      %swap3A_244 = vector.shape_cast %swap3A_243 : vector<1x1x16xf32> to vector<16xf32>
      %swap3A_245 = vector.shape_cast %add3A_238 : vector<16xf32> to vector<1x1x16xf32>
      tpu.vector_store %arg10[%swap3A_240, %swap3A_241, %swap3A_242], %swap3A_245 {strides = array<i32>} : memref<2x200x128xf32, #tpu.memory_space<vmem>>, vector<1x1x16xf32>,
      %get3A_246 = arith.index_cast %scan3A_155 : i32 to index
      %get3A_247 = arith.constant 112 : index
      %get3A_248 = tpu.vector_load %arg9[%get3A_246, %get3A_247] {strides = array<i32>} : memref<200x128xf32, #tpu.memory_space<vmem>>, vector<1x16xf32>,
      %get3A_249 = vector.shape_cast %get3A_248 : vector<1x16xf32> to vector<16xf32>
      %mul3A_250 = arith.mulf %get3A_249, %get3A_42 : vector<16xf32>
      %add3A_251 = arith.addf %mul3A_250, %get3A_39 : vector<16xf32>
      %swap3A_252 = arith.constant 1 : i32
      %swap3A_253 = arith.index_cast %swap3A_252 : i32 to index
      %swap3A_254 = arith.index_cast %scan3A_155 : i32 to index
      %swap3A_255 = arith.constant 112 : index
      %swap3A_256 = tpu.vector_load %arg10[%swap3A_253, %swap3A_254, %swap3A_255] {strides = array<i32>} : memref<2x200x128xf32, #tpu.memory_space<vmem>>, vector<1x1x16xf32>,
      %swap3A_257 = vector.shape_cast %swap3A_256 : vector<1x1x16xf32> to vector<16xf32>
      %swap3A_258 = vector.shape_cast %add3A_251 : vector<16xf32> to vector<1x1x16xf32>
      tpu.vector_store %arg10[%swap3A_253, %swap3A_254, %swap3A_255], %swap3A_258 {strides = array<i32>} : memref<2x200x128xf32, #tpu.memory_space<vmem>>, vector<1x1x16xf32>,
    }
    %scan3A_48 = arith.constant 200 : i32
    %dma_start3A_49 = arith.constant 1 : i32
    %dma_start3A_50 = arith.constant 1 : i32
    %dma_start3A_51 = arith.constant 0 : i32
    %dma_start3A_52 = arith.constant 0 : i32
    %dma_start3A_53 = tpu.memref_slice %arg10[%dma_start3A_49, %dma_start3A_51, %dma_start3A_52] : memref<2x200x128xf32, #tpu.memory_space<vmem>> -> memref<1x200x128xf32, #tpu.memory_space<vmem>>
    %dma_start3A_54 = tpu.memref_squeeze %dma_start3A_53 : memref<1x200x128xf32, #tpu.memory_space<vmem>> -> memref<200x128xf32, #tpu.memory_space<vmem>>
    %dma_start3A_55 = arith.constant 0 : i32
    %dma_start3A_56 = tpu.memref_slice %arg5[%dma_start3A_50, %dma_start3A_55, %multiple_of3A_5] : memref<64x200x16384xf32, #tpu.memory_space<hbm>> -> memref<1x200x128xf32, #tpu.memory_space<hbm>>
    %dma_start3A_57 = tpu.memref_squeeze %dma_start3A_56 : memref<1x200x128xf32, #tpu.memory_space<hbm>> -> memref<200x128xf32, #tpu.memory_space<hbm>>
    %dma_start3A_58 = arith.constant 0 : i32
    %dma_start3A_59 = tpu.memref_slice %arg5[%dma_start3A_50, %dma_start3A_58, %multiple_of3A_5] : memref<64x200x16384xf32, #tpu.memory_space<hbm>> -> memref<1x200x128xf32, #tpu.memory_space<hbm>>
    %dma_start3A_60 = tpu.memref_squeeze %dma_start3A_59 : memref<1x200x128xf32, #tpu.memory_space<hbm>> -> memref<200x128xf32, #tpu.memory_space<hbm>>
    %dma_start3A_61 = arith.constant 0 : i32
    %dma_start3A_62 = arith.constant 0 : i32
    %dma_start3A_63 = tpu.memref_slice %arg10[%dma_start3A_49, %dma_start3A_61, %dma_start3A_62] : memref<2x200x128xf32, #tpu.memory_space<vmem>> -> memref<1x200x128xf32, #tpu.memory_space<vmem>>
    %dma_start3A_64 = tpu.memref_squeeze %dma_start3A_63 : memref<1x200x128xf32, #tpu.memory_space<vmem>> -> memref<200x128xf32, #tpu.memory_space<vmem>>
    tpu.enqueue_dma source(%dma_start3A_64 : memref<200x128xf32, #tpu.memory_space<vmem>>) target(%dma_start3A_60 : memref<200x128xf32, #tpu.memory_space<hbm>>) target_semaphore(%arg12 : memref<!tpu.dma_semaphore, #tpu.memory_space<semaphore_mem>>)
    %scan3A_65 = arith.constant 0 : i32
    %scan3A_66 = arith.constant 0 : i32
    %scan3A_67 = arith.constant 1 : i32
    %scan3A_68 = arith.constant 31 : i32
    %scan3A_69 = arith.addi %scan3A_67, %scan3A_68 : i32
    %scan3A_70 = arith.constant 1 : i32
    scf.for %scan3A_155 = %scan3A_67 to %scan3A_69 step %scan3A_70  : i32 {
      %mul3A_156 = arith.constant 2 : i32
      %mul3A_157 = arith.muli %scan3A_155, %mul3A_156 : i32
      %add3A_158 = arith.constant 0 : i32
      %add3A_159 = arith.addi %mul3A_157, %add3A_158 : i32
      %dma_wait3A_160 = arith.constant 0 : i32
      %dma_wait3A_161 = arith.constant 0 : i32
      %dma_wait3A_162 = arith.constant 0 : i32
      %dma_wait3A_163 = tpu.memref_slice %arg10[%dma_wait3A_160, %dma_wait3A_161, %dma_wait3A_162] : memref<2x200x128xf32, #tpu.memory_space<vmem>> -> memref<1x200x128xf32, #tpu.memory_space<vmem>>
      %dma_wait3A_164 = tpu.memref_squeeze %dma_wait3A_163 : memref<1x200x128xf32, #tpu.memory_space<vmem>> -> memref<200x128xf32, #tpu.memory_space<vmem>>
      %dma_wait3A_165 = arith.constant 0 : i32
      %dma_wait3A_166 = arith.constant 0 : i32
      %dma_wait3A_167 = tpu.memref_slice %arg5[%scan3A_66, %dma_wait3A_165, %dma_wait3A_166] : memref<64x200x16384xf32, #tpu.memory_space<hbm>> -> memref<1x200x128xf32, #tpu.memory_space<hbm>>
      %dma_wait3A_168 = tpu.memref_squeeze %dma_wait3A_167 : memref<1x200x128xf32, #tpu.memory_space<hbm>> -> memref<200x128xf32, #tpu.memory_space<hbm>>
      %dma_wait3A_169 = arith.constant 0 : i32
      %dma_wait3A_170 = arith.constant 0 : i32
      %dma_wait3A_171 = tpu.memref_slice %arg5[%scan3A_66, %dma_wait3A_169, %dma_wait3A_170] : memref<64x200x16384xf32, #tpu.memory_space<hbm>> -> memref<1x200x128xf32, #tpu.memory_space<hbm>>
      %dma_wait3A_172 = tpu.memref_squeeze %dma_wait3A_171 : memref<1x200x128xf32, #tpu.memory_space<hbm>> -> memref<200x128xf32, #tpu.memory_space<hbm>>
      %dma_wait3A_173 = arith.constant 0 : i32
      %dma_wait3A_174 = arith.constant 0 : i32
      %dma_wait3A_175 = tpu.memref_slice %arg10[%dma_wait3A_160, %dma_wait3A_173, %dma_wait3A_174] : memref<2x200x128xf32, #tpu.memory_space<vmem>> -> memref<1x200x128xf32, #tpu.memory_space<vmem>>
      %dma_wait3A_176 = tpu.memref_squeeze %dma_wait3A_175 : memref<1x200x128xf32, #tpu.memory_space<vmem>> -> memref<200x128xf32, #tpu.memory_space<vmem>>
      tpu.wait_dma2 semaphore(%arg11 : memref<!tpu.dma_semaphore, #tpu.memory_space<semaphore_mem>>) src(%dma_wait3A_176 : memref<200x128xf32, #tpu.memory_space<vmem>>) dst(%dma_wait3A_172 : memref<200x128xf32, #tpu.memory_space<hbm>>)
      %mul3A_177 = arith.constant 16 : i32
      %mul3A_178 = arith.muli %add3A_159, %mul3A_177 : i32
      %get3A_179 = arith.index_cast %mul3A_178 : i32 to index
      %get3A_180 = tpu.vector_load %arg6[%get3A_179] {strides = array<i32>} : memref<1024xf32, #tpu.memory_space<vmem>>, vector<16xf32>,
      %get3A_181 = vector.shape_cast %get3A_180 : vector<16xf32> to vector<16xf32>
      %mul3A_182 = arith.constant 16 : i32
      %mul3A_183 = arith.muli %add3A_159, %mul3A_182 : i32
      %get3A_184 = arith.index_cast %mul3A_183 : i32 to index
      %get3A_185 = tpu.vector_load %arg7[%get3A_184] {strides = array<i32>} : memref<1024xf32, #tpu.memory_space<vmem>>, vector<16xf32>,
      %get3A_186 = vector.shape_cast %get3A_185 : vector<16xf32> to vector<16xf32>
      %scan3A_187 = arith.constant 0 : i32
      %scan3A_188 = arith.constant 0 : i32
      %scan3A_189 = arith.constant 200 : i32
      %scan3A_190 = arith.addi %scan3A_188, %scan3A_189 : i32
      %scan3A_191 = arith.constant 1 : i32
      scf.for %scan3A_258 = %scan3A_188 to %scan3A_190 step %scan3A_191  : i32 {
        %get3A_259 = arith.index_cast %scan3A_258 : i32 to index
        %get3A_260 = arith.constant 0 : index
        %get3A_261 = tpu.vector_load %arg9[%get3A_259, %get3A_260] {strides = array<i32>} : memref<200x128xf32, #tpu.memory_space<vmem>>, vector<1x16xf32>,
        %get3A_262 = vector.shape_cast %get3A_261 : vector<1x16xf32> to vector<16xf32>
        %mul3A_263 = arith.mulf %get3A_262, %get3A_186 : vector<16xf32>
        %add3A_264 = arith.addf %mul3A_263, %get3A_181 : vector<16xf32>
        %swap3A = arith.constant 0 : i32
        %swap3A_265 = arith.index_cast %swap3A : i32 to index
        %swap3A_266 = arith.index_cast %scan3A_258 : i32 to index
        %swap3A_267 = arith.constant 0 : index
        %swap3A_268 = tpu.vector_load %arg10[%swap3A_265, %swap3A_266, %swap3A_267] {strides = array<i32>} : memref<2x200x128xf32, #tpu.memory_space<vmem>>, vector<1x1x16xf32>,
        %swap3A_269 = vector.shape_cast %swap3A_268 : vector<1x1x16xf32> to vector<16xf32>
        %swap3A_270 = vector.shape_cast %add3A_264 : vector<16xf32> to vector<1x1x16xf32>
        tpu.vector_store %arg10[%swap3A_265, %swap3A_266, %swap3A_267], %swap3A_270 {strides = array<i32>} : memref<2x200x128xf32, #tpu.memory_space<vmem>>, vector<1x1x16xf32>,
        %get3A_271 = arith.index_cast %scan3A_258 : i32 to index
        %get3A_272 = arith.constant 16 : index
        %get3A_273 = tpu.vector_load %arg9[%get3A_271, %get3A_272] {strides = array<i32>} : memref<200x128xf32, #tpu.memory_space<vmem>>, vector<1x16xf32>,
        %get3A_274 = vector.shape_cast %get3A_273 : vector<1x16xf32> to vector<16xf32>
        %mul3A_275 = arith.mulf %get3A_274, %get3A_186 : vector<16xf32>
        %add3A_276 = arith.addf %mul3A_275, %get3A_181 : vector<16xf32>
        %swap3A_277 = arith.constant 0 : i32
        %swap3A_278 = arith.index_cast %swap3A_277 : i32 to index
        %swap3A_279 = arith.index_cast %scan3A_258 : i32 to index
        %swap3A_280 = arith.constant 16 : index
        %swap3A_281 = tpu.vector_load %arg10[%swap3A_278, %swap3A_279, %swap3A_280] {strides = array<i32>} : memref<2x200x128xf32, #tpu.memory_space<vmem>>, vector<1x1x16xf32>,
        %swap3A_282 = vector.shape_cast %swap3A_281 : vector<1x1x16xf32> to vector<16xf32>
        %swap3A_283 = vector.shape_cast %add3A_276 : vector<16xf32> to vector<1x1x16xf32>
        tpu.vector_store %arg10[%swap3A_278, %swap3A_279, %swap3A_280], %swap3A_283 {strides = array<i32>} : memref<2x200x128xf32, #tpu.memory_space<vmem>>, vector<1x1x16xf32>,
        %get3A_284 = arith.index_cast %scan3A_258 : i32 to index
        %get3A_285 = arith.constant 32 : index
        %get3A_286 = tpu.vector_load %arg9[%get3A_284, %get3A_285] {strides = array<i32>} : memref<200x128xf32, #tpu.memory_space<vmem>>, vector<1x16xf32>,
        %get3A_287 = vector.shape_cast %get3A_286 : vector<1x16xf32> to vector<16xf32>
        %mul3A_288 = arith.mulf %get3A_287, %get3A_186 : vector<16xf32>
        %add3A_289 = arith.addf %mul3A_288, %get3A_181 : vector<16xf32>
        %swap3A_290 = arith.constant 0 : i32
        %swap3A_291 = arith.index_cast %swap3A_290 : i32 to index
        %swap3A_292 = arith.index_cast %scan3A_258 : i32 to index
        %swap3A_293 = arith.constant 32 : index
        %swap3A_294 = tpu.vector_load %arg10[%swap3A_291, %swap3A_292, %swap3A_293] {strides = array<i32>} : memref<2x200x128xf32, #tpu.memory_space<vmem>>, vector<1x1x16xf32>,
        %swap3A_295 = vector.shape_cast %swap3A_294 : vector<1x1x16xf32> to vector<16xf32>
        %swap3A_296 = vector.shape_cast %add3A_289 : vector<16xf32> to vector<1x1x16xf32>
        tpu.vector_store %arg10[%swap3A_291, %swap3A_292, %swap3A_293], %swap3A_296 {strides = array<i32>} : memref<2x200x128xf32, #tpu.memory_space<vmem>>, vector<1x1x16xf32>,
        %get3A_297 = arith.index_cast %scan3A_258 : i32 to index
        %get3A_298 = arith.constant 48 : index
        %get3A_299 = tpu.vector_load %arg9[%get3A_297, %get3A_298] {strides = array<i32>} : memref<200x128xf32, #tpu.memory_space<vmem>>, vector<1x16xf32>,
        %get3A_300 = vector.shape_cast %get3A_299 : vector<1x16xf32> to vector<16xf32>
        %mul3A_301 = arith.mulf %get3A_300, %get3A_186 : vector<16xf32>
        %add3A_302 = arith.addf %mul3A_301, %get3A_181 : vector<16xf32>
        %swap3A_303 = arith.constant 0 : i32
        %swap3A_304 = arith.index_cast %swap3A_303 : i32 to index
        %swap3A_305 = arith.index_cast %scan3A_258 : i32 to index
        %swap3A_306 = arith.constant 48 : index
        %swap3A_307 = tpu.vector_load %arg10[%swap3A_304, %swap3A_305, %swap3A_306] {strides = array<i32>} : memref<2x200x128xf32, #tpu.memory_space<vmem>>, vector<1x1x16xf32>,
        %swap3A_308 = vector.shape_cast %swap3A_307 : vector<1x1x16xf32> to vector<16xf32>
        %swap3A_309 = vector.shape_cast %add3A_302 : vector<16xf32> to vector<1x1x16xf32>
        tpu.vector_store %arg10[%swap3A_304, %swap3A_305, %swap3A_306], %swap3A_309 {strides = array<i32>} : memref<2x200x128xf32, #tpu.memory_space<vmem>>, vector<1x1x16xf32>,
        %get3A_310 = arith.index_cast %scan3A_258 : i32 to index
        %get3A_311 = arith.constant 64 : index
        %get3A_312 = tpu.vector_load %arg9[%get3A_310, %get3A_311] {strides = array<i32>} : memref<200x128xf32, #tpu.memory_space<vmem>>, vector<1x16xf32>,
        %get3A_313 = vector.shape_cast %get3A_312 : vector<1x16xf32> to vector<16xf32>
        %mul3A_314 = arith.mulf %get3A_313, %get3A_186 : vector<16xf32>
        %add3A_315 = arith.addf %mul3A_314, %get3A_181 : vector<16xf32>
        %swap3A_316 = arith.constant 0 : i32
        %swap3A_317 = arith.index_cast %swap3A_316 : i32 to index
        %swap3A_318 = arith.index_cast %scan3A_258 : i32 to index
        %swap3A_319 = arith.constant 64 : index
        %swap3A_320 = tpu.vector_load %arg10[%swap3A_317, %swap3A_318, %swap3A_319] {strides = array<i32>} : memref<2x200x128xf32, #tpu.memory_space<vmem>>, vector<1x1x16xf32>,
        %swap3A_321 = vector.shape_cast %swap3A_320 : vector<1x1x16xf32> to vector<16xf32>
        %swap3A_322 = vector.shape_cast %add3A_315 : vector<16xf32> to vector<1x1x16xf32>
        tpu.vector_store %arg10[%swap3A_317, %swap3A_318, %swap3A_319], %swap3A_322 {strides = array<i32>} : memref<2x200x128xf32, #tpu.memory_space<vmem>>, vector<1x1x16xf32>,
        %get3A_323 = arith.index_cast %scan3A_258 : i32 to index
        %get3A_324 = arith.constant 80 : index
        %get3A_325 = tpu.vector_load %arg9[%get3A_323, %get3A_324] {strides = array<i32>} : memref<200x128xf32, #tpu.memory_space<vmem>>, vector<1x16xf32>,
        %get3A_326 = vector.shape_cast %get3A_325 : vector<1x16xf32> to vector<16xf32>
        %mul3A_327 = arith.mulf %get3A_326, %get3A_186 : vector<16xf32>
        %add3A_328 = arith.addf %mul3A_327, %get3A_181 : vector<16xf32>
        %swap3A_329 = arith.constant 0 : i32
        %swap3A_330 = arith.index_cast %swap3A_329 : i32 to index
        %swap3A_331 = arith.index_cast %scan3A_258 : i32 to index
        %swap3A_332 = arith.constant 80 : index
        %swap3A_333 = tpu.vector_load %arg10[%swap3A_330, %swap3A_331, %swap3A_332] {strides = array<i32>} : memref<2x200x128xf32, #tpu.memory_space<vmem>>, vector<1x1x16xf32>,
        %swap3A_334 = vector.shape_cast %swap3A_333 : vector<1x1x16xf32> to vector<16xf32>
        %swap3A_335 = vector.shape_cast %add3A_328 : vector<16xf32> to vector<1x1x16xf32>
        tpu.vector_store %arg10[%swap3A_330, %swap3A_331, %swap3A_332], %swap3A_335 {strides = array<i32>} : memref<2x200x128xf32, #tpu.memory_space<vmem>>, vector<1x1x16xf32>,
        %get3A_336 = arith.index_cast %scan3A_258 : i32 to index
        %get3A_337 = arith.constant 96 : index
        %get3A_338 = tpu.vector_load %arg9[%get3A_336, %get3A_337] {strides = array<i32>} : memref<200x128xf32, #tpu.memory_space<vmem>>, vector<1x16xf32>,
        %get3A_339 = vector.shape_cast %get3A_338 : vector<1x16xf32> to vector<16xf32>
        %mul3A_340 = arith.mulf %get3A_339, %get3A_186 : vector<16xf32>
        %add3A_341 = arith.addf %mul3A_340, %get3A_181 : vector<16xf32>
        %swap3A_342 = arith.constant 0 : i32
        %swap3A_343 = arith.index_cast %swap3A_342 : i32 to index
        %swap3A_344 = arith.index_cast %scan3A_258 : i32 to index
        %swap3A_345 = arith.constant 96 : index
        %swap3A_346 = tpu.vector_load %arg10[%swap3A_343, %swap3A_344, %swap3A_345] {strides = array<i32>} : memref<2x200x128xf32, #tpu.memory_space<vmem>>, vector<1x1x16xf32>,
        %swap3A_347 = vector.shape_cast %swap3A_346 : vector<1x1x16xf32> to vector<16xf32>
        %swap3A_348 = vector.shape_cast %add3A_341 : vector<16xf32> to vector<1x1x16xf32>
        tpu.vector_store %arg10[%swap3A_343, %swap3A_344, %swap3A_345], %swap3A_348 {strides = array<i32>} : memref<2x200x128xf32, #tpu.memory_space<vmem>>, vector<1x1x16xf32>,
        %get3A_349 = arith.index_cast %scan3A_258 : i32 to index
        %get3A_350 = arith.constant 112 : index
        %get3A_351 = tpu.vector_load %arg9[%get3A_349, %get3A_350] {strides = array<i32>} : memref<200x128xf32, #tpu.memory_space<vmem>>, vector<1x16xf32>,
        %get3A_352 = vector.shape_cast %get3A_351 : vector<1x16xf32> to vector<16xf32>
        %mul3A_353 = arith.mulf %get3A_352, %get3A_186 : vector<16xf32>
        %add3A_354 = arith.addf %mul3A_353, %get3A_181 : vector<16xf32>
        %swap3A_355 = arith.constant 0 : i32
        %swap3A_356 = arith.index_cast %swap3A_355 : i32 to index
        %swap3A_357 = arith.index_cast %scan3A_258 : i32 to index
        %swap3A_358 = arith.constant 112 : index
        %swap3A_359 = tpu.vector_load %arg10[%swap3A_356, %swap3A_357, %swap3A_358] {strides = array<i32>} : memref<2x200x128xf32, #tpu.memory_space<vmem>>, vector<1x1x16xf32>,
        %swap3A_360 = vector.shape_cast %swap3A_359 : vector<1x1x16xf32> to vector<16xf32>
        %swap3A_361 = vector.shape_cast %add3A_354 : vector<16xf32> to vector<1x1x16xf32>
        tpu.vector_store %arg10[%swap3A_356, %swap3A_357, %swap3A_358], %swap3A_361 {strides = array<i32>} : memref<2x200x128xf32, #tpu.memory_space<vmem>>, vector<1x1x16xf32>,
      }
      %scan3A_192 = arith.constant 200 : i32
      %dma_start3A_193 = arith.constant 0 : i32
      %dma_start3A_194 = arith.constant 0 : i32
      %dma_start3A_195 = arith.constant 0 : i32
      %dma_start3A_196 = tpu.memref_slice %arg10[%dma_start3A_193, %dma_start3A_194, %dma_start3A_195] : memref<2x200x128xf32, #tpu.memory_space<vmem>> -> memref<1x200x128xf32, #tpu.memory_space<vmem>>
      %dma_start3A_197 = tpu.memref_squeeze %dma_start3A_196 : memref<1x200x128xf32, #tpu.memory_space<vmem>> -> memref<200x128xf32, #tpu.memory_space<vmem>>
      %dma_start3A_198 = arith.constant 0 : i32
      %dma_start3A_199 = tpu.memref_slice %arg5[%add3A_159, %dma_start3A_198, %multiple_of3A_5] : memref<64x200x16384xf32, #tpu.memory_space<hbm>> -> memref<1x200x128xf32, #tpu.memory_space<hbm>>
      %dma_start3A_200 = tpu.memref_squeeze %dma_start3A_199 : memref<1x200x128xf32, #tpu.memory_space<hbm>> -> memref<200x128xf32, #tpu.memory_space<hbm>>
      %dma_start3A_201 = arith.constant 0 : i32
      %dma_start3A_202 = tpu.memref_slice %arg5[%add3A_159, %dma_start3A_201, %multiple_of3A_5] : memref<64x200x16384xf32, #tpu.memory_space<hbm>> -> memref<1x200x128xf32, #tpu.memory_space<hbm>>
      %dma_start3A_203 = tpu.memref_squeeze %dma_start3A_202 : memref<1x200x128xf32, #tpu.memory_space<hbm>> -> memref<200x128xf32, #tpu.memory_space<hbm>>
      %dma_start3A_204 = arith.constant 0 : i32
      %dma_start3A_205 = arith.constant 0 : i32
      %dma_start3A_206 = tpu.memref_slice %arg10[%dma_start3A_193, %dma_start3A_204, %dma_start3A_205] : memref<2x200x128xf32, #tpu.memory_space<vmem>> -> memref<1x200x128xf32, #tpu.memory_space<vmem>>
      %dma_start3A_207 = tpu.memref_squeeze %dma_start3A_206 : memref<1x200x128xf32, #tpu.memory_space<vmem>> -> memref<200x128xf32, #tpu.memory_space<vmem>>
      tpu.enqueue_dma source(%dma_start3A_207 : memref<200x128xf32, #tpu.memory_space<vmem>>) target(%dma_start3A_203 : memref<200x128xf32, #tpu.memory_space<hbm>>) target_semaphore(%arg11 : memref<!tpu.dma_semaphore, #tpu.memory_space<semaphore_mem>>)
      %add3A_208 = arith.constant 1 : i32
      %add3A_209 = arith.addi %mul3A_157, %add3A_208 : i32
      %dma_wait3A_210 = arith.constant 1 : i32
      %dma_wait3A_211 = arith.constant 0 : i32
      %dma_wait3A_212 = arith.constant 0 : i32
      %dma_wait3A_213 = tpu.memref_slice %arg10[%dma_wait3A_210, %dma_wait3A_211, %dma_wait3A_212] : memref<2x200x128xf32, #tpu.memory_space<vmem>> -> memref<1x200x128xf32, #tpu.memory_space<vmem>>
      %dma_wait3A_214 = tpu.memref_squeeze %dma_wait3A_213 : memref<1x200x128xf32, #tpu.memory_space<vmem>> -> memref<200x128xf32, #tpu.memory_space<vmem>>
      %dma_wait3A_215 = arith.constant 0 : i32
      %dma_wait3A_216 = arith.constant 0 : i32
      %dma_wait3A_217 = tpu.memref_slice %arg5[%scan3A_66, %dma_wait3A_215, %dma_wait3A_216] : memref<64x200x16384xf32, #tpu.memory_space<hbm>> -> memref<1x200x128xf32, #tpu.memory_space<hbm>>
      %dma_wait3A_218 = tpu.memref_squeeze %dma_wait3A_217 : memref<1x200x128xf32, #tpu.memory_space<hbm>> -> memref<200x128xf32, #tpu.memory_space<hbm>>
      %dma_wait3A_219 = arith.constant 0 : i32
      %dma_wait3A_220 = arith.constant 0 : i32
      %dma_wait3A_221 = tpu.memref_slice %arg5[%scan3A_66, %dma_wait3A_219, %dma_wait3A_220] : memref<64x200x16384xf32, #tpu.memory_space<hbm>> -> memref<1x200x128xf32, #tpu.memory_space<hbm>>
      %dma_wait3A_222 = tpu.memref_squeeze %dma_wait3A_221 : memref<1x200x128xf32, #tpu.memory_space<hbm>> -> memref<200x128xf32, #tpu.memory_space<hbm>>
      %dma_wait3A_223 = arith.constant 0 : i32
      %dma_wait3A_224 = arith.constant 0 : i32
      %dma_wait3A_225 = tpu.memref_slice %arg10[%dma_wait3A_210, %dma_wait3A_223, %dma_wait3A_224] : memref<2x200x128xf32, #tpu.memory_space<vmem>> -> memref<1x200x128xf32, #tpu.memory_space<vmem>>
      %dma_wait3A_226 = tpu.memref_squeeze %dma_wait3A_225 : memref<1x200x128xf32, #tpu.memory_space<vmem>> -> memref<200x128xf32, #tpu.memory_space<vmem>>
      tpu.wait_dma2 semaphore(%arg12 : memref<!tpu.dma_semaphore, #tpu.memory_space<semaphore_mem>>) src(%dma_wait3A_226 : memref<200x128xf32, #tpu.memory_space<vmem>>) dst(%dma_wait3A_222 : memref<200x128xf32, #tpu.memory_space<hbm>>)
      %mul3A_227 = arith.constant 16 : i32
      %mul3A_228 = arith.muli %add3A_209, %mul3A_227 : i32
      %get3A_229 = arith.index_cast %mul3A_228 : i32 to index
      %get3A_230 = tpu.vector_load %arg6[%get3A_229] {strides = array<i32>} : memref<1024xf32, #tpu.memory_space<vmem>>, vector<16xf32>,
      %get3A_231 = vector.shape_cast %get3A_230 : vector<16xf32> to vector<16xf32>
      %mul3A_232 = arith.constant 16 : i32
      %mul3A_233 = arith.muli %add3A_209, %mul3A_232 : i32
      %get3A_234 = arith.index_cast %mul3A_233 : i32 to index
      %get3A_235 = tpu.vector_load %arg7[%get3A_234] {strides = array<i32>} : memref<1024xf32, #tpu.memory_space<vmem>>, vector<16xf32>,
      %get3A_236 = vector.shape_cast %get3A_235 : vector<16xf32> to vector<16xf32>
      %scan3A_237 = arith.constant 0 : i32
      %scan3A_238 = arith.constant 0 : i32
      %scan3A_239 = arith.constant 200 : i32
      %scan3A_240 = arith.addi %scan3A_238, %scan3A_239 : i32
      %scan3A_241 = arith.constant 1 : i32
      scf.for %scan3A_258 = %scan3A_238 to %scan3A_240 step %scan3A_241  : i32 {
        %get3A_259 = arith.index_cast %scan3A_258 : i32 to index
        %get3A_260 = arith.constant 0 : index
        %get3A_261 = tpu.vector_load %arg9[%get3A_259, %get3A_260] {strides = array<i32>} : memref<200x128xf32, #tpu.memory_space<vmem>>, vector<1x16xf32>,
        %get3A_262 = vector.shape_cast %get3A_261 : vector<1x16xf32> to vector<16xf32>
        %mul3A_263 = arith.mulf %get3A_262, %get3A_236 : vector<16xf32>
        %add3A_264 = arith.addf %mul3A_263, %get3A_231 : vector<16xf32>
        %swap3A = arith.constant 1 : i32
        %swap3A_265 = arith.index_cast %swap3A : i32 to index
        %swap3A_266 = arith.index_cast %scan3A_258 : i32 to index
        %swap3A_267 = arith.constant 0 : index
        %swap3A_268 = tpu.vector_load %arg10[%swap3A_265, %swap3A_266, %swap3A_267] {strides = array<i32>} : memref<2x200x128xf32, #tpu.memory_space<vmem>>, vector<1x1x16xf32>,
        %swap3A_269 = vector.shape_cast %swap3A_268 : vector<1x1x16xf32> to vector<16xf32>
        %swap3A_270 = vector.shape_cast %add3A_264 : vector<16xf32> to vector<1x1x16xf32>
        tpu.vector_store %arg10[%swap3A_265, %swap3A_266, %swap3A_267], %swap3A_270 {strides = array<i32>} : memref<2x200x128xf32, #tpu.memory_space<vmem>>, vector<1x1x16xf32>,
        %get3A_271 = arith.index_cast %scan3A_258 : i32 to index
        %get3A_272 = arith.constant 16 : index
        %get3A_273 = tpu.vector_load %arg9[%get3A_271, %get3A_272] {strides = array<i32>} : memref<200x128xf32, #tpu.memory_space<vmem>>, vector<1x16xf32>,
        %get3A_274 = vector.shape_cast %get3A_273 : vector<1x16xf32> to vector<16xf32>
        %mul3A_275 = arith.mulf %get3A_274, %get3A_236 : vector<16xf32>
        %add3A_276 = arith.addf %mul3A_275, %get3A_231 : vector<16xf32>
        %swap3A_277 = arith.constant 1 : i32
        %swap3A_278 = arith.index_cast %swap3A_277 : i32 to index
        %swap3A_279 = arith.index_cast %scan3A_258 : i32 to index
        %swap3A_280 = arith.constant 16 : index
        %swap3A_281 = tpu.vector_load %arg10[%swap3A_278, %swap3A_279, %swap3A_280] {strides = array<i32>} : memref<2x200x128xf32, #tpu.memory_space<vmem>>, vector<1x1x16xf32>,
        %swap3A_282 = vector.shape_cast %swap3A_281 : vector<1x1x16xf32> to vector<16xf32>
        %swap3A_283 = vector.shape_cast %add3A_276 : vector<16xf32> to vector<1x1x16xf32>
        tpu.vector_store %arg10[%swap3A_278, %swap3A_279, %swap3A_280], %swap3A_283 {strides = array<i32>} : memref<2x200x128xf32, #tpu.memory_space<vmem>>, vector<1x1x16xf32>,
        %get3A_284 = arith.index_cast %scan3A_258 : i32 to index
        %get3A_285 = arith.constant 32 : index
        %get3A_286 = tpu.vector_load %arg9[%get3A_284, %get3A_285] {strides = array<i32>} : memref<200x128xf32, #tpu.memory_space<vmem>>, vector<1x16xf32>,
        %get3A_287 = vector.shape_cast %get3A_286 : vector<1x16xf32> to vector<16xf32>
        %mul3A_288 = arith.mulf %get3A_287, %get3A_236 : vector<16xf32>
        %add3A_289 = arith.addf %mul3A_288, %get3A_231 : vector<16xf32>
        %swap3A_290 = arith.constant 1 : i32
        %swap3A_291 = arith.index_cast %swap3A_290 : i32 to index
        %swap3A_292 = arith.index_cast %scan3A_258 : i32 to index
        %swap3A_293 = arith.constant 32 : index
        %swap3A_294 = tpu.vector_load %arg10[%swap3A_291, %swap3A_292, %swap3A_293] {strides = array<i32>} : memref<2x200x128xf32, #tpu.memory_space<vmem>>, vector<1x1x16xf32>,
        %swap3A_295 = vector.shape_cast %swap3A_294 : vector<1x1x16xf32> to vector<16xf32>
        %swap3A_296 = vector.shape_cast %add3A_289 : vector<16xf32> to vector<1x1x16xf32>
        tpu.vector_store %arg10[%swap3A_291, %swap3A_292, %swap3A_293], %swap3A_296 {strides = array<i32>} : memref<2x200x128xf32, #tpu.memory_space<vmem>>, vector<1x1x16xf32>,
        %get3A_297 = arith.index_cast %scan3A_258 : i32 to index
        %get3A_298 = arith.constant 48 : index
        %get3A_299 = tpu.vector_load %arg9[%get3A_297, %get3A_298] {strides = array<i32>} : memref<200x128xf32, #tpu.memory_space<vmem>>, vector<1x16xf32>,
        %get3A_300 = vector.shape_cast %get3A_299 : vector<1x16xf32> to vector<16xf32>
        %mul3A_301 = arith.mulf %get3A_300, %get3A_236 : vector<16xf32>
        %add3A_302 = arith.addf %mul3A_301, %get3A_231 : vector<16xf32>
        %swap3A_303 = arith.constant 1 : i32
        %swap3A_304 = arith.index_cast %swap3A_303 : i32 to index
        %swap3A_305 = arith.index_cast %scan3A_258 : i32 to index
        %swap3A_306 = arith.constant 48 : index
        %swap3A_307 = tpu.vector_load %arg10[%swap3A_304, %swap3A_305, %swap3A_306] {strides = array<i32>} : memref<2x200x128xf32, #tpu.memory_space<vmem>>, vector<1x1x16xf32>,
        %swap3A_308 = vector.shape_cast %swap3A_307 : vector<1x1x16xf32> to vector<16xf32>
        %swap3A_309 = vector.shape_cast %add3A_302 : vector<16xf32> to vector<1x1x16xf32>
        tpu.vector_store %arg10[%swap3A_304, %swap3A_305, %swap3A_306], %swap3A_309 {strides = array<i32>} : memref<2x200x128xf32, #tpu.memory_space<vmem>>, vector<1x1x16xf32>,
        %get3A_310 = arith.index_cast %scan3A_258 : i32 to index
        %get3A_311 = arith.constant 64 : index
        %get3A_312 = tpu.vector_load %arg9[%get3A_310, %get3A_311] {strides = array<i32>} : memref<200x128xf32, #tpu.memory_space<vmem>>, vector<1x16xf32>,
        %get3A_313 = vector.shape_cast %get3A_312 : vector<1x16xf32> to vector<16xf32>
        %mul3A_314 = arith.mulf %get3A_313, %get3A_236 : vector<16xf32>
        %add3A_315 = arith.addf %mul3A_314, %get3A_231 : vector<16xf32>
        %swap3A_316 = arith.constant 1 : i32
        %swap3A_317 = arith.index_cast %swap3A_316 : i32 to index
        %swap3A_318 = arith.index_cast %scan3A_258 : i32 to index
        %swap3A_319 = arith.constant 64 : index
        %swap3A_320 = tpu.vector_load %arg10[%swap3A_317, %swap3A_318, %swap3A_319] {strides = array<i32>} : memref<2x200x128xf32, #tpu.memory_space<vmem>>, vector<1x1x16xf32>,
        %swap3A_321 = vector.shape_cast %swap3A_320 : vector<1x1x16xf32> to vector<16xf32>
        %swap3A_322 = vector.shape_cast %add3A_315 : vector<16xf32> to vector<1x1x16xf32>
        tpu.vector_store %arg10[%swap3A_317, %swap3A_318, %swap3A_319], %swap3A_322 {strides = array<i32>} : memref<2x200x128xf32, #tpu.memory_space<vmem>>, vector<1x1x16xf32>,
        %get3A_323 = arith.index_cast %scan3A_258 : i32 to index
        %get3A_324 = arith.constant 80 : index
        %get3A_325 = tpu.vector_load %arg9[%get3A_323, %get3A_324] {strides = array<i32>} : memref<200x128xf32, #tpu.memory_space<vmem>>, vector<1x16xf32>,
        %get3A_326 = vector.shape_cast %get3A_325 : vector<1x16xf32> to vector<16xf32>
        %mul3A_327 = arith.mulf %get3A_326, %get3A_236 : vector<16xf32>
        %add3A_328 = arith.addf %mul3A_327, %get3A_231 : vector<16xf32>
        %swap3A_329 = arith.constant 1 : i32
        %swap3A_330 = arith.index_cast %swap3A_329 : i32 to index
        %swap3A_331 = arith.index_cast %scan3A_258 : i32 to index
        %swap3A_332 = arith.constant 80 : index
        %swap3A_333 = tpu.vector_load %arg10[%swap3A_330, %swap3A_331, %swap3A_332] {strides = array<i32>} : memref<2x200x128xf32, #tpu.memory_space<vmem>>, vector<1x1x16xf32>,
        %swap3A_334 = vector.shape_cast %swap3A_333 : vector<1x1x16xf32> to vector<16xf32>
        %swap3A_335 = vector.shape_cast %add3A_328 : vector<16xf32> to vector<1x1x16xf32>
        tpu.vector_store %arg10[%swap3A_330, %swap3A_331, %swap3A_332], %swap3A_335 {strides = array<i32>} : memref<2x200x128xf32, #tpu.memory_space<vmem>>, vector<1x1x16xf32>,
        %get3A_336 = arith.index_cast %scan3A_258 : i32 to index
        %get3A_337 = arith.constant 96 : index
        %get3A_338 = tpu.vector_load %arg9[%get3A_336, %get3A_337] {strides = array<i32>} : memref<200x128xf32, #tpu.memory_space<vmem>>, vector<1x16xf32>,
        %get3A_339 = vector.shape_cast %get3A_338 : vector<1x16xf32> to vector<16xf32>
        %mul3A_340 = arith.mulf %get3A_339, %get3A_236 : vector<16xf32>
        %add3A_341 = arith.addf %mul3A_340, %get3A_231 : vector<16xf32>
        %swap3A_342 = arith.constant 1 : i32
        %swap3A_343 = arith.index_cast %swap3A_342 : i32 to index
        %swap3A_344 = arith.index_cast %scan3A_258 : i32 to index
        %swap3A_345 = arith.constant 96 : index
        %swap3A_346 = tpu.vector_load %arg10[%swap3A_343, %swap3A_344, %swap3A_345] {strides = array<i32>} : memref<2x200x128xf32, #tpu.memory_space<vmem>>, vector<1x1x16xf32>,
        %swap3A_347 = vector.shape_cast %swap3A_346 : vector<1x1x16xf32> to vector<16xf32>
        %swap3A_348 = vector.shape_cast %add3A_341 : vector<16xf32> to vector<1x1x16xf32>
        tpu.vector_store %arg10[%swap3A_343, %swap3A_344, %swap3A_345], %swap3A_348 {strides = array<i32>} : memref<2x200x128xf32, #tpu.memory_space<vmem>>, vector<1x1x16xf32>,
        %get3A_349 = arith.index_cast %scan3A_258 : i32 to index
        %get3A_350 = arith.constant 112 : index
        %get3A_351 = tpu.vector_load %arg9[%get3A_349, %get3A_350] {strides = array<i32>} : memref<200x128xf32, #tpu.memory_space<vmem>>, vector<1x16xf32>,
        %get3A_352 = vector.shape_cast %get3A_351 : vector<1x16xf32> to vector<16xf32>
        %mul3A_353 = arith.mulf %get3A_352, %get3A_236 : vector<16xf32>
        %add3A_354 = arith.addf %mul3A_353, %get3A_231 : vector<16xf32>
        %swap3A_355 = arith.constant 1 : i32
        %swap3A_356 = arith.index_cast %swap3A_355 : i32 to index
        %swap3A_357 = arith.index_cast %scan3A_258 : i32 to index
        %swap3A_358 = arith.constant 112 : index
        %swap3A_359 = tpu.vector_load %arg10[%swap3A_356, %swap3A_357, %swap3A_358] {strides = array<i32>} : memref<2x200x128xf32, #tpu.memory_space<vmem>>, vector<1x1x16xf32>,
        %swap3A_360 = vector.shape_cast %swap3A_359 : vector<1x1x16xf32> to vector<16xf32>
        %swap3A_361 = vector.shape_cast %add3A_354 : vector<16xf32> to vector<1x1x16xf32>
        tpu.vector_store %arg10[%swap3A_356, %swap3A_357, %swap3A_358], %swap3A_361 {strides = array<i32>} : memref<2x200x128xf32, #tpu.memory_space<vmem>>, vector<1x1x16xf32>,
      }
      %scan3A_242 = arith.constant 200 : i32
      %dma_start3A_243 = arith.constant 1 : i32
      %dma_start3A_244 = arith.constant 0 : i32
      %dma_start3A_245 = arith.constant 0 : i32
      %dma_start3A_246 = tpu.memref_slice %arg10[%dma_start3A_243, %dma_start3A_244, %dma_start3A_245] : memref<2x200x128xf32, #tpu.memory_space<vmem>> -> memref<1x200x128xf32, #tpu.memory_space<vmem>>
      %dma_start3A_247 = tpu.memref_squeeze %dma_start3A_246 : memref<1x200x128xf32, #tpu.memory_space<vmem>> -> memref<200x128xf32, #tpu.memory_space<vmem>>
      %dma_start3A_248 = arith.constant 0 : i32
      %dma_start3A_249 = tpu.memref_slice %arg5[%add3A_209, %dma_start3A_248, %multiple_of3A_5] : memref<64x200x16384xf32, #tpu.memory_space<hbm>> -> memref<1x200x128xf32, #tpu.memory_space<hbm>>
      %dma_start3A_250 = tpu.memref_squeeze %dma_start3A_249 : memref<1x200x128xf32, #tpu.memory_space<hbm>> -> memref<200x128xf32, #tpu.memory_space<hbm>>
      %dma_start3A_251 = arith.constant 0 : i32
      %dma_start3A_252 = tpu.memref_slice %arg5[%add3A_209, %dma_start3A_251, %multiple_of3A_5] : memref<64x200x16384xf32, #tpu.memory_space<hbm>> -> memref<1x200x128xf32, #tpu.memory_space<hbm>>
      %dma_start3A_253 = tpu.memref_squeeze %dma_start3A_252 : memref<1x200x128xf32, #tpu.memory_space<hbm>> -> memref<200x128xf32, #tpu.memory_space<hbm>>
      %dma_start3A_254 = arith.constant 0 : i32
      %dma_start3A_255 = arith.constant 0 : i32
      %dma_start3A_256 = tpu.memref_slice %arg10[%dma_start3A_243, %dma_start3A_254, %dma_start3A_255] : memref<2x200x128xf32, #tpu.memory_space<vmem>> -> memref<1x200x128xf32, #tpu.memory_space<vmem>>
      %dma_start3A_257 = tpu.memref_squeeze %dma_start3A_256 : memref<1x200x128xf32, #tpu.memory_space<vmem>> -> memref<200x128xf32, #tpu.memory_space<vmem>>
      tpu.enqueue_dma source(%dma_start3A_257 : memref<200x128xf32, #tpu.memory_space<vmem>>) target(%dma_start3A_253 : memref<200x128xf32, #tpu.memory_space<hbm>>) target_semaphore(%arg12 : memref<!tpu.dma_semaphore, #tpu.memory_space<semaphore_mem>>)
    }
    %scan3A_71 = arith.constant 31 : i32
    %add3A_72 = arith.constant 128 : i32
    %add3A_73 = arith.addi %multiple_of3A, %add3A_72 : i32
    %multiple_of3A_74 = tpu.assume_multiple %add3A_73, 128 : i32
    "tpu.region"() ({
      %run_scoped3A = tpu.sem_alloc : memref<!tpu.dma_semaphore, #tpu.memory_space<semaphore_mem>>
      %dma_start3A_155 = arith.constant 0 : i32
      %dma_start3A_156 = tpu.memref_slice %arg2[%dma_start3A_155, %multiple_of3A_74] : memref<200x16384xi32, #tpu.memory_space<hbm>> -> memref<200x128xi32, #tpu.memory_space<hbm>>
      %dma_start3A_157 = arith.constant 0 : i32
      %dma_start3A_158 = tpu.memref_slice %arg2[%dma_start3A_157, %multiple_of3A_74] : memref<200x16384xi32, #tpu.memory_space<hbm>> -> memref<200x128xi32, #tpu.memory_space<hbm>>
      tpu.enqueue_dma source(%dma_start3A_158 : memref<200x128xi32, #tpu.memory_space<hbm>>) target(%arg8 : memref<200x128xi32, #tpu.memory_space<vmem>>) target_semaphore(%run_scoped3A : memref<!tpu.dma_semaphore, #tpu.memory_space<semaphore_mem>>)
      %dma_wait3A_159 = arith.constant 0 : i32
      %dma_wait3A_160 = tpu.memref_slice %arg2[%dma_wait3A_159, %multiple_of3A_74] : memref<200x16384xi32, #tpu.memory_space<hbm>> -> memref<200x128xi32, #tpu.memory_space<hbm>>
      %dma_wait3A_161 = arith.constant 0 : i32
      %dma_wait3A_162 = tpu.memref_slice %arg2[%dma_wait3A_161, %multiple_of3A_74] : memref<200x16384xi32, #tpu.memory_space<hbm>> -> memref<200x128xi32, #tpu.memory_space<hbm>>
      tpu.wait_dma2 semaphore(%run_scoped3A : memref<!tpu.dma_semaphore, #tpu.memory_space<semaphore_mem>>) src(%dma_wait3A_162 : memref<200x128xi32, #tpu.memory_space<hbm>>) dst(%arg8 : memref<200x128xi32, #tpu.memory_space<vmem>>)
      tpu.yield
    }) : () -> ()
    %scan3A_75 = arith.constant 0 : i32
    %scan3A_76 = arith.constant 0 : i32
    %scan3A_77 = arith.constant 200 : i32
    %scan3A_78 = arith.addi %scan3A_76, %scan3A_77 : i32
    %scan3A_79 = arith.constant 1 : i32
    scf.for %scan3A_155 = %scan3A_76 to %scan3A_78 step %scan3A_79  : i32 {
      %get3A_156 = arith.index_cast %scan3A_155 : i32 to index
      %get3A_157 = arith.constant 0 : index
      %get3A_158 = tpu.vector_load %arg8[%get3A_156, %get3A_157] {strides = array<i32>} : memref<200x128xi32, #tpu.memory_space<vmem>>, vector<1x16xi32>,
      %get3A_159 = vector.shape_cast %get3A_158 : vector<1x16xi32> to vector<16xi32>
      %sub3A = arith.constant 1 : i32
      %sub3A_160 = vector.broadcast %sub3A : i32 to vector<16xi32>
      %sub3A_161 = arith.subi %get3A_159, %sub3A_160 : vector<16xi32>
      %abs3A = math.absi %sub3A_161 : vector<16xi32>
      %sub3A_162 = arith.constant 1 : i32
      %sub3A_163 = vector.broadcast %sub3A_162 : i32 to vector<16xi32>
      %sub3A_164 = arith.subi %sub3A_163, %abs3A : vector<16xi32>
      %max3A = arith.constant 0 : i32
      %max3A_165 = vector.broadcast %max3A : i32 to vector<16xi32>
      %max3A_166 = arith.maxsi %sub3A_164, %max3A_165 : vector<16xi32>
      %convert_element_type3A = arith.sitofp %max3A_166 : vector<16xi32> to vector<16xf32>
      %swap3A = arith.index_cast %scan3A_155 : i32 to index
      %swap3A_167 = arith.constant 0 : index
      %swap3A_168 = tpu.vector_load %arg9[%swap3A, %swap3A_167] {strides = array<i32>} : memref<200x128xf32, #tpu.memory_space<vmem>>, vector<1x16xf32>,
      %swap3A_169 = vector.shape_cast %swap3A_168 : vector<1x16xf32> to vector<16xf32>
      %swap3A_170 = vector.shape_cast %convert_element_type3A : vector<16xf32> to vector<1x16xf32>
      tpu.vector_store %arg9[%swap3A, %swap3A_167], %swap3A_170 {strides = array<i32>} : memref<200x128xf32, #tpu.memory_space<vmem>>, vector<1x16xf32>,
      %get3A_171 = arith.index_cast %scan3A_155 : i32 to index
      %get3A_172 = arith.constant 16 : index
      %get3A_173 = tpu.vector_load %arg8[%get3A_171, %get3A_172] {strides = array<i32>} : memref<200x128xi32, #tpu.memory_space<vmem>>, vector<1x16xi32>,
      %get3A_174 = vector.shape_cast %get3A_173 : vector<1x16xi32> to vector<16xi32>
      %sub3A_175 = arith.constant 1 : i32
      %sub3A_176 = vector.broadcast %sub3A_175 : i32 to vector<16xi32>
      %sub3A_177 = arith.subi %get3A_174, %sub3A_176 : vector<16xi32>
      %abs3A_178 = math.absi %sub3A_177 : vector<16xi32>
      %sub3A_179 = arith.constant 1 : i32
      %sub3A_180 = vector.broadcast %sub3A_179 : i32 to vector<16xi32>
      %sub3A_181 = arith.subi %sub3A_180, %abs3A_178 : vector<16xi32>
      %max3A_182 = arith.constant 0 : i32
      %max3A_183 = vector.broadcast %max3A_182 : i32 to vector<16xi32>
      %max3A_184 = arith.maxsi %sub3A_181, %max3A_183 : vector<16xi32>
      %convert_element_type3A_185 = arith.sitofp %max3A_184 : vector<16xi32> to vector<16xf32>
      %swap3A_186 = arith.index_cast %scan3A_155 : i32 to index
      %swap3A_187 = arith.constant 16 : index
      %swap3A_188 = tpu.vector_load %arg9[%swap3A_186, %swap3A_187] {strides = array<i32>} : memref<200x128xf32, #tpu.memory_space<vmem>>, vector<1x16xf32>,
      %swap3A_189 = vector.shape_cast %swap3A_188 : vector<1x16xf32> to vector<16xf32>
      %swap3A_190 = vector.shape_cast %convert_element_type3A_185 : vector<16xf32> to vector<1x16xf32>
      tpu.vector_store %arg9[%swap3A_186, %swap3A_187], %swap3A_190 {strides = array<i32>} : memref<200x128xf32, #tpu.memory_space<vmem>>, vector<1x16xf32>,
      %get3A_191 = arith.index_cast %scan3A_155 : i32 to index
      %get3A_192 = arith.constant 32 : index
      %get3A_193 = tpu.vector_load %arg8[%get3A_191, %get3A_192] {strides = array<i32>} : memref<200x128xi32, #tpu.memory_space<vmem>>, vector<1x16xi32>,
      %get3A_194 = vector.shape_cast %get3A_193 : vector<1x16xi32> to vector<16xi32>
      %sub3A_195 = arith.constant 1 : i32
      %sub3A_196 = vector.broadcast %sub3A_195 : i32 to vector<16xi32>
      %sub3A_197 = arith.subi %get3A_194, %sub3A_196 : vector<16xi32>
      %abs3A_198 = math.absi %sub3A_197 : vector<16xi32>
      %sub3A_199 = arith.constant 1 : i32
      %sub3A_200 = vector.broadcast %sub3A_199 : i32 to vector<16xi32>
      %sub3A_201 = arith.subi %sub3A_200, %abs3A_198 : vector<16xi32>
      %max3A_202 = arith.constant 0 : i32
      %max3A_203 = vector.broadcast %max3A_202 : i32 to vector<16xi32>
      %max3A_204 = arith.maxsi %sub3A_201, %max3A_203 : vector<16xi32>
      %convert_element_type3A_205 = arith.sitofp %max3A_204 : vector<16xi32> to vector<16xf32>
      %swap3A_206 = arith.index_cast %scan3A_155 : i32 to index
      %swap3A_207 = arith.constant 32 : index
      %swap3A_208 = tpu.vector_load %arg9[%swap3A_206, %swap3A_207] {strides = array<i32>} : memref<200x128xf32, #tpu.memory_space<vmem>>, vector<1x16xf32>,
      %swap3A_209 = vector.shape_cast %swap3A_208 : vector<1x16xf32> to vector<16xf32>
      %swap3A_210 = vector.shape_cast %convert_element_type3A_205 : vector<16xf32> to vector<1x16xf32>
      tpu.vector_store %arg9[%swap3A_206, %swap3A_207], %swap3A_210 {strides = array<i32>} : memref<200x128xf32, #tpu.memory_space<vmem>>, vector<1x16xf32>,
      %get3A_211 = arith.index_cast %scan3A_155 : i32 to index
      %get3A_212 = arith.constant 48 : index
      %get3A_213 = tpu.vector_load %arg8[%get3A_211, %get3A_212] {strides = array<i32>} : memref<200x128xi32, #tpu.memory_space<vmem>>, vector<1x16xi32>,
      %get3A_214 = vector.shape_cast %get3A_213 : vector<1x16xi32> to vector<16xi32>
      %sub3A_215 = arith.constant 1 : i32
      %sub3A_216 = vector.broadcast %sub3A_215 : i32 to vector<16xi32>
      %sub3A_217 = arith.subi %get3A_214, %sub3A_216 : vector<16xi32>
      %abs3A_218 = math.absi %sub3A_217 : vector<16xi32>
      %sub3A_219 = arith.constant 1 : i32
      %sub3A_220 = vector.broadcast %sub3A_219 : i32 to vector<16xi32>
      %sub3A_221 = arith.subi %sub3A_220, %abs3A_218 : vector<16xi32>
      %max3A_222 = arith.constant 0 : i32
      %max3A_223 = vector.broadcast %max3A_222 : i32 to vector<16xi32>
      %max3A_224 = arith.maxsi %sub3A_221, %max3A_223 : vector<16xi32>
      %convert_element_type3A_225 = arith.sitofp %max3A_224 : vector<16xi32> to vector<16xf32>
      %swap3A_226 = arith.index_cast %scan3A_155 : i32 to index
      %swap3A_227 = arith.constant 48 : index
      %swap3A_228 = tpu.vector_load %arg9[%swap3A_226, %swap3A_227] {strides = array<i32>} : memref<200x128xf32, #tpu.memory_space<vmem>>, vector<1x16xf32>,
      %swap3A_229 = vector.shape_cast %swap3A_228 : vector<1x16xf32> to vector<16xf32>
      %swap3A_230 = vector.shape_cast %convert_element_type3A_225 : vector<16xf32> to vector<1x16xf32>
      tpu.vector_store %arg9[%swap3A_226, %swap3A_227], %swap3A_230 {strides = array<i32>} : memref<200x128xf32, #tpu.memory_space<vmem>>, vector<1x16xf32>,
      %get3A_231 = arith.index_cast %scan3A_155 : i32 to index
      %get3A_232 = arith.constant 64 : index
      %get3A_233 = tpu.vector_load %arg8[%get3A_231, %get3A_232] {strides = array<i32>} : memref<200x128xi32, #tpu.memory_space<vmem>>, vector<1x16xi32>,
      %get3A_234 = vector.shape_cast %get3A_233 : vector<1x16xi32> to vector<16xi32>
      %sub3A_235 = arith.constant 1 : i32
      %sub3A_236 = vector.broadcast %sub3A_235 : i32 to vector<16xi32>
      %sub3A_237 = arith.subi %get3A_234, %sub3A_236 : vector<16xi32>
      %abs3A_238 = math.absi %sub3A_237 : vector<16xi32>
      %sub3A_239 = arith.constant 1 : i32
      %sub3A_240 = vector.broadcast %sub3A_239 : i32 to vector<16xi32>
      %sub3A_241 = arith.subi %sub3A_240, %abs3A_238 : vector<16xi32>
      %max3A_242 = arith.constant 0 : i32
      %max3A_243 = vector.broadcast %max3A_242 : i32 to vector<16xi32>
      %max3A_244 = arith.maxsi %sub3A_241, %max3A_243 : vector<16xi32>
      %convert_element_type3A_245 = arith.sitofp %max3A_244 : vector<16xi32> to vector<16xf32>
      %swap3A_246 = arith.index_cast %scan3A_155 : i32 to index
      %swap3A_247 = arith.constant 64 : index
      %swap3A_248 = tpu.vector_load %arg9[%swap3A_246, %swap3A_247] {strides = array<i32>} : memref<200x128xf32, #tpu.memory_space<vmem>>, vector<1x16xf32>,
      %swap3A_249 = vector.shape_cast %swap3A_248 : vector<1x16xf32> to vector<16xf32>
      %swap3A_250 = vector.shape_cast %convert_element_type3A_245 : vector<16xf32> to vector<1x16xf32>
      tpu.vector_store %arg9[%swap3A_246, %swap3A_247], %swap3A_250 {strides = array<i32>} : memref<200x128xf32, #tpu.memory_space<vmem>>, vector<1x16xf32>,
      %get3A_251 = arith.index_cast %scan3A_155 : i32 to index
      %get3A_252 = arith.constant 80 : index
      %get3A_253 = tpu.vector_load %arg8[%get3A_251, %get3A_252] {strides = array<i32>} : memref<200x128xi32, #tpu.memory_space<vmem>>, vector<1x16xi32>,
      %get3A_254 = vector.shape_cast %get3A_253 : vector<1x16xi32> to vector<16xi32>
      %sub3A_255 = arith.constant 1 : i32
      %sub3A_256 = vector.broadcast %sub3A_255 : i32 to vector<16xi32>
      %sub3A_257 = arith.subi %get3A_254, %sub3A_256 : vector<16xi32>
      %abs3A_258 = math.absi %sub3A_257 : vector<16xi32>
      %sub3A_259 = arith.constant 1 : i32
      %sub3A_260 = vector.broadcast %sub3A_259 : i32 to vector<16xi32>
      %sub3A_261 = arith.subi %sub3A_260, %abs3A_258 : vector<16xi32>
      %max3A_262 = arith.constant 0 : i32
      %max3A_263 = vector.broadcast %max3A_262 : i32 to vector<16xi32>
      %max3A_264 = arith.maxsi %sub3A_261, %max3A_263 : vector<16xi32>
      %convert_element_type3A_265 = arith.sitofp %max3A_264 : vector<16xi32> to vector<16xf32>
      %swap3A_266 = arith.index_cast %scan3A_155 : i32 to index
      %swap3A_267 = arith.constant 80 : index
      %swap3A_268 = tpu.vector_load %arg9[%swap3A_266, %swap3A_267] {strides = array<i32>} : memref<200x128xf32, #tpu.memory_space<vmem>>, vector<1x16xf32>,
      %swap3A_269 = vector.shape_cast %swap3A_268 : vector<1x16xf32> to vector<16xf32>
      %swap3A_270 = vector.shape_cast %convert_element_type3A_265 : vector<16xf32> to vector<1x16xf32>
      tpu.vector_store %arg9[%swap3A_266, %swap3A_267], %swap3A_270 {strides = array<i32>} : memref<200x128xf32, #tpu.memory_space<vmem>>, vector<1x16xf32>,
      %get3A_271 = arith.index_cast %scan3A_155 : i32 to index
      %get3A_272 = arith.constant 96 : index
      %get3A_273 = tpu.vector_load %arg8[%get3A_271, %get3A_272] {strides = array<i32>} : memref<200x128xi32, #tpu.memory_space<vmem>>, vector<1x16xi32>,
      %get3A_274 = vector.shape_cast %get3A_273 : vector<1x16xi32> to vector<16xi32>
      %sub3A_275 = arith.constant 1 : i32
      %sub3A_276 = vector.broadcast %sub3A_275 : i32 to vector<16xi32>
      %sub3A_277 = arith.subi %get3A_274, %sub3A_276 : vector<16xi32>
      %abs3A_278 = math.absi %sub3A_277 : vector<16xi32>
      %sub3A_279 = arith.constant 1 : i32
      %sub3A_280 = vector.broadcast %sub3A_279 : i32 to vector<16xi32>
      %sub3A_281 = arith.subi %sub3A_280, %abs3A_278 : vector<16xi32>
      %max3A_282 = arith.constant 0 : i32
      %max3A_283 = vector.broadcast %max3A_282 : i32 to vector<16xi32>
      %max3A_284 = arith.maxsi %sub3A_281, %max3A_283 : vector<16xi32>
      %convert_element_type3A_285 = arith.sitofp %max3A_284 : vector<16xi32> to vector<16xf32>
      %swap3A_286 = arith.index_cast %scan3A_155 : i32 to index
      %swap3A_287 = arith.constant 96 : index
      %swap3A_288 = tpu.vector_load %arg9[%swap3A_286, %swap3A_287] {strides = array<i32>} : memref<200x128xf32, #tpu.memory_space<vmem>>, vector<1x16xf32>,
      %swap3A_289 = vector.shape_cast %swap3A_288 : vector<1x16xf32> to vector<16xf32>
      %swap3A_290 = vector.shape_cast %convert_element_type3A_285 : vector<16xf32> to vector<1x16xf32>
      tpu.vector_store %arg9[%swap3A_286, %swap3A_287], %swap3A_290 {strides = array<i32>} : memref<200x128xf32, #tpu.memory_space<vmem>>, vector<1x16xf32>,
      %get3A_291 = arith.index_cast %scan3A_155 : i32 to index
      %get3A_292 = arith.constant 112 : index
      %get3A_293 = tpu.vector_load %arg8[%get3A_291, %get3A_292] {strides = array<i32>} : memref<200x128xi32, #tpu.memory_space<vmem>>, vector<1x16xi32>,
      %get3A_294 = vector.shape_cast %get3A_293 : vector<1x16xi32> to vector<16xi32>
      %sub3A_295 = arith.constant 1 : i32
      %sub3A_296 = vector.broadcast %sub3A_295 : i32 to vector<16xi32>
      %sub3A_297 = arith.subi %get3A_294, %sub3A_296 : vector<16xi32>
      %abs3A_298 = math.absi %sub3A_297 : vector<16xi32>
      %sub3A_299 = arith.constant 1 : i32
      %sub3A_300 = vector.broadcast %sub3A_299 : i32 to vector<16xi32>
      %sub3A_301 = arith.subi %sub3A_300, %abs3A_298 : vector<16xi32>
      %max3A_302 = arith.constant 0 : i32
      %max3A_303 = vector.broadcast %max3A_302 : i32 to vector<16xi32>
      %max3A_304 = arith.maxsi %sub3A_301, %max3A_303 : vector<16xi32>
      %convert_element_type3A_305 = arith.sitofp %max3A_304 : vector<16xi32> to vector<16xf32>
      %swap3A_306 = arith.index_cast %scan3A_155 : i32 to index
      %swap3A_307 = arith.constant 112 : index
      %swap3A_308 = tpu.vector_load %arg9[%swap3A_306, %swap3A_307] {strides = array<i32>} : memref<200x128xf32, #tpu.memory_space<vmem>>, vector<1x16xf32>,
      %swap3A_309 = vector.shape_cast %swap3A_308 : vector<1x16xf32> to vector<16xf32>
      %swap3A_310 = vector.shape_cast %convert_element_type3A_305 : vector<16xf32> to vector<1x16xf32>
      tpu.vector_store %arg9[%swap3A_306, %swap3A_307], %swap3A_310 {strides = array<i32>} : memref<200x128xf32, #tpu.memory_space<vmem>>, vector<1x16xf32>,
    }
    %scan3A_80 = arith.constant 200 : i32
    %scan3A_81 = arith.constant 0 : i32
    %scan3A_82 = arith.constant 0 : i32
    %scan3A_83 = arith.constant 0 : i32
    %scan3A_84 = arith.constant 32 : i32
    %scan3A_85 = arith.addi %scan3A_83, %scan3A_84 : i32
    %scan3A_86 = arith.constant 1 : i32
    scf.for %scan3A_155 = %scan3A_83 to %scan3A_85 step %scan3A_86  : i32 {
      %mul3A_156 = arith.constant 2 : i32
      %mul3A_157 = arith.muli %scan3A_155, %mul3A_156 : i32
      %add3A_158 = arith.constant 0 : i32
      %add3A_159 = arith.addi %mul3A_157, %add3A_158 : i32
      %dma_wait3A_160 = arith.constant 0 : i32
      %dma_wait3A_161 = arith.constant 0 : i32
      %dma_wait3A_162 = arith.constant 0 : i32
      %dma_wait3A_163 = tpu.memref_slice %arg10[%dma_wait3A_160, %dma_wait3A_161, %dma_wait3A_162] : memref<2x200x128xf32, #tpu.memory_space<vmem>> -> memref<1x200x128xf32, #tpu.memory_space<vmem>>
      %dma_wait3A_164 = tpu.memref_squeeze %dma_wait3A_163 : memref<1x200x128xf32, #tpu.memory_space<vmem>> -> memref<200x128xf32, #tpu.memory_space<vmem>>
      %dma_wait3A_165 = arith.constant 0 : i32
      %dma_wait3A_166 = arith.constant 0 : i32
      %dma_wait3A_167 = tpu.memref_slice %arg5[%scan3A_82, %dma_wait3A_165, %dma_wait3A_166] : memref<64x200x16384xf32, #tpu.memory_space<hbm>> -> memref<1x200x128xf32, #tpu.memory_space<hbm>>
      %dma_wait3A_168 = tpu.memref_squeeze %dma_wait3A_167 : memref<1x200x128xf32, #tpu.memory_space<hbm>> -> memref<200x128xf32, #tpu.memory_space<hbm>>
      %dma_wait3A_169 = arith.constant 0 : i32
      %dma_wait3A_170 = arith.constant 0 : i32
      %dma_wait3A_171 = tpu.memref_slice %arg5[%scan3A_82, %dma_wait3A_169, %dma_wait3A_170] : memref<64x200x16384xf32, #tpu.memory_space<hbm>> -> memref<1x200x128xf32, #tpu.memory_space<hbm>>
      %dma_wait3A_172 = tpu.memref_squeeze %dma_wait3A_171 : memref<1x200x128xf32, #tpu.memory_space<hbm>> -> memref<200x128xf32, #tpu.memory_space<hbm>>
      %dma_wait3A_173 = arith.constant 0 : i32
      %dma_wait3A_174 = arith.constant 0 : i32
      %dma_wait3A_175 = tpu.memref_slice %arg10[%dma_wait3A_160, %dma_wait3A_173, %dma_wait3A_174] : memref<2x200x128xf32, #tpu.memory_space<vmem>> -> memref<1x200x128xf32, #tpu.memory_space<vmem>>
      %dma_wait3A_176 = tpu.memref_squeeze %dma_wait3A_175 : memref<1x200x128xf32, #tpu.memory_space<vmem>> -> memref<200x128xf32, #tpu.memory_space<vmem>>
      tpu.wait_dma2 semaphore(%arg11 : memref<!tpu.dma_semaphore, #tpu.memory_space<semaphore_mem>>) src(%dma_wait3A_176 : memref<200x128xf32, #tpu.memory_space<vmem>>) dst(%dma_wait3A_172 : memref<200x128xf32, #tpu.memory_space<hbm>>)
      %mul3A_177 = arith.constant 16 : i32
      %mul3A_178 = arith.muli %add3A_159, %mul3A_177 : i32
      %get3A_179 = arith.index_cast %mul3A_178 : i32 to index
      %get3A_180 = tpu.vector_load %arg6[%get3A_179] {strides = array<i32>} : memref<1024xf32, #tpu.memory_space<vmem>>, vector<16xf32>,
      %get3A_181 = vector.shape_cast %get3A_180 : vector<16xf32> to vector<16xf32>
      %mul3A_182 = arith.constant 16 : i32
      %mul3A_183 = arith.muli %add3A_159, %mul3A_182 : i32
      %get3A_184 = arith.index_cast %mul3A_183 : i32 to index
      %get3A_185 = tpu.vector_load %arg7[%get3A_184] {strides = array<i32>} : memref<1024xf32, #tpu.memory_space<vmem>>, vector<16xf32>,
      %get3A_186 = vector.shape_cast %get3A_185 : vector<16xf32> to vector<16xf32>
      %scan3A_187 = arith.constant 0 : i32
      %scan3A_188 = arith.constant 0 : i32
      %scan3A_189 = arith.constant 200 : i32
      %scan3A_190 = arith.addi %scan3A_188, %scan3A_189 : i32
      %scan3A_191 = arith.constant 1 : i32
      scf.for %scan3A_258 = %scan3A_188 to %scan3A_190 step %scan3A_191  : i32 {
        %get3A_259 = arith.index_cast %scan3A_258 : i32 to index
        %get3A_260 = arith.constant 0 : index
        %get3A_261 = tpu.vector_load %arg9[%get3A_259, %get3A_260] {strides = array<i32>} : memref<200x128xf32, #tpu.memory_space<vmem>>, vector<1x16xf32>,
        %get3A_262 = vector.shape_cast %get3A_261 : vector<1x16xf32> to vector<16xf32>
        %mul3A_263 = arith.mulf %get3A_262, %get3A_186 : vector<16xf32>
        %add3A_264 = arith.addf %mul3A_263, %get3A_181 : vector<16xf32>
        %swap3A = arith.constant 0 : i32
        %swap3A_265 = arith.index_cast %swap3A : i32 to index
        %swap3A_266 = arith.index_cast %scan3A_258 : i32 to index
        %swap3A_267 = arith.constant 0 : index
        %swap3A_268 = tpu.vector_load %arg10[%swap3A_265, %swap3A_266, %swap3A_267] {strides = array<i32>} : memref<2x200x128xf32, #tpu.memory_space<vmem>>, vector<1x1x16xf32>,
        %swap3A_269 = vector.shape_cast %swap3A_268 : vector<1x1x16xf32> to vector<16xf32>
        %swap3A_270 = vector.shape_cast %add3A_264 : vector<16xf32> to vector<1x1x16xf32>
        tpu.vector_store %arg10[%swap3A_265, %swap3A_266, %swap3A_267], %swap3A_270 {strides = array<i32>} : memref<2x200x128xf32, #tpu.memory_space<vmem>>, vector<1x1x16xf32>,
        %get3A_271 = arith.index_cast %scan3A_258 : i32 to index
        %get3A_272 = arith.constant 16 : index
        %get3A_273 = tpu.vector_load %arg9[%get3A_271, %get3A_272] {strides = array<i32>} : memref<200x128xf32, #tpu.memory_space<vmem>>, vector<1x16xf32>,
        %get3A_274 = vector.shape_cast %get3A_273 : vector<1x16xf32> to vector<16xf32>
        %mul3A_275 = arith.mulf %get3A_274, %get3A_186 : vector<16xf32>
        %add3A_276 = arith.addf %mul3A_275, %get3A_181 : vector<16xf32>
        %swap3A_277 = arith.constant 0 : i32
        %swap3A_278 = arith.index_cast %swap3A_277 : i32 to index
        %swap3A_279 = arith.index_cast %scan3A_258 : i32 to index
        %swap3A_280 = arith.constant 16 : index
        %swap3A_281 = tpu.vector_load %arg10[%swap3A_278, %swap3A_279, %swap3A_280] {strides = array<i32>} : memref<2x200x128xf32, #tpu.memory_space<vmem>>, vector<1x1x16xf32>,
        %swap3A_282 = vector.shape_cast %swap3A_281 : vector<1x1x16xf32> to vector<16xf32>
        %swap3A_283 = vector.shape_cast %add3A_276 : vector<16xf32> to vector<1x1x16xf32>
        tpu.vector_store %arg10[%swap3A_278, %swap3A_279, %swap3A_280], %swap3A_283 {strides = array<i32>} : memref<2x200x128xf32, #tpu.memory_space<vmem>>, vector<1x1x16xf32>,
        %get3A_284 = arith.index_cast %scan3A_258 : i32 to index
        %get3A_285 = arith.constant 32 : index
        %get3A_286 = tpu.vector_load %arg9[%get3A_284, %get3A_285] {strides = array<i32>} : memref<200x128xf32, #tpu.memory_space<vmem>>, vector<1x16xf32>,
        %get3A_287 = vector.shape_cast %get3A_286 : vector<1x16xf32> to vector<16xf32>
        %mul3A_288 = arith.mulf %get3A_287, %get3A_186 : vector<16xf32>
        %add3A_289 = arith.addf %mul3A_288, %get3A_181 : vector<16xf32>
        %swap3A_290 = arith.constant 0 : i32
        %swap3A_291 = arith.index_cast %swap3A_290 : i32 to index
        %swap3A_292 = arith.index_cast %scan3A_258 : i32 to index
        %swap3A_293 = arith.constant 32 : index
        %swap3A_294 = tpu.vector_load %arg10[%swap3A_291, %swap3A_292, %swap3A_293] {strides = array<i32>} : memref<2x200x128xf32, #tpu.memory_space<vmem>>, vector<1x1x16xf32>,
        %swap3A_295 = vector.shape_cast %swap3A_294 : vector<1x1x16xf32> to vector<16xf32>
        %swap3A_296 = vector.shape_cast %add3A_289 : vector<16xf32> to vector<1x1x16xf32>
        tpu.vector_store %arg10[%swap3A_291, %swap3A_292, %swap3A_293], %swap3A_296 {strides = array<i32>} : memref<2x200x128xf32, #tpu.memory_space<vmem>>, vector<1x1x16xf32>,
        %get3A_297 = arith.index_cast %scan3A_258 : i32 to index
        %get3A_298 = arith.constant 48 : index
        %get3A_299 = tpu.vector_load %arg9[%get3A_297, %get3A_298] {strides = array<i32>} : memref<200x128xf32, #tpu.memory_space<vmem>>, vector<1x16xf32>,
        %get3A_300 = vector.shape_cast %get3A_299 : vector<1x16xf32> to vector<16xf32>
        %mul3A_301 = arith.mulf %get3A_300, %get3A_186 : vector<16xf32>
        %add3A_302 = arith.addf %mul3A_301, %get3A_181 : vector<16xf32>
        %swap3A_303 = arith.constant 0 : i32
        %swap3A_304 = arith.index_cast %swap3A_303 : i32 to index
        %swap3A_305 = arith.index_cast %scan3A_258 : i32 to index
        %swap3A_306 = arith.constant 48 : index
        %swap3A_307 = tpu.vector_load %arg10[%swap3A_304, %swap3A_305, %swap3A_306] {strides = array<i32>} : memref<2x200x128xf32, #tpu.memory_space<vmem>>, vector<1x1x16xf32>,
        %swap3A_308 = vector.shape_cast %swap3A_307 : vector<1x1x16xf32> to vector<16xf32>
        %swap3A_309 = vector.shape_cast %add3A_302 : vector<16xf32> to vector<1x1x16xf32>
        tpu.vector_store %arg10[%swap3A_304, %swap3A_305, %swap3A_306], %swap3A_309 {strides = array<i32>} : memref<2x200x128xf32, #tpu.memory_space<vmem>>, vector<1x1x16xf32>,
        %get3A_310 = arith.index_cast %scan3A_258 : i32 to index
        %get3A_311 = arith.constant 64 : index
        %get3A_312 = tpu.vector_load %arg9[%get3A_310, %get3A_311] {strides = array<i32>} : memref<200x128xf32, #tpu.memory_space<vmem>>, vector<1x16xf32>,
        %get3A_313 = vector.shape_cast %get3A_312 : vector<1x16xf32> to vector<16xf32>
        %mul3A_314 = arith.mulf %get3A_313, %get3A_186 : vector<16xf32>
        %add3A_315 = arith.addf %mul3A_314, %get3A_181 : vector<16xf32>
        %swap3A_316 = arith.constant 0 : i32
        %swap3A_317 = arith.index_cast %swap3A_316 : i32 to index
        %swap3A_318 = arith.index_cast %scan3A_258 : i32 to index
        %swap3A_319 = arith.constant 64 : index
        %swap3A_320 = tpu.vector_load %arg10[%swap3A_317, %swap3A_318, %swap3A_319] {strides = array<i32>} : memref<2x200x128xf32, #tpu.memory_space<vmem>>, vector<1x1x16xf32>,
        %swap3A_321 = vector.shape_cast %swap3A_320 : vector<1x1x16xf32> to vector<16xf32>
        %swap3A_322 = vector.shape_cast %add3A_315 : vector<16xf32> to vector<1x1x16xf32>
        tpu.vector_store %arg10[%swap3A_317, %swap3A_318, %swap3A_319], %swap3A_322 {strides = array<i32>} : memref<2x200x128xf32, #tpu.memory_space<vmem>>, vector<1x1x16xf32>,
        %get3A_323 = arith.index_cast %scan3A_258 : i32 to index
        %get3A_324 = arith.constant 80 : index
        %get3A_325 = tpu.vector_load %arg9[%get3A_323, %get3A_324] {strides = array<i32>} : memref<200x128xf32, #tpu.memory_space<vmem>>, vector<1x16xf32>,
        %get3A_326 = vector.shape_cast %get3A_325 : vector<1x16xf32> to vector<16xf32>
        %mul3A_327 = arith.mulf %get3A_326, %get3A_186 : vector<16xf32>
        %add3A_328 = arith.addf %mul3A_327, %get3A_181 : vector<16xf32>
        %swap3A_329 = arith.constant 0 : i32
        %swap3A_330 = arith.index_cast %swap3A_329 : i32 to index
        %swap3A_331 = arith.index_cast %scan3A_258 : i32 to index
        %swap3A_332 = arith.constant 80 : index
        %swap3A_333 = tpu.vector_load %arg10[%swap3A_330, %swap3A_331, %swap3A_332] {strides = array<i32>} : memref<2x200x128xf32, #tpu.memory_space<vmem>>, vector<1x1x16xf32>,
        %swap3A_334 = vector.shape_cast %swap3A_333 : vector<1x1x16xf32> to vector<16xf32>
        %swap3A_335 = vector.shape_cast %add3A_328 : vector<16xf32> to vector<1x1x16xf32>
        tpu.vector_store %arg10[%swap3A_330, %swap3A_331, %swap3A_332], %swap3A_335 {strides = array<i32>} : memref<2x200x128xf32, #tpu.memory_space<vmem>>, vector<1x1x16xf32>,
        %get3A_336 = arith.index_cast %scan3A_258 : i32 to index
        %get3A_337 = arith.constant 96 : index
        %get3A_338 = tpu.vector_load %arg9[%get3A_336, %get3A_337] {strides = array<i32>} : memref<200x128xf32, #tpu.memory_space<vmem>>, vector<1x16xf32>,
        %get3A_339 = vector.shape_cast %get3A_338 : vector<1x16xf32> to vector<16xf32>
        %mul3A_340 = arith.mulf %get3A_339, %get3A_186 : vector<16xf32>
        %add3A_341 = arith.addf %mul3A_340, %get3A_181 : vector<16xf32>
        %swap3A_342 = arith.constant 0 : i32
        %swap3A_343 = arith.index_cast %swap3A_342 : i32 to index
        %swap3A_344 = arith.index_cast %scan3A_258 : i32 to index
        %swap3A_345 = arith.constant 96 : index
        %swap3A_346 = tpu.vector_load %arg10[%swap3A_343, %swap3A_344, %swap3A_345] {strides = array<i32>} : memref<2x200x128xf32, #tpu.memory_space<vmem>>, vector<1x1x16xf32>,
        %swap3A_347 = vector.shape_cast %swap3A_346 : vector<1x1x16xf32> to vector<16xf32>
        %swap3A_348 = vector.shape_cast %add3A_341 : vector<16xf32> to vector<1x1x16xf32>
        tpu.vector_store %arg10[%swap3A_343, %swap3A_344, %swap3A_345], %swap3A_348 {strides = array<i32>} : memref<2x200x128xf32, #tpu.memory_space<vmem>>, vector<1x1x16xf32>,
        %get3A_349 = arith.index_cast %scan3A_258 : i32 to index
        %get3A_350 = arith.constant 112 : index
        %get3A_351 = tpu.vector_load %arg9[%get3A_349, %get3A_350] {strides = array<i32>} : memref<200x128xf32, #tpu.memory_space<vmem>>, vector<1x16xf32>,
        %get3A_352 = vector.shape_cast %get3A_351 : vector<1x16xf32> to vector<16xf32>
        %mul3A_353 = arith.mulf %get3A_352, %get3A_186 : vector<16xf32>
        %add3A_354 = arith.addf %mul3A_353, %get3A_181 : vector<16xf32>
        %swap3A_355 = arith.constant 0 : i32
        %swap3A_356 = arith.index_cast %swap3A_355 : i32 to index
        %swap3A_357 = arith.index_cast %scan3A_258 : i32 to index
        %swap3A_358 = arith.constant 112 : index
        %swap3A_359 = tpu.vector_load %arg10[%swap3A_356, %swap3A_357, %swap3A_358] {strides = array<i32>} : memref<2x200x128xf32, #tpu.memory_space<vmem>>, vector<1x1x16xf32>,
        %swap3A_360 = vector.shape_cast %swap3A_359 : vector<1x1x16xf32> to vector<16xf32>
        %swap3A_361 = vector.shape_cast %add3A_354 : vector<16xf32> to vector<1x1x16xf32>
        tpu.vector_store %arg10[%swap3A_356, %swap3A_357, %swap3A_358], %swap3A_361 {strides = array<i32>} : memref<2x200x128xf32, #tpu.memory_space<vmem>>, vector<1x1x16xf32>,
      }
      %scan3A_192 = arith.constant 200 : i32
      %dma_start3A_193 = arith.constant 0 : i32
      %dma_start3A_194 = arith.constant 0 : i32
      %dma_start3A_195 = arith.constant 0 : i32
      %dma_start3A_196 = tpu.memref_slice %arg10[%dma_start3A_193, %dma_start3A_194, %dma_start3A_195] : memref<2x200x128xf32, #tpu.memory_space<vmem>> -> memref<1x200x128xf32, #tpu.memory_space<vmem>>
      %dma_start3A_197 = tpu.memref_squeeze %dma_start3A_196 : memref<1x200x128xf32, #tpu.memory_space<vmem>> -> memref<200x128xf32, #tpu.memory_space<vmem>>
      %dma_start3A_198 = arith.constant 0 : i32
      %dma_start3A_199 = tpu.memref_slice %arg5[%add3A_159, %dma_start3A_198, %multiple_of3A_74] : memref<64x200x16384xf32, #tpu.memory_space<hbm>> -> memref<1x200x128xf32, #tpu.memory_space<hbm>>
      %dma_start3A_200 = tpu.memref_squeeze %dma_start3A_199 : memref<1x200x128xf32, #tpu.memory_space<hbm>> -> memref<200x128xf32, #tpu.memory_space<hbm>>
      %dma_start3A_201 = arith.constant 0 : i32
      %dma_start3A_202 = tpu.memref_slice %arg5[%add3A_159, %dma_start3A_201, %multiple_of3A_74] : memref<64x200x16384xf32, #tpu.memory_space<hbm>> -> memref<1x200x128xf32, #tpu.memory_space<hbm>>
      %dma_start3A_203 = tpu.memref_squeeze %dma_start3A_202 : memref<1x200x128xf32, #tpu.memory_space<hbm>> -> memref<200x128xf32, #tpu.memory_space<hbm>>
      %dma_start3A_204 = arith.constant 0 : i32
      %dma_start3A_205 = arith.constant 0 : i32
      %dma_start3A_206 = tpu.memref_slice %arg10[%dma_start3A_193, %dma_start3A_204, %dma_start3A_205] : memref<2x200x128xf32, #tpu.memory_space<vmem>> -> memref<1x200x128xf32, #tpu.memory_space<vmem>>
      %dma_start3A_207 = tpu.memref_squeeze %dma_start3A_206 : memref<1x200x128xf32, #tpu.memory_space<vmem>> -> memref<200x128xf32, #tpu.memory_space<vmem>>
      tpu.enqueue_dma source(%dma_start3A_207 : memref<200x128xf32, #tpu.memory_space<vmem>>) target(%dma_start3A_203 : memref<200x128xf32, #tpu.memory_space<hbm>>) target_semaphore(%arg11 : memref<!tpu.dma_semaphore, #tpu.memory_space<semaphore_mem>>)
      %add3A_208 = arith.constant 1 : i32
      %add3A_209 = arith.addi %mul3A_157, %add3A_208 : i32
      %dma_wait3A_210 = arith.constant 1 : i32
      %dma_wait3A_211 = arith.constant 0 : i32
      %dma_wait3A_212 = arith.constant 0 : i32
      %dma_wait3A_213 = tpu.memref_slice %arg10[%dma_wait3A_210, %dma_wait3A_211, %dma_wait3A_212] : memref<2x200x128xf32, #tpu.memory_space<vmem>> -> memref<1x200x128xf32, #tpu.memory_space<vmem>>
      %dma_wait3A_214 = tpu.memref_squeeze %dma_wait3A_213 : memref<1x200x128xf32, #tpu.memory_space<vmem>> -> memref<200x128xf32, #tpu.memory_space<vmem>>
      %dma_wait3A_215 = arith.constant 0 : i32
      %dma_wait3A_216 = arith.constant 0 : i32
      %dma_wait3A_217 = tpu.memref_slice %arg5[%scan3A_82, %dma_wait3A_215, %dma_wait3A_216] : memref<64x200x16384xf32, #tpu.memory_space<hbm>> -> memref<1x200x128xf32, #tpu.memory_space<hbm>>
      %dma_wait3A_218 = tpu.memref_squeeze %dma_wait3A_217 : memref<1x200x128xf32, #tpu.memory_space<hbm>> -> memref<200x128xf32, #tpu.memory_space<hbm>>
      %dma_wait3A_219 = arith.constant 0 : i32
      %dma_wait3A_220 = arith.constant 0 : i32
      %dma_wait3A_221 = tpu.memref_slice %arg5[%scan3A_82, %dma_wait3A_219, %dma_wait3A_220] : memref<64x200x16384xf32, #tpu.memory_space<hbm>> -> memref<1x200x128xf32, #tpu.memory_space<hbm>>
      %dma_wait3A_222 = tpu.memref_squeeze %dma_wait3A_221 : memref<1x200x128xf32, #tpu.memory_space<hbm>> -> memref<200x128xf32, #tpu.memory_space<hbm>>
      %dma_wait3A_223 = arith.constant 0 : i32
      %dma_wait3A_224 = arith.constant 0 : i32
      %dma_wait3A_225 = tpu.memref_slice %arg10[%dma_wait3A_210, %dma_wait3A_223, %dma_wait3A_224] : memref<2x200x128xf32, #tpu.memory_space<vmem>> -> memref<1x200x128xf32, #tpu.memory_space<vmem>>
      %dma_wait3A_226 = tpu.memref_squeeze %dma_wait3A_225 : memref<1x200x128xf32, #tpu.memory_space<vmem>> -> memref<200x128xf32, #tpu.memory_space<vmem>>
      tpu.wait_dma2 semaphore(%arg12 : memref<!tpu.dma_semaphore, #tpu.memory_space<semaphore_mem>>) src(%dma_wait3A_226 : memref<200x128xf32, #tpu.memory_space<vmem>>) dst(%dma_wait3A_222 : memref<200x128xf32, #tpu.memory_space<hbm>>)
      %mul3A_227 = arith.constant 16 : i32
      %mul3A_228 = arith.muli %add3A_209, %mul3A_227 : i32
      %get3A_229 = arith.index_cast %mul3A_228 : i32 to index
      %get3A_230 = tpu.vector_load %arg6[%get3A_229] {strides = array<i32>} : memref<1024xf32, #tpu.memory_space<vmem>>, vector<16xf32>,
      %get3A_231 = vector.shape_cast %get3A_230 : vector<16xf32> to vector<16xf32>
      %mul3A_232 = arith.constant 16 : i32
      %mul3A_233 = arith.muli %add3A_209, %mul3A_232 : i32
      %get3A_234 = arith.index_cast %mul3A_233 : i32 to index
      %get3A_235 = tpu.vector_load %arg7[%get3A_234] {strides = array<i32>} : memref<1024xf32, #tpu.memory_space<vmem>>, vector<16xf32>,
      %get3A_236 = vector.shape_cast %get3A_235 : vector<16xf32> to vector<16xf32>
      %scan3A_237 = arith.constant 0 : i32
      %scan3A_238 = arith.constant 0 : i32
      %scan3A_239 = arith.constant 200 : i32
      %scan3A_240 = arith.addi %scan3A_238, %scan3A_239 : i32
      %scan3A_241 = arith.constant 1 : i32
      scf.for %scan3A_258 = %scan3A_238 to %scan3A_240 step %scan3A_241  : i32 {
        %get3A_259 = arith.index_cast %scan3A_258 : i32 to index
        %get3A_260 = arith.constant 0 : index
        %get3A_261 = tpu.vector_load %arg9[%get3A_259, %get3A_260] {strides = array<i32>} : memref<200x128xf32, #tpu.memory_space<vmem>>, vector<1x16xf32>,
        %get3A_262 = vector.shape_cast %get3A_261 : vector<1x16xf32> to vector<16xf32>
        %mul3A_263 = arith.mulf %get3A_262, %get3A_236 : vector<16xf32>
        %add3A_264 = arith.addf %mul3A_263, %get3A_231 : vector<16xf32>
        %swap3A = arith.constant 1 : i32
        %swap3A_265 = arith.index_cast %swap3A : i32 to index
        %swap3A_266 = arith.index_cast %scan3A_258 : i32 to index
        %swap3A_267 = arith.constant 0 : index
        %swap3A_268 = tpu.vector_load %arg10[%swap3A_265, %swap3A_266, %swap3A_267] {strides = array<i32>} : memref<2x200x128xf32, #tpu.memory_space<vmem>>, vector<1x1x16xf32>,
        %swap3A_269 = vector.shape_cast %swap3A_268 : vector<1x1x16xf32> to vector<16xf32>
        %swap3A_270 = vector.shape_cast %add3A_264 : vector<16xf32> to vector<1x1x16xf32>
        tpu.vector_store %arg10[%swap3A_265, %swap3A_266, %swap3A_267], %swap3A_270 {strides = array<i32>} : memref<2x200x128xf32, #tpu.memory_space<vmem>>, vector<1x1x16xf32>,
        %get3A_271 = arith.index_cast %scan3A_258 : i32 to index
        %get3A_272 = arith.constant 16 : index
        %get3A_273 = tpu.vector_load %arg9[%get3A_271, %get3A_272] {strides = array<i32>} : memref<200x128xf32, #tpu.memory_space<vmem>>, vector<1x16xf32>,
        %get3A_274 = vector.shape_cast %get3A_273 : vector<1x16xf32> to vector<16xf32>
        %mul3A_275 = arith.mulf %get3A_274, %get3A_236 : vector<16xf32>
        %add3A_276 = arith.addf %mul3A_275, %get3A_231 : vector<16xf32>
        %swap3A_277 = arith.constant 1 : i32
        %swap3A_278 = arith.index_cast %swap3A_277 : i32 to index
        %swap3A_279 = arith.index_cast %scan3A_258 : i32 to index
        %swap3A_280 = arith.constant 16 : index
        %swap3A_281 = tpu.vector_load %arg10[%swap3A_278, %swap3A_279, %swap3A_280] {strides = array<i32>} : memref<2x200x128xf32, #tpu.memory_space<vmem>>, vector<1x1x16xf32>,
        %swap3A_282 = vector.shape_cast %swap3A_281 : vector<1x1x16xf32> to vector<16xf32>
        %swap3A_283 = vector.shape_cast %add3A_276 : vector<16xf32> to vector<1x1x16xf32>
        tpu.vector_store %arg10[%swap3A_278, %swap3A_279, %swap3A_280], %swap3A_283 {strides = array<i32>} : memref<2x200x128xf32, #tpu.memory_space<vmem>>, vector<1x1x16xf32>,
        %get3A_284 = arith.index_cast %scan3A_258 : i32 to index
        %get3A_285 = arith.constant 32 : index
        %get3A_286 = tpu.vector_load %arg9[%get3A_284, %get3A_285] {strides = array<i32>} : memref<200x128xf32, #tpu.memory_space<vmem>>, vector<1x16xf32>,
        %get3A_287 = vector.shape_cast %get3A_286 : vector<1x16xf32> to vector<16xf32>
        %mul3A_288 = arith.mulf %get3A_287, %get3A_236 : vector<16xf32>
        %add3A_289 = arith.addf %mul3A_288, %get3A_231 : vector<16xf32>
        %swap3A_290 = arith.constant 1 : i32
        %swap3A_291 = arith.index_cast %swap3A_290 : i32 to index
        %swap3A_292 = arith.index_cast %scan3A_258 : i32 to index
        %swap3A_293 = arith.constant 32 : index
        %swap3A_294 = tpu.vector_load %arg10[%swap3A_291, %swap3A_292, %swap3A_293] {strides = array<i32>} : memref<2x200x128xf32, #tpu.memory_space<vmem>>, vector<1x1x16xf32>,
        %swap3A_295 = vector.shape_cast %swap3A_294 : vector<1x1x16xf32> to vector<16xf32>
        %swap3A_296 = vector.shape_cast %add3A_289 : vector<16xf32> to vector<1x1x16xf32>
        tpu.vector_store %arg10[%swap3A_291, %swap3A_292, %swap3A_293], %swap3A_296 {strides = array<i32>} : memref<2x200x128xf32, #tpu.memory_space<vmem>>, vector<1x1x16xf32>,
        %get3A_297 = arith.index_cast %scan3A_258 : i32 to index
        %get3A_298 = arith.constant 48 : index
        %get3A_299 = tpu.vector_load %arg9[%get3A_297, %get3A_298] {strides = array<i32>} : memref<200x128xf32, #tpu.memory_space<vmem>>, vector<1x16xf32>,
        %get3A_300 = vector.shape_cast %get3A_299 : vector<1x16xf32> to vector<16xf32>
        %mul3A_301 = arith.mulf %get3A_300, %get3A_236 : vector<16xf32>
        %add3A_302 = arith.addf %mul3A_301, %get3A_231 : vector<16xf32>
        %swap3A_303 = arith.constant 1 : i32
        %swap3A_304 = arith.index_cast %swap3A_303 : i32 to index
        %swap3A_305 = arith.index_cast %scan3A_258 : i32 to index
        %swap3A_306 = arith.constant 48 : index
        %swap3A_307 = tpu.vector_load %arg10[%swap3A_304, %swap3A_305, %swap3A_306] {strides = array<i32>} : memref<2x200x128xf32, #tpu.memory_space<vmem>>, vector<1x1x16xf32>,
        %swap3A_308 = vector.shape_cast %swap3A_307 : vector<1x1x16xf32> to vector<16xf32>
        %swap3A_309 = vector.shape_cast %add3A_302 : vector<16xf32> to vector<1x1x16xf32>
        tpu.vector_store %arg10[%swap3A_304, %swap3A_305, %swap3A_306], %swap3A_309 {strides = array<i32>} : memref<2x200x128xf32, #tpu.memory_space<vmem>>, vector<1x1x16xf32>,
        %get3A_310 = arith.index_cast %scan3A_258 : i32 to index
        %get3A_311 = arith.constant 64 : index
        %get3A_312 = tpu.vector_load %arg9[%get3A_310, %get3A_311] {strides = array<i32>} : memref<200x128xf32, #tpu.memory_space<vmem>>, vector<1x16xf32>,
        %get3A_313 = vector.shape_cast %get3A_312 : vector<1x16xf32> to vector<16xf32>
        %mul3A_314 = arith.mulf %get3A_313, %get3A_236 : vector<16xf32>
        %add3A_315 = arith.addf %mul3A_314, %get3A_231 : vector<16xf32>
        %swap3A_316 = arith.constant 1 : i32
        %swap3A_317 = arith.index_cast %swap3A_316 : i32 to index
        %swap3A_318 = arith.index_cast %scan3A_258 : i32 to index
        %swap3A_319 = arith.constant 64 : index
        %swap3A_320 = tpu.vector_load %arg10[%swap3A_317, %swap3A_318, %swap3A_319] {strides = array<i32>} : memref<2x200x128xf32, #tpu.memory_space<vmem>>, vector<1x1x16xf32>,
        %swap3A_321 = vector.shape_cast %swap3A_320 : vector<1x1x16xf32> to vector<16xf32>
        %swap3A_322 = vector.shape_cast %add3A_315 : vector<16xf32> to vector<1x1x16xf32>
        tpu.vector_store %arg10[%swap3A_317, %swap3A_318, %swap3A_319], %swap3A_322 {strides = array<i32>} : memref<2x200x128xf32, #tpu.memory_space<vmem>>, vector<1x1x16xf32>,
        %get3A_323 = arith.index_cast %scan3A_258 : i32 to index
        %get3A_324 = arith.constant 80 : index
        %get3A_325 = tpu.vector_load %arg9[%get3A_323, %get3A_324] {strides = array<i32>} : memref<200x128xf32, #tpu.memory_space<vmem>>, vector<1x16xf32>,
        %get3A_326 = vector.shape_cast %get3A_325 : vector<1x16xf32> to vector<16xf32>
        %mul3A_327 = arith.mulf %get3A_326, %get3A_236 : vector<16xf32>
        %add3A_328 = arith.addf %mul3A_327, %get3A_231 : vector<16xf32>
        %swap3A_329 = arith.constant 1 : i32
        %swap3A_330 = arith.index_cast %swap3A_329 : i32 to index
        %swap3A_331 = arith.index_cast %scan3A_258 : i32 to index
        %swap3A_332 = arith.constant 80 : index
        %swap3A_333 = tpu.vector_load %arg10[%swap3A_330, %swap3A_331, %swap3A_332] {strides = array<i32>} : memref<2x200x128xf32, #tpu.memory_space<vmem>>, vector<1x1x16xf32>,
        %swap3A_334 = vector.shape_cast %swap3A_333 : vector<1x1x16xf32> to vector<16xf32>
        %swap3A_335 = vector.shape_cast %add3A_328 : vector<16xf32> to vector<1x1x16xf32>
        tpu.vector_store %arg10[%swap3A_330, %swap3A_331, %swap3A_332], %swap3A_335 {strides = array<i32>} : memref<2x200x128xf32, #tpu.memory_space<vmem>>, vector<1x1x16xf32>,
        %get3A_336 = arith.index_cast %scan3A_258 : i32 to index
        %get3A_337 = arith.constant 96 : index
        %get3A_338 = tpu.vector_load %arg9[%get3A_336, %get3A_337] {strides = array<i32>} : memref<200x128xf32, #tpu.memory_space<vmem>>, vector<1x16xf32>,
        %get3A_339 = vector.shape_cast %get3A_338 : vector<1x16xf32> to vector<16xf32>
        %mul3A_340 = arith.mulf %get3A_339, %get3A_236 : vector<16xf32>
        %add3A_341 = arith.addf %mul3A_340, %get3A_231 : vector<16xf32>
        %swap3A_342 = arith.constant 1 : i32
        %swap3A_343 = arith.index_cast %swap3A_342 : i32 to index
        %swap3A_344 = arith.index_cast %scan3A_258 : i32 to index
        %swap3A_345 = arith.constant 96 : index
        %swap3A_346 = tpu.vector_load %arg10[%swap3A_343, %swap3A_344, %swap3A_345] {strides = array<i32>} : memref<2x200x128xf32, #tpu.memory_space<vmem>>, vector<1x1x16xf32>,
        %swap3A_347 = vector.shape_cast %swap3A_346 : vector<1x1x16xf32> to vector<16xf32>
        %swap3A_348 = vector.shape_cast %add3A_341 : vector<16xf32> to vector<1x1x16xf32>
        tpu.vector_store %arg10[%swap3A_343, %swap3A_344, %swap3A_345], %swap3A_348 {strides = array<i32>} : memref<2x200x128xf32, #tpu.memory_space<vmem>>, vector<1x1x16xf32>,
        %get3A_349 = arith.index_cast %scan3A_258 : i32 to index
        %get3A_350 = arith.constant 112 : index
        %get3A_351 = tpu.vector_load %arg9[%get3A_349, %get3A_350] {strides = array<i32>} : memref<200x128xf32, #tpu.memory_space<vmem>>, vector<1x16xf32>,
        %get3A_352 = vector.shape_cast %get3A_351 : vector<1x16xf32> to vector<16xf32>
        %mul3A_353 = arith.mulf %get3A_352, %get3A_236 : vector<16xf32>
        %add3A_354 = arith.addf %mul3A_353, %get3A_231 : vector<16xf32>
        %swap3A_355 = arith.constant 1 : i32
        %swap3A_356 = arith.index_cast %swap3A_355 : i32 to index
        %swap3A_357 = arith.index_cast %scan3A_258 : i32 to index
        %swap3A_358 = arith.constant 112 : index
        %swap3A_359 = tpu.vector_load %arg10[%swap3A_356, %swap3A_357, %swap3A_358] {strides = array<i32>} : memref<2x200x128xf32, #tpu.memory_space<vmem>>, vector<1x1x16xf32>,
        %swap3A_360 = vector.shape_cast %swap3A_359 : vector<1x1x16xf32> to vector<16xf32>
        %swap3A_361 = vector.shape_cast %add3A_354 : vector<16xf32> to vector<1x1x16xf32>
        tpu.vector_store %arg10[%swap3A_356, %swap3A_357, %swap3A_358], %swap3A_361 {strides = array<i32>} : memref<2x200x128xf32, #tpu.memory_space<vmem>>, vector<1x1x16xf32>,
      }
      %scan3A_242 = arith.constant 200 : i32
      %dma_start3A_243 = arith.constant 1 : i32
      %dma_start3A_244 = arith.constant 0 : i32
      %dma_start3A_245 = arith.constant 0 : i32
      %dma_start3A_246 = tpu.memref_slice %arg10[%dma_start3A_243, %dma_start3A_244, %dma_start3A_245] : memref<2x200x128xf32, #tpu.memory_space<vmem>> -> memref<1x200x128xf32, #tpu.memory_space<vmem>>
      %dma_start3A_247 = tpu.memref_squeeze %dma_start3A_246 : memref<1x200x128xf32, #tpu.memory_space<vmem>> -> memref<200x128xf32, #tpu.memory_space<vmem>>
      %dma_start3A_248 = arith.constant 0 : i32
      %dma_start3A_249 = tpu.memref_slice %arg5[%add3A_209, %dma_start3A_248, %multiple_of3A_74] : memref<64x200x16384xf32, #tpu.memory_space<hbm>> -> memref<1x200x128xf32, #tpu.memory_space<hbm>>
      %dma_start3A_250 = tpu.memref_squeeze %dma_start3A_249 : memref<1x200x128xf32, #tpu.memory_space<hbm>> -> memref<200x128xf32, #tpu.memory_space<hbm>>
      %dma_start3A_251 = arith.constant 0 : i32
      %dma_start3A_252 = tpu.memref_slice %arg5[%add3A_209, %dma_start3A_251, %multiple_of3A_74] : memref<64x200x16384xf32, #tpu.memory_space<hbm>> -> memref<1x200x128xf32, #tpu.memory_space<hbm>>
      %dma_start3A_253 = tpu.memref_squeeze %dma_start3A_252 : memref<1x200x128xf32, #tpu.memory_space<hbm>> -> memref<200x128xf32, #tpu.memory_space<hbm>>
      %dma_start3A_254 = arith.constant 0 : i32
      %dma_start3A_255 = arith.constant 0 : i32
      %dma_start3A_256 = tpu.memref_slice %arg10[%dma_start3A_243, %dma_start3A_254, %dma_start3A_255] : memref<2x200x128xf32, #tpu.memory_space<vmem>> -> memref<1x200x128xf32, #tpu.memory_space<vmem>>
      %dma_start3A_257 = tpu.memref_squeeze %dma_start3A_256 : memref<1x200x128xf32, #tpu.memory_space<vmem>> -> memref<200x128xf32, #tpu.memory_space<vmem>>
      tpu.enqueue_dma source(%dma_start3A_257 : memref<200x128xf32, #tpu.memory_space<vmem>>) target(%dma_start3A_253 : memref<200x128xf32, #tpu.memory_space<hbm>>) target_semaphore(%arg12 : memref<!tpu.dma_semaphore, #tpu.memory_space<semaphore_mem>>)
    }
    %scan3A_87 = arith.constant 32 : i32
    %add3A_88 = arith.constant 256 : i32
    %add3A_89 = arith.addi %multiple_of3A, %add3A_88 : i32
    %multiple_of3A_90 = tpu.assume_multiple %add3A_89, 128 : i32
    "tpu.region"() ({
      %run_scoped3A = tpu.sem_alloc : memref<!tpu.dma_semaphore, #tpu.memory_space<semaphore_mem>>
      %dma_start3A_155 = arith.constant 0 : i32
      %dma_start3A_156 = tpu.memref_slice %arg2[%dma_start3A_155, %multiple_of3A_90] : memref<200x16384xi32, #tpu.memory_space<hbm>> -> memref<200x128xi32, #tpu.memory_space<hbm>>
      %dma_start3A_157 = arith.constant 0 : i32
      %dma_start3A_158 = tpu.memref_slice %arg2[%dma_start3A_157, %multiple_of3A_90] : memref<200x16384xi32, #tpu.memory_space<hbm>> -> memref<200x128xi32, #tpu.memory_space<hbm>>
      tpu.enqueue_dma source(%dma_start3A_158 : memref<200x128xi32, #tpu.memory_space<hbm>>) target(%arg8 : memref<200x128xi32, #tpu.memory_space<vmem>>) target_semaphore(%run_scoped3A : memref<!tpu.dma_semaphore, #tpu.memory_space<semaphore_mem>>)
      %dma_wait3A_159 = arith.constant 0 : i32
      %dma_wait3A_160 = tpu.memref_slice %arg2[%dma_wait3A_159, %multiple_of3A_90] : memref<200x16384xi32, #tpu.memory_space<hbm>> -> memref<200x128xi32, #tpu.memory_space<hbm>>
      %dma_wait3A_161 = arith.constant 0 : i32
      %dma_wait3A_162 = tpu.memref_slice %arg2[%dma_wait3A_161, %multiple_of3A_90] : memref<200x16384xi32, #tpu.memory_space<hbm>> -> memref<200x128xi32, #tpu.memory_space<hbm>>
      tpu.wait_dma2 semaphore(%run_scoped3A : memref<!tpu.dma_semaphore, #tpu.memory_space<semaphore_mem>>) src(%dma_wait3A_162 : memref<200x128xi32, #tpu.memory_space<hbm>>) dst(%arg8 : memref<200x128xi32, #tpu.memory_space<vmem>>)
      tpu.yield
    }) : () -> ()
    %scan3A_91 = arith.constant 0 : i32
    %scan3A_92 = arith.constant 0 : i32
    %scan3A_93 = arith.constant 200 : i32
    %scan3A_94 = arith.addi %scan3A_92, %scan3A_93 : i32
    %scan3A_95 = arith.constant 1 : i32
    scf.for %scan3A_155 = %scan3A_92 to %scan3A_94 step %scan3A_95  : i32 {
      %get3A_156 = arith.index_cast %scan3A_155 : i32 to index
      %get3A_157 = arith.constant 0 : index
      %get3A_158 = tpu.vector_load %arg8[%get3A_156, %get3A_157] {strides = array<i32>} : memref<200x128xi32, #tpu.memory_space<vmem>>, vector<1x16xi32>,
      %get3A_159 = vector.shape_cast %get3A_158 : vector<1x16xi32> to vector<16xi32>
      %sub3A = arith.constant 1 : i32
      %sub3A_160 = vector.broadcast %sub3A : i32 to vector<16xi32>
      %sub3A_161 = arith.subi %get3A_159, %sub3A_160 : vector<16xi32>
      %abs3A = math.absi %sub3A_161 : vector<16xi32>
      %sub3A_162 = arith.constant 1 : i32
      %sub3A_163 = vector.broadcast %sub3A_162 : i32 to vector<16xi32>
      %sub3A_164 = arith.subi %sub3A_163, %abs3A : vector<16xi32>
      %max3A = arith.constant 0 : i32
      %max3A_165 = vector.broadcast %max3A : i32 to vector<16xi32>
      %max3A_166 = arith.maxsi %sub3A_164, %max3A_165 : vector<16xi32>
      %convert_element_type3A = arith.sitofp %max3A_166 : vector<16xi32> to vector<16xf32>
      %swap3A = arith.index_cast %scan3A_155 : i32 to index
      %swap3A_167 = arith.constant 0 : index
      %swap3A_168 = tpu.vector_load %arg9[%swap3A, %swap3A_167] {strides = array<i32>} : memref<200x128xf32, #tpu.memory_space<vmem>>, vector<1x16xf32>,
      %swap3A_169 = vector.shape_cast %swap3A_168 : vector<1x16xf32> to vector<16xf32>
      %swap3A_170 = vector.shape_cast %convert_element_type3A : vector<16xf32> to vector<1x16xf32>
      tpu.vector_store %arg9[%swap3A, %swap3A_167], %swap3A_170 {strides = array<i32>} : memref<200x128xf32, #tpu.memory_space<vmem>>, vector<1x16xf32>,
      %get3A_171 = arith.index_cast %scan3A_155 : i32 to index
      %get3A_172 = arith.constant 16 : index
      %get3A_173 = tpu.vector_load %arg8[%get3A_171, %get3A_172] {strides = array<i32>} : memref<200x128xi32, #tpu.memory_space<vmem>>, vector<1x16xi32>,
      %get3A_174 = vector.shape_cast %get3A_173 : vector<1x16xi32> to vector<16xi32>
      %sub3A_175 = arith.constant 1 : i32
      %sub3A_176 = vector.broadcast %sub3A_175 : i32 to vector<16xi32>
      %sub3A_177 = arith.subi %get3A_174, %sub3A_176 : vector<16xi32>
      %abs3A_178 = math.absi %sub3A_177 : vector<16xi32>
      %sub3A_179 = arith.constant 1 : i32
      %sub3A_180 = vector.broadcast %sub3A_179 : i32 to vector<16xi32>
      %sub3A_181 = arith.subi %sub3A_180, %abs3A_178 : vector<16xi32>
      %max3A_182 = arith.constant 0 : i32
      %max3A_183 = vector.broadcast %max3A_182 : i32 to vector<16xi32>
      %max3A_184 = arith.maxsi %sub3A_181, %max3A_183 : vector<16xi32>
      %convert_element_type3A_185 = arith.sitofp %max3A_184 : vector<16xi32> to vector<16xf32>
      %swap3A_186 = arith.index_cast %scan3A_155 : i32 to index
      %swap3A_187 = arith.constant 16 : index
      %swap3A_188 = tpu.vector_load %arg9[%swap3A_186, %swap3A_187] {strides = array<i32>} : memref<200x128xf32, #tpu.memory_space<vmem>>, vector<1x16xf32>,
      %swap3A_189 = vector.shape_cast %swap3A_188 : vector<1x16xf32> to vector<16xf32>
      %swap3A_190 = vector.shape_cast %convert_element_type3A_185 : vector<16xf32> to vector<1x16xf32>
      tpu.vector_store %arg9[%swap3A_186, %swap3A_187], %swap3A_190 {strides = array<i32>} : memref<200x128xf32, #tpu.memory_space<vmem>>, vector<1x16xf32>,
      %get3A_191 = arith.index_cast %scan3A_155 : i32 to index
      %get3A_192 = arith.constant 32 : index
      %get3A_193 = tpu.vector_load %arg8[%get3A_191, %get3A_192] {strides = array<i32>} : memref<200x128xi32, #tpu.memory_space<vmem>>, vector<1x16xi32>,
      %get3A_194 = vector.shape_cast %get3A_193 : vector<1x16xi32> to vector<16xi32>
      %sub3A_195 = arith.constant 1 : i32
      %sub3A_196 = vector.broadcast %sub3A_195 : i32 to vector<16xi32>
      %sub3A_197 = arith.subi %get3A_194, %sub3A_196 : vector<16xi32>
      %abs3A_198 = math.absi %sub3A_197 : vector<16xi32>
      %sub3A_199 = arith.constant 1 : i32
      %sub3A_200 = vector.broadcast %sub3A_199 : i32 to vector<16xi32>
      %sub3A_201 = arith.subi %sub3A_200, %abs3A_198 : vector<16xi32>
      %max3A_202 = arith.constant 0 : i32
      %max3A_203 = vector.broadcast %max3A_202 : i32 to vector<16xi32>
      %max3A_204 = arith.maxsi %sub3A_201, %max3A_203 : vector<16xi32>
      %convert_element_type3A_205 = arith.sitofp %max3A_204 : vector<16xi32> to vector<16xf32>
      %swap3A_206 = arith.index_cast %scan3A_155 : i32 to index
      %swap3A_207 = arith.constant 32 : index
      %swap3A_208 = tpu.vector_load %arg9[%swap3A_206, %swap3A_207] {strides = array<i32>} : memref<200x128xf32, #tpu.memory_space<vmem>>, vector<1x16xf32>,
      %swap3A_209 = vector.shape_cast %swap3A_208 : vector<1x16xf32> to vector<16xf32>
      %swap3A_210 = vector.shape_cast %convert_element_type3A_205 : vector<16xf32> to vector<1x16xf32>
      tpu.vector_store %arg9[%swap3A_206, %swap3A_207], %swap3A_210 {strides = array<i32>} : memref<200x128xf32, #tpu.memory_space<vmem>>, vector<1x16xf32>,
      %get3A_211 = arith.index_cast %scan3A_155 : i32 to index
      %get3A_212 = arith.constant 48 : index
      %get3A_213 = tpu.vector_load %arg8[%get3A_211, %get3A_212] {strides = array<i32>} : memref<200x128xi32, #tpu.memory_space<vmem>>, vector<1x16xi32>,
      %get3A_214 = vector.shape_cast %get3A_213 : vector<1x16xi32> to vector<16xi32>
      %sub3A_215 = arith.constant 1 : i32
      %sub3A_216 = vector.broadcast %sub3A_215 : i32 to vector<16xi32>
      %sub3A_217 = arith.subi %get3A_214, %sub3A_216 : vector<16xi32>
      %abs3A_218 = math.absi %sub3A_217 : vector<16xi32>
      %sub3A_219 = arith.constant 1 : i32
      %sub3A_220 = vector.broadcast %sub3A_219 : i32 to vector<16xi32>
      %sub3A_221 = arith.subi %sub3A_220, %abs3A_218 : vector<16xi32>
      %max3A_222 = arith.constant 0 : i32
      %max3A_223 = vector.broadcast %max3A_222 : i32 to vector<16xi32>
      %max3A_224 = arith.maxsi %sub3A_221, %max3A_223 : vector<16xi32>
      %convert_element_type3A_225 = arith.sitofp %max3A_224 : vector<16xi32> to vector<16xf32>
      %swap3A_226 = arith.index_cast %scan3A_155 : i32 to index
      %swap3A_227 = arith.constant 48 : index
      %swap3A_228 = tpu.vector_load %arg9[%swap3A_226, %swap3A_227] {strides = array<i32>} : memref<200x128xf32, #tpu.memory_space<vmem>>, vector<1x16xf32>,
      %swap3A_229 = vector.shape_cast %swap3A_228 : vector<1x16xf32> to vector<16xf32>
      %swap3A_230 = vector.shape_cast %convert_element_type3A_225 : vector<16xf32> to vector<1x16xf32>
      tpu.vector_store %arg9[%swap3A_226, %swap3A_227], %swap3A_230 {strides = array<i32>} : memref<200x128xf32, #tpu.memory_space<vmem>>, vector<1x16xf32>,
      %get3A_231 = arith.index_cast %scan3A_155 : i32 to index
      %get3A_232 = arith.constant 64 : index
      %get3A_233 = tpu.vector_load %arg8[%get3A_231, %get3A_232] {strides = array<i32>} : memref<200x128xi32, #tpu.memory_space<vmem>>, vector<1x16xi32>,
      %get3A_234 = vector.shape_cast %get3A_233 : vector<1x16xi32> to vector<16xi32>
      %sub3A_235 = arith.constant 1 : i32
      %sub3A_236 = vector.broadcast %sub3A_235 : i32 to vector<16xi32>
      %sub3A_237 = arith.subi %get3A_234, %sub3A_236 : vector<16xi32>
      %abs3A_238 = math.absi %sub3A_237 : vector<16xi32>
      %sub3A_239 = arith.constant 1 : i32
      %sub3A_240 = vector.broadcast %sub3A_239 : i32 to vector<16xi32>
      %sub3A_241 = arith.subi %sub3A_240, %abs3A_238 : vector<16xi32>
      %max3A_242 = arith.constant 0 : i32
      %max3A_243 = vector.broadcast %max3A_242 : i32 to vector<16xi32>
      %max3A_244 = arith.maxsi %sub3A_241, %max3A_243 : vector<16xi32>
      %convert_element_type3A_245 = arith.sitofp %max3A_244 : vector<16xi32> to vector<16xf32>
      %swap3A_246 = arith.index_cast %scan3A_155 : i32 to index
      %swap3A_247 = arith.constant 64 : index
      %swap3A_248 = tpu.vector_load %arg9[%swap3A_246, %swap3A_247] {strides = array<i32>} : memref<200x128xf32, #tpu.memory_space<vmem>>, vector<1x16xf32>,
      %swap3A_249 = vector.shape_cast %swap3A_248 : vector<1x16xf32> to vector<16xf32>
      %swap3A_250 = vector.shape_cast %convert_element_type3A_245 : vector<16xf32> to vector<1x16xf32>
      tpu.vector_store %arg9[%swap3A_246, %swap3A_247], %swap3A_250 {strides = array<i32>} : memref<200x128xf32, #tpu.memory_space<vmem>>, vector<1x16xf32>,
      %get3A_251 = arith.index_cast %scan3A_155 : i32 to index
      %get3A_252 = arith.constant 80 : index
      %get3A_253 = tpu.vector_load %arg8[%get3A_251, %get3A_252] {strides = array<i32>} : memref<200x128xi32, #tpu.memory_space<vmem>>, vector<1x16xi32>,
      %get3A_254 = vector.shape_cast %get3A_253 : vector<1x16xi32> to vector<16xi32>
      %sub3A_255 = arith.constant 1 : i32
      %sub3A_256 = vector.broadcast %sub3A_255 : i32 to vector<16xi32>
      %sub3A_257 = arith.subi %get3A_254, %sub3A_256 : vector<16xi32>
      %abs3A_258 = math.absi %sub3A_257 : vector<16xi32>
      %sub3A_259 = arith.constant 1 : i32
      %sub3A_260 = vector.broadcast %sub3A_259 : i32 to vector<16xi32>
      %sub3A_261 = arith.subi %sub3A_260, %abs3A_258 : vector<16xi32>
      %max3A_262 = arith.constant 0 : i32
      %max3A_263 = vector.broadcast %max3A_262 : i32 to vector<16xi32>
      %max3A_264 = arith.maxsi %sub3A_261, %max3A_263 : vector<16xi32>
      %convert_element_type3A_265 = arith.sitofp %max3A_264 : vector<16xi32> to vector<16xf32>
      %swap3A_266 = arith.index_cast %scan3A_155 : i32 to index
      %swap3A_267 = arith.constant 80 : index
      %swap3A_268 = tpu.vector_load %arg9[%swap3A_266, %swap3A_267] {strides = array<i32>} : memref<200x128xf32, #tpu.memory_space<vmem>>, vector<1x16xf32>,
      %swap3A_269 = vector.shape_cast %swap3A_268 : vector<1x16xf32> to vector<16xf32>
      %swap3A_270 = vector.shape_cast %convert_element_type3A_265 : vector<16xf32> to vector<1x16xf32>
      tpu.vector_store %arg9[%swap3A_266, %swap3A_267], %swap3A_270 {strides = array<i32>} : memref<200x128xf32, #tpu.memory_space<vmem>>, vector<1x16xf32>,
      %get3A_271 = arith.index_cast %scan3A_155 : i32 to index
      %get3A_272 = arith.constant 96 : index
      %get3A_273 = tpu.vector_load %arg8[%get3A_271, %get3A_272] {strides = array<i32>} : memref<200x128xi32, #tpu.memory_space<vmem>>, vector<1x16xi32>,
      %get3A_274 = vector.shape_cast %get3A_273 : vector<1x16xi32> to vector<16xi32>
      %sub3A_275 = arith.constant 1 : i32
      %sub3A_276 = vector.broadcast %sub3A_275 : i32 to vector<16xi32>
      %sub3A_277 = arith.subi %get3A_274, %sub3A_276 : vector<16xi32>
      %abs3A_278 = math.absi %sub3A_277 : vector<16xi32>
      %sub3A_279 = arith.constant 1 : i32
      %sub3A_280 = vector.broadcast %sub3A_279 : i32 to vector<16xi32>
      %sub3A_281 = arith.subi %sub3A_280, %abs3A_278 : vector<16xi32>
      %max3A_282 = arith.constant 0 : i32
      %max3A_283 = vector.broadcast %max3A_282 : i32 to vector<16xi32>
      %max3A_284 = arith.maxsi %sub3A_281, %max3A_283 : vector<16xi32>
      %convert_element_type3A_285 = arith.sitofp %max3A_284 : vector<16xi32> to vector<16xf32>
      %swap3A_286 = arith.index_cast %scan3A_155 : i32 to index
      %swap3A_287 = arith.constant 96 : index
      %swap3A_288 = tpu.vector_load %arg9[%swap3A_286, %swap3A_287] {strides = array<i32>} : memref<200x128xf32, #tpu.memory_space<vmem>>, vector<1x16xf32>,
      %swap3A_289 = vector.shape_cast %swap3A_288 : vector<1x16xf32> to vector<16xf32>
      %swap3A_290 = vector.shape_cast %convert_element_type3A_285 : vector<16xf32> to vector<1x16xf32>
      tpu.vector_store %arg9[%swap3A_286, %swap3A_287], %swap3A_290 {strides = array<i32>} : memref<200x128xf32, #tpu.memory_space<vmem>>, vector<1x16xf32>,
      %get3A_291 = arith.index_cast %scan3A_155 : i32 to index
      %get3A_292 = arith.constant 112 : index
      %get3A_293 = tpu.vector_load %arg8[%get3A_291, %get3A_292] {strides = array<i32>} : memref<200x128xi32, #tpu.memory_space<vmem>>, vector<1x16xi32>,
      %get3A_294 = vector.shape_cast %get3A_293 : vector<1x16xi32> to vector<16xi32>
      %sub3A_295 = arith.constant 1 : i32
      %sub3A_296 = vector.broadcast %sub3A_295 : i32 to vector<16xi32>
      %sub3A_297 = arith.subi %get3A_294, %sub3A_296 : vector<16xi32>
      %abs3A_298 = math.absi %sub3A_297 : vector<16xi32>
      %sub3A_299 = arith.constant 1 : i32
      %sub3A_300 = vector.broadcast %sub3A_299 : i32 to vector<16xi32>
      %sub3A_301 = arith.subi %sub3A_300, %abs3A_298 : vector<16xi32>
      %max3A_302 = arith.constant 0 : i32
      %max3A_303 = vector.broadcast %max3A_302 : i32 to vector<16xi32>
      %max3A_304 = arith.maxsi %sub3A_301, %max3A_303 : vector<16xi32>
      %convert_element_type3A_305 = arith.sitofp %max3A_304 : vector<16xi32> to vector<16xf32>
      %swap3A_306 = arith.index_cast %scan3A_155 : i32 to index
      %swap3A_307 = arith.constant 112 : index
      %swap3A_308 = tpu.vector_load %arg9[%swap3A_306, %swap3A_307] {strides = array<i32>} : memref<200x128xf32, #tpu.memory_space<vmem>>, vector<1x16xf32>,
      %swap3A_309 = vector.shape_cast %swap3A_308 : vector<1x16xf32> to vector<16xf32>
      %swap3A_310 = vector.shape_cast %convert_element_type3A_305 : vector<16xf32> to vector<1x16xf32>
      tpu.vector_store %arg9[%swap3A_306, %swap3A_307], %swap3A_310 {strides = array<i32>} : memref<200x128xf32, #tpu.memory_space<vmem>>, vector<1x16xf32>,
    }
    %scan3A_96 = arith.constant 200 : i32
    %scan3A_97 = arith.constant 0 : i32
    %scan3A_98 = arith.constant 0 : i32
    %scan3A_99 = arith.constant 0 : i32
    %scan3A_100 = arith.constant 32 : i32
    %scan3A_101 = arith.addi %scan3A_99, %scan3A_100 : i32
    %scan3A_102 = arith.constant 1 : i32
    scf.for %scan3A_155 = %scan3A_99 to %scan3A_101 step %scan3A_102  : i32 {
      %mul3A_156 = arith.constant 2 : i32
      %mul3A_157 = arith.muli %scan3A_155, %mul3A_156 : i32
      %add3A_158 = arith.constant 0 : i32
      %add3A_159 = arith.addi %mul3A_157, %add3A_158 : i32
      %dma_wait3A_160 = arith.constant 0 : i32
      %dma_wait3A_161 = arith.constant 0 : i32
      %dma_wait3A_162 = arith.constant 0 : i32
      %dma_wait3A_163 = tpu.memref_slice %arg10[%dma_wait3A_160, %dma_wait3A_161, %dma_wait3A_162] : memref<2x200x128xf32, #tpu.memory_space<vmem>> -> memref<1x200x128xf32, #tpu.memory_space<vmem>>
      %dma_wait3A_164 = tpu.memref_squeeze %dma_wait3A_163 : memref<1x200x128xf32, #tpu.memory_space<vmem>> -> memref<200x128xf32, #tpu.memory_space<vmem>>
      %dma_wait3A_165 = arith.constant 0 : i32
      %dma_wait3A_166 = arith.constant 0 : i32
      %dma_wait3A_167 = tpu.memref_slice %arg5[%scan3A_98, %dma_wait3A_165, %dma_wait3A_166] : memref<64x200x16384xf32, #tpu.memory_space<hbm>> -> memref<1x200x128xf32, #tpu.memory_space<hbm>>
      %dma_wait3A_168 = tpu.memref_squeeze %dma_wait3A_167 : memref<1x200x128xf32, #tpu.memory_space<hbm>> -> memref<200x128xf32, #tpu.memory_space<hbm>>
      %dma_wait3A_169 = arith.constant 0 : i32
      %dma_wait3A_170 = arith.constant 0 : i32
      %dma_wait3A_171 = tpu.memref_slice %arg5[%scan3A_98, %dma_wait3A_169, %dma_wait3A_170] : memref<64x200x16384xf32, #tpu.memory_space<hbm>> -> memref<1x200x128xf32, #tpu.memory_space<hbm>>
      %dma_wait3A_172 = tpu.memref_squeeze %dma_wait3A_171 : memref<1x200x128xf32, #tpu.memory_space<hbm>> -> memref<200x128xf32, #tpu.memory_space<hbm>>
      %dma_wait3A_173 = arith.constant 0 : i32
      %dma_wait3A_174 = arith.constant 0 : i32
      %dma_wait3A_175 = tpu.memref_slice %arg10[%dma_wait3A_160, %dma_wait3A_173, %dma_wait3A_174] : memref<2x200x128xf32, #tpu.memory_space<vmem>> -> memref<1x200x128xf32, #tpu.memory_space<vmem>>
      %dma_wait3A_176 = tpu.memref_squeeze %dma_wait3A_175 : memref<1x200x128xf32, #tpu.memory_space<vmem>> -> memref<200x128xf32, #tpu.memory_space<vmem>>
      tpu.wait_dma2 semaphore(%arg11 : memref<!tpu.dma_semaphore, #tpu.memory_space<semaphore_mem>>) src(%dma_wait3A_176 : memref<200x128xf32, #tpu.memory_space<vmem>>) dst(%dma_wait3A_172 : memref<200x128xf32, #tpu.memory_space<hbm>>)
      %mul3A_177 = arith.constant 16 : i32
      %mul3A_178 = arith.muli %add3A_159, %mul3A_177 : i32
      %get3A_179 = arith.index_cast %mul3A_178 : i32 to index
      %get3A_180 = tpu.vector_load %arg6[%get3A_179] {strides = array<i32>} : memref<1024xf32, #tpu.memory_space<vmem>>, vector<16xf32>,
      %get3A_181 = vector.shape_cast %get3A_180 : vector<16xf32> to vector<16xf32>
      %mul3A_182 = arith.constant 16 : i32
      %mul3A_183 = arith.muli %add3A_159, %mul3A_182 : i32
      %get3A_184 = arith.index_cast %mul3A_183 : i32 to index
      %get3A_185 = tpu.vector_load %arg7[%get3A_184] {strides = array<i32>} : memref<1024xf32, #tpu.memory_space<vmem>>, vector<16xf32>,
      %get3A_186 = vector.shape_cast %get3A_185 : vector<16xf32> to vector<16xf32>
      %scan3A_187 = arith.constant 0 : i32
      %scan3A_188 = arith.constant 0 : i32
      %scan3A_189 = arith.constant 200 : i32
      %scan3A_190 = arith.addi %scan3A_188, %scan3A_189 : i32
      %scan3A_191 = arith.constant 1 : i32
      scf.for %scan3A_258 = %scan3A_188 to %scan3A_190 step %scan3A_191  : i32 {
        %get3A_259 = arith.index_cast %scan3A_258 : i32 to index
        %get3A_260 = arith.constant 0 : index
        %get3A_261 = tpu.vector_load %arg9[%get3A_259, %get3A_260] {strides = array<i32>} : memref<200x128xf32, #tpu.memory_space<vmem>>, vector<1x16xf32>,
        %get3A_262 = vector.shape_cast %get3A_261 : vector<1x16xf32> to vector<16xf32>
        %mul3A_263 = arith.mulf %get3A_262, %get3A_186 : vector<16xf32>
        %add3A_264 = arith.addf %mul3A_263, %get3A_181 : vector<16xf32>
        %swap3A = arith.constant 0 : i32
        %swap3A_265 = arith.index_cast %swap3A : i32 to index
        %swap3A_266 = arith.index_cast %scan3A_258 : i32 to index
        %swap3A_267 = arith.constant 0 : index
        %swap3A_268 = tpu.vector_load %arg10[%swap3A_265, %swap3A_266, %swap3A_267] {strides = array<i32>} : memref<2x200x128xf32, #tpu.memory_space<vmem>>, vector<1x1x16xf32>,
        %swap3A_269 = vector.shape_cast %swap3A_268 : vector<1x1x16xf32> to vector<16xf32>
        %swap3A_270 = vector.shape_cast %add3A_264 : vector<16xf32> to vector<1x1x16xf32>
        tpu.vector_store %arg10[%swap3A_265, %swap3A_266, %swap3A_267], %swap3A_270 {strides = array<i32>} : memref<2x200x128xf32, #tpu.memory_space<vmem>>, vector<1x1x16xf32>,
        %get3A_271 = arith.index_cast %scan3A_258 : i32 to index
        %get3A_272 = arith.constant 16 : index
        %get3A_273 = tpu.vector_load %arg9[%get3A_271, %get3A_272] {strides = array<i32>} : memref<200x128xf32, #tpu.memory_space<vmem>>, vector<1x16xf32>,
        %get3A_274 = vector.shape_cast %get3A_273 : vector<1x16xf32> to vector<16xf32>
        %mul3A_275 = arith.mulf %get3A_274, %get3A_186 : vector<16xf32>
        %add3A_276 = arith.addf %mul3A_275, %get3A_181 : vector<16xf32>
        %swap3A_277 = arith.constant 0 : i32
        %swap3A_278 = arith.index_cast %swap3A_277 : i32 to index
        %swap3A_279 = arith.index_cast %scan3A_258 : i32 to index
        %swap3A_280 = arith.constant 16 : index
        %swap3A_281 = tpu.vector_load %arg10[%swap3A_278, %swap3A_279, %swap3A_280] {strides = array<i32>} : memref<2x200x128xf32, #tpu.memory_space<vmem>>, vector<1x1x16xf32>,
        %swap3A_282 = vector.shape_cast %swap3A_281 : vector<1x1x16xf32> to vector<16xf32>
        %swap3A_283 = vector.shape_cast %add3A_276 : vector<16xf32> to vector<1x1x16xf32>
        tpu.vector_store %arg10[%swap3A_278, %swap3A_279, %swap3A_280], %swap3A_283 {strides = array<i32>} : memref<2x200x128xf32, #tpu.memory_space<vmem>>, vector<1x1x16xf32>,
        %get3A_284 = arith.index_cast %scan3A_258 : i32 to index
        %get3A_285 = arith.constant 32 : index
        %get3A_286 = tpu.vector_load %arg9[%get3A_284, %get3A_285] {strides = array<i32>} : memref<200x128xf32, #tpu.memory_space<vmem>>, vector<1x16xf32>,
        %get3A_287 = vector.shape_cast %get3A_286 : vector<1x16xf32> to vector<16xf32>
        %mul3A_288 = arith.mulf %get3A_287, %get3A_186 : vector<16xf32>
        %add3A_289 = arith.addf %mul3A_288, %get3A_181 : vector<16xf32>
        %swap3A_290 = arith.constant 0 : i32
        %swap3A_291 = arith.index_cast %swap3A_290 : i32 to index
        %swap3A_292 = arith.index_cast %scan3A_258 : i32 to index
        %swap3A_293 = arith.constant 32 : index
        %swap3A_294 = tpu.vector_load %arg10[%swap3A_291, %swap3A_292, %swap3A_293] {strides = array<i32>} : memref<2x200x128xf32, #tpu.memory_space<vmem>>, vector<1x1x16xf32>,
        %swap3A_295 = vector.shape_cast %swap3A_294 : vector<1x1x16xf32> to vector<16xf32>
        %swap3A_296 = vector.shape_cast %add3A_289 : vector<16xf32> to vector<1x1x16xf32>
        tpu.vector_store %arg10[%swap3A_291, %swap3A_292, %swap3A_293], %swap3A_296 {strides = array<i32>} : memref<2x200x128xf32, #tpu.memory_space<vmem>>, vector<1x1x16xf32>,
        %get3A_297 = arith.index_cast %scan3A_258 : i32 to index
        %get3A_298 = arith.constant 48 : index
        %get3A_299 = tpu.vector_load %arg9[%get3A_297, %get3A_298] {strides = array<i32>} : memref<200x128xf32, #tpu.memory_space<vmem>>, vector<1x16xf32>,
        %get3A_300 = vector.shape_cast %get3A_299 : vector<1x16xf32> to vector<16xf32>
        %mul3A_301 = arith.mulf %get3A_300, %get3A_186 : vector<16xf32>
        %add3A_302 = arith.addf %mul3A_301, %get3A_181 : vector<16xf32>
        %swap3A_303 = arith.constant 0 : i32
        %swap3A_304 = arith.index_cast %swap3A_303 : i32 to index
        %swap3A_305 = arith.index_cast %scan3A_258 : i32 to index
        %swap3A_306 = arith.constant 48 : index
        %swap3A_307 = tpu.vector_load %arg10[%swap3A_304, %swap3A_305, %swap3A_306] {strides = array<i32>} : memref<2x200x128xf32, #tpu.memory_space<vmem>>, vector<1x1x16xf32>,
        %swap3A_308 = vector.shape_cast %swap3A_307 : vector<1x1x16xf32> to vector<16xf32>
        %swap3A_309 = vector.shape_cast %add3A_302 : vector<16xf32> to vector<1x1x16xf32>
        tpu.vector_store %arg10[%swap3A_304, %swap3A_305, %swap3A_306], %swap3A_309 {strides = array<i32>} : memref<2x200x128xf32, #tpu.memory_space<vmem>>, vector<1x1x16xf32>,
        %get3A_310 = arith.index_cast %scan3A_258 : i32 to index
        %get3A_311 = arith.constant 64 : index
        %get3A_312 = tpu.vector_load %arg9[%get3A_310, %get3A_311] {strides = array<i32>} : memref<200x128xf32, #tpu.memory_space<vmem>>, vector<1x16xf32>,
        %get3A_313 = vector.shape_cast %get3A_312 : vector<1x16xf32> to vector<16xf32>
        %mul3A_314 = arith.mulf %get3A_313, %get3A_186 : vector<16xf32>
        %add3A_315 = arith.addf %mul3A_314, %get3A_181 : vector<16xf32>
        %swap3A_316 = arith.constant 0 : i32
        %swap3A_317 = arith.index_cast %swap3A_316 : i32 to index
        %swap3A_318 = arith.index_cast %scan3A_258 : i32 to index
        %swap3A_319 = arith.constant 64 : index
        %swap3A_320 = tpu.vector_load %arg10[%swap3A_317, %swap3A_318, %swap3A_319] {strides = array<i32>} : memref<2x200x128xf32, #tpu.memory_space<vmem>>, vector<1x1x16xf32>,
        %swap3A_321 = vector.shape_cast %swap3A_320 : vector<1x1x16xf32> to vector<16xf32>
        %swap3A_322 = vector.shape_cast %add3A_315 : vector<16xf32> to vector<1x1x16xf32>
        tpu.vector_store %arg10[%swap3A_317, %swap3A_318, %swap3A_319], %swap3A_322 {strides = array<i32>} : memref<2x200x128xf32, #tpu.memory_space<vmem>>, vector<1x1x16xf32>,
        %get3A_323 = arith.index_cast %scan3A_258 : i32 to index
        %get3A_324 = arith.constant 80 : index
        %get3A_325 = tpu.vector_load %arg9[%get3A_323, %get3A_324] {strides = array<i32>} : memref<200x128xf32, #tpu.memory_space<vmem>>, vector<1x16xf32>,
        %get3A_326 = vector.shape_cast %get3A_325 : vector<1x16xf32> to vector<16xf32>
        %mul3A_327 = arith.mulf %get3A_326, %get3A_186 : vector<16xf32>
        %add3A_328 = arith.addf %mul3A_327, %get3A_181 : vector<16xf32>
        %swap3A_329 = arith.constant 0 : i32
        %swap3A_330 = arith.index_cast %swap3A_329 : i32 to index
        %swap3A_331 = arith.index_cast %scan3A_258 : i32 to index
        %swap3A_332 = arith.constant 80 : index
        %swap3A_333 = tpu.vector_load %arg10[%swap3A_330, %swap3A_331, %swap3A_332] {strides = array<i32>} : memref<2x200x128xf32, #tpu.memory_space<vmem>>, vector<1x1x16xf32>,
        %swap3A_334 = vector.shape_cast %swap3A_333 : vector<1x1x16xf32> to vector<16xf32>
        %swap3A_335 = vector.shape_cast %add3A_328 : vector<16xf32> to vector<1x1x16xf32>
        tpu.vector_store %arg10[%swap3A_330, %swap3A_331, %swap3A_332], %swap3A_335 {strides = array<i32>} : memref<2x200x128xf32, #tpu.memory_space<vmem>>, vector<1x1x16xf32>,
        %get3A_336 = arith.index_cast %scan3A_258 : i32 to index
        %get3A_337 = arith.constant 96 : index
        %get3A_338 = tpu.vector_load %arg9[%get3A_336, %get3A_337] {strides = array<i32>} : memref<200x128xf32, #tpu.memory_space<vmem>>, vector<1x16xf32>,
        %get3A_339 = vector.shape_cast %get3A_338 : vector<1x16xf32> to vector<16xf32>
        %mul3A_340 = arith.mulf %get3A_339, %get3A_186 : vector<16xf32>
        %add3A_341 = arith.addf %mul3A_340, %get3A_181 : vector<16xf32>
        %swap3A_342 = arith.constant 0 : i32
        %swap3A_343 = arith.index_cast %swap3A_342 : i32 to index
        %swap3A_344 = arith.index_cast %scan3A_258 : i32 to index
        %swap3A_345 = arith.constant 96 : index
        %swap3A_346 = tpu.vector_load %arg10[%swap3A_343, %swap3A_344, %swap3A_345] {strides = array<i32>} : memref<2x200x128xf32, #tpu.memory_space<vmem>>, vector<1x1x16xf32>,
        %swap3A_347 = vector.shape_cast %swap3A_346 : vector<1x1x16xf32> to vector<16xf32>
        %swap3A_348 = vector.shape_cast %add3A_341 : vector<16xf32> to vector<1x1x16xf32>
        tpu.vector_store %arg10[%swap3A_343, %swap3A_344, %swap3A_345], %swap3A_348 {strides = array<i32>} : memref<2x200x128xf32, #tpu.memory_space<vmem>>, vector<1x1x16xf32>,
        %get3A_349 = arith.index_cast %scan3A_258 : i32 to index
        %get3A_350 = arith.constant 112 : index
        %get3A_351 = tpu.vector_load %arg9[%get3A_349, %get3A_350] {strides = array<i32>} : memref<200x128xf32, #tpu.memory_space<vmem>>, vector<1x16xf32>,
        %get3A_352 = vector.shape_cast %get3A_351 : vector<1x16xf32> to vector<16xf32>
        %mul3A_353 = arith.mulf %get3A_352, %get3A_186 : vector<16xf32>
        %add3A_354 = arith.addf %mul3A_353, %get3A_181 : vector<16xf32>
        %swap3A_355 = arith.constant 0 : i32
        %swap3A_356 = arith.index_cast %swap3A_355 : i32 to index
        %swap3A_357 = arith.index_cast %scan3A_258 : i32 to index
        %swap3A_358 = arith.constant 112 : index
        %swap3A_359 = tpu.vector_load %arg10[%swap3A_356, %swap3A_357, %swap3A_358] {strides = array<i32>} : memref<2x200x128xf32, #tpu.memory_space<vmem>>, vector<1x1x16xf32>,
        %swap3A_360 = vector.shape_cast %swap3A_359 : vector<1x1x16xf32> to vector<16xf32>
        %swap3A_361 = vector.shape_cast %add3A_354 : vector<16xf32> to vector<1x1x16xf32>
        tpu.vector_store %arg10[%swap3A_356, %swap3A_357, %swap3A_358], %swap3A_361 {strides = array<i32>} : memref<2x200x128xf32, #tpu.memory_space<vmem>>, vector<1x1x16xf32>,
      }
      %scan3A_192 = arith.constant 200 : i32
      %dma_start3A_193 = arith.constant 0 : i32
      %dma_start3A_194 = arith.constant 0 : i32
      %dma_start3A_195 = arith.constant 0 : i32
      %dma_start3A_196 = tpu.memref_slice %arg10[%dma_start3A_193, %dma_start3A_194, %dma_start3A_195] : memref<2x200x128xf32, #tpu.memory_space<vmem>> -> memref<1x200x128xf32, #tpu.memory_space<vmem>>
      %dma_start3A_197 = tpu.memref_squeeze %dma_start3A_196 : memref<1x200x128xf32, #tpu.memory_space<vmem>> -> memref<200x128xf32, #tpu.memory_space<vmem>>
      %dma_start3A_198 = arith.constant 0 : i32
      %dma_start3A_199 = tpu.memref_slice %arg5[%add3A_159, %dma_start3A_198, %multiple_of3A_90] : memref<64x200x16384xf32, #tpu.memory_space<hbm>> -> memref<1x200x128xf32, #tpu.memory_space<hbm>>
      %dma_start3A_200 = tpu.memref_squeeze %dma_start3A_199 : memref<1x200x128xf32, #tpu.memory_space<hbm>> -> memref<200x128xf32, #tpu.memory_space<hbm>>
      %dma_start3A_201 = arith.constant 0 : i32
      %dma_start3A_202 = tpu.memref_slice %arg5[%add3A_159, %dma_start3A_201, %multiple_of3A_90] : memref<64x200x16384xf32, #tpu.memory_space<hbm>> -> memref<1x200x128xf32, #tpu.memory_space<hbm>>
      %dma_start3A_203 = tpu.memref_squeeze %dma_start3A_202 : memref<1x200x128xf32, #tpu.memory_space<hbm>> -> memref<200x128xf32, #tpu.memory_space<hbm>>
      %dma_start3A_204 = arith.constant 0 : i32
      %dma_start3A_205 = arith.constant 0 : i32
      %dma_start3A_206 = tpu.memref_slice %arg10[%dma_start3A_193, %dma_start3A_204, %dma_start3A_205] : memref<2x200x128xf32, #tpu.memory_space<vmem>> -> memref<1x200x128xf32, #tpu.memory_space<vmem>>
      %dma_start3A_207 = tpu.memref_squeeze %dma_start3A_206 : memref<1x200x128xf32, #tpu.memory_space<vmem>> -> memref<200x128xf32, #tpu.memory_space<vmem>>
      tpu.enqueue_dma source(%dma_start3A_207 : memref<200x128xf32, #tpu.memory_space<vmem>>) target(%dma_start3A_203 : memref<200x128xf32, #tpu.memory_space<hbm>>) target_semaphore(%arg11 : memref<!tpu.dma_semaphore, #tpu.memory_space<semaphore_mem>>)
      %add3A_208 = arith.constant 1 : i32
      %add3A_209 = arith.addi %mul3A_157, %add3A_208 : i32
      %dma_wait3A_210 = arith.constant 1 : i32
      %dma_wait3A_211 = arith.constant 0 : i32
      %dma_wait3A_212 = arith.constant 0 : i32
      %dma_wait3A_213 = tpu.memref_slice %arg10[%dma_wait3A_210, %dma_wait3A_211, %dma_wait3A_212] : memref<2x200x128xf32, #tpu.memory_space<vmem>> -> memref<1x200x128xf32, #tpu.memory_space<vmem>>
      %dma_wait3A_214 = tpu.memref_squeeze %dma_wait3A_213 : memref<1x200x128xf32, #tpu.memory_space<vmem>> -> memref<200x128xf32, #tpu.memory_space<vmem>>
      %dma_wait3A_215 = arith.constant 0 : i32
      %dma_wait3A_216 = arith.constant 0 : i32
      %dma_wait3A_217 = tpu.memref_slice %arg5[%scan3A_98, %dma_wait3A_215, %dma_wait3A_216] : memref<64x200x16384xf32, #tpu.memory_space<hbm>> -> memref<1x200x128xf32, #tpu.memory_space<hbm>>
      %dma_wait3A_218 = tpu.memref_squeeze %dma_wait3A_217 : memref<1x200x128xf32, #tpu.memory_space<hbm>> -> memref<200x128xf32, #tpu.memory_space<hbm>>
      %dma_wait3A_219 = arith.constant 0 : i32
      %dma_wait3A_220 = arith.constant 0 : i32
      %dma_wait3A_221 = tpu.memref_slice %arg5[%scan3A_98, %dma_wait3A_219, %dma_wait3A_220] : memref<64x200x16384xf32, #tpu.memory_space<hbm>> -> memref<1x200x128xf32, #tpu.memory_space<hbm>>
      %dma_wait3A_222 = tpu.memref_squeeze %dma_wait3A_221 : memref<1x200x128xf32, #tpu.memory_space<hbm>> -> memref<200x128xf32, #tpu.memory_space<hbm>>
      %dma_wait3A_223 = arith.constant 0 : i32
      %dma_wait3A_224 = arith.constant 0 : i32
      %dma_wait3A_225 = tpu.memref_slice %arg10[%dma_wait3A_210, %dma_wait3A_223, %dma_wait3A_224] : memref<2x200x128xf32, #tpu.memory_space<vmem>> -> memref<1x200x128xf32, #tpu.memory_space<vmem>>
      %dma_wait3A_226 = tpu.memref_squeeze %dma_wait3A_225 : memref<1x200x128xf32, #tpu.memory_space<vmem>> -> memref<200x128xf32, #tpu.memory_space<vmem>>
      tpu.wait_dma2 semaphore(%arg12 : memref<!tpu.dma_semaphore, #tpu.memory_space<semaphore_mem>>) src(%dma_wait3A_226 : memref<200x128xf32, #tpu.memory_space<vmem>>) dst(%dma_wait3A_222 : memref<200x128xf32, #tpu.memory_space<hbm>>)
      %mul3A_227 = arith.constant 16 : i32
      %mul3A_228 = arith.muli %add3A_209, %mul3A_227 : i32
      %get3A_229 = arith.index_cast %mul3A_228 : i32 to index
      %get3A_230 = tpu.vector_load %arg6[%get3A_229] {strides = array<i32>} : memref<1024xf32, #tpu.memory_space<vmem>>, vector<16xf32>,
      %get3A_231 = vector.shape_cast %get3A_230 : vector<16xf32> to vector<16xf32>
      %mul3A_232 = arith.constant 16 : i32
      %mul3A_233 = arith.muli %add3A_209, %mul3A_232 : i32
      %get3A_234 = arith.index_cast %mul3A_233 : i32 to index
      %get3A_235 = tpu.vector_load %arg7[%get3A_234] {strides = array<i32>} : memref<1024xf32, #tpu.memory_space<vmem>>, vector<16xf32>,
      %get3A_236 = vector.shape_cast %get3A_235 : vector<16xf32> to vector<16xf32>
      %scan3A_237 = arith.constant 0 : i32
      %scan3A_238 = arith.constant 0 : i32
      %scan3A_239 = arith.constant 200 : i32
      %scan3A_240 = arith.addi %scan3A_238, %scan3A_239 : i32
      %scan3A_241 = arith.constant 1 : i32
      scf.for %scan3A_258 = %scan3A_238 to %scan3A_240 step %scan3A_241  : i32 {
        %get3A_259 = arith.index_cast %scan3A_258 : i32 to index
        %get3A_260 = arith.constant 0 : index
        %get3A_261 = tpu.vector_load %arg9[%get3A_259, %get3A_260] {strides = array<i32>} : memref<200x128xf32, #tpu.memory_space<vmem>>, vector<1x16xf32>,
        %get3A_262 = vector.shape_cast %get3A_261 : vector<1x16xf32> to vector<16xf32>
        %mul3A_263 = arith.mulf %get3A_262, %get3A_236 : vector<16xf32>
        %add3A_264 = arith.addf %mul3A_263, %get3A_231 : vector<16xf32>
        %swap3A = arith.constant 1 : i32
        %swap3A_265 = arith.index_cast %swap3A : i32 to index
        %swap3A_266 = arith.index_cast %scan3A_258 : i32 to index
        %swap3A_267 = arith.constant 0 : index
        %swap3A_268 = tpu.vector_load %arg10[%swap3A_265, %swap3A_266, %swap3A_267] {strides = array<i32>} : memref<2x200x128xf32, #tpu.memory_space<vmem>>, vector<1x1x16xf32>,
        %swap3A_269 = vector.shape_cast %swap3A_268 : vector<1x1x16xf32> to vector<16xf32>
        %swap3A_270 = vector.shape_cast %add3A_264 : vector<16xf32> to vector<1x1x16xf32>
        tpu.vector_store %arg10[%swap3A_265, %swap3A_266, %swap3A_267], %swap3A_270 {strides = array<i32>} : memref<2x200x128xf32, #tpu.memory_space<vmem>>, vector<1x1x16xf32>,
        %get3A_271 = arith.index_cast %scan3A_258 : i32 to index
        %get3A_272 = arith.constant 16 : index
        %get3A_273 = tpu.vector_load %arg9[%get3A_271, %get3A_272] {strides = array<i32>} : memref<200x128xf32, #tpu.memory_space<vmem>>, vector<1x16xf32>,
        %get3A_274 = vector.shape_cast %get3A_273 : vector<1x16xf32> to vector<16xf32>
        %mul3A_275 = arith.mulf %get3A_274, %get3A_236 : vector<16xf32>
        %add3A_276 = arith.addf %mul3A_275, %get3A_231 : vector<16xf32>
        %swap3A_277 = arith.constant 1 : i32
        %swap3A_278 = arith.index_cast %swap3A_277 : i32 to index
        %swap3A_279 = arith.index_cast %scan3A_258 : i32 to index
        %swap3A_280 = arith.constant 16 : index
        %swap3A_281 = tpu.vector_load %arg10[%swap3A_278, %swap3A_279, %swap3A_280] {strides = array<i32>} : memref<2x200x128xf32, #tpu.memory_space<vmem>>, vector<1x1x16xf32>,
        %swap3A_282 = vector.shape_cast %swap3A_281 : vector<1x1x16xf32> to vector<16xf32>
        %swap3A_283 = vector.shape_cast %add3A_276 : vector<16xf32> to vector<1x1x16xf32>
        tpu.vector_store %arg10[%swap3A_278, %swap3A_279, %swap3A_280], %swap3A_283 {strides = array<i32>} : memref<2x200x128xf32, #tpu.memory_space<vmem>>, vector<1x1x16xf32>,
        %get3A_284 = arith.index_cast %scan3A_258 : i32 to index
        %get3A_285 = arith.constant 32 : index
        %get3A_286 = tpu.vector_load %arg9[%get3A_284, %get3A_285] {strides = array<i32>} : memref<200x128xf32, #tpu.memory_space<vmem>>, vector<1x16xf32>,
        %get3A_287 = vector.shape_cast %get3A_286 : vector<1x16xf32> to vector<16xf32>
        %mul3A_288 = arith.mulf %get3A_287, %get3A_236 : vector<16xf32>
        %add3A_289 = arith.addf %mul3A_288, %get3A_231 : vector<16xf32>
        %swap3A_290 = arith.constant 1 : i32
        %swap3A_291 = arith.index_cast %swap3A_290 : i32 to index
        %swap3A_292 = arith.index_cast %scan3A_258 : i32 to index
        %swap3A_293 = arith.constant 32 : index
        %swap3A_294 = tpu.vector_load %arg10[%swap3A_291, %swap3A_292, %swap3A_293] {strides = array<i32>} : memref<2x200x128xf32, #tpu.memory_space<vmem>>, vector<1x1x16xf32>,
        %swap3A_295 = vector.shape_cast %swap3A_294 : vector<1x1x16xf32> to vector<16xf32>
        %swap3A_296 = vector.shape_cast %add3A_289 : vector<16xf32> to vector<1x1x16xf32>
        tpu.vector_store %arg10[%swap3A_291, %swap3A_292, %swap3A_293], %swap3A_296 {strides = array<i32>} : memref<2x200x128xf32, #tpu.memory_space<vmem>>, vector<1x1x16xf32>,
        %get3A_297 = arith.index_cast %scan3A_258 : i32 to index
        %get3A_298 = arith.constant 48 : index
        %get3A_299 = tpu.vector_load %arg9[%get3A_297, %get3A_298] {strides = array<i32>} : memref<200x128xf32, #tpu.memory_space<vmem>>, vector<1x16xf32>,
        %get3A_300 = vector.shape_cast %get3A_299 : vector<1x16xf32> to vector<16xf32>
        %mul3A_301 = arith.mulf %get3A_300, %get3A_236 : vector<16xf32>
        %add3A_302 = arith.addf %mul3A_301, %get3A_231 : vector<16xf32>
        %swap3A_303 = arith.constant 1 : i32
        %swap3A_304 = arith.index_cast %swap3A_303 : i32 to index
        %swap3A_305 = arith.index_cast %scan3A_258 : i32 to index
        %swap3A_306 = arith.constant 48 : index
        %swap3A_307 = tpu.vector_load %arg10[%swap3A_304, %swap3A_305, %swap3A_306] {strides = array<i32>} : memref<2x200x128xf32, #tpu.memory_space<vmem>>, vector<1x1x16xf32>,
        %swap3A_308 = vector.shape_cast %swap3A_307 : vector<1x1x16xf32> to vector<16xf32>
        %swap3A_309 = vector.shape_cast %add3A_302 : vector<16xf32> to vector<1x1x16xf32>
        tpu.vector_store %arg10[%swap3A_304, %swap3A_305, %swap3A_306], %swap3A_309 {strides = array<i32>} : memref<2x200x128xf32, #tpu.memory_space<vmem>>, vector<1x1x16xf32>,
        %get3A_310 = arith.index_cast %scan3A_258 : i32 to index
        %get3A_311 = arith.constant 64 : index
        %get3A_312 = tpu.vector_load %arg9[%get3A_310, %get3A_311] {strides = array<i32>} : memref<200x128xf32, #tpu.memory_space<vmem>>, vector<1x16xf32>,
        %get3A_313 = vector.shape_cast %get3A_312 : vector<1x16xf32> to vector<16xf32>
        %mul3A_314 = arith.mulf %get3A_313, %get3A_236 : vector<16xf32>
        %add3A_315 = arith.addf %mul3A_314, %get3A_231 : vector<16xf32>
        %swap3A_316 = arith.constant 1 : i32
        %swap3A_317 = arith.index_cast %swap3A_316 : i32 to index
        %swap3A_318 = arith.index_cast %scan3A_258 : i32 to index
        %swap3A_319 = arith.constant 64 : index
        %swap3A_320 = tpu.vector_load %arg10[%swap3A_317, %swap3A_318, %swap3A_319] {strides = array<i32>} : memref<2x200x128xf32, #tpu.memory_space<vmem>>, vector<1x1x16xf32>,
        %swap3A_321 = vector.shape_cast %swap3A_320 : vector<1x1x16xf32> to vector<16xf32>
        %swap3A_322 = vector.shape_cast %add3A_315 : vector<16xf32> to vector<1x1x16xf32>
        tpu.vector_store %arg10[%swap3A_317, %swap3A_318, %swap3A_319], %swap3A_322 {strides = array<i32>} : memref<2x200x128xf32, #tpu.memory_space<vmem>>, vector<1x1x16xf32>,
        %get3A_323 = arith.index_cast %scan3A_258 : i32 to index
        %get3A_324 = arith.constant 80 : index
        %get3A_325 = tpu.vector_load %arg9[%get3A_323, %get3A_324] {strides = array<i32>} : memref<200x128xf32, #tpu.memory_space<vmem>>, vector<1x16xf32>,
        %get3A_326 = vector.shape_cast %get3A_325 : vector<1x16xf32> to vector<16xf32>
        %mul3A_327 = arith.mulf %get3A_326, %get3A_236 : vector<16xf32>
        %add3A_328 = arith.addf %mul3A_327, %get3A_231 : vector<16xf32>
        %swap3A_329 = arith.constant 1 : i32
        %swap3A_330 = arith.index_cast %swap3A_329 : i32 to index
        %swap3A_331 = arith.index_cast %scan3A_258 : i32 to index
        %swap3A_332 = arith.constant 80 : index
        %swap3A_333 = tpu.vector_load %arg10[%swap3A_330, %swap3A_331, %swap3A_332] {strides = array<i32>} : memref<2x200x128xf32, #tpu.memory_space<vmem>>, vector<1x1x16xf32>,
        %swap3A_334 = vector.shape_cast %swap3A_333 : vector<1x1x16xf32> to vector<16xf32>
        %swap3A_335 = vector.shape_cast %add3A_328 : vector<16xf32> to vector<1x1x16xf32>
        tpu.vector_store %arg10[%swap3A_330, %swap3A_331, %swap3A_332], %swap3A_335 {strides = array<i32>} : memref<2x200x128xf32, #tpu.memory_space<vmem>>, vector<1x1x16xf32>,
        %get3A_336 = arith.index_cast %scan3A_258 : i32 to index
        %get3A_337 = arith.constant 96 : index
        %get3A_338 = tpu.vector_load %arg9[%get3A_336, %get3A_337] {strides = array<i32>} : memref<200x128xf32, #tpu.memory_space<vmem>>, vector<1x16xf32>,
        %get3A_339 = vector.shape_cast %get3A_338 : vector<1x16xf32> to vector<16xf32>
        %mul3A_340 = arith.mulf %get3A_339, %get3A_236 : vector<16xf32>
        %add3A_341 = arith.addf %mul3A_340, %get3A_231 : vector<16xf32>
        %swap3A_342 = arith.constant 1 : i32
        %swap3A_343 = arith.index_cast %swap3A_342 : i32 to index
        %swap3A_344 = arith.index_cast %scan3A_258 : i32 to index
        %swap3A_345 = arith.constant 96 : index
        %swap3A_346 = tpu.vector_load %arg10[%swap3A_343, %swap3A_344, %swap3A_345] {strides = array<i32>} : memref<2x200x128xf32, #tpu.memory_space<vmem>>, vector<1x1x16xf32>,
        %swap3A_347 = vector.shape_cast %swap3A_346 : vector<1x1x16xf32> to vector<16xf32>
        %swap3A_348 = vector.shape_cast %add3A_341 : vector<16xf32> to vector<1x1x16xf32>
        tpu.vector_store %arg10[%swap3A_343, %swap3A_344, %swap3A_345], %swap3A_348 {strides = array<i32>} : memref<2x200x128xf32, #tpu.memory_space<vmem>>, vector<1x1x16xf32>,
        %get3A_349 = arith.index_cast %scan3A_258 : i32 to index
        %get3A_350 = arith.constant 112 : index
        %get3A_351 = tpu.vector_load %arg9[%get3A_349, %get3A_350] {strides = array<i32>} : memref<200x128xf32, #tpu.memory_space<vmem>>, vector<1x16xf32>,
        %get3A_352 = vector.shape_cast %get3A_351 : vector<1x16xf32> to vector<16xf32>
        %mul3A_353 = arith.mulf %get3A_352, %get3A_236 : vector<16xf32>
        %add3A_354 = arith.addf %mul3A_353, %get3A_231 : vector<16xf32>
        %swap3A_355 = arith.constant 1 : i32
        %swap3A_356 = arith.index_cast %swap3A_355 : i32 to index
        %swap3A_357 = arith.index_cast %scan3A_258 : i32 to index
        %swap3A_358 = arith.constant 112 : index
        %swap3A_359 = tpu.vector_load %arg10[%swap3A_356, %swap3A_357, %swap3A_358] {strides = array<i32>} : memref<2x200x128xf32, #tpu.memory_space<vmem>>, vector<1x1x16xf32>,
        %swap3A_360 = vector.shape_cast %swap3A_359 : vector<1x1x16xf32> to vector<16xf32>
        %swap3A_361 = vector.shape_cast %add3A_354 : vector<16xf32> to vector<1x1x16xf32>
        tpu.vector_store %arg10[%swap3A_356, %swap3A_357, %swap3A_358], %swap3A_361 {strides = array<i32>} : memref<2x200x128xf32, #tpu.memory_space<vmem>>, vector<1x1x16xf32>,
      }
      %scan3A_242 = arith.constant 200 : i32
      %dma_start3A_243 = arith.constant 1 : i32
      %dma_start3A_244 = arith.constant 0 : i32
      %dma_start3A_245 = arith.constant 0 : i32
      %dma_start3A_246 = tpu.memref_slice %arg10[%dma_start3A_243, %dma_start3A_244, %dma_start3A_245] : memref<2x200x128xf32, #tpu.memory_space<vmem>> -> memref<1x200x128xf32, #tpu.memory_space<vmem>>
      %dma_start3A_247 = tpu.memref_squeeze %dma_start3A_246 : memref<1x200x128xf32, #tpu.memory_space<vmem>> -> memref<200x128xf32, #tpu.memory_space<vmem>>
      %dma_start3A_248 = arith.constant 0 : i32
      %dma_start3A_249 = tpu.memref_slice %arg5[%add3A_209, %dma_start3A_248, %multiple_of3A_90] : memref<64x200x16384xf32, #tpu.memory_space<hbm>> -> memref<1x200x128xf32, #tpu.memory_space<hbm>>
      %dma_start3A_250 = tpu.memref_squeeze %dma_start3A_249 : memref<1x200x128xf32, #tpu.memory_space<hbm>> -> memref<200x128xf32, #tpu.memory_space<hbm>>
      %dma_start3A_251 = arith.constant 0 : i32
      %dma_start3A_252 = tpu.memref_slice %arg5[%add3A_209, %dma_start3A_251, %multiple_of3A_90] : memref<64x200x16384xf32, #tpu.memory_space<hbm>> -> memref<1x200x128xf32, #tpu.memory_space<hbm>>
      %dma_start3A_253 = tpu.memref_squeeze %dma_start3A_252 : memref<1x200x128xf32, #tpu.memory_space<hbm>> -> memref<200x128xf32, #tpu.memory_space<hbm>>
      %dma_start3A_254 = arith.constant 0 : i32
      %dma_start3A_255 = arith.constant 0 : i32
      %dma_start3A_256 = tpu.memref_slice %arg10[%dma_start3A_243, %dma_start3A_254, %dma_start3A_255] : memref<2x200x128xf32, #tpu.memory_space<vmem>> -> memref<1x200x128xf32, #tpu.memory_space<vmem>>
      %dma_start3A_257 = tpu.memref_squeeze %dma_start3A_256 : memref<1x200x128xf32, #tpu.memory_space<vmem>> -> memref<200x128xf32, #tpu.memory_space<vmem>>
      tpu.enqueue_dma source(%dma_start3A_257 : memref<200x128xf32, #tpu.memory_space<vmem>>) target(%dma_start3A_253 : memref<200x128xf32, #tpu.memory_space<hbm>>) target_semaphore(%arg12 : memref<!tpu.dma_semaphore, #tpu.memory_space<semaphore_mem>>)
    }
    %scan3A_103 = arith.constant 32 : i32
    %add3A_104 = arith.constant 384 : i32
    %add3A_105 = arith.addi %multiple_of3A, %add3A_104 : i32
    %multiple_of3A_106 = tpu.assume_multiple %add3A_105, 128 : i32
    "tpu.region"() ({
      %run_scoped3A = tpu.sem_alloc : memref<!tpu.dma_semaphore, #tpu.memory_space<semaphore_mem>>
      %dma_start3A_155 = arith.constant 0 : i32
      %dma_start3A_156 = tpu.memref_slice %arg2[%dma_start3A_155, %multiple_of3A_106] : memref<200x16384xi32, #tpu.memory_space<hbm>> -> memref<200x128xi32, #tpu.memory_space<hbm>>
      %dma_start3A_157 = arith.constant 0 : i32
      %dma_start3A_158 = tpu.memref_slice %arg2[%dma_start3A_157, %multiple_of3A_106] : memref<200x16384xi32, #tpu.memory_space<hbm>> -> memref<200x128xi32, #tpu.memory_space<hbm>>
      tpu.enqueue_dma source(%dma_start3A_158 : memref<200x128xi32, #tpu.memory_space<hbm>>) target(%arg8 : memref<200x128xi32, #tpu.memory_space<vmem>>) target_semaphore(%run_scoped3A : memref<!tpu.dma_semaphore, #tpu.memory_space<semaphore_mem>>)
      %dma_wait3A_159 = arith.constant 0 : i32
      %dma_wait3A_160 = tpu.memref_slice %arg2[%dma_wait3A_159, %multiple_of3A_106] : memref<200x16384xi32, #tpu.memory_space<hbm>> -> memref<200x128xi32, #tpu.memory_space<hbm>>
      %dma_wait3A_161 = arith.constant 0 : i32
      %dma_wait3A_162 = tpu.memref_slice %arg2[%dma_wait3A_161, %multiple_of3A_106] : memref<200x16384xi32, #tpu.memory_space<hbm>> -> memref<200x128xi32, #tpu.memory_space<hbm>>
      tpu.wait_dma2 semaphore(%run_scoped3A : memref<!tpu.dma_semaphore, #tpu.memory_space<semaphore_mem>>) src(%dma_wait3A_162 : memref<200x128xi32, #tpu.memory_space<hbm>>) dst(%arg8 : memref<200x128xi32, #tpu.memory_space<vmem>>)
      tpu.yield
    }) : () -> ()
    %scan3A_107 = arith.constant 0 : i32
    %scan3A_108 = arith.constant 0 : i32
    %scan3A_109 = arith.constant 200 : i32
    %scan3A_110 = arith.addi %scan3A_108, %scan3A_109 : i32
    %scan3A_111 = arith.constant 1 : i32
    scf.for %scan3A_155 = %scan3A_108 to %scan3A_110 step %scan3A_111  : i32 {
      %get3A_156 = arith.index_cast %scan3A_155 : i32 to index
      %get3A_157 = arith.constant 0 : index
      %get3A_158 = tpu.vector_load %arg8[%get3A_156, %get3A_157] {strides = array<i32>} : memref<200x128xi32, #tpu.memory_space<vmem>>, vector<1x16xi32>,
      %get3A_159 = vector.shape_cast %get3A_158 : vector<1x16xi32> to vector<16xi32>
      %sub3A = arith.constant 1 : i32
      %sub3A_160 = vector.broadcast %sub3A : i32 to vector<16xi32>
      %sub3A_161 = arith.subi %get3A_159, %sub3A_160 : vector<16xi32>
      %abs3A = math.absi %sub3A_161 : vector<16xi32>
      %sub3A_162 = arith.constant 1 : i32
      %sub3A_163 = vector.broadcast %sub3A_162 : i32 to vector<16xi32>
      %sub3A_164 = arith.subi %sub3A_163, %abs3A : vector<16xi32>
      %max3A = arith.constant 0 : i32
      %max3A_165 = vector.broadcast %max3A : i32 to vector<16xi32>
      %max3A_166 = arith.maxsi %sub3A_164, %max3A_165 : vector<16xi32>
      %convert_element_type3A = arith.sitofp %max3A_166 : vector<16xi32> to vector<16xf32>
      %swap3A = arith.index_cast %scan3A_155 : i32 to index
      %swap3A_167 = arith.constant 0 : index
      %swap3A_168 = tpu.vector_load %arg9[%swap3A, %swap3A_167] {strides = array<i32>} : memref<200x128xf32, #tpu.memory_space<vmem>>, vector<1x16xf32>,
      %swap3A_169 = vector.shape_cast %swap3A_168 : vector<1x16xf32> to vector<16xf32>
      %swap3A_170 = vector.shape_cast %convert_element_type3A : vector<16xf32> to vector<1x16xf32>
      tpu.vector_store %arg9[%swap3A, %swap3A_167], %swap3A_170 {strides = array<i32>} : memref<200x128xf32, #tpu.memory_space<vmem>>, vector<1x16xf32>,
      %get3A_171 = arith.index_cast %scan3A_155 : i32 to index
      %get3A_172 = arith.constant 16 : index
      %get3A_173 = tpu.vector_load %arg8[%get3A_171, %get3A_172] {strides = array<i32>} : memref<200x128xi32, #tpu.memory_space<vmem>>, vector<1x16xi32>,
      %get3A_174 = vector.shape_cast %get3A_173 : vector<1x16xi32> to vector<16xi32>
      %sub3A_175 = arith.constant 1 : i32
      %sub3A_176 = vector.broadcast %sub3A_175 : i32 to vector<16xi32>
      %sub3A_177 = arith.subi %get3A_174, %sub3A_176 : vector<16xi32>
      %abs3A_178 = math.absi %sub3A_177 : vector<16xi32>
      %sub3A_179 = arith.constant 1 : i32
      %sub3A_180 = vector.broadcast %sub3A_179 : i32 to vector<16xi32>
      %sub3A_181 = arith.subi %sub3A_180, %abs3A_178 : vector<16xi32>
      %max3A_182 = arith.constant 0 : i32
      %max3A_183 = vector.broadcast %max3A_182 : i32 to vector<16xi32>
      %max3A_184 = arith.maxsi %sub3A_181, %max3A_183 : vector<16xi32>
      %convert_element_type3A_185 = arith.sitofp %max3A_184 : vector<16xi32> to vector<16xf32>
      %swap3A_186 = arith.index_cast %scan3A_155 : i32 to index
      %swap3A_187 = arith.constant 16 : index
      %swap3A_188 = tpu.vector_load %arg9[%swap3A_186, %swap3A_187] {strides = array<i32>} : memref<200x128xf32, #tpu.memory_space<vmem>>, vector<1x16xf32>,
      %swap3A_189 = vector.shape_cast %swap3A_188 : vector<1x16xf32> to vector<16xf32>
      %swap3A_190 = vector.shape_cast %convert_element_type3A_185 : vector<16xf32> to vector<1x16xf32>
      tpu.vector_store %arg9[%swap3A_186, %swap3A_187], %swap3A_190 {strides = array<i32>} : memref<200x128xf32, #tpu.memory_space<vmem>>, vector<1x16xf32>,
      %get3A_191 = arith.index_cast %scan3A_155 : i32 to index
      %get3A_192 = arith.constant 32 : index
      %get3A_193 = tpu.vector_load %arg8[%get3A_191, %get3A_192] {strides = array<i32>} : memref<200x128xi32, #tpu.memory_space<vmem>>, vector<1x16xi32>,
      %get3A_194 = vector.shape_cast %get3A_193 : vector<1x16xi32> to vector<16xi32>
      %sub3A_195 = arith.constant 1 : i32
      %sub3A_196 = vector.broadcast %sub3A_195 : i32 to vector<16xi32>
      %sub3A_197 = arith.subi %get3A_194, %sub3A_196 : vector<16xi32>
      %abs3A_198 = math.absi %sub3A_197 : vector<16xi32>
      %sub3A_199 = arith.constant 1 : i32
      %sub3A_200 = vector.broadcast %sub3A_199 : i32 to vector<16xi32>
      %sub3A_201 = arith.subi %sub3A_200, %abs3A_198 : vector<16xi32>
      %max3A_202 = arith.constant 0 : i32
      %max3A_203 = vector.broadcast %max3A_202 : i32 to vector<16xi32>
      %max3A_204 = arith.maxsi %sub3A_201, %max3A_203 : vector<16xi32>
      %convert_element_type3A_205 = arith.sitofp %max3A_204 : vector<16xi32> to vector<16xf32>
      %swap3A_206 = arith.index_cast %scan3A_155 : i32 to index
      %swap3A_207 = arith.constant 32 : index
      %swap3A_208 = tpu.vector_load %arg9[%swap3A_206, %swap3A_207] {strides = array<i32>} : memref<200x128xf32, #tpu.memory_space<vmem>>, vector<1x16xf32>,
      %swap3A_209 = vector.shape_cast %swap3A_208 : vector<1x16xf32> to vector<16xf32>
      %swap3A_210 = vector.shape_cast %convert_element_type3A_205 : vector<16xf32> to vector<1x16xf32>
      tpu.vector_store %arg9[%swap3A_206, %swap3A_207], %swap3A_210 {strides = array<i32>} : memref<200x128xf32, #tpu.memory_space<vmem>>, vector<1x16xf32>,
      %get3A_211 = arith.index_cast %scan3A_155 : i32 to index
      %get3A_212 = arith.constant 48 : index
      %get3A_213 = tpu.vector_load %arg8[%get3A_211, %get3A_212] {strides = array<i32>} : memref<200x128xi32, #tpu.memory_space<vmem>>, vector<1x16xi32>,
      %get3A_214 = vector.shape_cast %get3A_213 : vector<1x16xi32> to vector<16xi32>
      %sub3A_215 = arith.constant 1 : i32
      %sub3A_216 = vector.broadcast %sub3A_215 : i32 to vector<16xi32>
      %sub3A_217 = arith.subi %get3A_214, %sub3A_216 : vector<16xi32>
      %abs3A_218 = math.absi %sub3A_217 : vector<16xi32>
      %sub3A_219 = arith.constant 1 : i32
      %sub3A_220 = vector.broadcast %sub3A_219 : i32 to vector<16xi32>
      %sub3A_221 = arith.subi %sub3A_220, %abs3A_218 : vector<16xi32>
      %max3A_222 = arith.constant 0 : i32
      %max3A_223 = vector.broadcast %max3A_222 : i32 to vector<16xi32>
      %max3A_224 = arith.maxsi %sub3A_221, %max3A_223 : vector<16xi32>
      %convert_element_type3A_225 = arith.sitofp %max3A_224 : vector<16xi32> to vector<16xf32>
      %swap3A_226 = arith.index_cast %scan3A_155 : i32 to index
      %swap3A_227 = arith.constant 48 : index
      %swap3A_228 = tpu.vector_load %arg9[%swap3A_226, %swap3A_227] {strides = array<i32>} : memref<200x128xf32, #tpu.memory_space<vmem>>, vector<1x16xf32>,
      %swap3A_229 = vector.shape_cast %swap3A_228 : vector<1x16xf32> to vector<16xf32>
      %swap3A_230 = vector.shape_cast %convert_element_type3A_225 : vector<16xf32> to vector<1x16xf32>
      tpu.vector_store %arg9[%swap3A_226, %swap3A_227], %swap3A_230 {strides = array<i32>} : memref<200x128xf32, #tpu.memory_space<vmem>>, vector<1x16xf32>,
      %get3A_231 = arith.index_cast %scan3A_155 : i32 to index
      %get3A_232 = arith.constant 64 : index
      %get3A_233 = tpu.vector_load %arg8[%get3A_231, %get3A_232] {strides = array<i32>} : memref<200x128xi32, #tpu.memory_space<vmem>>, vector<1x16xi32>,
      %get3A_234 = vector.shape_cast %get3A_233 : vector<1x16xi32> to vector<16xi32>
      %sub3A_235 = arith.constant 1 : i32
      %sub3A_236 = vector.broadcast %sub3A_235 : i32 to vector<16xi32>
      %sub3A_237 = arith.subi %get3A_234, %sub3A_236 : vector<16xi32>
      %abs3A_238 = math.absi %sub3A_237 : vector<16xi32>
      %sub3A_239 = arith.constant 1 : i32
      %sub3A_240 = vector.broadcast %sub3A_239 : i32 to vector<16xi32>
      %sub3A_241 = arith.subi %sub3A_240, %abs3A_238 : vector<16xi32>
      %max3A_242 = arith.constant 0 : i32
      %max3A_243 = vector.broadcast %max3A_242 : i32 to vector<16xi32>
      %max3A_244 = arith.maxsi %sub3A_241, %max3A_243 : vector<16xi32>
      %convert_element_type3A_245 = arith.sitofp %max3A_244 : vector<16xi32> to vector<16xf32>
      %swap3A_246 = arith.index_cast %scan3A_155 : i32 to index
      %swap3A_247 = arith.constant 64 : index
      %swap3A_248 = tpu.vector_load %arg9[%swap3A_246, %swap3A_247] {strides = array<i32>} : memref<200x128xf32, #tpu.memory_space<vmem>>, vector<1x16xf32>,
      %swap3A_249 = vector.shape_cast %swap3A_248 : vector<1x16xf32> to vector<16xf32>
      %swap3A_250 = vector.shape_cast %convert_element_type3A_245 : vector<16xf32> to vector<1x16xf32>
      tpu.vector_store %arg9[%swap3A_246, %swap3A_247], %swap3A_250 {strides = array<i32>} : memref<200x128xf32, #tpu.memory_space<vmem>>, vector<1x16xf32>,
      %get3A_251 = arith.index_cast %scan3A_155 : i32 to index
      %get3A_252 = arith.constant 80 : index
      %get3A_253 = tpu.vector_load %arg8[%get3A_251, %get3A_252] {strides = array<i32>} : memref<200x128xi32, #tpu.memory_space<vmem>>, vector<1x16xi32>,
      %get3A_254 = vector.shape_cast %get3A_253 : vector<1x16xi32> to vector<16xi32>
      %sub3A_255 = arith.constant 1 : i32
      %sub3A_256 = vector.broadcast %sub3A_255 : i32 to vector<16xi32>
      %sub3A_257 = arith.subi %get3A_254, %sub3A_256 : vector<16xi32>
      %abs3A_258 = math.absi %sub3A_257 : vector<16xi32>
      %sub3A_259 = arith.constant 1 : i32
      %sub3A_260 = vector.broadcast %sub3A_259 : i32 to vector<16xi32>
      %sub3A_261 = arith.subi %sub3A_260, %abs3A_258 : vector<16xi32>
      %max3A_262 = arith.constant 0 : i32
      %max3A_263 = vector.broadcast %max3A_262 : i32 to vector<16xi32>
      %max3A_264 = arith.maxsi %sub3A_261, %max3A_263 : vector<16xi32>
      %convert_element_type3A_265 = arith.sitofp %max3A_264 : vector<16xi32> to vector<16xf32>
      %swap3A_266 = arith.index_cast %scan3A_155 : i32 to index
      %swap3A_267 = arith.constant 80 : index
      %swap3A_268 = tpu.vector_load %arg9[%swap3A_266, %swap3A_267] {strides = array<i32>} : memref<200x128xf32, #tpu.memory_space<vmem>>, vector<1x16xf32>,
      %swap3A_269 = vector.shape_cast %swap3A_268 : vector<1x16xf32> to vector<16xf32>
      %swap3A_270 = vector.shape_cast %convert_element_type3A_265 : vector<16xf32> to vector<1x16xf32>
      tpu.vector_store %arg9[%swap3A_266, %swap3A_267], %swap3A_270 {strides = array<i32>} : memref<200x128xf32, #tpu.memory_space<vmem>>, vector<1x16xf32>,
      %get3A_271 = arith.index_cast %scan3A_155 : i32 to index
      %get3A_272 = arith.constant 96 : index
      %get3A_273 = tpu.vector_load %arg8[%get3A_271, %get3A_272] {strides = array<i32>} : memref<200x128xi32, #tpu.memory_space<vmem>>, vector<1x16xi32>,
      %get3A_274 = vector.shape_cast %get3A_273 : vector<1x16xi32> to vector<16xi32>
      %sub3A_275 = arith.constant 1 : i32
      %sub3A_276 = vector.broadcast %sub3A_275 : i32 to vector<16xi32>
      %sub3A_277 = arith.subi %get3A_274, %sub3A_276 : vector<16xi32>
      %abs3A_278 = math.absi %sub3A_277 : vector<16xi32>
      %sub3A_279 = arith.constant 1 : i32
      %sub3A_280 = vector.broadcast %sub3A_279 : i32 to vector<16xi32>
      %sub3A_281 = arith.subi %sub3A_280, %abs3A_278 : vector<16xi32>
      %max3A_282 = arith.constant 0 : i32
      %max3A_283 = vector.broadcast %max3A_282 : i32 to vector<16xi32>
      %max3A_284 = arith.maxsi %sub3A_281, %max3A_283 : vector<16xi32>
      %convert_element_type3A_285 = arith.sitofp %max3A_284 : vector<16xi32> to vector<16xf32>
      %swap3A_286 = arith.index_cast %scan3A_155 : i32 to index
      %swap3A_287 = arith.constant 96 : index
      %swap3A_288 = tpu.vector_load %arg9[%swap3A_286, %swap3A_287] {strides = array<i32>} : memref<200x128xf32, #tpu.memory_space<vmem>>, vector<1x16xf32>,
      %swap3A_289 = vector.shape_cast %swap3A_288 : vector<1x16xf32> to vector<16xf32>
      %swap3A_290 = vector.shape_cast %convert_element_type3A_285 : vector<16xf32> to vector<1x16xf32>
      tpu.vector_store %arg9[%swap3A_286, %swap3A_287], %swap3A_290 {strides = array<i32>} : memref<200x128xf32, #tpu.memory_space<vmem>>, vector<1x16xf32>,
      %get3A_291 = arith.index_cast %scan3A_155 : i32 to index
      %get3A_292 = arith.constant 112 : index
      %get3A_293 = tpu.vector_load %arg8[%get3A_291, %get3A_292] {strides = array<i32>} : memref<200x128xi32, #tpu.memory_space<vmem>>, vector<1x16xi32>,
      %get3A_294 = vector.shape_cast %get3A_293 : vector<1x16xi32> to vector<16xi32>
      %sub3A_295 = arith.constant 1 : i32
      %sub3A_296 = vector.broadcast %sub3A_295 : i32 to vector<16xi32>
      %sub3A_297 = arith.subi %get3A_294, %sub3A_296 : vector<16xi32>
      %abs3A_298 = math.absi %sub3A_297 : vector<16xi32>
      %sub3A_299 = arith.constant 1 : i32
      %sub3A_300 = vector.broadcast %sub3A_299 : i32 to vector<16xi32>
      %sub3A_301 = arith.subi %sub3A_300, %abs3A_298 : vector<16xi32>
      %max3A_302 = arith.constant 0 : i32
      %max3A_303 = vector.broadcast %max3A_302 : i32 to vector<16xi32>
      %max3A_304 = arith.maxsi %sub3A_301, %max3A_303 : vector<16xi32>
      %convert_element_type3A_305 = arith.sitofp %max3A_304 : vector<16xi32> to vector<16xf32>
      %swap3A_306 = arith.index_cast %scan3A_155 : i32 to index
      %swap3A_307 = arith.constant 112 : index
      %swap3A_308 = tpu.vector_load %arg9[%swap3A_306, %swap3A_307] {strides = array<i32>} : memref<200x128xf32, #tpu.memory_space<vmem>>, vector<1x16xf32>,
      %swap3A_309 = vector.shape_cast %swap3A_308 : vector<1x16xf32> to vector<16xf32>
      %swap3A_310 = vector.shape_cast %convert_element_type3A_305 : vector<16xf32> to vector<1x16xf32>
      tpu.vector_store %arg9[%swap3A_306, %swap3A_307], %swap3A_310 {strides = array<i32>} : memref<200x128xf32, #tpu.memory_space<vmem>>, vector<1x16xf32>,
    }
    %scan3A_112 = arith.constant 200 : i32
    %scan3A_113 = arith.constant 0 : i32
    %scan3A_114 = arith.constant 0 : i32
    %scan3A_115 = arith.constant 0 : i32
    %scan3A_116 = arith.constant 32 : i32
    %scan3A_117 = arith.addi %scan3A_115, %scan3A_116 : i32
    %scan3A_118 = arith.constant 1 : i32
    scf.for %scan3A_155 = %scan3A_115 to %scan3A_117 step %scan3A_118  : i32 {
      %mul3A_156 = arith.constant 2 : i32
      %mul3A_157 = arith.muli %scan3A_155, %mul3A_156 : i32
      %add3A_158 = arith.constant 0 : i32
      %add3A_159 = arith.addi %mul3A_157, %add3A_158 : i32
      %dma_wait3A_160 = arith.constant 0 : i32
      %dma_wait3A_161 = arith.constant 0 : i32
      %dma_wait3A_162 = arith.constant 0 : i32
      %dma_wait3A_163 = tpu.memref_slice %arg10[%dma_wait3A_160, %dma_wait3A_161, %dma_wait3A_162] : memref<2x200x128xf32, #tpu.memory_space<vmem>> -> memref<1x200x128xf32, #tpu.memory_space<vmem>>
      %dma_wait3A_164 = tpu.memref_squeeze %dma_wait3A_163 : memref<1x200x128xf32, #tpu.memory_space<vmem>> -> memref<200x128xf32, #tpu.memory_space<vmem>>
      %dma_wait3A_165 = arith.constant 0 : i32
      %dma_wait3A_166 = arith.constant 0 : i32
      %dma_wait3A_167 = tpu.memref_slice %arg5[%scan3A_114, %dma_wait3A_165, %dma_wait3A_166] : memref<64x200x16384xf32, #tpu.memory_space<hbm>> -> memref<1x200x128xf32, #tpu.memory_space<hbm>>
      %dma_wait3A_168 = tpu.memref_squeeze %dma_wait3A_167 : memref<1x200x128xf32, #tpu.memory_space<hbm>> -> memref<200x128xf32, #tpu.memory_space<hbm>>
      %dma_wait3A_169 = arith.constant 0 : i32
      %dma_wait3A_170 = arith.constant 0 : i32
      %dma_wait3A_171 = tpu.memref_slice %arg5[%scan3A_114, %dma_wait3A_169, %dma_wait3A_170] : memref<64x200x16384xf32, #tpu.memory_space<hbm>> -> memref<1x200x128xf32, #tpu.memory_space<hbm>>
      %dma_wait3A_172 = tpu.memref_squeeze %dma_wait3A_171 : memref<1x200x128xf32, #tpu.memory_space<hbm>> -> memref<200x128xf32, #tpu.memory_space<hbm>>
      %dma_wait3A_173 = arith.constant 0 : i32
      %dma_wait3A_174 = arith.constant 0 : i32
      %dma_wait3A_175 = tpu.memref_slice %arg10[%dma_wait3A_160, %dma_wait3A_173, %dma_wait3A_174] : memref<2x200x128xf32, #tpu.memory_space<vmem>> -> memref<1x200x128xf32, #tpu.memory_space<vmem>>
      %dma_wait3A_176 = tpu.memref_squeeze %dma_wait3A_175 : memref<1x200x128xf32, #tpu.memory_space<vmem>> -> memref<200x128xf32, #tpu.memory_space<vmem>>
      tpu.wait_dma2 semaphore(%arg11 : memref<!tpu.dma_semaphore, #tpu.memory_space<semaphore_mem>>) src(%dma_wait3A_176 : memref<200x128xf32, #tpu.memory_space<vmem>>) dst(%dma_wait3A_172 : memref<200x128xf32, #tpu.memory_space<hbm>>)
      %mul3A_177 = arith.constant 16 : i32
      %mul3A_178 = arith.muli %add3A_159, %mul3A_177 : i32
      %get3A_179 = arith.index_cast %mul3A_178 : i32 to index
      %get3A_180 = tpu.vector_load %arg6[%get3A_179] {strides = array<i32>} : memref<1024xf32, #tpu.memory_space<vmem>>, vector<16xf32>,
      %get3A_181 = vector.shape_cast %get3A_180 : vector<16xf32> to vector<16xf32>
      %mul3A_182 = arith.constant 16 : i32
      %mul3A_183 = arith.muli %add3A_159, %mul3A_182 : i32
      %get3A_184 = arith.index_cast %mul3A_183 : i32 to index
      %get3A_185 = tpu.vector_load %arg7[%get3A_184] {strides = array<i32>} : memref<1024xf32, #tpu.memory_space<vmem>>, vector<16xf32>,
      %get3A_186 = vector.shape_cast %get3A_185 : vector<16xf32> to vector<16xf32>
      %scan3A_187 = arith.constant 0 : i32
      %scan3A_188 = arith.constant 0 : i32
      %scan3A_189 = arith.constant 200 : i32
      %scan3A_190 = arith.addi %scan3A_188, %scan3A_189 : i32
      %scan3A_191 = arith.constant 1 : i32
      scf.for %scan3A_258 = %scan3A_188 to %scan3A_190 step %scan3A_191  : i32 {
        %get3A_259 = arith.index_cast %scan3A_258 : i32 to index
        %get3A_260 = arith.constant 0 : index
        %get3A_261 = tpu.vector_load %arg9[%get3A_259, %get3A_260] {strides = array<i32>} : memref<200x128xf32, #tpu.memory_space<vmem>>, vector<1x16xf32>,
        %get3A_262 = vector.shape_cast %get3A_261 : vector<1x16xf32> to vector<16xf32>
        %mul3A_263 = arith.mulf %get3A_262, %get3A_186 : vector<16xf32>
        %add3A_264 = arith.addf %mul3A_263, %get3A_181 : vector<16xf32>
        %swap3A = arith.constant 0 : i32
        %swap3A_265 = arith.index_cast %swap3A : i32 to index
        %swap3A_266 = arith.index_cast %scan3A_258 : i32 to index
        %swap3A_267 = arith.constant 0 : index
        %swap3A_268 = tpu.vector_load %arg10[%swap3A_265, %swap3A_266, %swap3A_267] {strides = array<i32>} : memref<2x200x128xf32, #tpu.memory_space<vmem>>, vector<1x1x16xf32>,
        %swap3A_269 = vector.shape_cast %swap3A_268 : vector<1x1x16xf32> to vector<16xf32>
        %swap3A_270 = vector.shape_cast %add3A_264 : vector<16xf32> to vector<1x1x16xf32>
        tpu.vector_store %arg10[%swap3A_265, %swap3A_266, %swap3A_267], %swap3A_270 {strides = array<i32>} : memref<2x200x128xf32, #tpu.memory_space<vmem>>, vector<1x1x16xf32>,
        %get3A_271 = arith.index_cast %scan3A_258 : i32 to index
        %get3A_272 = arith.constant 16 : index
        %get3A_273 = tpu.vector_load %arg9[%get3A_271, %get3A_272] {strides = array<i32>} : memref<200x128xf32, #tpu.memory_space<vmem>>, vector<1x16xf32>,
        %get3A_274 = vector.shape_cast %get3A_273 : vector<1x16xf32> to vector<16xf32>
        %mul3A_275 = arith.mulf %get3A_274, %get3A_186 : vector<16xf32>
        %add3A_276 = arith.addf %mul3A_275, %get3A_181 : vector<16xf32>
        %swap3A_277 = arith.constant 0 : i32
        %swap3A_278 = arith.index_cast %swap3A_277 : i32 to index
        %swap3A_279 = arith.index_cast %scan3A_258 : i32 to index
        %swap3A_280 = arith.constant 16 : index
        %swap3A_281 = tpu.vector_load %arg10[%swap3A_278, %swap3A_279, %swap3A_280] {strides = array<i32>} : memref<2x200x128xf32, #tpu.memory_space<vmem>>, vector<1x1x16xf32>,
        %swap3A_282 = vector.shape_cast %swap3A_281 : vector<1x1x16xf32> to vector<16xf32>
        %swap3A_283 = vector.shape_cast %add3A_276 : vector<16xf32> to vector<1x1x16xf32>
        tpu.vector_store %arg10[%swap3A_278, %swap3A_279, %swap3A_280], %swap3A_283 {strides = array<i32>} : memref<2x200x128xf32, #tpu.memory_space<vmem>>, vector<1x1x16xf32>,
        %get3A_284 = arith.index_cast %scan3A_258 : i32 to index
        %get3A_285 = arith.constant 32 : index
        %get3A_286 = tpu.vector_load %arg9[%get3A_284, %get3A_285] {strides = array<i32>} : memref<200x128xf32, #tpu.memory_space<vmem>>, vector<1x16xf32>,
        %get3A_287 = vector.shape_cast %get3A_286 : vector<1x16xf32> to vector<16xf32>
        %mul3A_288 = arith.mulf %get3A_287, %get3A_186 : vector<16xf32>
        %add3A_289 = arith.addf %mul3A_288, %get3A_181 : vector<16xf32>
        %swap3A_290 = arith.constant 0 : i32
        %swap3A_291 = arith.index_cast %swap3A_290 : i32 to index
        %swap3A_292 = arith.index_cast %scan3A_258 : i32 to index
        %swap3A_293 = arith.constant 32 : index
        %swap3A_294 = tpu.vector_load %arg10[%swap3A_291, %swap3A_292, %swap3A_293] {strides = array<i32>} : memref<2x200x128xf32, #tpu.memory_space<vmem>>, vector<1x1x16xf32>,
        %swap3A_295 = vector.shape_cast %swap3A_294 : vector<1x1x16xf32> to vector<16xf32>
        %swap3A_296 = vector.shape_cast %add3A_289 : vector<16xf32> to vector<1x1x16xf32>
        tpu.vector_store %arg10[%swap3A_291, %swap3A_292, %swap3A_293], %swap3A_296 {strides = array<i32>} : memref<2x200x128xf32, #tpu.memory_space<vmem>>, vector<1x1x16xf32>,
        %get3A_297 = arith.index_cast %scan3A_258 : i32 to index
        %get3A_298 = arith.constant 48 : index
        %get3A_299 = tpu.vector_load %arg9[%get3A_297, %get3A_298] {strides = array<i32>} : memref<200x128xf32, #tpu.memory_space<vmem>>, vector<1x16xf32>,
        %get3A_300 = vector.shape_cast %get3A_299 : vector<1x16xf32> to vector<16xf32>
        %mul3A_301 = arith.mulf %get3A_300, %get3A_186 : vector<16xf32>
        %add3A_302 = arith.addf %mul3A_301, %get3A_181 : vector<16xf32>
        %swap3A_303 = arith.constant 0 : i32
        %swap3A_304 = arith.index_cast %swap3A_303 : i32 to index
        %swap3A_305 = arith.index_cast %scan3A_258 : i32 to index
        %swap3A_306 = arith.constant 48 : index
        %swap3A_307 = tpu.vector_load %arg10[%swap3A_304, %swap3A_305, %swap3A_306] {strides = array<i32>} : memref<2x200x128xf32, #tpu.memory_space<vmem>>, vector<1x1x16xf32>,
        %swap3A_308 = vector.shape_cast %swap3A_307 : vector<1x1x16xf32> to vector<16xf32>
        %swap3A_309 = vector.shape_cast %add3A_302 : vector<16xf32> to vector<1x1x16xf32>
        tpu.vector_store %arg10[%swap3A_304, %swap3A_305, %swap3A_306], %swap3A_309 {strides = array<i32>} : memref<2x200x128xf32, #tpu.memory_space<vmem>>, vector<1x1x16xf32>,
        %get3A_310 = arith.index_cast %scan3A_258 : i32 to index
        %get3A_311 = arith.constant 64 : index
        %get3A_312 = tpu.vector_load %arg9[%get3A_310, %get3A_311] {strides = array<i32>} : memref<200x128xf32, #tpu.memory_space<vmem>>, vector<1x16xf32>,
        %get3A_313 = vector.shape_cast %get3A_312 : vector<1x16xf32> to vector<16xf32>
        %mul3A_314 = arith.mulf %get3A_313, %get3A_186 : vector<16xf32>
        %add3A_315 = arith.addf %mul3A_314, %get3A_181 : vector<16xf32>
        %swap3A_316 = arith.constant 0 : i32
        %swap3A_317 = arith.index_cast %swap3A_316 : i32 to index
        %swap3A_318 = arith.index_cast %scan3A_258 : i32 to index
        %swap3A_319 = arith.constant 64 : index
        %swap3A_320 = tpu.vector_load %arg10[%swap3A_317, %swap3A_318, %swap3A_319] {strides = array<i32>} : memref<2x200x128xf32, #tpu.memory_space<vmem>>, vector<1x1x16xf32>,
        %swap3A_321 = vector.shape_cast %swap3A_320 : vector<1x1x16xf32> to vector<16xf32>
        %swap3A_322 = vector.shape_cast %add3A_315 : vector<16xf32> to vector<1x1x16xf32>
        tpu.vector_store %arg10[%swap3A_317, %swap3A_318, %swap3A_319], %swap3A_322 {strides = array<i32>} : memref<2x200x128xf32, #tpu.memory_space<vmem>>, vector<1x1x16xf32>,
        %get3A_323 = arith.index_cast %scan3A_258 : i32 to index
        %get3A_324 = arith.constant 80 : index
        %get3A_325 = tpu.vector_load %arg9[%get3A_323, %get3A_324] {strides = array<i32>} : memref<200x128xf32, #tpu.memory_space<vmem>>, vector<1x16xf32>,
        %get3A_326 = vector.shape_cast %get3A_325 : vector<1x16xf32> to vector<16xf32>
        %mul3A_327 = arith.mulf %get3A_326, %get3A_186 : vector<16xf32>
        %add3A_328 = arith.addf %mul3A_327, %get3A_181 : vector<16xf32>
        %swap3A_329 = arith.constant 0 : i32
        %swap3A_330 = arith.index_cast %swap3A_329 : i32 to index
        %swap3A_331 = arith.index_cast %scan3A_258 : i32 to index
        %swap3A_332 = arith.constant 80 : index
        %swap3A_333 = tpu.vector_load %arg10[%swap3A_330, %swap3A_331, %swap3A_332] {strides = array<i32>} : memref<2x200x128xf32, #tpu.memory_space<vmem>>, vector<1x1x16xf32>,
        %swap3A_334 = vector.shape_cast %swap3A_333 : vector<1x1x16xf32> to vector<16xf32>
        %swap3A_335 = vector.shape_cast %add3A_328 : vector<16xf32> to vector<1x1x16xf32>
        tpu.vector_store %arg10[%swap3A_330, %swap3A_331, %swap3A_332], %swap3A_335 {strides = array<i32>} : memref<2x200x128xf32, #tpu.memory_space<vmem>>, vector<1x1x16xf32>,
        %get3A_336 = arith.index_cast %scan3A_258 : i32 to index
        %get3A_337 = arith.constant 96 : index
        %get3A_338 = tpu.vector_load %arg9[%get3A_336, %get3A_337] {strides = array<i32>} : memref<200x128xf32, #tpu.memory_space<vmem>>, vector<1x16xf32>,
        %get3A_339 = vector.shape_cast %get3A_338 : vector<1x16xf32> to vector<16xf32>
        %mul3A_340 = arith.mulf %get3A_339, %get3A_186 : vector<16xf32>
        %add3A_341 = arith.addf %mul3A_340, %get3A_181 : vector<16xf32>
        %swap3A_342 = arith.constant 0 : i32
        %swap3A_343 = arith.index_cast %swap3A_342 : i32 to index
        %swap3A_344 = arith.index_cast %scan3A_258 : i32 to index
        %swap3A_345 = arith.constant 96 : index
        %swap3A_346 = tpu.vector_load %arg10[%swap3A_343, %swap3A_344, %swap3A_345] {strides = array<i32>} : memref<2x200x128xf32, #tpu.memory_space<vmem>>, vector<1x1x16xf32>,
        %swap3A_347 = vector.shape_cast %swap3A_346 : vector<1x1x16xf32> to vector<16xf32>
        %swap3A_348 = vector.shape_cast %add3A_341 : vector<16xf32> to vector<1x1x16xf32>
        tpu.vector_store %arg10[%swap3A_343, %swap3A_344, %swap3A_345], %swap3A_348 {strides = array<i32>} : memref<2x200x128xf32, #tpu.memory_space<vmem>>, vector<1x1x16xf32>,
        %get3A_349 = arith.index_cast %scan3A_258 : i32 to index
        %get3A_350 = arith.constant 112 : index
        %get3A_351 = tpu.vector_load %arg9[%get3A_349, %get3A_350] {strides = array<i32>} : memref<200x128xf32, #tpu.memory_space<vmem>>, vector<1x16xf32>,
        %get3A_352 = vector.shape_cast %get3A_351 : vector<1x16xf32> to vector<16xf32>
        %mul3A_353 = arith.mulf %get3A_352, %get3A_186 : vector<16xf32>
        %add3A_354 = arith.addf %mul3A_353, %get3A_181 : vector<16xf32>
        %swap3A_355 = arith.constant 0 : i32
        %swap3A_356 = arith.index_cast %swap3A_355 : i32 to index
        %swap3A_357 = arith.index_cast %scan3A_258 : i32 to index
        %swap3A_358 = arith.constant 112 : index
        %swap3A_359 = tpu.vector_load %arg10[%swap3A_356, %swap3A_357, %swap3A_358] {strides = array<i32>} : memref<2x200x128xf32, #tpu.memory_space<vmem>>, vector<1x1x16xf32>,
        %swap3A_360 = vector.shape_cast %swap3A_359 : vector<1x1x16xf32> to vector<16xf32>
        %swap3A_361 = vector.shape_cast %add3A_354 : vector<16xf32> to vector<1x1x16xf32>
        tpu.vector_store %arg10[%swap3A_356, %swap3A_357, %swap3A_358], %swap3A_361 {strides = array<i32>} : memref<2x200x128xf32, #tpu.memory_space<vmem>>, vector<1x1x16xf32>,
      }
      %scan3A_192 = arith.constant 200 : i32
      %dma_start3A_193 = arith.constant 0 : i32
      %dma_start3A_194 = arith.constant 0 : i32
      %dma_start3A_195 = arith.constant 0 : i32
      %dma_start3A_196 = tpu.memref_slice %arg10[%dma_start3A_193, %dma_start3A_194, %dma_start3A_195] : memref<2x200x128xf32, #tpu.memory_space<vmem>> -> memref<1x200x128xf32, #tpu.memory_space<vmem>>
      %dma_start3A_197 = tpu.memref_squeeze %dma_start3A_196 : memref<1x200x128xf32, #tpu.memory_space<vmem>> -> memref<200x128xf32, #tpu.memory_space<vmem>>
      %dma_start3A_198 = arith.constant 0 : i32
      %dma_start3A_199 = tpu.memref_slice %arg5[%add3A_159, %dma_start3A_198, %multiple_of3A_106] : memref<64x200x16384xf32, #tpu.memory_space<hbm>> -> memref<1x200x128xf32, #tpu.memory_space<hbm>>
      %dma_start3A_200 = tpu.memref_squeeze %dma_start3A_199 : memref<1x200x128xf32, #tpu.memory_space<hbm>> -> memref<200x128xf32, #tpu.memory_space<hbm>>
      %dma_start3A_201 = arith.constant 0 : i32
      %dma_start3A_202 = tpu.memref_slice %arg5[%add3A_159, %dma_start3A_201, %multiple_of3A_106] : memref<64x200x16384xf32, #tpu.memory_space<hbm>> -> memref<1x200x128xf32, #tpu.memory_space<hbm>>
      %dma_start3A_203 = tpu.memref_squeeze %dma_start3A_202 : memref<1x200x128xf32, #tpu.memory_space<hbm>> -> memref<200x128xf32, #tpu.memory_space<hbm>>
      %dma_start3A_204 = arith.constant 0 : i32
      %dma_start3A_205 = arith.constant 0 : i32
      %dma_start3A_206 = tpu.memref_slice %arg10[%dma_start3A_193, %dma_start3A_204, %dma_start3A_205] : memref<2x200x128xf32, #tpu.memory_space<vmem>> -> memref<1x200x128xf32, #tpu.memory_space<vmem>>
      %dma_start3A_207 = tpu.memref_squeeze %dma_start3A_206 : memref<1x200x128xf32, #tpu.memory_space<vmem>> -> memref<200x128xf32, #tpu.memory_space<vmem>>
      tpu.enqueue_dma source(%dma_start3A_207 : memref<200x128xf32, #tpu.memory_space<vmem>>) target(%dma_start3A_203 : memref<200x128xf32, #tpu.memory_space<hbm>>) target_semaphore(%arg11 : memref<!tpu.dma_semaphore, #tpu.memory_space<semaphore_mem>>)
      %add3A_208 = arith.constant 1 : i32
      %add3A_209 = arith.addi %mul3A_157, %add3A_208 : i32
      %dma_wait3A_210 = arith.constant 1 : i32
      %dma_wait3A_211 = arith.constant 0 : i32
      %dma_wait3A_212 = arith.constant 0 : i32
      %dma_wait3A_213 = tpu.memref_slice %arg10[%dma_wait3A_210, %dma_wait3A_211, %dma_wait3A_212] : memref<2x200x128xf32, #tpu.memory_space<vmem>> -> memref<1x200x128xf32, #tpu.memory_space<vmem>>
      %dma_wait3A_214 = tpu.memref_squeeze %dma_wait3A_213 : memref<1x200x128xf32, #tpu.memory_space<vmem>> -> memref<200x128xf32, #tpu.memory_space<vmem>>
      %dma_wait3A_215 = arith.constant 0 : i32
      %dma_wait3A_216 = arith.constant 0 : i32
      %dma_wait3A_217 = tpu.memref_slice %arg5[%scan3A_114, %dma_wait3A_215, %dma_wait3A_216] : memref<64x200x16384xf32, #tpu.memory_space<hbm>> -> memref<1x200x128xf32, #tpu.memory_space<hbm>>
      %dma_wait3A_218 = tpu.memref_squeeze %dma_wait3A_217 : memref<1x200x128xf32, #tpu.memory_space<hbm>> -> memref<200x128xf32, #tpu.memory_space<hbm>>
      %dma_wait3A_219 = arith.constant 0 : i32
      %dma_wait3A_220 = arith.constant 0 : i32
      %dma_wait3A_221 = tpu.memref_slice %arg5[%scan3A_114, %dma_wait3A_219, %dma_wait3A_220] : memref<64x200x16384xf32, #tpu.memory_space<hbm>> -> memref<1x200x128xf32, #tpu.memory_space<hbm>>
      %dma_wait3A_222 = tpu.memref_squeeze %dma_wait3A_221 : memref<1x200x128xf32, #tpu.memory_space<hbm>> -> memref<200x128xf32, #tpu.memory_space<hbm>>
      %dma_wait3A_223 = arith.constant 0 : i32
      %dma_wait3A_224 = arith.constant 0 : i32
      %dma_wait3A_225 = tpu.memref_slice %arg10[%dma_wait3A_210, %dma_wait3A_223, %dma_wait3A_224] : memref<2x200x128xf32, #tpu.memory_space<vmem>> -> memref<1x200x128xf32, #tpu.memory_space<vmem>>
      %dma_wait3A_226 = tpu.memref_squeeze %dma_wait3A_225 : memref<1x200x128xf32, #tpu.memory_space<vmem>> -> memref<200x128xf32, #tpu.memory_space<vmem>>
      tpu.wait_dma2 semaphore(%arg12 : memref<!tpu.dma_semaphore, #tpu.memory_space<semaphore_mem>>) src(%dma_wait3A_226 : memref<200x128xf32, #tpu.memory_space<vmem>>) dst(%dma_wait3A_222 : memref<200x128xf32, #tpu.memory_space<hbm>>)
      %mul3A_227 = arith.constant 16 : i32
      %mul3A_228 = arith.muli %add3A_209, %mul3A_227 : i32
      %get3A_229 = arith.index_cast %mul3A_228 : i32 to index
      %get3A_230 = tpu.vector_load %arg6[%get3A_229] {strides = array<i32>} : memref<1024xf32, #tpu.memory_space<vmem>>, vector<16xf32>,
      %get3A_231 = vector.shape_cast %get3A_230 : vector<16xf32> to vector<16xf32>
      %mul3A_232 = arith.constant 16 : i32
      %mul3A_233 = arith.muli %add3A_209, %mul3A_232 : i32
      %get3A_234 = arith.index_cast %mul3A_233 : i32 to index
      %get3A_235 = tpu.vector_load %arg7[%get3A_234] {strides = array<i32>} : memref<1024xf32, #tpu.memory_space<vmem>>, vector<16xf32>,
      %get3A_236 = vector.shape_cast %get3A_235 : vector<16xf32> to vector<16xf32>
      %scan3A_237 = arith.constant 0 : i32
      %scan3A_238 = arith.constant 0 : i32
      %scan3A_239 = arith.constant 200 : i32
      %scan3A_240 = arith.addi %scan3A_238, %scan3A_239 : i32
      %scan3A_241 = arith.constant 1 : i32
      scf.for %scan3A_258 = %scan3A_238 to %scan3A_240 step %scan3A_241  : i32 {
        %get3A_259 = arith.index_cast %scan3A_258 : i32 to index
        %get3A_260 = arith.constant 0 : index
        %get3A_261 = tpu.vector_load %arg9[%get3A_259, %get3A_260] {strides = array<i32>} : memref<200x128xf32, #tpu.memory_space<vmem>>, vector<1x16xf32>,
        %get3A_262 = vector.shape_cast %get3A_261 : vector<1x16xf32> to vector<16xf32>
        %mul3A_263 = arith.mulf %get3A_262, %get3A_236 : vector<16xf32>
        %add3A_264 = arith.addf %mul3A_263, %get3A_231 : vector<16xf32>
        %swap3A = arith.constant 1 : i32
        %swap3A_265 = arith.index_cast %swap3A : i32 to index
        %swap3A_266 = arith.index_cast %scan3A_258 : i32 to index
        %swap3A_267 = arith.constant 0 : index
        %swap3A_268 = tpu.vector_load %arg10[%swap3A_265, %swap3A_266, %swap3A_267] {strides = array<i32>} : memref<2x200x128xf32, #tpu.memory_space<vmem>>, vector<1x1x16xf32>,
        %swap3A_269 = vector.shape_cast %swap3A_268 : vector<1x1x16xf32> to vector<16xf32>
        %swap3A_270 = vector.shape_cast %add3A_264 : vector<16xf32> to vector<1x1x16xf32>
        tpu.vector_store %arg10[%swap3A_265, %swap3A_266, %swap3A_267], %swap3A_270 {strides = array<i32>} : memref<2x200x128xf32, #tpu.memory_space<vmem>>, vector<1x1x16xf32>,
        %get3A_271 = arith.index_cast %scan3A_258 : i32 to index
        %get3A_272 = arith.constant 16 : index
        %get3A_273 = tpu.vector_load %arg9[%get3A_271, %get3A_272] {strides = array<i32>} : memref<200x128xf32, #tpu.memory_space<vmem>>, vector<1x16xf32>,
        %get3A_274 = vector.shape_cast %get3A_273 : vector<1x16xf32> to vector<16xf32>
        %mul3A_275 = arith.mulf %get3A_274, %get3A_236 : vector<16xf32>
        %add3A_276 = arith.addf %mul3A_275, %get3A_231 : vector<16xf32>
        %swap3A_277 = arith.constant 1 : i32
        %swap3A_278 = arith.index_cast %swap3A_277 : i32 to index
        %swap3A_279 = arith.index_cast %scan3A_258 : i32 to index
        %swap3A_280 = arith.constant 16 : index
        %swap3A_281 = tpu.vector_load %arg10[%swap3A_278, %swap3A_279, %swap3A_280] {strides = array<i32>} : memref<2x200x128xf32, #tpu.memory_space<vmem>>, vector<1x1x16xf32>,
        %swap3A_282 = vector.shape_cast %swap3A_281 : vector<1x1x16xf32> to vector<16xf32>
        %swap3A_283 = vector.shape_cast %add3A_276 : vector<16xf32> to vector<1x1x16xf32>
        tpu.vector_store %arg10[%swap3A_278, %swap3A_279, %swap3A_280], %swap3A_283 {strides = array<i32>} : memref<2x200x128xf32, #tpu.memory_space<vmem>>, vector<1x1x16xf32>,
        %get3A_284 = arith.index_cast %scan3A_258 : i32 to index
        %get3A_285 = arith.constant 32 : index
        %get3A_286 = tpu.vector_load %arg9[%get3A_284, %get3A_285] {strides = array<i32>} : memref<200x128xf32, #tpu.memory_space<vmem>>, vector<1x16xf32>,
        %get3A_287 = vector.shape_cast %get3A_286 : vector<1x16xf32> to vector<16xf32>
        %mul3A_288 = arith.mulf %get3A_287, %get3A_236 : vector<16xf32>
        %add3A_289 = arith.addf %mul3A_288, %get3A_231 : vector<16xf32>
        %swap3A_290 = arith.constant 1 : i32
        %swap3A_291 = arith.index_cast %swap3A_290 : i32 to index
        %swap3A_292 = arith.index_cast %scan3A_258 : i32 to index
        %swap3A_293 = arith.constant 32 : index
        %swap3A_294 = tpu.vector_load %arg10[%swap3A_291, %swap3A_292, %swap3A_293] {strides = array<i32>} : memref<2x200x128xf32, #tpu.memory_space<vmem>>, vector<1x1x16xf32>,
        %swap3A_295 = vector.shape_cast %swap3A_294 : vector<1x1x16xf32> to vector<16xf32>
        %swap3A_296 = vector.shape_cast %add3A_289 : vector<16xf32> to vector<1x1x16xf32>
        tpu.vector_store %arg10[%swap3A_291, %swap3A_292, %swap3A_293], %swap3A_296 {strides = array<i32>} : memref<2x200x128xf32, #tpu.memory_space<vmem>>, vector<1x1x16xf32>,
        %get3A_297 = arith.index_cast %scan3A_258 : i32 to index
        %get3A_298 = arith.constant 48 : index
        %get3A_299 = tpu.vector_load %arg9[%get3A_297, %get3A_298] {strides = array<i32>} : memref<200x128xf32, #tpu.memory_space<vmem>>, vector<1x16xf32>,
        %get3A_300 = vector.shape_cast %get3A_299 : vector<1x16xf32> to vector<16xf32>
        %mul3A_301 = arith.mulf %get3A_300, %get3A_236 : vector<16xf32>
        %add3A_302 = arith.addf %mul3A_301, %get3A_231 : vector<16xf32>
        %swap3A_303 = arith.constant 1 : i32
        %swap3A_304 = arith.index_cast %swap3A_303 : i32 to index
        %swap3A_305 = arith.index_cast %scan3A_258 : i32 to index
        %swap3A_306 = arith.constant 48 : index
        %swap3A_307 = tpu.vector_load %arg10[%swap3A_304, %swap3A_305, %swap3A_306] {strides = array<i32>} : memref<2x200x128xf32, #tpu.memory_space<vmem>>, vector<1x1x16xf32>,
        %swap3A_308 = vector.shape_cast %swap3A_307 : vector<1x1x16xf32> to vector<16xf32>
        %swap3A_309 = vector.shape_cast %add3A_302 : vector<16xf32> to vector<1x1x16xf32>
        tpu.vector_store %arg10[%swap3A_304, %swap3A_305, %swap3A_306], %swap3A_309 {strides = array<i32>} : memref<2x200x128xf32, #tpu.memory_space<vmem>>, vector<1x1x16xf32>,
        %get3A_310 = arith.index_cast %scan3A_258 : i32 to index
        %get3A_311 = arith.constant 64 : index
        %get3A_312 = tpu.vector_load %arg9[%get3A_310, %get3A_311] {strides = array<i32>} : memref<200x128xf32, #tpu.memory_space<vmem>>, vector<1x16xf32>,
        %get3A_313 = vector.shape_cast %get3A_312 : vector<1x16xf32> to vector<16xf32>
        %mul3A_314 = arith.mulf %get3A_313, %get3A_236 : vector<16xf32>
        %add3A_315 = arith.addf %mul3A_314, %get3A_231 : vector<16xf32>
        %swap3A_316 = arith.constant 1 : i32
        %swap3A_317 = arith.index_cast %swap3A_316 : i32 to index
        %swap3A_318 = arith.index_cast %scan3A_258 : i32 to index
        %swap3A_319 = arith.constant 64 : index
        %swap3A_320 = tpu.vector_load %arg10[%swap3A_317, %swap3A_318, %swap3A_319] {strides = array<i32>} : memref<2x200x128xf32, #tpu.memory_space<vmem>>, vector<1x1x16xf32>,
        %swap3A_321 = vector.shape_cast %swap3A_320 : vector<1x1x16xf32> to vector<16xf32>
        %swap3A_322 = vector.shape_cast %add3A_315 : vector<16xf32> to vector<1x1x16xf32>
        tpu.vector_store %arg10[%swap3A_317, %swap3A_318, %swap3A_319], %swap3A_322 {strides = array<i32>} : memref<2x200x128xf32, #tpu.memory_space<vmem>>, vector<1x1x16xf32>,
        %get3A_323 = arith.index_cast %scan3A_258 : i32 to index
        %get3A_324 = arith.constant 80 : index
        %get3A_325 = tpu.vector_load %arg9[%get3A_323, %get3A_324] {strides = array<i32>} : memref<200x128xf32, #tpu.memory_space<vmem>>, vector<1x16xf32>,
        %get3A_326 = vector.shape_cast %get3A_325 : vector<1x16xf32> to vector<16xf32>
        %mul3A_327 = arith.mulf %get3A_326, %get3A_236 : vector<16xf32>
        %add3A_328 = arith.addf %mul3A_327, %get3A_231 : vector<16xf32>
        %swap3A_329 = arith.constant 1 : i32
        %swap3A_330 = arith.index_cast %swap3A_329 : i32 to index
        %swap3A_331 = arith.index_cast %scan3A_258 : i32 to index
        %swap3A_332 = arith.constant 80 : index
        %swap3A_333 = tpu.vector_load %arg10[%swap3A_330, %swap3A_331, %swap3A_332] {strides = array<i32>} : memref<2x200x128xf32, #tpu.memory_space<vmem>>, vector<1x1x16xf32>,
        %swap3A_334 = vector.shape_cast %swap3A_333 : vector<1x1x16xf32> to vector<16xf32>
        %swap3A_335 = vector.shape_cast %add3A_328 : vector<16xf32> to vector<1x1x16xf32>
        tpu.vector_store %arg10[%swap3A_330, %swap3A_331, %swap3A_332], %swap3A_335 {strides = array<i32>} : memref<2x200x128xf32, #tpu.memory_space<vmem>>, vector<1x1x16xf32>,
        %get3A_336 = arith.index_cast %scan3A_258 : i32 to index
        %get3A_337 = arith.constant 96 : index
        %get3A_338 = tpu.vector_load %arg9[%get3A_336, %get3A_337] {strides = array<i32>} : memref<200x128xf32, #tpu.memory_space<vmem>>, vector<1x16xf32>,
        %get3A_339 = vector.shape_cast %get3A_338 : vector<1x16xf32> to vector<16xf32>
        %mul3A_340 = arith.mulf %get3A_339, %get3A_236 : vector<16xf32>
        %add3A_341 = arith.addf %mul3A_340, %get3A_231 : vector<16xf32>
        %swap3A_342 = arith.constant 1 : i32
        %swap3A_343 = arith.index_cast %swap3A_342 : i32 to index
        %swap3A_344 = arith.index_cast %scan3A_258 : i32 to index
        %swap3A_345 = arith.constant 96 : index
        %swap3A_346 = tpu.vector_load %arg10[%swap3A_343, %swap3A_344, %swap3A_345] {strides = array<i32>} : memref<2x200x128xf32, #tpu.memory_space<vmem>>, vector<1x1x16xf32>,
        %swap3A_347 = vector.shape_cast %swap3A_346 : vector<1x1x16xf32> to vector<16xf32>
        %swap3A_348 = vector.shape_cast %add3A_341 : vector<16xf32> to vector<1x1x16xf32>
        tpu.vector_store %arg10[%swap3A_343, %swap3A_344, %swap3A_345], %swap3A_348 {strides = array<i32>} : memref<2x200x128xf32, #tpu.memory_space<vmem>>, vector<1x1x16xf32>,
        %get3A_349 = arith.index_cast %scan3A_258 : i32 to index
        %get3A_350 = arith.constant 112 : index
        %get3A_351 = tpu.vector_load %arg9[%get3A_349, %get3A_350] {strides = array<i32>} : memref<200x128xf32, #tpu.memory_space<vmem>>, vector<1x16xf32>,
        %get3A_352 = vector.shape_cast %get3A_351 : vector<1x16xf32> to vector<16xf32>
        %mul3A_353 = arith.mulf %get3A_352, %get3A_236 : vector<16xf32>
        %add3A_354 = arith.addf %mul3A_353, %get3A_231 : vector<16xf32>
        %swap3A_355 = arith.constant 1 : i32
        %swap3A_356 = arith.index_cast %swap3A_355 : i32 to index
        %swap3A_357 = arith.index_cast %scan3A_258 : i32 to index
        %swap3A_358 = arith.constant 112 : index
        %swap3A_359 = tpu.vector_load %arg10[%swap3A_356, %swap3A_357, %swap3A_358] {strides = array<i32>} : memref<2x200x128xf32, #tpu.memory_space<vmem>>, vector<1x1x16xf32>,
        %swap3A_360 = vector.shape_cast %swap3A_359 : vector<1x1x16xf32> to vector<16xf32>
        %swap3A_361 = vector.shape_cast %add3A_354 : vector<16xf32> to vector<1x1x16xf32>
        tpu.vector_store %arg10[%swap3A_356, %swap3A_357, %swap3A_358], %swap3A_361 {strides = array<i32>} : memref<2x200x128xf32, #tpu.memory_space<vmem>>, vector<1x1x16xf32>,
      }
      %scan3A_242 = arith.constant 200 : i32
      %dma_start3A_243 = arith.constant 1 : i32
      %dma_start3A_244 = arith.constant 0 : i32
      %dma_start3A_245 = arith.constant 0 : i32
      %dma_start3A_246 = tpu.memref_slice %arg10[%dma_start3A_243, %dma_start3A_244, %dma_start3A_245] : memref<2x200x128xf32, #tpu.memory_space<vmem>> -> memref<1x200x128xf32, #tpu.memory_space<vmem>>
      %dma_start3A_247 = tpu.memref_squeeze %dma_start3A_246 : memref<1x200x128xf32, #tpu.memory_space<vmem>> -> memref<200x128xf32, #tpu.memory_space<vmem>>
      %dma_start3A_248 = arith.constant 0 : i32
      %dma_start3A_249 = tpu.memref_slice %arg5[%add3A_209, %dma_start3A_248, %multiple_of3A_106] : memref<64x200x16384xf32, #tpu.memory_space<hbm>> -> memref<1x200x128xf32, #tpu.memory_space<hbm>>
      %dma_start3A_250 = tpu.memref_squeeze %dma_start3A_249 : memref<1x200x128xf32, #tpu.memory_space<hbm>> -> memref<200x128xf32, #tpu.memory_space<hbm>>
      %dma_start3A_251 = arith.constant 0 : i32
      %dma_start3A_252 = tpu.memref_slice %arg5[%add3A_209, %dma_start3A_251, %multiple_of3A_106] : memref<64x200x16384xf32, #tpu.memory_space<hbm>> -> memref<1x200x128xf32, #tpu.memory_space<hbm>>
      %dma_start3A_253 = tpu.memref_squeeze %dma_start3A_252 : memref<1x200x128xf32, #tpu.memory_space<hbm>> -> memref<200x128xf32, #tpu.memory_space<hbm>>
      %dma_start3A_254 = arith.constant 0 : i32
      %dma_start3A_255 = arith.constant 0 : i32
      %dma_start3A_256 = tpu.memref_slice %arg10[%dma_start3A_243, %dma_start3A_254, %dma_start3A_255] : memref<2x200x128xf32, #tpu.memory_space<vmem>> -> memref<1x200x128xf32, #tpu.memory_space<vmem>>
      %dma_start3A_257 = tpu.memref_squeeze %dma_start3A_256 : memref<1x200x128xf32, #tpu.memory_space<vmem>> -> memref<200x128xf32, #tpu.memory_space<vmem>>
      tpu.enqueue_dma source(%dma_start3A_257 : memref<200x128xf32, #tpu.memory_space<vmem>>) target(%dma_start3A_253 : memref<200x128xf32, #tpu.memory_space<hbm>>) target_semaphore(%arg12 : memref<!tpu.dma_semaphore, #tpu.memory_space<semaphore_mem>>)
    }
    %scan3A_119 = arith.constant 32 : i32
    %dma_wait3A = arith.constant 0 : i32
    %dma_wait3A_120 = arith.constant 0 : i32
    %dma_wait3A_121 = arith.constant 0 : i32
    %dma_wait3A_122 = arith.constant 0 : i32
    %dma_wait3A_123 = tpu.memref_slice %arg10[%dma_wait3A, %dma_wait3A_121, %dma_wait3A_122] : memref<2x200x128xf32, #tpu.memory_space<vmem>> -> memref<1x200x128xf32, #tpu.memory_space<vmem>>
    %dma_wait3A_124 = tpu.memref_squeeze %dma_wait3A_123 : memref<1x200x128xf32, #tpu.memory_space<vmem>> -> memref<200x128xf32, #tpu.memory_space<vmem>>
    %dma_wait3A_125 = arith.constant 0 : i32
    %dma_wait3A_126 = arith.constant 0 : i32
    %dma_wait3A_127 = tpu.memref_slice %arg5[%dma_wait3A_120, %dma_wait3A_125, %dma_wait3A_126] : memref<64x200x16384xf32, #tpu.memory_space<hbm>> -> memref<1x200x128xf32, #tpu.memory_space<hbm>>
    %dma_wait3A_128 = tpu.memref_squeeze %dma_wait3A_127 : memref<1x200x128xf32, #tpu.memory_space<hbm>> -> memref<200x128xf32, #tpu.memory_space<hbm>>
    %dma_wait3A_129 = arith.constant 0 : i32
    %dma_wait3A_130 = arith.constant 0 : i32
    %dma_wait3A_131 = tpu.memref_slice %arg5[%dma_wait3A_120, %dma_wait3A_129, %dma_wait3A_130] : memref<64x200x16384xf32, #tpu.memory_space<hbm>> -> memref<1x200x128xf32, #tpu.memory_space<hbm>>
    %dma_wait3A_132 = tpu.memref_squeeze %dma_wait3A_131 : memref<1x200x128xf32, #tpu.memory_space<hbm>> -> memref<200x128xf32, #tpu.memory_space<hbm>>
    %dma_wait3A_133 = arith.constant 0 : i32
    %dma_wait3A_134 = arith.constant 0 : i32
    %dma_wait3A_135 = tpu.memref_slice %arg10[%dma_wait3A, %dma_wait3A_133, %dma_wait3A_134] : memref<2x200x128xf32, #tpu.memory_space<vmem>> -> memref<1x200x128xf32, #tpu.memory_space<vmem>>
    %dma_wait3A_136 = tpu.memref_squeeze %dma_wait3A_135 : memref<1x200x128xf32, #tpu.memory_space<vmem>> -> memref<200x128xf32, #tpu.memory_space<vmem>>
    tpu.wait_dma2 semaphore(%arg11 : memref<!tpu.dma_semaphore, #tpu.memory_space<semaphore_mem>>) src(%dma_wait3A_136 : memref<200x128xf32, #tpu.memory_space<vmem>>) dst(%dma_wait3A_132 : memref<200x128xf32, #tpu.memory_space<hbm>>)
    %dma_wait3A_137 = arith.constant 1 : i32
    %dma_wait3A_138 = arith.constant 0 : i32
    %dma_wait3A_139 = arith.constant 0 : i32
    %dma_wait3A_140 = arith.constant 0 : i32
    %dma_wait3A_141 = tpu.memref_slice %arg10[%dma_wait3A_137, %dma_wait3A_139, %dma_wait3A_140] : memref<2x200x128xf32, #tpu.memory_space<vmem>> -> memref<1x200x128xf32, #tpu.memory_space<vmem>>
    %dma_wait3A_142 = tpu.memref_squeeze %dma_wait3A_141 : memref<1x200x128xf32, #tpu.memory_space<vmem>> -> memref<200x128xf32, #tpu.memory_space<vmem>>
    %dma_wait3A_143 = arith.constant 0 : i32
    %dma_wait3A_144 = arith.constant 0 : i32
    %dma_wait3A_145 = tpu.memref_slice %arg5[%dma_wait3A_138, %dma_wait3A_143, %dma_wait3A_144] : memref<64x200x16384xf32, #tpu.memory_space<hbm>> -> memref<1x200x128xf32, #tpu.memory_space<hbm>>
    %dma_wait3A_146 = tpu.memref_squeeze %dma_wait3A_145 : memref<1x200x128xf32, #tpu.memory_space<hbm>> -> memref<200x128xf32, #tpu.memory_space<hbm>>
    %dma_wait3A_147 = arith.constant 0 : i32
    %dma_wait3A_148 = arith.constant 0 : i32
    %dma_wait3A_149 = tpu.memref_slice %arg5[%dma_wait3A_138, %dma_wait3A_147, %dma_wait3A_148] : memref<64x200x16384xf32, #tpu.memory_space<hbm>> -> memref<1x200x128xf32, #tpu.memory_space<hbm>>
    %dma_wait3A_150 = tpu.memref_squeeze %dma_wait3A_149 : memref<1x200x128xf32, #tpu.memory_space<hbm>> -> memref<200x128xf32, #tpu.memory_space<hbm>>
    %dma_wait3A_151 = arith.constant 0 : i32
    %dma_wait3A_152 = arith.constant 0 : i32
    %dma_wait3A_153 = tpu.memref_slice %arg10[%dma_wait3A_137, %dma_wait3A_151, %dma_wait3A_152] : memref<2x200x128xf32, #tpu.memory_space<vmem>> -> memref<1x200x128xf32, #tpu.memory_space<vmem>>
    %dma_wait3A_154 = tpu.memref_squeeze %dma_wait3A_153 : memref<1x200x128xf32, #tpu.memory_space<vmem>> -> memref<200x128xf32, #tpu.memory_space<vmem>>
    tpu.wait_dma2 semaphore(%arg12 : memref<!tpu.dma_semaphore, #tpu.memory_space<semaphore_mem>>) src(%dma_wait3A_154 : memref<200x128xf32, #tpu.memory_space<vmem>>) dst(%dma_wait3A_150 : memref<200x128xf32, #tpu.memory_space<hbm>>)
    return
  }
}

</mosaic_0001>

<sc_bundles>
// kernel: kernel.3.cloned.1.call-start
scs
__scs_entry_jumppad:
0x0: {  	(pc) =	sbr.rel $0x88, $3  }
0x1: {  	(tag) =	ssettag $0x0;
	lr =	simm.s32 $0x1  }
0x2: {  	[smem:$0x3F9F] =	sst lr;
	_ =	strace $0xD0000000  }
0x3: {  	_ = 	snop  }
0x4: {  	_ = 	snop  }
0x5: {  	_ = 	snop  }
0x6: {  	_ = 	snop  }
0x7: {  	_ = 	snop  }
__scs_overlays_trampoline_lowered:
0x8: {  	[smem:$0x3FAE] =	sst s0  }
0x9: {  	[smem:$0x3FAF] =	sst s1  }
0xa: {  	[smem:$0x3FB0] =	sst s2  }
0xb: {  	[smem:$0x3FB1] =	sst s3  }
0xc: {  	[smem:$0x3FB2] =	sst s4  }
0xd: {  	[smem:$0x3FB3] =	sst s5  }
0xe: {  	[smem:$0x3FB4] =	sst s6  }
0xf: {  	[smem:$0x3FB5] =	sst s7  }
0x10: {  	[smem:$0x3FB6] =	sst s8  }
0x11: {  	[smem:$0x3FB7] =	sst s9;
	s0 =	simm.s32 @!p0 $0x0  }
0x12: {  	s1 =	sld [smem:$0x3F9D];
	s0 =	simm.s32 @p0 $0x1  }
0x13: {  	[smem:$0x3FB8] =	sst s0;
	s0 =	simm.s32 @!p1 $0x0  }
0x14: {  	s2 =	sld [smem:$0x3F9C];
	s0 =	simm.s32 @p1 $0x1  }
0x15: {  	[smem:$0x3FB9] =	sst s0;
	s0 =	simm.s32 @!p2 $0x0  }
0x16: {  	s3 =	sld [smem:$0x3FDB];
	s0 =	simm.s32 @p2 $0x1  }
0x17: {  	s4 =	simm.s32 $0x1BF5;
	[smem:$0x3FBB] =	sst s0  }
0x18: {  	s0 =	sld [smem:$0x3F9E];
	_ =	swait.ge [sflag:s4], $0x0  }
0x19: {  	s7 =	sld [smem:$0x3F9F]  }
0x1a: {  	s8 =	sadd.s32 $0xFFFFE003, lr  }
0x1b: {  	s9 =	sadd.s32 $0xFFFFFEF7, lr;
	s5 =	simm.s32 $0xFFFFFFFF;
	p2 =	slt.u32 s8, $0xFFFFF086  }
0x1c: {  	p1 =	slt.u32 s9, $0xF7A;
	s5 =	simm.s32 @!p2 $0x0  }
0x1d: {  	s5 =	simm.s32 @p1 $0x1;
	p0 =	seq.s32 s7, s2  }
0x1e: {  	s7 =	smul.u32 @!p0 $0xF7A, s2;
	p2 =	seq.s32 @!p0 s5, $0x0  }
0x1f: {  	s9 =	smul.u32 $0xF7A, s1;
	s8 =	simm.s32 @!p0 $0x1BF5;
	p2 =	por !p2, p0  }
0x20: {  	[sflag:s8] =	ssyncset.s32 @!p0 $0xFFFFF086;
	s6 =	sadd.s32 @!p0 s3, s7;
	s7 =	simm.s32 @!p0 $0x108  }
0x21: {  	s3 =	sadd.s32 s3, s9;
	s6 =	sadd.s32 @!p0 $0x88, s6;
	s7 =	simm.s32 @p2 $0x1082  }
0x22: {  	[simem:s7], [sflag:s8] =	dma.local @!p0 [hbm:s6], $0xF7A  }
0x23: {  	s9 =	sor.u32 $0xD0000000, s2;
	s6 =	simm.s32 $0x108;
	_ =	swait.ge @!p0 [sflag:s8], $0x0  }
0x24: {  	s3 =	sadd.s32 $0x88, s3;
	s6 =	simm.s32 @!p1 $0x1082;
	[sflag:s4] =	ssyncset.s32 $0xFFFFF086  }
0x25: {  	[simem:s6], [sflag:s4] =	dma.local [hbm:s3], $0xF7A  }
0x26: {  	[smem:$0x3F9F] =	sst s1;
	(tag) =	ssettag s2;
	_ =	strace s9  }
0x27: {  	s1 =	sld [smem:$0x3FAF]  }
0x28: {  	s2 =	sld [smem:$0x3FB0]  }
0x29: {  	s4 =	sld [smem:$0x3FB2]  }
0x2a: {  	p0 =	seq.s32 s5, $0x0;
	s5 =	sld [smem:$0x3FB3]  }
0x2b: {  	s6 =	sld [smem:$0x3FB4]  }
0x2c: {  	s7 =	sld [smem:$0x3FB5]  }
0x2d: {  	s3 =	simm.s32 $0x108;
	s8 =	sld [smem:$0x3FB6]  }
0x2e: {  	s3 =	simm.s32 @!p0 $0x1082;
	s9 =	sld [smem:$0x3FB7]  }
0x2f: {  	lr =	sadd.s32 s0, s3;
	s0 =	sld [smem:$0x3FAE]  }
0x30: {  	s3 =	sld [smem:$0x3FB1]  }
0x31: {  	[smem:$0x3FBA] =	sst s10  }
0x32: {  	s10 =	sld [smem:$0x3FB8];
	_ =	sdelay $0x3  }
0x33: {  	p0 =	seq.s32 s10, $0x1;
	s10 =	sld [smem:$0x3FBA];
	_ =	sdelay $0x3  }
0x34: {  	[smem:$0x3FBA] =	sst s10  }
0x35: {  	s10 =	sld [smem:$0x3FB9];
	_ =	sdelay $0x3  }
0x36: {  	p1 =	seq.s32 s10, $0x1;
	s10 =	sld [smem:$0x3FBA];
	_ =	sdelay $0x3  }
0x37: {  	[smem:$0x3FBA] =	sst s10  }
0x38: {  	s10 =	sld [smem:$0x3FBB]  }
0x39: {  	_ = 	snop;
	(pc) =	sbr.ind lr, $3  }
0x3a: {  	_ = 	snop  }
0x3b: {  	_ = 	snop  }
0x3c: {  	p2 =	seq.s32 s10, $0x1;
	s10 =	sld [smem:$0x3FBA]  }
0x3d: {  	_ =	shalt  }
0x3e: {  	_ =	shalt  }
0x3f: {  	_ =	shalt  }
0x40: {  	_ =	shalt  }
0x41: {  	_ =	shalt  }
0x42: {  	_ =	shalt  }
0x43: {  	_ =	shalt  }
0x44: {  	_ =	shalt  }
0x45: {  	_ =	shalt  }
0x46: {  	_ =	shalt  }
0x47: {  	_ =	shalt  }
0x48: {  	_ =	shalt  }
0x49: {  	_ =	shalt  }
0x4a: {  	_ =	shalt  }
0x4b: {  	_ =	shalt  }
0x4c: {  	_ =	shalt  }
0x4d: {  	_ =	shalt  }
0x4e: {  	_ =	shalt  }
0x4f: {  	_ =	shalt  }
0x50: {  	_ =	shalt  }
0x51: {  	_ =	shalt  }
0x52: {  	_ =	shalt  }
0x53: {  	_ =	shalt  }
0x54: {  	_ =	shalt  }
0x55: {  	_ =	shalt  }
0x56: {  	_ =	shalt  }
0x57: {  	_ =	shalt  }
0x58: {  	_ =	shalt  }
0x59: {  	_ =	shalt  }
0x5a: {  	_ =	shalt  }
0x5b: {  	_ =	shalt  }
0x5c: {  	_ =	shalt  }
0x5d: {  	_ =	shalt  }
0x5e: {  	_ =	shalt  }
0x5f: {  	_ =	shalt  }
0x60: {  	_ =	shalt  }
0x61: {  	_ =	shalt  }
0x62: {  	_ =	shalt  }
0x63: {  	_ =	shalt  }
0x64: {  	_ =	shalt  }
0x65: {  	_ =	shalt  }
0x66: {  	_ =	shalt  }
0x67: {  	_ =	shalt  }
0x68: {  	_ =	shalt  }
0x69: {  	_ =	shalt  }
0x6a: {  	_ =	shalt  }
0x6b: {  	_ =	shalt  }
0x6c: {  	_ =	shalt  }
0x6d: {  	_ =	shalt  }
0x6e: {  	_ =	shalt  }
0x6f: {  	_ =	shalt  }
0x70: {  	_ =	shalt  }
0x71: {  	_ =	shalt  }
0x72: {  	_ =	shalt  }
0x73: {  	_ =	shalt  }
0x74: {  	_ =	shalt  }
0x75: {  	_ =	shalt  }
0x76: {  	_ =	shalt  }
0x77: {  	_ =	shalt  }
0x78: {  	_ =	shalt  }
0x79: {  	_ =	shalt  }
0x7a: {  	_ =	shalt  }
0x7b: {  	_ =	shalt  }
0x7c: {  	_ =	shalt  }
0x7d: {  	_ =	shalt  }
0x7e: {  	_ =	shalt  }
0x7f: {  	_ =	shalt  }
0x80: {  	_ =	shalt  }
0x81: {  	_ =	shalt  }
0x82: {  	_ =	shalt  }
0x83: {  	_ =	shalt  }
0x84: {  	_ =	shalt  }
0x85: {  	_ =	shalt  }
0x86: {  	_ =	shalt  }
0x87: {  	_ =	shalt  }
.Lfunc_end0:
.L_simem_size_0:
called_computation_lowered:
.L_overlay_start_0:
0x88: {  	s2 =	sld [smem:$0x3FD9]  }
0x89: {  	s3 =	sld [smem:$0x3FFE];
	_ =	sdelay $0x1  }
0x8a: {  	s1 =	srdreg.scid  }
0x8b: {  	s0 =	sand.u32 $0x1, s1  }
0x8c: {  	s17 =	sshll.u32 s0, $0xA;
	s2 =	sadd.s32 s3, s2  }
0x8d: {  	s2 =	sadd.s32 s2, s17  }
0x8e: {  	[smem:$0x3FC6] =	sst s2  }
0x8f: {  	_ = 	snop  }
0x90: {  	s2 =	sld [smem:$0x3FC9]  }
0x91: {  	s18 =	sld [smem:$0x3FD0];
	(tm) =	ssettm $0x1  }
0x92: {  	s4 =	sld [smem:$0x3FFB];
	_ =	sdelay $0x3  }
0x93: {  	_ =	strace s4  }
0x94: {  	s4 =	sld [smem:$0x3FFC];
	_ =	sdelay $0x3  }
0x95: {  	_ =	strace s4  }
0x96: {  	s4 =	sld [smem:$0x3FFD];
	_ =	sdelay $0x3  }
0x97: {  	_ =	strace s4  }
0x98: {  	_ =	strace $0x8FFFFFFF  }
0x99: {  	s19 =	sld [smem:$0x3FDB];
	_ =	sdelay $0x1  }
0x9a: {  	s5 =	simm.s32 $_scs_section_size  }
0x9b: {  	s6 =	simm.s32 $_size__tile_overlayer_lowered;
	s7 =	simm.s32 $_tile_overlayer_lowered  }
0x9c: {  	s22 =	simm.s32 $0x1BFF;
	s21 =	sshll.u32 s7, $0x1;
	s4 =	sadd.s32 s5, s19  }
0x9d: {  	s8 =	simm.s32 $0x0;
	s20 =	sshll.u32 s6, $0x1;
	s6 =	sadd.s32 s21, s4  }
0x9e: {  	[timem:s8], [sflag:s22] =	dma.local [hbm:s6], s20  }
0x9f: {  	_ =	swait.ge [sflag:s22], s20  }
0xa0: {  	s5 =	ssub.s32 $0x0, s20;
	[sflag:s22] =	ssyncset.done $0x0  }
0xa1: {  	[sflag:s22] =	ssyncadd.s32 s5;
	_ =	sdelay $0x1  }
0xa2: {  	s23 =	simm.s32 $0x1B8B  }
0xa3: {  	_ =	swait.ge [sflag:s23], $0x1  }
0xa4: {  	[sflag:s23] =	ssyncset.done $0x0  }
0xa5: {  	s25 =	simm.s32 $0x1B8E;
	s24 =	sld [smem:$0x3FFE];
	[sflag:s23] =	ssyncadd.s32 $0xFFFFFFFF  }
0xa6: {  	s26 =	simm.s32 $execute0_lowered;
	[smem:$0x3FD2] =	sst s25  }
0xa7: {  	s6 =	sshll.u32 s26, $0x1;
	_ =	strace $0x80000046;
	[dreg:$0x1] =	wrdreg $0xFFFFFFFF  }
0xa8: {  	s28 =	simm.s32 $_size_execute0_lowered;
	s4 =	sadd.s32 s4, s6;
	[dreg:$0x0] =	wrdreg $0x0  }
0xa9: {  	s6 =	sshll.u32 s28, $0x1;
	[dreg:$0x2] =	wrdreg s4  }
0xaa: {  	[dreg:$0x3] =	wrdreg s6  }
0xab: {  	[dreg:$0x4] =	wrdreg $0xC0  }
0xac: {  	_ =	task [dreg:s8], $0x5FFFF  }
0xad: {  	[dreg:$0x1] =	wrdreg $0xFFFFFFFF  }
0xae: {  	[dreg:$0x0] =	wrdreg $0x60  }
0xaf: {  	[dreg:$0x2] =	wrdreg s2  }
0xb0: {  	[dreg:$0x3] =	wrdreg s24  }
0xb1: {  	[dreg:$0x4] =	wrdreg s18  }
0xb2: {  	[dreg:$0x5] =	wrdreg $0x9  }
0xb3: {  	_ =	task.clear_ibuf [dreg:s8], $0x6FFFF;
	_ =	strace $0x90000046  }
0xb4: {  	s29 =	simm.s32 $0x9;
	_ =	strace $0x80000048  }
0xb5: {  	_ =	swait.ge [sflag:s29], $0x1  }
0xb6: {  	[sflag:s29] =	ssyncadd.s32 $0xFFFFFFFF  }
0xb7: {  	_ =	strace $0x90000048  }
0xb8: {  	_ =	sfence  }
0xb9: {  	s30 =	sld [smem:$0x0];
	_ =	sdelay $0x2  }
0xba: {  	s31 =	sshll.u32 s1, $0xD;
	s1 =	sshrl.u32 s1, $0x2  }
0xbb: {  	s3 =	sand.u32 $0x4000, s31;
	s1 =	sadd.s32 s1, s30  }
0xbc: {  	s0 =	sor.u32 s3, s0;
	s1 =	sshll.u32 s1, $0x11  }
0xbd: {  	s0 =	sor.u32 s1, s0  }
0xbe: {  	s0 =	sadd.s32 $0x8F2B, s0  }
0xbf: {  	[sflag:s0] =	ssyncadd.remote.s32 $0x1  }
0xc0: {  	_ =	sfence.sel $0xFFFF  }
0xc1: {  	[dreg:$0x0] =	wrdreg $0xFFFFFFFF;
	(pc) =	sbr.abs _section_cstart, $3  }
0xc2: {  	[dreg:$0x1] =	wrdreg $0xFFFFFFFF  }
0xc3: {  	_ =	task.clear_ibuf [dreg:s8], $0x2FFFF;
	_ =	strace $0x9FFFFFFF  }
0xc4: {  	(tm) =	ssettm $0x7FFFFFFF  }
0xc5: {  	_ =	shalt  }
tec
execute0_lowered:
.L_overlay_start_1:
0x0: {  	(tag) =	ssettag $0x1  }
0x1: {  	s14 =	rddreg [dreg:$0x0]  }
0x2: {  	s5 =	rddreg [dreg:$0x1]  }
0x3: {  	s1 =	rddreg [dreg:$0x2]  }
0x4: {  	s0 =	rddreg [dreg:$0x3];
	s2 =	simm.s32 $0x0  }
0x5: {  	s6 =	srdreg.scid;
	s3 =	stileid.u32;
	s17 =	simm.s32 $0x400  }
0x6: {  	s18 =	simm.s32 $0x20000;
	s19 =	simm.s32 $0x800;
	s20 =	simm.s32 $0xD000  }
0x7: {  	s21 =	simm.s32 $0x13400;
	s22 =	simm.s32 $0x1;
	s23 =	simm.s32 $0x2  }
0x8: {  	s24 =	simm.s32 $0x0;
	[smem:$0x7FF] =	sst s2;
	s6 =	sand.u32 $0x1, s6  }
0x9: {  	s4 =	sadd.s32 $0x400, s5;
	s8 =	sshll.u32 s3, $0xA;
	s7 =	ssub.s32 $0x2, s6  }
0xa: {  	s5 =	sadd.s32 $0x600, s5;
	s6 =	sshll.u32 s6, $0x9;
	s9 =	sshrl.u32 s7, $0x1  }
0xb: {  	_ =	strace $0x80000047;
	s8 =	sor.u32 s6, s8;
	s15 =	ssub.s32 s7, s9  }
0xc: {  	s6 =	sadd.s32 s1, s8;
	s11 =	sshll.u32 s8, $0x3;
	s7 =	sadd.s32 s14, s8  }
0xd: {  	s8 =	sadd.s32 $0x64000, s6;
	s9 =	sor.u32 $0x400, s11;
	s10 =	sor.u32 $0x800, s11  }
0xe: {  	s11 =	sor.u32 $0xC00, s11;
	s15 =	smax.u32 s15, $0x1;
	s12 =	sshrl.u32 s9, $0x3  }
0xf: {  	s13 =	sshrl.u32 s10, $0x3;
	s16 =	sshrl.u32 s11, $0x3;
	s12 =	sadd.s32 s14, s12  }
0x10: {  	s13 =	sadd.s32 s14, s13;
	s14 =	sadd.s32 s14, s16;
	s16 =	simm.s32 $0x3  }
.LBB2_1:
0x11: {  	[tilespmem:s2], [sflag:$0x3] =	stream.linear.gather [hbm4b:s4+s2], $0x400, $0x38;
	[tilespmem:$0x19800] =	vst v63  }
0x12: {  	_ =	swait.ge [sflag:s16], $0x400  }
0x13: {  	[sflag:s16] =	ssyncset.done $0x0  }
0x14: {  	[sflag:s16] =	ssyncadd.s32 $0xFFFFFC00  }
0x15: {  	[tilespmem:s17], [sflag:$0x3] =	stream.linear.gather [hbm4b:s5+s2], $0x400, $0x38;
	[tilespmem:$0x19800] =	vst v63  }
0x16: {  	_ =	swait.ge [sflag:s16], $0x400  }
0x17: {  	[sflag:s16] =	ssyncset.done $0x0  }
0x18: {  	[sflag:s16] =	ssyncadd.s32 $0xFFFFFC00  }
0x19: {  	[tilespmem:s19], [sflag:$0x3] =	stream.strided.gather [hbm4b:s7+s17], $0x6400, s18, s17, $0x38;
	[tilespmem:$0x19800] =	vst v63  }
0x1a: {  	_ =	swait.ge [sflag:s16], $0x6400  }
0x1b: {  	[sflag:s16] =	ssyncset.done $0x0  }
0x1c: {  	s25 =	simm.s32 $0x0;
	[sflag:s16] =	ssyncadd.s32 $0xFFFF9C00  }
0x1d: {  	v0 =	vld [tilespmem:s25+$0x870]  }
0x1e: {  	v1 =	vld [tilespmem:s25+$0x800]  }
0x1f: {  	v2 =	vld [tilespmem:s25+$0x810]  }
0x20: {  	v3 =	vld [tilespmem:s25+$0x820]  }
0x21: {  	v4 =	vld [tilespmem:s25+$0x830]  }
0x22: {  	v5 =	vld [tilespmem:s25+$0x840]  }
0x23: {  	v6 =	vld [tilespmem:s25+$0x850];
	_ =	sdelay $0x2  }
0x24: {  	v0 =	vadd.s32 $0xFFFFFFFF, v0;
	v1 =	vadd.s32 $0xFFFFFFFF, v1;
	v2 =	vadd.s32 $0xFFFFFFFF, v2  }
0x25: {  	v3 =	vadd.s32 $0xFFFFFFFF, v3;
	v4 =	vadd.s32 $0xFFFFFFFF, v4;
	v5 =	vadd.s32 $0xFFFFFFFF, v5  }
0x26: {  	v6 =	vadd.s32 $0xFFFFFFFF, v6;
	v7 =	vsub.s32 $0x0, v0;
	v8 =	vsub.s32 $0x0, v1  }
0x27: {  	v9 =	vld [tilespmem:s25+$0x860];
	v10 =	vsub.s32 $0x0, v3;
	v11 =	vsub.s32 $0x0, v4;
	v12 =	vsub.s32 $0x0, v5  }
0x28: {  	v0 =	vmin.u32 v0, v7;
	v7 =	vsub.s32 $0x0, v2;
	v4 =	vmin.u32 v4, v11  }
0x29: {  	v5 =	vmin.u32 v5, v12;
	v0 =	vsub.s32 $0x1, v0;
	v2 =	vmin.u32 v2, v7  }
0x2a: {  	v7 =	vmin.u32 v3, v10;
	v4 =	vsub.s32 $0x1, v4;
	vm0 =	vgt.s32 v0, $0x0  }
0x2b: {  	v2 =	vsub.s32 $0x1, v2;
	vm1 =	vgt.s32 v4, $0x0;
	v0 =	vnsel vm0, $0x0, v0  }
0x2c: {  	v13 =	vcvt.s32.f32 v0;
	v0 =	vmin.u32 v1, v8;
	v8 =	vadd.s32 $0xFFFFFFFF, v9  }
0x2d: {  	vm2 =	vgt.s32 v2, $0x0;
	v1 =	vsub.s32 $0x0, v6;
	v9 =	vsub.s32 $0x0, v8  }
0x2e: {  	v63 =	vmin.u32 v6, v1;
	v3 =	vsub.s32 $0x1, v0;
	v6 =	vsub.s32 $0x1, v7  }
0x2f: {  	v1 =	vsub.s32 $0x1, v5;
	v0 =	vmin.u32 v8, v9;
	vm0 =	vgt.s32 v3, $0x0  }
0x30: {  	s26 =	simm.s32 $0x80;
	s28 =	simm.s32 $0x400;
	v5 =	vsub.s32 $0x1, v63;
	[tilespmem:s25+$0x6C70] =	vst v13;
	vm3 =	vgt.s32 v6, $0x0;
	v0 =	vsub.s32 $0x1, v0  }
.LBB2_2:
0x31: {  	p0 =	sne.s32 s28, $0x18E00;
	v7 =	vld [tilespmem:s26+$0x870];
	vm4 =	vgt.s32 v1, $0x0;
	vm5 =	vgt.s32 v5, $0x0;
	vm6 =	vgt.s32 v0, $0x0  }
0x32: {  	v3 =	vnsel vm0, $0x0, v3;
	v2 =	vnsel vm2, $0x0, v2;
	v6 =	vnsel vm3, $0x0, v6;
	v8 =	vld [tilespmem:s26+$0x800]  }
0x33: {  	v4 =	vnsel vm1, $0x0, v4;
	v1 =	vnsel vm4, $0x0, v1;
	v5 =	vnsel vm5, $0x0, v5;
	v9 =	vld [tilespmem:s26+$0x810]  }
0x34: {  	v3 =	vcvt.s32.f32 v3;
	v2 =	vcvt.s32.f32 v2;
	v0 =	vnsel vm6, $0x0, v0;
	v10 =	vld [tilespmem:s26+$0x820]  }
0x35: {  	v6 =	vcvt.s32.f32 v6;
	v4 =	vcvt.s32.f32 v4;
	v11 =	vld [tilespmem:s26+$0x830]  }
0x36: {  	v1 =	vcvt.s32.f32 v1;
	v12 =	vld [tilespmem:s26+$0x840];
	v7 =	vadd.s32 $0xFFFFFFFF, v7;
	[tilespmem:s25+$0x6C00] =	vst v3;
	v3 =	vcvt.s32.f32 v5  }
0x37: {  	v0 =	vcvt.s32.f32 v0;
	v5 =	vadd.s32 $0xFFFFFFFF, v8;
	v8 =	vld [tilespmem:s26+$0x850];
	v13 =	vsub.s32 $0x0, v7;
	[tilespmem:s25+$0x6C10] =	vst v2  }
0x38: {  	v2 =	vsub.s32 $0x0, v5;
	v9 =	vadd.s32 $0xFFFFFFFF, v9;
	v14 =	vld [tilespmem:s26+$0x860];
	v7 =	vmin.u32 v7, v13;
	[tilespmem:s25+$0x6C20] =	vst v6  }
0x39: {  	v6 =	vsub.s32 $0x0, v9;
	v10 =	vadd.s32 $0xFFFFFFFF, v10;
	v7 =	vsub.s32 $0x1, v7;
	[tilespmem:s25+$0x6C30] =	vst v4  }
0x3a: {  	v4 =	vsub.s32 $0x0, v10;
	v11 =	vadd.s32 $0xFFFFFFFF, v11;
	vm0 =	vgt.s32 v7, $0x0;
	[tilespmem:s25+$0x6C40] =	vst v1  }
0x3b: {  	v1 =	vsub.s32 $0x0, v11;
	v12 =	vadd.s32 $0xFFFFFFFF, v12;
	v7 =	vnsel vm0, $0x0, v7;
	[tilespmem:s25+$0x6C50] =	vst v3  }
0x3c: {  	v3 =	vsub.s32 $0x0, v12;
	v8 =	vadd.s32 $0xFFFFFFFF, v8;
	v7 =	vcvt.s32.f32 v7;
	[tilespmem:s25+$0x6C60] =	vst v0;
	s25 =	smov.u32 s26  }
0x3d: {  	v0 =	vmin.u32 v5, v2;
	v2 =	vsub.s32 $0x0, v8;
	v5 =	vadd.s32 $0xFFFFFFFF, v14  }
0x3e: {  	v6 =	vmin.u32 v9, v6;
	v4 =	vmin.u32 v10, v4;
	v9 =	vsub.s32 $0x0, v5;
	[tilespmem:s25+$0x6C70] =	vst v7  }
.Ltmp0:
0x3f: {  	v1 =	vmin.u32 v11, v1;
	v7 =	vmin.u32 v12, v3;
	v8 =	vmin.u32 v8, v2;
	(pc) =	sbr.rel @p0 .LBB2_2-.Ltmp0, $4  }
0x40: {  	v3 =	vsub.s32 $0x1, v0;
	v2 =	vsub.s32 $0x1, v6;
	v0 =	vmin.u32 v5, v9  }
0x41: {  	v6 =	vsub.s32 $0x1, v4;
	v4 =	vsub.s32 $0x1, v1;
	v1 =	vsub.s32 $0x1, v7  }
0x42: {  	vm0 =	vgt.s32 v3, $0x0;
	v5 =	vsub.s32 $0x1, v8;
	v0 =	vsub.s32 $0x1, v0  }
0x43: {  	s26 =	sshra.s32 s28, $0x2;
	s28 =	sadd.s32 $0x200, s28;
	vm2 =	vgt.s32 v2, $0x0;
	vm3 =	vgt.s32 v6, $0x0;
	vm1 =	vgt.s32 v4, $0x0  }
0x44: {  	v7 =	vld [tilespmem:s26+$0x870]  }
0x45: {  	v8 =	vld [tilespmem:s26+$0x800]  }
0x46: {  	vm4 =	vgt.s32 v1, $0x0;
	v9 =	vld [tilespmem:s26+$0x810]  }
0x47: {  	vm5 =	vgt.s32 v5, $0x0;
	vm6 =	vgt.s32 v0, $0x0;
	v3 =	vnsel vm0, $0x0, v3;
	v10 =	vld [tilespmem:s26+$0x820]  }
0x48: {  	v2 =	vnsel vm2, $0x0, v2;
	v6 =	vnsel vm3, $0x0, v6;
	v4 =	vnsel vm1, $0x0, v4;
	v11 =	vld [tilespmem:s26+$0x830]  }
0x49: {  	v12 =	vld [tilespmem:s26+$0x840];
	v1 =	vnsel vm4, $0x0, v1;
	v3 =	vcvt.s32.f32 v3;
	v2 =	vcvt.s32.f32 v2  }
0x4a: {  	v0 =	vnsel vm6, $0x0, v0;
	v6 =	vcvt.s32.f32 v6;
	v4 =	vcvt.s32.f32 v4  }
0x4b: {  	v5 =	vnsel vm5, $0x0, v5;
	v1 =	vcvt.s32.f32 v1;
	v0 =	vcvt.s32.f32 v0  }
0x4c: {  	[tilespmem:s25+$0x6C00] =	vst v3;
	v3 =	vcvt.s32.f32 v5;
	v7 =	vadd.s32 $0xFFFFFFFF, v7;
	v5 =	vadd.s32 $0xFFFFFFFF, v8  }
0x4d: {  	v9 =	vadd.s32 $0xFFFFFFFF, v9;
	v10 =	vadd.s32 $0xFFFFFFFF, v10;
	v11 =	vadd.s32 $0xFFFFFFFF, v11  }
0x4e: {  	v8 =	vld [tilespmem:s26+$0x850];
	[tilespmem:s25+$0x6C10] =	vst v2;
	v12 =	vadd.s32 $0xFFFFFFFF, v12;
	v13 =	vsub.s32 $0x0, v7;
	v2 =	vsub.s32 $0x0, v5  }
0x4f: {  	v58 =	vsub.s32 $0x0, v9;
	v59 =	vsub.s32 $0x0, v11;
	v7 =	vmin.u32 v7, v13  }
0x50: {  	v2 =	vmin.u32 v5, v2;
	v5 =	vsub.s32 $0x0, v10;
	v9 =	vmin.u32 v9, v58  }
0x51: {  	v14 =	vld [tilespmem:s26+$0x860];
	v11 =	vmin.u32 v11, v59;
	v7 =	vsub.s32 $0x1, v7;
	v5 =	vmin.u32 v10, v5  }
0x52: {  	v10 =	vsub.s32 $0x0, v12;
	v2 =	vsub.s32 $0x1, v2;
	vm8 =	vgt.s32 v7, $0x0  }
0x53: {  	v10 =	vmin.u32 v12, v10;
	v5 =	vsub.s32 $0x1, v5;
	vm9 =	vgt.s32 v2, $0x0  }
0x54: {  	[tilespmem:s25+$0x6C40] =	vst v1;
	v7 =	vnsel vm8, $0x0, v7;
	v8 =	vadd.s32 $0xFFFFFFFF, v8;
	v1 =	vsub.s32 $0x1, v10  }
0x55: {  	v2 =	vnsel vm9, $0x0, v2;
	vm11 =	vgt.s32 v5, $0x0;
	v7 =	vcvt.s32.f32 v7  }
0x56: {  	[tilespmem:s25+$0x6C20] =	vst v6;
	v14 =	vadd.s32 $0xFFFFFFFF, v14;
	v60 =	vsub.s32 $0x0, v8;
	v2 =	vcvt.s32.f32 v2  }
0x57: {  	[tilespmem:s25+$0x6C30] =	vst v4;
	vm13 =	vgt.s32 v1, $0x0;
	v61 =	vsub.s32 $0x0, v14;
	v6 =	vmin.u32 v8, v60  }
0x58: {  	[tilespmem:s25+$0x6C50] =	vst v3;
	v8 =	vsub.s32 $0x1, v9;
	v9 =	vsub.s32 $0x1, v11;
	v1 =	vnsel vm13, $0x0, v1  }
0x59: {  	[tilespmem:s25+$0x6C60] =	vst v0;
	v4 =	vmin.u32 v14, v61;
	vm10 =	vgt.s32 v8, $0x0;
	vm12 =	vgt.s32 v9, $0x0  }
0x5a: {  	[tilespmem:s26+$0x6C70] =	vst v7;
	v1 =	vcvt.s32.f32 v1;
	v3 =	vsub.s32 $0x1, v4;
	v0 =	vnsel vm10, $0x0, v8  }
0x5b: {  	[tilespmem:s26+$0x6C00] =	vst v2;
	v4 =	vnsel vm11, $0x0, v5;
	v5 =	vnsel vm12, $0x0, v9;
	v0 =	vcvt.s32.f32 v0  }
0x5c: {  	v6 =	vsub.s32 $0x1, v6;
	v2 =	vcvt.s32.f32 v5;
	vm15 =	vgt.s32 v3, $0x0;
	[tilespmem:s26+$0x6C40] =	vst v1  }
0x5d: {  	vm14 =	vgt.s32 v6, $0x0;
	v4 =	vcvt.s32.f32 v4;
	v3 =	vnsel vm15, $0x0, v3;
	[tilespmem:s26+$0x6C10] =	vst v0  }
0x5e: {  	v0 =	vnsel vm14, $0x0, v6;
	[tilespmem:s26+$0x6C30] =	vst v2;
	v2 =	vcvt.s32.f32 v3  }
0x5f: {  	[tilespmem:s26+$0x6C20] =	vst v4;
	v0 =	vcvt.s32.f32 v0  }
0x60: {  	[tilespmem:s26+$0x6C60] =	vst v2  }
0x61: {  	[tilespmem:s26+$0x6C50] =	vst v0  }
0x62: {  	v0 =	vld [tilespmem:$0x0]  }
0x63: {  	s26 =	simm.s32 $0x0;
	v1 =	vld [tilespmem:$0x400]  }
0x64: {  	v2 =	vld [tilespmem:s26+$0x6C70]  }
0x65: {  	v3 =	vld [tilespmem:s26+$0x6C00]  }
0x66: {  	v4 =	vld [tilespmem:s26+$0x6C10]  }
0x67: {  	v5 =	vld [tilespmem:s26+$0x6C20]  }
0x68: {  	v6 =	vld [tilespmem:s26+$0x6C30]  }
0x69: {  	v7 =	vld [tilespmem:s26+$0x6C40];
	v2 =	vmul.f32 v2, v1  }
0x6a: {  	v8 =	vld [tilespmem:s26+$0x6C50];
	v3 =	vmul.f32 v3, v1  }
0x6b: {  	s25 =	simm.s32 $0x80;
	v9 =	vld [tilespmem:s26+$0x6C60];
	v4 =	vmul.f32 v4, v1;
	v2 =	vadd.f32 v2, v0  }
0x6c: {  	v10 =	vld [tilespmem:s25+$0x6C70];
	v3 =	vadd.f32 v3, v0  }
0x6d: {  	v11 =	vld [tilespmem:s25+$0x6C00];
	v4 =	vadd.f32 v4, v0;
	[tilespmem:s26+$0xD070] =	vst v2;
	v2 =	vmul.f32 v5, v1  }
0x6e: {  	v6 =	vmul.f32 v6, v1;
	v62 =	vld [tilespmem:s25+$0x6C10];
	[tilespmem:s26+$0xD000] =	vst v3  }
0x6f: {  	v5 =	vld [tilespmem:s25+$0x6C20];
	v2 =	vadd.f32 v2, v0;
	[tilespmem:s26+$0xD010] =	vst v4;
	v4 =	vmul.f32 v7, v1  }
0x70: {  	v6 =	vadd.f32 v6, v0;
	v7 =	vmul.f32 v8, v1  }
0x71: {  	v9 =	vmul.f32 v9, v1;
	v3 =	vld [tilespmem:s25+$0x6C30];
	[tilespmem:s26+$0xD020] =	vst v2;
	v8 =	vadd.f32 v4, v0  }
0x72: {  	v10 =	vmul.f32 v10, v1;
	v63 =	vadd.f32 v7, v0;
	v2 =	vld [tilespmem:s25+$0x6C40];
	[tilespmem:s26+$0xD030] =	vst v6  }
0x73: {  	v9 =	vadd.f32 v9, v0;
	v7 =	vmul.f32 v11, v1;
	v4 =	vld [tilespmem:s25+$0x6C50];
	[tilespmem:s26+$0xD040] =	vst v8  }
0x74: {  	s28 =	simm.s32 $0x100;
	s29 =	simm.s32 $0x600;
	v10 =	vadd.f32 v10, v0;
	v8 =	vmul.f32 v62, v1;
	v6 =	vld [tilespmem:s25+$0x6C60];
	[tilespmem:s26+$0xD050] =	vst v63  }
.LBB2_4:
0x75: {  	p0 =	sne.s32 s29, $0x18E00;
	v11 =	vld [tilespmem:s28+$0x6C70];
	v7 =	vadd.f32 v7, v0;
	v5 =	vmul.f32 v5, v1;
	[tilespmem:s26+$0xD060] =	vst v9;
	s26 =	smov.u32 s25;
	s25 =	smov.u32 s28  }
0x76: {  	v9 =	vld [tilespmem:s25+$0x6C00];
	v8 =	vadd.f32 v8, v0;
	v3 =	vmul.f32 v3, v1;
	[tilespmem:s26+$0xD070] =	vst v10  }
0x77: {  	v10 =	vld [tilespmem:s25+$0x6C10];
	[tilespmem:s26+$0xD000] =	vst v7;
	v7 =	vadd.f32 v5, v0;
	v2 =	vmul.f32 v2, v1  }
.Ltmp1:
0x78: {  	v5 =	vld [tilespmem:s25+$0x6C20];
	[tilespmem:s26+$0xD010] =	vst v8;
	v8 =	vadd.f32 v3, v0;
	v4 =	vmul.f32 v4, v1;
	(pc) =	sbr.rel @p0 .LBB2_4-.Ltmp1, $4  }
0x79: {  	v3 =	vld [tilespmem:s25+$0x6C30];
	[tilespmem:s26+$0xD020] =	vst v7;
	v12 =	vadd.f32 v2, v0;
	v6 =	vmul.f32 v6, v1  }
0x7a: {  	v2 =	vld [tilespmem:s25+$0x6C40];
	v11 =	vmul.f32 v11, v1;
	[tilespmem:s26+$0xD030] =	vst v8;
	v13 =	vadd.f32 v4, v0  }
0x7b: {  	v7 =	vmul.f32 v9, v1;
	v4 =	vld [tilespmem:s25+$0x6C50];
	[tilespmem:s26+$0xD040] =	vst v12;
	v9 =	vadd.f32 v6, v0  }
0x7c: {  	s28 =	sshra.s32 s29, $0x2;
	s29 =	sadd.s32 $0x200, s29;
	v8 =	vmul.f32 v10, v1;
	v6 =	vld [tilespmem:s25+$0x6C60];
	v10 =	vadd.f32 v11, v0;
	[tilespmem:s26+$0xD050] =	vst v13  }
0x7d: {  	v11 =	vld [tilespmem:s28+$0x6C70];
	[tilespmem:s26+$0xD060] =	vst v9;
	v7 =	vadd.f32 v7, v0;
	v5 =	vmul.f32 v5, v1  }
0x7e: {  	v9 =	vld [tilespmem:s28+$0x6C00];
	[tilespmem:s25+$0xD070] =	vst v10;
	v8 =	vadd.f32 v8, v0;
	v3 =	vmul.f32 v3, v1  }
0x7f: {  	v10 =	vld [tilespmem:s28+$0x6C10];
	[tilespmem:s25+$0xD000] =	vst v7;
	v5 =	vadd.f32 v5, v0  }
0x80: {  	v2 =	vmul.f32 v2, v1;
	v7 =	vld [tilespmem:s28+$0x6C20];
	[tilespmem:s25+$0xD010] =	vst v8;
	v3 =	vadd.f32 v3, v0  }
0x81: {  	v4 =	vmul.f32 v4, v1;
	v8 =	vld [tilespmem:s28+$0x6C30];
	[tilespmem:s25+$0xD020] =	vst v5  }
0x82: {  	v2 =	vadd.f32 v2, v0;
	v5 =	vld [tilespmem:s28+$0x6C40];
	[tilespmem:s25+$0xD030] =	vst v3;
	v3 =	vmul.f32 v6, v1  }
0x83: {  	v11 =	vmul.f32 v11, v1;
	v4 =	vadd.f32 v4, v0  }
0x84: {  	v6 =	vld [tilespmem:s28+$0x6C50];
	[tilespmem:s25+$0xD040] =	vst v2;
	v2 =	vmul.f32 v9, v1;
	v3 =	vadd.f32 v3, v0  }
0x85: {  	v9 =	vld [tilespmem:s28+$0x6C60];
	v10 =	vmul.f32 v10, v1;
	v11 =	vadd.f32 v11, v0;
	[tilespmem:s25+$0xD050] =	vst v4  }
0x86: {  	v2 =	vadd.f32 v2, v0;
	v4 =	vmul.f32 v7, v1;
	[tilespmem:s25+$0xD060] =	vst v3  }
0x87: {  	v3 =	vadd.f32 v10, v0;
	v7 =	vmul.f32 v8, v1;
	[tilespmem:s28+$0xD070] =	vst v11  }
0x88: {  	[tilespmem:s28+$0xD000] =	vst v2;
	v2 =	vadd.f32 v4, v0;
	v4 =	vmul.f32 v5, v1  }
0x89: {  	[tilespmem:s28+$0xD010] =	vst v3;
	v3 =	vadd.f32 v7, v0;
	v5 =	vmul.f32 v6, v1  }
0x8a: {  	[tilespmem:s28+$0xD020] =	vst v2;
	v2 =	vadd.f32 v4, v0;
	v1 =	vmul.f32 v9, v1  }
0x8b: {  	[tilespmem:s28+$0xD030] =	vst v3;
	v3 =	vadd.f32 v5, v0  }
0x8c: {  	[tilespmem:s28+$0xD040] =	vst v2;
	v0 =	vadd.f32 v1, v0  }
0x8d: {  	[tilespmem:s28+$0xD050] =	vst v3  }
0x8e: {  	[tilespmem:s28+$0xD060] =	vst v0  }
0x8f: {  	[hbm4b:s6+s17] =	stream.strided.scatter [tilespmem:s20], [sflag:$0x1], $0x6400, s18, s17, $0x38;
	[tilespmem:$0x19800] =	vst v63  }
0x90: {  	v0 =	vld [tilespmem:$0x10]  }
0x91: {  	s26 =	simm.s32 $0x0;
	v1 =	vld [tilespmem:$0x410]  }
0x92: {  	v2 =	vld [tilespmem:s26+$0x6C70]  }
0x93: {  	v3 =	vld [tilespmem:s26+$0x6C00]  }
0x94: {  	v4 =	vld [tilespmem:s26+$0x6C10]  }
0x95: {  	v5 =	vld [tilespmem:s26+$0x6C20]  }
0x96: {  	v6 =	vld [tilespmem:s26+$0x6C30]  }
0x97: {  	v7 =	vld [tilespmem:s26+$0x6C40];
	v2 =	vmul.f32 v2, v1  }
0x98: {  	v8 =	vld [tilespmem:s26+$0x6C50];
	v3 =	vmul.f32 v3, v1  }
0x99: {  	s25 =	simm.s32 $0x80;
	v9 =	vld [tilespmem:s26+$0x6C60];
	v4 =	vmul.f32 v4, v1;
	v2 =	vadd.f32 v2, v0  }
0x9a: {  	v10 =	vld [tilespmem:s25+$0x6C70];
	v3 =	vadd.f32 v3, v0  }
0x9b: {  	v11 =	vld [tilespmem:s25+$0x6C00];
	v4 =	vadd.f32 v4, v0;
	[tilespmem:s26+$0x13470] =	vst v2;
	v2 =	vmul.f32 v5, v1  }
0x9c: {  	v6 =	vmul.f32 v6, v1;
	v12 =	vld [tilespmem:s25+$0x6C10];
	[tilespmem:s26+$0x13400] =	vst v3  }
0x9d: {  	v5 =	vld [tilespmem:s25+$0x6C20];
	v2 =	vadd.f32 v2, v0;
	[tilespmem:s26+$0x13410] =	vst v4;
	v4 =	vmul.f32 v7, v1  }
0x9e: {  	v6 =	vadd.f32 v6, v0;
	v7 =	vmul.f32 v8, v1  }
0x9f: {  	v9 =	vmul.f32 v9, v1;
	v3 =	vld [tilespmem:s25+$0x6C30];
	[tilespmem:s26+$0x13420] =	vst v2;
	v8 =	vadd.f32 v4, v0  }
0xa0: {  	v10 =	vmul.f32 v10, v1;
	v13 =	vadd.f32 v7, v0;
	v2 =	vld [tilespmem:s25+$0x6C40];
	[tilespmem:s26+$0x13430] =	vst v6  }
0xa1: {  	v9 =	vadd.f32 v9, v0;
	v7 =	vmul.f32 v11, v1;
	v4 =	vld [tilespmem:s25+$0x6C50];
	[tilespmem:s26+$0x13440] =	vst v8  }
0xa2: {  	s29 =	simm.s32 $0x600;
	s28 =	simm.s32 $0x100;
	v10 =	vadd.f32 v10, v0;
	v8 =	vmul.f32 v12, v1;
	v6 =	vld [tilespmem:s25+$0x6C60];
	[tilespmem:s26+$0x13450] =	vst v13  }
.LBB2_6:
0xa3: {  	p0 =	sne.s32 s29, $0x18E00;
	v11 =	vld [tilespmem:s28+$0x6C70];
	v7 =	vadd.f32 v7, v0;
	v5 =	vmul.f32 v5, v1;
	[tilespmem:s26+$0x13460] =	vst v9;
	s26 =	smov.u32 s25;
	s25 =	smov.u32 s28  }
0xa4: {  	v9 =	vld [tilespmem:s25+$0x6C00];
	v8 =	vadd.f32 v8, v0;
	v3 =	vmul.f32 v3, v1;
	[tilespmem:s26+$0x13470] =	vst v10  }
0xa5: {  	v10 =	vld [tilespmem:s25+$0x6C10];
	[tilespmem:s26+$0x13400] =	vst v7;
	v7 =	vadd.f32 v5, v0;
	v2 =	vmul.f32 v2, v1  }
.Ltmp2:
0xa6: {  	v5 =	vld [tilespmem:s25+$0x6C20];
	[tilespmem:s26+$0x13410] =	vst v8;
	v8 =	vadd.f32 v3, v0;
	v4 =	vmul.f32 v4, v1;
	(pc) =	sbr.rel @p0 .LBB2_6-.Ltmp2, $4  }
0xa7: {  	v3 =	vld [tilespmem:s25+$0x6C30];
	[tilespmem:s26+$0x13420] =	vst v7;
	v12 =	vadd.f32 v2, v0;
	v6 =	vmul.f32 v6, v1  }
0xa8: {  	v2 =	vld [tilespmem:s25+$0x6C40];
	v11 =	vmul.f32 v11, v1;
	[tilespmem:s26+$0x13430] =	vst v8;
	v13 =	vadd.f32 v4, v0  }
0xa9: {  	v7 =	vmul.f32 v9, v1;
	v4 =	vld [tilespmem:s25+$0x6C50];
	[tilespmem:s26+$0x13440] =	vst v12;
	v9 =	vadd.f32 v6, v0  }
0xaa: {  	s28 =	sshra.s32 s29, $0x2;
	s29 =	sadd.s32 $0x200, s29;
	v8 =	vmul.f32 v10, v1;
	v6 =	vld [tilespmem:s25+$0x6C60];
	v10 =	vadd.f32 v11, v0;
	[tilespmem:s26+$0x13450] =	vst v13  }
0xab: {  	v11 =	vld [tilespmem:s28+$0x6C70];
	[tilespmem:s26+$0x13460] =	vst v9;
	v7 =	vadd.f32 v7, v0;
	v5 =	vmul.f32 v5, v1  }
0xac: {  	v9 =	vld [tilespmem:s28+$0x6C00];
	[tilespmem:s25+$0x13470] =	vst v10;
	v8 =	vadd.f32 v8, v0;
	v3 =	vmul.f32 v3, v1  }
0xad: {  	v10 =	vld [tilespmem:s28+$0x6C10];
	[tilespmem:s25+$0x13400] =	vst v7;
	v5 =	vadd.f32 v5, v0;
	v2 =	vmul.f32 v2, v1  }
0xae: {  	v7 =	vld [tilespmem:s28+$0x6C20];
	[tilespmem:s25+$0x13410] =	vst v8;
	v3 =	vadd.f32 v3, v0;
	v4 =	vmul.f32 v4, v1  }
0xaf: {  	v8 =	vld [tilespmem:s28+$0x6C30];
	[tilespmem:s25+$0x13420] =	vst v5;
	v2 =	vadd.f32 v2, v0;
	v49 =	vmul.f32 v6, v1  }
0xb0: {  	v5 =	vld [tilespmem:s28+$0x6C40];
	[tilespmem:s25+$0x13430] =	vst v3;
	v11 =	vmul.f32 v11, v1;
	v4 =	vadd.f32 v4, v0  }
0xb1: {  	v50 =	vld [tilespmem:s28+$0x6C50];
	[tilespmem:s25+$0x13440] =	vst v2;
	v51 =	vmul.f32 v9, v1;
	v3 =	vadd.f32 v49, v0  }
0xb2: {  	v52 =	vld [tilespmem:s28+$0x6C60];
	v10 =	vmul.f32 v10, v1;
	v11 =	vadd.f32 v11, v0;
	[tilespmem:s25+$0x13450] =	vst v4  }
0xb3: {  	v2 =	vadd.f32 v51, v0;
	v53 =	vmul.f32 v7, v1;
	[tilespmem:s25+$0x13460] =	vst v3  }
0xb4: {  	v54 =	vadd.f32 v10, v0;
	v55 =	vmul.f32 v8, v1;
	[tilespmem:s28+$0x13470] =	vst v11  }
0xb5: {  	[tilespmem:s28+$0x13400] =	vst v2;
	v56 =	vadd.f32 v53, v0;
	v57 =	vmul.f32 v5, v1  }
0xb6: {  	[tilespmem:s28+$0x13410] =	vst v54;
	v58 =	vadd.f32 v55, v0;
	v59 =	vmul.f32 v50, v1  }
0xb7: {  	[tilespmem:s28+$0x13420] =	vst v56;
	v60 =	vadd.f32 v57, v0;
	v61 =	vmul.f32 v52, v1  }
0xb8: {  	[tilespmem:s28+$0x13430] =	vst v58;
	v62 =	vadd.f32 v59, v0  }
0xb9: {  	[tilespmem:s28+$0x13440] =	vst v60;
	v63 =	vadd.f32 v61, v0  }
0xba: {  	[tilespmem:s28+$0x13450] =	vst v62  }
0xbb: {  	s25 =	simm.s32 $0x1;
	[tilespmem:s28+$0x13460] =	vst v63  }
0xbc: {  	[hbm4b:s8+s17] =	stream.strided.scatter [tilespmem:s21], [sflag:$0x2], $0x6400, s18, s17, $0x38;
	[tilespmem:$0x19800] =	vst v63  }
.LBB2_8:
0xbd: {  	_ =	swait.ge [sflag:s22], $0x6400  }
0xbe: {  	[sflag:s22] =	ssyncset.done $0x0  }
0xbf: {  	s26 =	sshll.u32 s25, $0x5;
	[sflag:s22] =	ssyncadd.s32 $0xFFFF9C00  }
0xc0: {  	v0 =	vld [tilespmem:s26+$0x0]  }
0xc1: {  	s28 =	simm.s32 $0x0;
	v1 =	vld [tilespmem:s26+$0x400]  }
0xc2: {  	v2 =	vld [tilespmem:s28+$0x6C70]  }
0xc3: {  	v3 =	vld [tilespmem:s28+$0x6C00]  }
0xc4: {  	v4 =	vld [tilespmem:s28+$0x6C10]  }
0xc5: {  	v5 =	vld [tilespmem:s28+$0x6C20]  }
0xc6: {  	v6 =	vld [tilespmem:s28+$0x6C30]  }
0xc7: {  	v7 =	vld [tilespmem:s28+$0x6C40];
	v2 =	vmul.f32 v2, v1  }
0xc8: {  	v8 =	vld [tilespmem:s28+$0x6C50];
	v3 =	vmul.f32 v3, v1  }
0xc9: {  	s26 =	simm.s32 $0x80;
	v9 =	vld [tilespmem:s28+$0x6C60];
	v4 =	vmul.f32 v4, v1;
	v2 =	vadd.f32 v2, v0  }
0xca: {  	v10 =	vld [tilespmem:s26+$0x6C70];
	v3 =	vadd.f32 v3, v0  }
0xcb: {  	v11 =	vld [tilespmem:s26+$0x6C00];
	v4 =	vadd.f32 v4, v0;
	[tilespmem:s28+$0xD070] =	vst v2;
	v2 =	vmul.f32 v5, v1  }
0xcc: {  	v6 =	vmul.f32 v6, v1;
	v12 =	vld [tilespmem:s26+$0x6C10];
	[tilespmem:s28+$0xD000] =	vst v3  }
0xcd: {  	v5 =	vld [tilespmem:s26+$0x6C20];
	v2 =	vadd.f32 v2, v0;
	[tilespmem:s28+$0xD010] =	vst v4;
	v4 =	vmul.f32 v7, v1  }
0xce: {  	v6 =	vadd.f32 v6, v0;
	v7 =	vmul.f32 v8, v1  }
0xcf: {  	v9 =	vmul.f32 v9, v1;
	v3 =	vld [tilespmem:s26+$0x6C30];
	[tilespmem:s28+$0xD020] =	vst v2;
	v8 =	vadd.f32 v4, v0  }
0xd0: {  	v10 =	vmul.f32 v10, v1;
	v13 =	vadd.f32 v7, v0;
	v2 =	vld [tilespmem:s26+$0x6C40];
	[tilespmem:s28+$0xD030] =	vst v6  }
0xd1: {  	v9 =	vadd.f32 v9, v0;
	v7 =	vmul.f32 v11, v1;
	v4 =	vld [tilespmem:s26+$0x6C50];
	[tilespmem:s28+$0xD040] =	vst v8  }
0xd2: {  	s29 =	simm.s32 $0x100;
	s30 =	simm.s32 $0x600;
	v10 =	vadd.f32 v10, v0;
	v8 =	vmul.f32 v12, v1;
	v6 =	vld [tilespmem:s26+$0x6C60];
	[tilespmem:s28+$0xD050] =	vst v13  }
.LBB2_9:
0xd3: {  	p0 =	sne.s32 s30, $0x18E00;
	v11 =	vld [tilespmem:s29+$0x6C70];
	v7 =	vadd.f32 v7, v0;
	v5 =	vmul.f32 v5, v1;
	[tilespmem:s28+$0xD060] =	vst v9;
	s28 =	smov.u32 s26;
	s26 =	smov.u32 s29  }
0xd4: {  	v9 =	vld [tilespmem:s26+$0x6C00];
	v8 =	vadd.f32 v8, v0;
	v3 =	vmul.f32 v3, v1;
	[tilespmem:s28+$0xD070] =	vst v10  }
0xd5: {  	v10 =	vld [tilespmem:s26+$0x6C10];
	[tilespmem:s28+$0xD000] =	vst v7;
	v7 =	vadd.f32 v5, v0;
	v2 =	vmul.f32 v2, v1  }
.Ltmp3:
0xd6: {  	v5 =	vld [tilespmem:s26+$0x6C20];
	[tilespmem:s28+$0xD010] =	vst v8;
	v8 =	vadd.f32 v3, v0;
	v4 =	vmul.f32 v4, v1;
	(pc) =	sbr.rel @p0 .LBB2_9-.Ltmp3, $4  }
0xd7: {  	v3 =	vld [tilespmem:s26+$0x6C30];
	[tilespmem:s28+$0xD020] =	vst v7;
	v12 =	vadd.f32 v2, v0;
	v6 =	vmul.f32 v6, v1  }
0xd8: {  	v2 =	vld [tilespmem:s26+$0x6C40];
	v11 =	vmul.f32 v11, v1;
	[tilespmem:s28+$0xD030] =	vst v8;
	v13 =	vadd.f32 v4, v0  }
0xd9: {  	v7 =	vmul.f32 v9, v1;
	v4 =	vld [tilespmem:s26+$0x6C50];
	[tilespmem:s28+$0xD040] =	vst v12;
	v9 =	vadd.f32 v6, v0  }
0xda: {  	s29 =	sshra.s32 s30, $0x2;
	s30 =	sadd.s32 $0x200, s30;
	v8 =	vmul.f32 v10, v1;
	v6 =	vld [tilespmem:s26+$0x6C60];
	v10 =	vadd.f32 v11, v0;
	[tilespmem:s28+$0xD050] =	vst v13  }
0xdb: {  	v11 =	vld [tilespmem:s29+$0x6C70];
	[tilespmem:s28+$0xD060] =	vst v9;
	v7 =	vadd.f32 v7, v0;
	v5 =	vmul.f32 v5, v1  }
0xdc: {  	v9 =	vld [tilespmem:s29+$0x6C00];
	[tilespmem:s26+$0xD070] =	vst v10;
	v8 =	vadd.f32 v8, v0;
	v3 =	vmul.f32 v3, v1  }
0xdd: {  	v10 =	vld [tilespmem:s29+$0x6C10];
	[tilespmem:s26+$0xD000] =	vst v7;
	v5 =	vadd.f32 v5, v0  }
0xde: {  	v2 =	vmul.f32 v2, v1;
	v7 =	vld [tilespmem:s29+$0x6C20];
	[tilespmem:s26+$0xD010] =	vst v8;
	v3 =	vadd.f32 v3, v0  }
0xdf: {  	v4 =	vmul.f32 v4, v1;
	v8 =	vld [tilespmem:s29+$0x6C30];
	[tilespmem:s26+$0xD020] =	vst v5  }
0xe0: {  	v2 =	vadd.f32 v2, v0;
	v5 =	vld [tilespmem:s29+$0x6C40];
	[tilespmem:s26+$0xD030] =	vst v3;
	v3 =	vmul.f32 v6, v1  }
0xe1: {  	v11 =	vmul.f32 v11, v1;
	v4 =	vadd.f32 v4, v0  }
0xe2: {  	v6 =	vld [tilespmem:s29+$0x6C50];
	[tilespmem:s26+$0xD040] =	vst v2;
	v2 =	vmul.f32 v9, v1;
	v3 =	vadd.f32 v3, v0  }
0xe3: {  	v9 =	vld [tilespmem:s29+$0x6C60];
	v10 =	vmul.f32 v10, v1;
	v11 =	vadd.f32 v11, v0;
	[tilespmem:s26+$0xD050] =	vst v4  }
0xe4: {  	v2 =	vadd.f32 v2, v0;
	v4 =	vmul.f32 v7, v1;
	[tilespmem:s26+$0xD060] =	vst v3  }
0xe5: {  	v3 =	vadd.f32 v10, v0;
	v7 =	vmul.f32 v8, v1;
	[tilespmem:s29+$0xD070] =	vst v11  }
0xe6: {  	[tilespmem:s29+$0xD000] =	vst v2;
	v2 =	vadd.f32 v4, v0;
	v4 =	vmul.f32 v5, v1  }
0xe7: {  	[tilespmem:s29+$0xD010] =	vst v3;
	v3 =	vadd.f32 v7, v0;
	v5 =	vmul.f32 v6, v1  }
0xe8: {  	[tilespmem:s29+$0xD020] =	vst v2;
	v2 =	vadd.f32 v4, v0;
	v1 =	vmul.f32 v9, v1  }
0xe9: {  	[tilespmem:s29+$0xD030] =	vst v3;
	v3 =	vadd.f32 v5, v0  }
0xea: {  	s26 =	smul.u32 $0xC8000, s25;
	[tilespmem:s29+$0xD040] =	vst v2;
	v0 =	vadd.f32 v1, v0  }
0xeb: {  	[tilespmem:s29+$0xD050] =	vst v3  }
0xec: {  	s26 =	sadd.s32 s26, s6;
	[tilespmem:s29+$0xD060] =	vst v0  }
0xed: {  	[hbm4b:s26+s17] =	stream.strided.scatter [tilespmem:s20], [sflag:$0x1], $0x6400, s18, s17, $0x38;
	[tilespmem:$0x19800] =	vst v63  }
0xee: {  	_ =	swait.ge [sflag:s23], $0x6400  }
0xef: {  	s26 =	sshllo.u32 s25, $0x1;
	[sflag:s23] =	ssyncset.done $0x0  }
0xf0: {  	s28 =	sshll.u32 s26, $0x4;
	[sflag:s23] =	ssyncadd.s32 $0xFFFF9C00  }
0xf1: {  	v0 =	vld [tilespmem:s28+$0x0]  }
0xf2: {  	s29 =	simm.s32 $0x0;
	v1 =	vld [tilespmem:s28+$0x400]  }
0xf3: {  	v2 =	vld [tilespmem:s29+$0x6C70]  }
0xf4: {  	v3 =	vld [tilespmem:s29+$0x6C00]  }
0xf5: {  	v4 =	vld [tilespmem:s29+$0x6C10]  }
0xf6: {  	v5 =	vld [tilespmem:s29+$0x6C20]  }
0xf7: {  	v6 =	vld [tilespmem:s29+$0x6C30]  }
0xf8: {  	v7 =	vld [tilespmem:s29+$0x6C40];
	v2 =	vmul.f32 v2, v1  }
0xf9: {  	v8 =	vld [tilespmem:s29+$0x6C50];
	v3 =	vmul.f32 v3, v1  }
0xfa: {  	s28 =	simm.s32 $0x80;
	v9 =	vld [tilespmem:s29+$0x6C60];
	v4 =	vmul.f32 v4, v1;
	v2 =	vadd.f32 v2, v0  }
0xfb: {  	v10 =	vld [tilespmem:s28+$0x6C70];
	v3 =	vadd.f32 v3, v0  }
0xfc: {  	v11 =	vld [tilespmem:s28+$0x6C00];
	v4 =	vadd.f32 v4, v0;
	[tilespmem:s29+$0x13470] =	vst v2;
	v2 =	vmul.f32 v5, v1  }
0xfd: {  	v6 =	vmul.f32 v6, v1;
	v12 =	vld [tilespmem:s28+$0x6C10];
	[tilespmem:s29+$0x13400] =	vst v3  }
0xfe: {  	v5 =	vld [tilespmem:s28+$0x6C20];
	v2 =	vadd.f32 v2, v0;
	[tilespmem:s29+$0x13410] =	vst v4;
	v4 =	vmul.f32 v7, v1  }
0xff: {  	v6 =	vadd.f32 v6, v0;
	v7 =	vmul.f32 v8, v1  }
0x100: {  	v9 =	vmul.f32 v9, v1;
	v3 =	vld [tilespmem:s28+$0x6C30];
	[tilespmem:s29+$0x13420] =	vst v2;
	v8 =	vadd.f32 v4, v0  }
0x101: {  	v10 =	vmul.f32 v10, v1;
	v13 =	vadd.f32 v7, v0;
	v2 =	vld [tilespmem:s28+$0x6C40];
	[tilespmem:s29+$0x13430] =	vst v6  }
0x102: {  	v9 =	vadd.f32 v9, v0;
	v7 =	vmul.f32 v11, v1;
	v4 =	vld [tilespmem:s28+$0x6C50];
	[tilespmem:s29+$0x13440] =	vst v8  }
0x103: {  	s30 =	simm.s32 $0x100;
	s31 =	simm.s32 $0x600;
	v10 =	vadd.f32 v10, v0;
	v8 =	vmul.f32 v12, v1;
	v6 =	vld [tilespmem:s28+$0x6C60];
	[tilespmem:s29+$0x13450] =	vst v13  }
.LBB2_11:
0x104: {  	p0 =	sne.s32 s31, $0x18E00;
	v11 =	vld [tilespmem:s30+$0x6C70];
	v7 =	vadd.f32 v7, v0;
	v5 =	vmul.f32 v5, v1;
	[tilespmem:s29+$0x13460] =	vst v9;
	s29 =	smov.u32 s28;
	s28 =	smov.u32 s30  }
0x105: {  	v9 =	vld [tilespmem:s28+$0x6C00];
	v8 =	vadd.f32 v8, v0;
	v3 =	vmul.f32 v3, v1;
	[tilespmem:s29+$0x13470] =	vst v10  }
0x106: {  	v10 =	vld [tilespmem:s28+$0x6C10];
	[tilespmem:s29+$0x13400] =	vst v7;
	v7 =	vadd.f32 v5, v0;
	v2 =	vmul.f32 v2, v1  }
.Ltmp4:
0x107: {  	v5 =	vld [tilespmem:s28+$0x6C20];
	[tilespmem:s29+$0x13410] =	vst v8;
	v8 =	vadd.f32 v3, v0;
	v4 =	vmul.f32 v4, v1;
	(pc) =	sbr.rel @p0 .LBB2_11-.Ltmp4, $4  }
0x108: {  	v3 =	vld [tilespmem:s28+$0x6C30];
	[tilespmem:s29+$0x13420] =	vst v7;
	v12 =	vadd.f32 v2, v0;
	v6 =	vmul.f32 v6, v1  }
0x109: {  	v2 =	vld [tilespmem:s28+$0x6C40];
	v11 =	vmul.f32 v11, v1;
	[tilespmem:s29+$0x13430] =	vst v8;
	v13 =	vadd.f32 v4, v0  }
0x10a: {  	v7 =	vmul.f32 v9, v1;
	v4 =	vld [tilespmem:s28+$0x6C50];
	[tilespmem:s29+$0x13440] =	vst v12;
	v9 =	vadd.f32 v6, v0  }
0x10b: {  	s30 =	sshra.s32 s31, $0x2;
	s31 =	sadd.s32 $0x200, s31;
	v8 =	vmul.f32 v10, v1;
	v6 =	vld [tilespmem:s28+$0x6C60];
	v10 =	vadd.f32 v11, v0;
	[tilespmem:s29+$0x13450] =	vst v13  }
0x10c: {  	v11 =	vld [tilespmem:s30+$0x6C70];
	[tilespmem:s29+$0x13460] =	vst v9;
	v7 =	vadd.f32 v7, v0;
	v5 =	vmul.f32 v5, v1  }
0x10d: {  	v9 =	vld [tilespmem:s30+$0x6C00];
	[tilespmem:s28+$0x13470] =	vst v10;
	v8 =	vadd.f32 v8, v0;
	v3 =	vmul.f32 v3, v1  }
0x10e: {  	v10 =	vld [tilespmem:s30+$0x6C10];
	[tilespmem:s28+$0x13400] =	vst v7;
	v5 =	vadd.f32 v5, v0;
	v2 =	vmul.f32 v2, v1  }
0x10f: {  	v7 =	vld [tilespmem:s30+$0x6C20];
	[tilespmem:s28+$0x13410] =	vst v8;
	v3 =	vadd.f32 v3, v0;
	v4 =	vmul.f32 v4, v1  }
0x110: {  	v8 =	vld [tilespmem:s30+$0x6C30];
	[tilespmem:s28+$0x13420] =	vst v5;
	v2 =	vadd.f32 v2, v0;
	v49 =	vmul.f32 v6, v1  }
0x111: {  	v5 =	vld [tilespmem:s30+$0x6C40];
	[tilespmem:s28+$0x13430] =	vst v3;
	v11 =	vmul.f32 v11, v1;
	v4 =	vadd.f32 v4, v0  }
0x112: {  	v50 =	vld [tilespmem:s30+$0x6C50];
	[tilespmem:s28+$0x13440] =	vst v2;
	v51 =	vmul.f32 v9, v1;
	v3 =	vadd.f32 v49, v0  }
0x113: {  	v52 =	vld [tilespmem:s30+$0x6C60];
	v10 =	vmul.f32 v10, v1;
	v11 =	vadd.f32 v11, v0;
	[tilespmem:s28+$0x13450] =	vst v4  }
0x114: {  	v2 =	vadd.f32 v51, v0;
	v53 =	vmul.f32 v7, v1;
	[tilespmem:s28+$0x13460] =	vst v3  }
0x115: {  	v54 =	vadd.f32 v10, v0;
	v55 =	vmul.f32 v8, v1;
	[tilespmem:s30+$0x13470] =	vst v11  }
0x116: {  	[tilespmem:s30+$0x13400] =	vst v2;
	v56 =	vadd.f32 v53, v0;
	v57 =	vmul.f32 v5, v1  }
0x117: {  	s25 =	sadd.s32 $0x1, s25;
	[tilespmem:s30+$0x13410] =	vst v54;
	v58 =	vadd.f32 v55, v0;
	v59 =	vmul.f32 v50, v1  }
0x118: {  	p0 =	sne.s32 s25, $0x20;
	[tilespmem:s30+$0x13420] =	vst v56;
	v60 =	vadd.f32 v57, v0;
	v61 =	vmul.f32 v52, v1  }
.Ltmp5:
0x119: {  	[tilespmem:s30+$0x13430] =	vst v58;
	v62 =	vadd.f32 v59, v0;
	(pc) =	sbr.rel @p0 .LBB2_8-.Ltmp5, $4  }
0x11a: {  	s26 =	smul.u32 $0x64000, s26;
	[tilespmem:s30+$0x13440] =	vst v60;
	v63 =	vadd.f32 v61, v0  }
0x11b: {  	[tilespmem:s30+$0x13450] =	vst v62  }
0x11c: {  	s26 =	sadd.s32 s26, s6;
	[tilespmem:s30+$0x13460] =	vst v63  }
0x11d: {  	[hbm4b:s26+s17] =	stream.strided.scatter [tilespmem:s21], [sflag:$0x2], $0x6400, s18, s17, $0x38;
	[tilespmem:$0x19800] =	vst v63  }
0x11e: {  	[tilespmem:s19], [sflag:$0x3] =	stream.strided.gather [hbm4b:s12+s17], $0x6400, s18, s17, $0x38;
	[tilespmem:$0x19800] =	vst v63  }
0x11f: {  	_ =	swait.ge [sflag:s16], $0x6400  }
0x120: {  	[sflag:s16] =	ssyncset.done $0x0  }
0x121: {  	s26 =	simm.s32 $0x0;
	[sflag:s16] =	ssyncadd.s32 $0xFFFF9C00  }
0x122: {  	v0 =	vld [tilespmem:s26+$0x870]  }
0x123: {  	v1 =	vld [tilespmem:s26+$0x800]  }
0x124: {  	v2 =	vld [tilespmem:s26+$0x810]  }
0x125: {  	v3 =	vld [tilespmem:s26+$0x820]  }
0x126: {  	v4 =	vld [tilespmem:s26+$0x830]  }
0x127: {  	v5 =	vld [tilespmem:s26+$0x840]  }
0x128: {  	v6 =	vld [tilespmem:s26+$0x850];
	_ =	sdelay $0x2  }
0x129: {  	v0 =	vadd.s32 $0xFFFFFFFF, v0;
	v1 =	vadd.s32 $0xFFFFFFFF, v1;
	v2 =	vadd.s32 $0xFFFFFFFF, v2  }
0x12a: {  	v3 =	vadd.s32 $0xFFFFFFFF, v3;
	v4 =	vadd.s32 $0xFFFFFFFF, v4;
	v5 =	vadd.s32 $0xFFFFFFFF, v5  }
0x12b: {  	v6 =	vadd.s32 $0xFFFFFFFF, v6;
	v7 =	vsub.s32 $0x0, v0;
	v8 =	vsub.s32 $0x0, v1  }
0x12c: {  	v9 =	vld [tilespmem:s26+$0x860];
	v10 =	vsub.s32 $0x0, v3;
	v11 =	vsub.s32 $0x0, v4;
	v12 =	vsub.s32 $0x0, v5  }
0x12d: {  	v0 =	vmin.u32 v0, v7;
	v7 =	vsub.s32 $0x0, v2;
	v4 =	vmin.u32 v4, v11  }
0x12e: {  	v5 =	vmin.u32 v5, v12;
	v0 =	vsub.s32 $0x1, v0;
	v2 =	vmin.u32 v2, v7  }
0x12f: {  	v7 =	vmin.u32 v3, v10;
	v4 =	vsub.s32 $0x1, v4;
	vm0 =	vgt.s32 v0, $0x0  }
0x130: {  	v2 =	vsub.s32 $0x1, v2;
	vm1 =	vgt.s32 v4, $0x0;
	v0 =	vnsel vm0, $0x0, v0  }
0x131: {  	v13 =	vcvt.s32.f32 v0;
	v0 =	vmin.u32 v1, v8;
	v8 =	vadd.s32 $0xFFFFFFFF, v9  }
0x132: {  	vm2 =	vgt.s32 v2, $0x0;
	v1 =	vsub.s32 $0x0, v6;
	v9 =	vsub.s32 $0x0, v8  }
0x133: {  	v63 =	vmin.u32 v6, v1;
	v3 =	vsub.s32 $0x1, v0;
	v6 =	vsub.s32 $0x1, v7  }
0x134: {  	v1 =	vsub.s32 $0x1, v5;
	v0 =	vmin.u32 v8, v9;
	vm0 =	vgt.s32 v3, $0x0  }
0x135: {  	s25 =	simm.s32 $0x0;
	s28 =	simm.s32 $0x80;
	s29 =	simm.s32 $0x400;
	v5 =	vsub.s32 $0x1, v63;
	[tilespmem:s26+$0x6C70] =	vst v13;
	vm3 =	vgt.s32 v6, $0x0;
	v0 =	vsub.s32 $0x1, v0  }
.LBB2_14:
0x136: {  	p0 =	sne.s32 s29, $0x18E00;
	v7 =	vld [tilespmem:s28+$0x870];
	vm4 =	vgt.s32 v1, $0x0;
	vm5 =	vgt.s32 v5, $0x0;
	vm6 =	vgt.s32 v0, $0x0  }
0x137: {  	v3 =	vnsel vm0, $0x0, v3;
	v2 =	vnsel vm2, $0x0, v2;
	v6 =	vnsel vm3, $0x0, v6;
	v8 =	vld [tilespmem:s28+$0x800]  }
0x138: {  	v4 =	vnsel vm1, $0x0, v4;
	v1 =	vnsel vm4, $0x0, v1;
	v5 =	vnsel vm5, $0x0, v5;
	v9 =	vld [tilespmem:s28+$0x810]  }
0x139: {  	v3 =	vcvt.s32.f32 v3;
	v2 =	vcvt.s32.f32 v2;
	v0 =	vnsel vm6, $0x0, v0;
	v10 =	vld [tilespmem:s28+$0x820]  }
0x13a: {  	v6 =	vcvt.s32.f32 v6;
	v4 =	vcvt.s32.f32 v4;
	v11 =	vld [tilespmem:s28+$0x830]  }
0x13b: {  	v1 =	vcvt.s32.f32 v1;
	v12 =	vld [tilespmem:s28+$0x840];
	v7 =	vadd.s32 $0xFFFFFFFF, v7;
	[tilespmem:s26+$0x6C00] =	vst v3;
	v3 =	vcvt.s32.f32 v5  }
0x13c: {  	v0 =	vcvt.s32.f32 v0;
	v5 =	vadd.s32 $0xFFFFFFFF, v8;
	v8 =	vld [tilespmem:s28+$0x850];
	v13 =	vsub.s32 $0x0, v7;
	[tilespmem:s26+$0x6C10] =	vst v2  }
0x13d: {  	v2 =	vsub.s32 $0x0, v5;
	v9 =	vadd.s32 $0xFFFFFFFF, v9;
	v14 =	vld [tilespmem:s28+$0x860];
	v7 =	vmin.u32 v7, v13;
	[tilespmem:s26+$0x6C20] =	vst v6  }
0x13e: {  	v6 =	vsub.s32 $0x0, v9;
	v10 =	vadd.s32 $0xFFFFFFFF, v10;
	v7 =	vsub.s32 $0x1, v7;
	[tilespmem:s26+$0x6C30] =	vst v4  }
0x13f: {  	v4 =	vsub.s32 $0x0, v10;
	v11 =	vadd.s32 $0xFFFFFFFF, v11;
	vm0 =	vgt.s32 v7, $0x0;
	[tilespmem:s26+$0x6C40] =	vst v1  }
0x140: {  	v1 =	vsub.s32 $0x0, v11;
	v12 =	vadd.s32 $0xFFFFFFFF, v12;
	v7 =	vnsel vm0, $0x0, v7;
	[tilespmem:s26+$0x6C50] =	vst v3  }
0x141: {  	v3 =	vsub.s32 $0x0, v12;
	v8 =	vadd.s32 $0xFFFFFFFF, v8;
	v7 =	vcvt.s32.f32 v7;
	[tilespmem:s26+$0x6C60] =	vst v0;
	s26 =	smov.u32 s28  }
0x142: {  	v0 =	vmin.u32 v5, v2;
	v2 =	vsub.s32 $0x0, v8;
	v5 =	vadd.s32 $0xFFFFFFFF, v14  }
0x143: {  	v6 =	vmin.u32 v9, v6;
	v4 =	vmin.u32 v10, v4;
	v9 =	vsub.s32 $0x0, v5;
	[tilespmem:s26+$0x6C70] =	vst v7  }
.Ltmp6:
0x144: {  	v1 =	vmin.u32 v11, v1;
	v7 =	vmin.u32 v12, v3;
	v8 =	vmin.u32 v8, v2;
	(pc) =	sbr.rel @p0 .LBB2_14-.Ltmp6, $4  }
0x145: {  	v3 =	vsub.s32 $0x1, v0;
	v2 =	vsub.s32 $0x1, v6;
	v0 =	vmin.u32 v5, v9  }
0x146: {  	v6 =	vsub.s32 $0x1, v4;
	v4 =	vsub.s32 $0x1, v1;
	v1 =	vsub.s32 $0x1, v7  }
0x147: {  	vm0 =	vgt.s32 v3, $0x0;
	v5 =	vsub.s32 $0x1, v8;
	v0 =	vsub.s32 $0x1, v0  }
0x148: {  	s28 =	sshra.s32 s29, $0x2;
	s29 =	sadd.s32 $0x200, s29;
	vm2 =	vgt.s32 v2, $0x0;
	vm3 =	vgt.s32 v6, $0x0;
	vm1 =	vgt.s32 v4, $0x0  }
0x149: {  	v7 =	vld [tilespmem:s28+$0x870]  }
0x14a: {  	v8 =	vld [tilespmem:s28+$0x800]  }
0x14b: {  	vm4 =	vgt.s32 v1, $0x0;
	v9 =	vld [tilespmem:s28+$0x810]  }
0x14c: {  	vm5 =	vgt.s32 v5, $0x0;
	vm6 =	vgt.s32 v0, $0x0;
	v3 =	vnsel vm0, $0x0, v3;
	v10 =	vld [tilespmem:s28+$0x820]  }
0x14d: {  	v2 =	vnsel vm2, $0x0, v2;
	v6 =	vnsel vm3, $0x0, v6;
	v4 =	vnsel vm1, $0x0, v4;
	v11 =	vld [tilespmem:s28+$0x830]  }
0x14e: {  	v12 =	vld [tilespmem:s28+$0x840];
	v1 =	vnsel vm4, $0x0, v1;
	v3 =	vcvt.s32.f32 v3;
	v2 =	vcvt.s32.f32 v2  }
0x14f: {  	v5 =	vnsel vm5, $0x0, v5;
	v6 =	vcvt.s32.f32 v6;
	v4 =	vcvt.s32.f32 v4  }
0x150: {  	v0 =	vnsel vm6, $0x0, v0;
	v1 =	vcvt.s32.f32 v1;
	v42 =	vcvt.s32.f32 v5  }
0x151: {  	v0 =	vcvt.s32.f32 v0;
	v7 =	vadd.s32 $0xFFFFFFFF, v7;
	v43 =	vadd.s32 $0xFFFFFFFF, v8  }
0x152: {  	v9 =	vadd.s32 $0xFFFFFFFF, v9;
	v10 =	vadd.s32 $0xFFFFFFFF, v10;
	v11 =	vadd.s32 $0xFFFFFFFF, v11  }
0x153: {  	[tilespmem:s26+$0x6C00] =	vst v3;
	v12 =	vadd.s32 $0xFFFFFFFF, v12;
	v13 =	vsub.s32 $0x0, v7;
	v45 =	vsub.s32 $0x0, v43  }
0x154: {  	v44 =	vld [tilespmem:s28+$0x850];
	v46 =	vsub.s32 $0x0, v9;
	v47 =	vsub.s32 $0x0, v10;
	v48 =	vsub.s32 $0x0, v11  }
0x155: {  	[tilespmem:s26+$0x6C10] =	vst v2;
	v49 =	vsub.s32 $0x0, v12;
	v7 =	vmin.u32 v7, v13;
	v2 =	vmin.u32 v43, v45  }
0x156: {  	v9 =	vmin.u32 v9, v46;
	v5 =	vmin.u32 v10, v47;
	v11 =	vmin.u32 v11, v48  }
0x157: {  	v14 =	vld [tilespmem:s28+$0x860];
	v10 =	vmin.u32 v12, v49;
	v7 =	vsub.s32 $0x1, v7;
	v2 =	vsub.s32 $0x1, v2  }
0x158: {  	v53 =	vsub.s32 $0x1, v9;
	v5 =	vsub.s32 $0x1, v5;
	v55 =	vsub.s32 $0x1, v11  }
0x159: {  	v56 =	vsub.s32 $0x1, v10;
	vm8 =	vgt.s32 v7, $0x0;
	v8 =	vadd.s32 $0xFFFFFFFF, v44  }
0x15a: {  	[tilespmem:s26+$0x6C20] =	vst v6;
	vm9 =	vgt.s32 v2, $0x0;
	vm10 =	vgt.s32 v53, $0x0;
	vm11 =	vgt.s32 v5, $0x0  }
0x15b: {  	[tilespmem:s26+$0x6C30] =	vst v4;
	vm12 =	vgt.s32 v55, $0x0;
	vm13 =	vgt.s32 v56, $0x0;
	v7 =	vnsel vm8, $0x0, v7  }
0x15c: {  	[tilespmem:s26+$0x6C40] =	vst v1;
	v14 =	vadd.s32 $0xFFFFFFFF, v14;
	v50 =	vsub.s32 $0x0, v8;
	v2 =	vnsel vm9, $0x0, v2  }
0x15d: {  	[tilespmem:s26+$0x6C50] =	vst v42;
	v58 =	vnsel vm10, $0x0, v53;
	v59 =	vnsel vm11, $0x0, v5;
	v7 =	vcvt.s32.f32 v7  }
0x15e: {  	[tilespmem:s26+$0x6C60] =	vst v0;
	v60 =	vnsel vm12, $0x0, v55;
	v1 =	vnsel vm13, $0x0, v56;
	v2 =	vcvt.s32.f32 v2  }
0x15f: {  	v51 =	vsub.s32 $0x0, v14;
	v52 =	vmin.u32 v8, v50;
	v0 =	vcvt.s32.f32 v58;
	[tilespmem:s28+$0x6C70] =	vst v7  }
0x160: {  	v4 =	vcvt.s32.f32 v59;
	v54 =	vmin.u32 v14, v51;
	v6 =	vsub.s32 $0x1, v52;
	[tilespmem:s28+$0x6C00] =	vst v2  }
0x161: {  	v61 =	vcvt.s32.f32 v60;
	v57 =	vsub.s32 $0x1, v54;
	vm14 =	vgt.s32 v6, $0x0;
	[tilespmem:s28+$0x6C10] =	vst v0  }
0x162: {  	v1 =	vcvt.s32.f32 v1;
	[tilespmem:s28+$0x6C20] =	vst v4;
	vm15 =	vgt.s32 v57, $0x0;
	v62 =	vnsel vm14, $0x0, v6  }
0x163: {  	[tilespmem:s28+$0x6C30] =	vst v61;
	v3 =	vnsel vm15, $0x0, v57;
	v0 =	vcvt.s32.f32 v62  }
0x164: {  	[tilespmem:s28+$0x6C40] =	vst v1;
	v63 =	vcvt.s32.f32 v3  }
0x165: {  	[tilespmem:s28+$0x6C50] =	vst v0  }
0x166: {  	[tilespmem:s28+$0x6C60] =	vst v63  }
.LBB2_16:
0x167: {  	_ =	swait.ge [sflag:s22], $0x6400  }
0x168: {  	[sflag:s22] =	ssyncset.done $0x0  }
0x169: {  	s26 =	sshll.u32 s25, $0x5;
	[sflag:s22] =	ssyncadd.s32 $0xFFFF9C00  }
0x16a: {  	v0 =	vld [tilespmem:s26+$0x0]  }
0x16b: {  	s28 =	simm.s32 $0x0;
	v1 =	vld [tilespmem:s26+$0x400]  }
0x16c: {  	v2 =	vld [tilespmem:s28+$0x6C70]  }
0x16d: {  	v3 =	vld [tilespmem:s28+$0x6C00]  }
0x16e: {  	v4 =	vld [tilespmem:s28+$0x6C10]  }
0x16f: {  	v5 =	vld [tilespmem:s28+$0x6C20]  }
0x170: {  	v6 =	vld [tilespmem:s28+$0x6C30]  }
0x171: {  	v7 =	vld [tilespmem:s28+$0x6C40];
	v2 =	vmul.f32 v2, v1  }
0x172: {  	v8 =	vld [tilespmem:s28+$0x6C50];
	v3 =	vmul.f32 v3, v1  }
0x173: {  	s26 =	simm.s32 $0x80;
	v9 =	vld [tilespmem:s28+$0x6C60];
	v4 =	vmul.f32 v4, v1;
	v2 =	vadd.f32 v2, v0  }
0x174: {  	v10 =	vld [tilespmem:s26+$0x6C70];
	v3 =	vadd.f32 v3, v0  }
0x175: {  	v11 =	vld [tilespmem:s26+$0x6C00];
	v4 =	vadd.f32 v4, v0;
	[tilespmem:s28+$0xD070] =	vst v2;
	v2 =	vmul.f32 v5, v1  }
0x176: {  	v6 =	vmul.f32 v6, v1;
	v12 =	vld [tilespmem:s26+$0x6C10];
	[tilespmem:s28+$0xD000] =	vst v3  }
0x177: {  	v5 =	vld [tilespmem:s26+$0x6C20];
	v2 =	vadd.f32 v2, v0;
	[tilespmem:s28+$0xD010] =	vst v4;
	v4 =	vmul.f32 v7, v1  }
0x178: {  	v6 =	vadd.f32 v6, v0;
	v7 =	vmul.f32 v8, v1  }
0x179: {  	v9 =	vmul.f32 v9, v1;
	v3 =	vld [tilespmem:s26+$0x6C30];
	[tilespmem:s28+$0xD020] =	vst v2;
	v8 =	vadd.f32 v4, v0  }
0x17a: {  	v10 =	vmul.f32 v10, v1;
	v13 =	vadd.f32 v7, v0;
	v2 =	vld [tilespmem:s26+$0x6C40];
	[tilespmem:s28+$0xD030] =	vst v6  }
0x17b: {  	v9 =	vadd.f32 v9, v0;
	v7 =	vmul.f32 v11, v1;
	v4 =	vld [tilespmem:s26+$0x6C50];
	[tilespmem:s28+$0xD040] =	vst v8  }
0x17c: {  	s29 =	simm.s32 $0x100;
	s30 =	simm.s32 $0x600;
	v10 =	vadd.f32 v10, v0;
	v8 =	vmul.f32 v12, v1;
	v6 =	vld [tilespmem:s26+$0x6C60];
	[tilespmem:s28+$0xD050] =	vst v13  }
.LBB2_17:
0x17d: {  	p0 =	sne.s32 s30, $0x18E00;
	v11 =	vld [tilespmem:s29+$0x6C70];
	v7 =	vadd.f32 v7, v0;
	v5 =	vmul.f32 v5, v1;
	[tilespmem:s28+$0xD060] =	vst v9;
	s28 =	smov.u32 s26;
	s26 =	smov.u32 s29  }
0x17e: {  	v9 =	vld [tilespmem:s26+$0x6C00];
	v8 =	vadd.f32 v8, v0;
	v3 =	vmul.f32 v3, v1;
	[tilespmem:s28+$0xD070] =	vst v10  }
0x17f: {  	v10 =	vld [tilespmem:s26+$0x6C10];
	[tilespmem:s28+$0xD000] =	vst v7;
	v7 =	vadd.f32 v5, v0;
	v2 =	vmul.f32 v2, v1  }
.Ltmp7:
0x180: {  	v5 =	vld [tilespmem:s26+$0x6C20];
	[tilespmem:s28+$0xD010] =	vst v8;
	v8 =	vadd.f32 v3, v0;
	v4 =	vmul.f32 v4, v1;
	(pc) =	sbr.rel @p0 .LBB2_17-.Ltmp7, $4  }
0x181: {  	v3 =	vld [tilespmem:s26+$0x6C30];
	[tilespmem:s28+$0xD020] =	vst v7;
	v12 =	vadd.f32 v2, v0;
	v6 =	vmul.f32 v6, v1  }
0x182: {  	v2 =	vld [tilespmem:s26+$0x6C40];
	v11 =	vmul.f32 v11, v1;
	[tilespmem:s28+$0xD030] =	vst v8;
	v13 =	vadd.f32 v4, v0  }
0x183: {  	v7 =	vmul.f32 v9, v1;
	v4 =	vld [tilespmem:s26+$0x6C50];
	[tilespmem:s28+$0xD040] =	vst v12;
	v9 =	vadd.f32 v6, v0  }
0x184: {  	s29 =	sshra.s32 s30, $0x2;
	s30 =	sadd.s32 $0x200, s30;
	v8 =	vmul.f32 v10, v1;
	v6 =	vld [tilespmem:s26+$0x6C60];
	v10 =	vadd.f32 v11, v0;
	[tilespmem:s28+$0xD050] =	vst v13  }
0x185: {  	v11 =	vld [tilespmem:s29+$0x6C70];
	[tilespmem:s28+$0xD060] =	vst v9;
	v7 =	vadd.f32 v7, v0;
	v5 =	vmul.f32 v5, v1  }
0x186: {  	v9 =	vld [tilespmem:s29+$0x6C00];
	[tilespmem:s26+$0xD070] =	vst v10;
	v8 =	vadd.f32 v8, v0;
	v3 =	vmul.f32 v3, v1  }
0x187: {  	v10 =	vld [tilespmem:s29+$0x6C10];
	[tilespmem:s26+$0xD000] =	vst v7;
	v5 =	vadd.f32 v5, v0  }
0x188: {  	v2 =	vmul.f32 v2, v1;
	v7 =	vld [tilespmem:s29+$0x6C20];
	[tilespmem:s26+$0xD010] =	vst v8;
	v3 =	vadd.f32 v3, v0  }
0x189: {  	v4 =	vmul.f32 v4, v1;
	v8 =	vld [tilespmem:s29+$0x6C30];
	[tilespmem:s26+$0xD020] =	vst v5  }
0x18a: {  	v2 =	vadd.f32 v2, v0;
	v5 =	vld [tilespmem:s29+$0x6C40];
	[tilespmem:s26+$0xD030] =	vst v3;
	v3 =	vmul.f32 v6, v1  }
0x18b: {  	v11 =	vmul.f32 v11, v1;
	v4 =	vadd.f32 v4, v0  }
0x18c: {  	v6 =	vld [tilespmem:s29+$0x6C50];
	[tilespmem:s26+$0xD040] =	vst v2;
	v2 =	vmul.f32 v9, v1;
	v3 =	vadd.f32 v3, v0  }
0x18d: {  	v9 =	vld [tilespmem:s29+$0x6C60];
	v10 =	vmul.f32 v10, v1;
	v11 =	vadd.f32 v11, v0;
	[tilespmem:s26+$0xD050] =	vst v4  }
0x18e: {  	v2 =	vadd.f32 v2, v0;
	v4 =	vmul.f32 v7, v1;
	[tilespmem:s26+$0xD060] =	vst v3  }
0x18f: {  	v3 =	vadd.f32 v10, v0;
	v7 =	vmul.f32 v8, v1;
	[tilespmem:s29+$0xD070] =	vst v11  }
0x190: {  	[tilespmem:s29+$0xD000] =	vst v2;
	v2 =	vadd.f32 v4, v0;
	v4 =	vmul.f32 v5, v1  }
0x191: {  	[tilespmem:s29+$0xD010] =	vst v3;
	v3 =	vadd.f32 v7, v0;
	v5 =	vmul.f32 v6, v1  }
0x192: {  	s26 =	smul.u32 $0x640000, s25;
	[tilespmem:s29+$0xD020] =	vst v2;
	v2 =	vadd.f32 v4, v0;
	v1 =	vmul.f32 v9, v1  }
0x193: {  	[tilespmem:s29+$0xD030] =	vst v3;
	v3 =	vadd.f32 v5, v0  }
0x194: {  	s26 =	sor.u32 s9, s26;
	[tilespmem:s29+$0xD040] =	vst v2;
	v0 =	vadd.f32 v1, v0  }
0x195: {  	s26 =	sshrl.u32 s26, $0x3;
	[tilespmem:s29+$0xD050] =	vst v3  }
0x196: {  	s26 =	sadd.s32 s1, s26;
	[tilespmem:s29+$0xD060] =	vst v0  }
0x197: {  	[hbm4b:s26+s17] =	stream.strided.scatter [tilespmem:s20], [sflag:$0x1], $0x6400, s18, s17, $0x38;
	[tilespmem:$0x19800] =	vst v63  }
0x198: {  	_ =	swait.ge [sflag:s23], $0x6400  }
0x199: {  	s26 =	sshllo.u32 s25, $0x1;
	[sflag:s23] =	ssyncset.done $0x0  }
0x19a: {  	s28 =	sshll.u32 s26, $0x4;
	[sflag:s23] =	ssyncadd.s32 $0xFFFF9C00  }
0x19b: {  	v0 =	vld [tilespmem:s28+$0x0]  }
0x19c: {  	s29 =	simm.s32 $0x0;
	v1 =	vld [tilespmem:s28+$0x400]  }
0x19d: {  	v2 =	vld [tilespmem:s29+$0x6C70]  }
0x19e: {  	v3 =	vld [tilespmem:s29+$0x6C00]  }
0x19f: {  	v4 =	vld [tilespmem:s29+$0x6C10]  }
0x1a0: {  	v5 =	vld [tilespmem:s29+$0x6C20]  }
0x1a1: {  	v6 =	vld [tilespmem:s29+$0x6C30]  }
0x1a2: {  	v7 =	vld [tilespmem:s29+$0x6C40];
	v2 =	vmul.f32 v2, v1  }
0x1a3: {  	v8 =	vld [tilespmem:s29+$0x6C50];
	v3 =	vmul.f32 v3, v1  }
0x1a4: {  	s28 =	simm.s32 $0x80;
	v9 =	vld [tilespmem:s29+$0x6C60];
	v4 =	vmul.f32 v4, v1;
	v2 =	vadd.f32 v2, v0  }
0x1a5: {  	v10 =	vld [tilespmem:s28+$0x6C70];
	v3 =	vadd.f32 v3, v0  }
0x1a6: {  	v11 =	vld [tilespmem:s28+$0x6C00];
	v4 =	vadd.f32 v4, v0;
	[tilespmem:s29+$0x13470] =	vst v2;
	v2 =	vmul.f32 v5, v1  }
0x1a7: {  	v6 =	vmul.f32 v6, v1;
	v12 =	vld [tilespmem:s28+$0x6C10];
	[tilespmem:s29+$0x13400] =	vst v3  }
0x1a8: {  	v5 =	vld [tilespmem:s28+$0x6C20];
	v2 =	vadd.f32 v2, v0;
	[tilespmem:s29+$0x13410] =	vst v4;
	v4 =	vmul.f32 v7, v1  }
0x1a9: {  	v6 =	vadd.f32 v6, v0;
	v7 =	vmul.f32 v8, v1  }
0x1aa: {  	v9 =	vmul.f32 v9, v1;
	v3 =	vld [tilespmem:s28+$0x6C30];
	[tilespmem:s29+$0x13420] =	vst v2;
	v8 =	vadd.f32 v4, v0  }
0x1ab: {  	v10 =	vmul.f32 v10, v1;
	v13 =	vadd.f32 v7, v0;
	v2 =	vld [tilespmem:s28+$0x6C40];
	[tilespmem:s29+$0x13430] =	vst v6  }
0x1ac: {  	v9 =	vadd.f32 v9, v0;
	v7 =	vmul.f32 v11, v1;
	v4 =	vld [tilespmem:s28+$0x6C50];
	[tilespmem:s29+$0x13440] =	vst v8  }
0x1ad: {  	s30 =	simm.s32 $0x100;
	s31 =	simm.s32 $0x600;
	v10 =	vadd.f32 v10, v0;
	v8 =	vmul.f32 v12, v1;
	v6 =	vld [tilespmem:s28+$0x6C60];
	[tilespmem:s29+$0x13450] =	vst v13  }
.LBB2_19:
0x1ae: {  	p0 =	sne.s32 s31, $0x18E00;
	v11 =	vld [tilespmem:s30+$0x6C70];
	v7 =	vadd.f32 v7, v0;
	v5 =	vmul.f32 v5, v1;
	[tilespmem:s29+$0x13460] =	vst v9;
	s29 =	smov.u32 s28;
	s28 =	smov.u32 s30  }
0x1af: {  	v9 =	vld [tilespmem:s28+$0x6C00];
	v8 =	vadd.f32 v8, v0;
	v3 =	vmul.f32 v3, v1;
	[tilespmem:s29+$0x13470] =	vst v10  }
0x1b0: {  	v10 =	vld [tilespmem:s28+$0x6C10];
	[tilespmem:s29+$0x13400] =	vst v7;
	v7 =	vadd.f32 v5, v0;
	v2 =	vmul.f32 v2, v1  }
.Ltmp8:
0x1b1: {  	v5 =	vld [tilespmem:s28+$0x6C20];
	[tilespmem:s29+$0x13410] =	vst v8;
	v8 =	vadd.f32 v3, v0;
	v4 =	vmul.f32 v4, v1;
	(pc) =	sbr.rel @p0 .LBB2_19-.Ltmp8, $4  }
0x1b2: {  	v3 =	vld [tilespmem:s28+$0x6C30];
	[tilespmem:s29+$0x13420] =	vst v7;
	v12 =	vadd.f32 v2, v0;
	v6 =	vmul.f32 v6, v1  }
0x1b3: {  	v2 =	vld [tilespmem:s28+$0x6C40];
	v11 =	vmul.f32 v11, v1;
	[tilespmem:s29+$0x13430] =	vst v8;
	v13 =	vadd.f32 v4, v0  }
0x1b4: {  	v7 =	vmul.f32 v9, v1;
	v4 =	vld [tilespmem:s28+$0x6C50];
	[tilespmem:s29+$0x13440] =	vst v12;
	v9 =	vadd.f32 v6, v0  }
0x1b5: {  	s30 =	sshra.s32 s31, $0x2;
	s31 =	sadd.s32 $0x200, s31;
	v8 =	vmul.f32 v10, v1;
	v6 =	vld [tilespmem:s28+$0x6C60];
	v10 =	vadd.f32 v11, v0;
	[tilespmem:s29+$0x13450] =	vst v13  }
0x1b6: {  	v11 =	vld [tilespmem:s30+$0x6C70];
	[tilespmem:s29+$0x13460] =	vst v9;
	v7 =	vadd.f32 v7, v0;
	v5 =	vmul.f32 v5, v1  }
0x1b7: {  	v9 =	vld [tilespmem:s30+$0x6C00];
	[tilespmem:s28+$0x13470] =	vst v10;
	v8 =	vadd.f32 v8, v0;
	v3 =	vmul.f32 v3, v1  }
0x1b8: {  	v10 =	vld [tilespmem:s30+$0x6C10];
	[tilespmem:s28+$0x13400] =	vst v7;
	v5 =	vadd.f32 v5, v0;
	v2 =	vmul.f32 v2, v1  }
0x1b9: {  	v7 =	vld [tilespmem:s30+$0x6C20];
	[tilespmem:s28+$0x13410] =	vst v8;
	v3 =	vadd.f32 v3, v0;
	v4 =	vmul.f32 v4, v1  }
0x1ba: {  	v8 =	vld [tilespmem:s30+$0x6C30];
	[tilespmem:s28+$0x13420] =	vst v5;
	v2 =	vadd.f32 v2, v0;
	v49 =	vmul.f32 v6, v1  }
0x1bb: {  	v5 =	vld [tilespmem:s30+$0x6C40];
	[tilespmem:s28+$0x13430] =	vst v3;
	v11 =	vmul.f32 v11, v1;
	v4 =	vadd.f32 v4, v0  }
0x1bc: {  	v50 =	vld [tilespmem:s30+$0x6C50];
	[tilespmem:s28+$0x13440] =	vst v2;
	v51 =	vmul.f32 v9, v1;
	v3 =	vadd.f32 v49, v0  }
0x1bd: {  	v52 =	vld [tilespmem:s30+$0x6C60];
	v10 =	vmul.f32 v10, v1;
	v11 =	vadd.f32 v11, v0;
	[tilespmem:s28+$0x13450] =	vst v4  }
0x1be: {  	v2 =	vadd.f32 v51, v0;
	v53 =	vmul.f32 v7, v1;
	[tilespmem:s28+$0x13460] =	vst v3  }
0x1bf: {  	v54 =	vadd.f32 v10, v0;
	v55 =	vmul.f32 v8, v1;
	[tilespmem:s30+$0x13470] =	vst v11  }
0x1c0: {  	[tilespmem:s30+$0x13400] =	vst v2;
	v56 =	vadd.f32 v53, v0;
	v57 =	vmul.f32 v5, v1  }
0x1c1: {  	s25 =	sadd.s32 $0x1, s25;
	[tilespmem:s30+$0x13410] =	vst v54;
	v58 =	vadd.f32 v55, v0;
	v59 =	vmul.f32 v50, v1  }
0x1c2: {  	s26 =	smul.u32 $0x320000, s26;
	p0 =	sne.s32 s25, $0x20;
	[tilespmem:s30+$0x13420] =	vst v56;
	v60 =	vadd.f32 v57, v0;
	v61 =	vmul.f32 v52, v1  }
.Ltmp9:
0x1c3: {  	[tilespmem:s30+$0x13430] =	vst v58;
	v62 =	vadd.f32 v59, v0;
	(pc) =	sbr.rel @p0 .LBB2_16-.Ltmp9, $4  }
0x1c4: {  	s26 =	sor.u32 s9, s26;
	[tilespmem:s30+$0x13440] =	vst v60;
	v63 =	vadd.f32 v61, v0  }
0x1c5: {  	s26 =	sshrl.u32 s26, $0x3;
	[tilespmem:s30+$0x13450] =	vst v62  }
0x1c6: {  	s26 =	sadd.s32 s1, s26;
	[tilespmem:s30+$0x13460] =	vst v63  }
0x1c7: {  	[hbm4b:s26+s17] =	stream.strided.scatter [tilespmem:s21], [sflag:$0x2], $0x6400, s18, s17, $0x38;
	[tilespmem:$0x19800] =	vst v63  }
0x1c8: {  	[tilespmem:s19], [sflag:$0x3] =	stream.strided.gather [hbm4b:s13+s17], $0x6400, s18, s17, $0x38;
	[tilespmem:$0x19800] =	vst v63  }
0x1c9: {  	_ =	swait.ge [sflag:s16], $0x6400  }
0x1ca: {  	[sflag:s16] =	ssyncset.done $0x0  }
0x1cb: {  	s26 =	simm.s32 $0x0;
	[sflag:s16] =	ssyncadd.s32 $0xFFFF9C00  }
0x1cc: {  	v0 =	vld [tilespmem:s26+$0x870]  }
0x1cd: {  	v1 =	vld [tilespmem:s26+$0x800]  }
0x1ce: {  	v2 =	vld [tilespmem:s26+$0x810]  }
0x1cf: {  	v3 =	vld [tilespmem:s26+$0x820]  }
0x1d0: {  	v4 =	vld [tilespmem:s26+$0x830]  }
0x1d1: {  	v5 =	vld [tilespmem:s26+$0x840]  }
0x1d2: {  	v6 =	vld [tilespmem:s26+$0x850];
	_ =	sdelay $0x2  }
0x1d3: {  	v0 =	vadd.s32 $0xFFFFFFFF, v0;
	v1 =	vadd.s32 $0xFFFFFFFF, v1;
	v2 =	vadd.s32 $0xFFFFFFFF, v2  }
0x1d4: {  	v3 =	vadd.s32 $0xFFFFFFFF, v3;
	v4 =	vadd.s32 $0xFFFFFFFF, v4;
	v5 =	vadd.s32 $0xFFFFFFFF, v5  }
0x1d5: {  	v6 =	vadd.s32 $0xFFFFFFFF, v6;
	v7 =	vsub.s32 $0x0, v0;
	v8 =	vsub.s32 $0x0, v1  }
0x1d6: {  	v9 =	vld [tilespmem:s26+$0x860];
	v10 =	vsub.s32 $0x0, v3;
	v11 =	vsub.s32 $0x0, v4;
	v12 =	vsub.s32 $0x0, v5  }
0x1d7: {  	v0 =	vmin.u32 v0, v7;
	v7 =	vsub.s32 $0x0, v2;
	v4 =	vmin.u32 v4, v11  }
0x1d8: {  	v5 =	vmin.u32 v5, v12;
	v0 =	vsub.s32 $0x1, v0;
	v2 =	vmin.u32 v2, v7  }
0x1d9: {  	v7 =	vmin.u32 v3, v10;
	v4 =	vsub.s32 $0x1, v4;
	vm0 =	vgt.s32 v0, $0x0  }
0x1da: {  	v2 =	vsub.s32 $0x1, v2;
	vm1 =	vgt.s32 v4, $0x0;
	v0 =	vnsel vm0, $0x0, v0  }
0x1db: {  	v13 =	vcvt.s32.f32 v0;
	v0 =	vmin.u32 v1, v8;
	v8 =	vadd.s32 $0xFFFFFFFF, v9  }
0x1dc: {  	vm2 =	vgt.s32 v2, $0x0;
	v1 =	vsub.s32 $0x0, v6;
	v9 =	vsub.s32 $0x0, v8  }
0x1dd: {  	v63 =	vmin.u32 v6, v1;
	v3 =	vsub.s32 $0x1, v0;
	v6 =	vsub.s32 $0x1, v7  }
0x1de: {  	v1 =	vsub.s32 $0x1, v5;
	v0 =	vmin.u32 v8, v9;
	vm0 =	vgt.s32 v3, $0x0  }
0x1df: {  	s25 =	simm.s32 $0x0;
	s28 =	simm.s32 $0x80;
	s29 =	simm.s32 $0x400;
	v5 =	vsub.s32 $0x1, v63;
	[tilespmem:s26+$0x6C70] =	vst v13;
	vm3 =	vgt.s32 v6, $0x0;
	v0 =	vsub.s32 $0x1, v0  }
.LBB2_22:
0x1e0: {  	p0 =	sne.s32 s29, $0x18E00;
	v7 =	vld [tilespmem:s28+$0x870];
	vm4 =	vgt.s32 v1, $0x0;
	vm5 =	vgt.s32 v5, $0x0;
	vm6 =	vgt.s32 v0, $0x0  }
0x1e1: {  	v3 =	vnsel vm0, $0x0, v3;
	v2 =	vnsel vm2, $0x0, v2;
	v6 =	vnsel vm3, $0x0, v6;
	v8 =	vld [tilespmem:s28+$0x800]  }
0x1e2: {  	v4 =	vnsel vm1, $0x0, v4;
	v1 =	vnsel vm4, $0x0, v1;
	v5 =	vnsel vm5, $0x0, v5;
	v9 =	vld [tilespmem:s28+$0x810]  }
0x1e3: {  	v3 =	vcvt.s32.f32 v3;
	v2 =	vcvt.s32.f32 v2;
	v0 =	vnsel vm6, $0x0, v0;
	v10 =	vld [tilespmem:s28+$0x820]  }
0x1e4: {  	v6 =	vcvt.s32.f32 v6;
	v4 =	vcvt.s32.f32 v4;
	v11 =	vld [tilespmem:s28+$0x830]  }
0x1e5: {  	v1 =	vcvt.s32.f32 v1;
	v12 =	vld [tilespmem:s28+$0x840];
	v7 =	vadd.s32 $0xFFFFFFFF, v7;
	[tilespmem:s26+$0x6C00] =	vst v3;
	v3 =	vcvt.s32.f32 v5  }
0x1e6: {  	v0 =	vcvt.s32.f32 v0;
	v5 =	vadd.s32 $0xFFFFFFFF, v8;
	v8 =	vld [tilespmem:s28+$0x850];
	v13 =	vsub.s32 $0x0, v7;
	[tilespmem:s26+$0x6C10] =	vst v2  }
0x1e7: {  	v2 =	vsub.s32 $0x0, v5;
	v9 =	vadd.s32 $0xFFFFFFFF, v9;
	v14 =	vld [tilespmem:s28+$0x860];
	v7 =	vmin.u32 v7, v13;
	[tilespmem:s26+$0x6C20] =	vst v6  }
0x1e8: {  	v6 =	vsub.s32 $0x0, v9;
	v10 =	vadd.s32 $0xFFFFFFFF, v10;
	v7 =	vsub.s32 $0x1, v7;
	[tilespmem:s26+$0x6C30] =	vst v4  }
0x1e9: {  	v4 =	vsub.s32 $0x0, v10;
	v11 =	vadd.s32 $0xFFFFFFFF, v11;
	vm0 =	vgt.s32 v7, $0x0;
	[tilespmem:s26+$0x6C40] =	vst v1  }
0x1ea: {  	v1 =	vsub.s32 $0x0, v11;
	v12 =	vadd.s32 $0xFFFFFFFF, v12;
	v7 =	vnsel vm0, $0x0, v7;
	[tilespmem:s26+$0x6C50] =	vst v3  }
0x1eb: {  	v3 =	vsub.s32 $0x0, v12;
	v8 =	vadd.s32 $0xFFFFFFFF, v8;
	v7 =	vcvt.s32.f32 v7;
	[tilespmem:s26+$0x6C60] =	vst v0;
	s26 =	smov.u32 s28  }
0x1ec: {  	v0 =	vmin.u32 v5, v2;
	v2 =	vsub.s32 $0x0, v8;
	v5 =	vadd.s32 $0xFFFFFFFF, v14  }
0x1ed: {  	v6 =	vmin.u32 v9, v6;
	v4 =	vmin.u32 v10, v4;
	v9 =	vsub.s32 $0x0, v5;
	[tilespmem:s26+$0x6C70] =	vst v7  }
.Ltmp10:
0x1ee: {  	v1 =	vmin.u32 v11, v1;
	v7 =	vmin.u32 v12, v3;
	v8 =	vmin.u32 v8, v2;
	(pc) =	sbr.rel @p0 .LBB2_22-.Ltmp10, $4  }
0x1ef: {  	v3 =	vsub.s32 $0x1, v0;
	v2 =	vsub.s32 $0x1, v6;
	v0 =	vmin.u32 v5, v9  }
0x1f0: {  	v6 =	vsub.s32 $0x1, v4;
	v4 =	vsub.s32 $0x1, v1;
	v1 =	vsub.s32 $0x1, v7  }
0x1f1: {  	vm0 =	vgt.s32 v3, $0x0;
	v5 =	vsub.s32 $0x1, v8;
	v0 =	vsub.s32 $0x1, v0  }
0x1f2: {  	s28 =	sshra.s32 s29, $0x2;
	s29 =	sadd.s32 $0x200, s29;
	vm2 =	vgt.s32 v2, $0x0;
	vm3 =	vgt.s32 v6, $0x0;
	vm1 =	vgt.s32 v4, $0x0  }
0x1f3: {  	v7 =	vld [tilespmem:s28+$0x870]  }
0x1f4: {  	v8 =	vld [tilespmem:s28+$0x800]  }
0x1f5: {  	vm4 =	vgt.s32 v1, $0x0;
	v9 =	vld [tilespmem:s28+$0x810]  }
0x1f6: {  	vm5 =	vgt.s32 v5, $0x0;
	vm6 =	vgt.s32 v0, $0x0;
	v3 =	vnsel vm0, $0x0, v3;
	v10 =	vld [tilespmem:s28+$0x820]  }
0x1f7: {  	v2 =	vnsel vm2, $0x0, v2;
	v6 =	vnsel vm3, $0x0, v6;
	v4 =	vnsel vm1, $0x0, v4;
	v11 =	vld [tilespmem:s28+$0x830]  }
0x1f8: {  	v12 =	vld [tilespmem:s28+$0x840];
	v1 =	vnsel vm4, $0x0, v1;
	v3 =	vcvt.s32.f32 v3;
	v2 =	vcvt.s32.f32 v2  }
0x1f9: {  	v5 =	vnsel vm5, $0x0, v5;
	v6 =	vcvt.s32.f32 v6;
	v4 =	vcvt.s32.f32 v4  }
0x1fa: {  	v0 =	vnsel vm6, $0x0, v0;
	v1 =	vcvt.s32.f32 v1;
	v42 =	vcvt.s32.f32 v5  }
0x1fb: {  	v0 =	vcvt.s32.f32 v0;
	v7 =	vadd.s32 $0xFFFFFFFF, v7;
	v43 =	vadd.s32 $0xFFFFFFFF, v8  }
0x1fc: {  	v9 =	vadd.s32 $0xFFFFFFFF, v9;
	v10 =	vadd.s32 $0xFFFFFFFF, v10;
	v11 =	vadd.s32 $0xFFFFFFFF, v11  }
0x1fd: {  	[tilespmem:s26+$0x6C00] =	vst v3;
	v12 =	vadd.s32 $0xFFFFFFFF, v12;
	v13 =	vsub.s32 $0x0, v7;
	v45 =	vsub.s32 $0x0, v43  }
0x1fe: {  	v44 =	vld [tilespmem:s28+$0x850];
	v46 =	vsub.s32 $0x0, v9;
	v47 =	vsub.s32 $0x0, v10;
	v48 =	vsub.s32 $0x0, v11  }
0x1ff: {  	[tilespmem:s26+$0x6C10] =	vst v2;
	v49 =	vsub.s32 $0x0, v12;
	v7 =	vmin.u32 v7, v13;
	v2 =	vmin.u32 v43, v45  }
0x200: {  	v9 =	vmin.u32 v9, v46;
	v5 =	vmin.u32 v10, v47;
	v11 =	vmin.u32 v11, v48  }
0x201: {  	v14 =	vld [tilespmem:s28+$0x860];
	v10 =	vmin.u32 v12, v49;
	v7 =	vsub.s32 $0x1, v7;
	v2 =	vsub.s32 $0x1, v2  }
0x202: {  	v53 =	vsub.s32 $0x1, v9;
	v5 =	vsub.s32 $0x1, v5;
	v55 =	vsub.s32 $0x1, v11  }
0x203: {  	v56 =	vsub.s32 $0x1, v10;
	vm8 =	vgt.s32 v7, $0x0;
	v8 =	vadd.s32 $0xFFFFFFFF, v44  }
0x204: {  	[tilespmem:s26+$0x6C20] =	vst v6;
	vm9 =	vgt.s32 v2, $0x0;
	vm10 =	vgt.s32 v53, $0x0;
	vm11 =	vgt.s32 v5, $0x0  }
0x205: {  	[tilespmem:s26+$0x6C30] =	vst v4;
	vm12 =	vgt.s32 v55, $0x0;
	vm13 =	vgt.s32 v56, $0x0;
	v7 =	vnsel vm8, $0x0, v7  }
0x206: {  	[tilespmem:s26+$0x6C40] =	vst v1;
	v14 =	vadd.s32 $0xFFFFFFFF, v14;
	v50 =	vsub.s32 $0x0, v8;
	v2 =	vnsel vm9, $0x0, v2  }
0x207: {  	[tilespmem:s26+$0x6C50] =	vst v42;
	v58 =	vnsel vm10, $0x0, v53;
	v59 =	vnsel vm11, $0x0, v5;
	v7 =	vcvt.s32.f32 v7  }
0x208: {  	[tilespmem:s26+$0x6C60] =	vst v0;
	v60 =	vnsel vm12, $0x0, v55;
	v1 =	vnsel vm13, $0x0, v56;
	v2 =	vcvt.s32.f32 v2  }
0x209: {  	v51 =	vsub.s32 $0x0, v14;
	v52 =	vmin.u32 v8, v50;
	v0 =	vcvt.s32.f32 v58;
	[tilespmem:s28+$0x6C70] =	vst v7  }
0x20a: {  	v4 =	vcvt.s32.f32 v59;
	v54 =	vmin.u32 v14, v51;
	v6 =	vsub.s32 $0x1, v52;
	[tilespmem:s28+$0x6C00] =	vst v2  }
0x20b: {  	v61 =	vcvt.s32.f32 v60;
	v57 =	vsub.s32 $0x1, v54;
	vm14 =	vgt.s32 v6, $0x0;
	[tilespmem:s28+$0x6C10] =	vst v0  }
0x20c: {  	v1 =	vcvt.s32.f32 v1;
	[tilespmem:s28+$0x6C20] =	vst v4;
	vm15 =	vgt.s32 v57, $0x0;
	v62 =	vnsel vm14, $0x0, v6  }
0x20d: {  	[tilespmem:s28+$0x6C30] =	vst v61;
	v3 =	vnsel vm15, $0x0, v57;
	v0 =	vcvt.s32.f32 v62  }
0x20e: {  	[tilespmem:s28+$0x6C40] =	vst v1;
	v63 =	vcvt.s32.f32 v3  }
0x20f: {  	[tilespmem:s28+$0x6C50] =	vst v0  }
0x210: {  	[tilespmem:s28+$0x6C60] =	vst v63  }
.LBB2_24:
0x211: {  	_ =	swait.ge [sflag:s22], $0x6400  }
0x212: {  	[sflag:s22] =	ssyncset.done $0x0  }
0x213: {  	s26 =	sshll.u32 s25, $0x5;
	[sflag:s22] =	ssyncadd.s32 $0xFFFF9C00  }
0x214: {  	v0 =	vld [tilespmem:s26+$0x0]  }
0x215: {  	s28 =	simm.s32 $0x0;
	v1 =	vld [tilespmem:s26+$0x400]  }
0x216: {  	v2 =	vld [tilespmem:s28+$0x6C70]  }
0x217: {  	v3 =	vld [tilespmem:s28+$0x6C00]  }
0x218: {  	v4 =	vld [tilespmem:s28+$0x6C10]  }
0x219: {  	v5 =	vld [tilespmem:s28+$0x6C20]  }
0x21a: {  	v6 =	vld [tilespmem:s28+$0x6C30]  }
0x21b: {  	v7 =	vld [tilespmem:s28+$0x6C40];
	v2 =	vmul.f32 v2, v1  }
0x21c: {  	v8 =	vld [tilespmem:s28+$0x6C50];
	v3 =	vmul.f32 v3, v1  }
0x21d: {  	s26 =	simm.s32 $0x80;
	v9 =	vld [tilespmem:s28+$0x6C60];
	v4 =	vmul.f32 v4, v1;
	v2 =	vadd.f32 v2, v0  }
0x21e: {  	v10 =	vld [tilespmem:s26+$0x6C70];
	v3 =	vadd.f32 v3, v0  }
0x21f: {  	v11 =	vld [tilespmem:s26+$0x6C00];
	v4 =	vadd.f32 v4, v0;
	[tilespmem:s28+$0xD070] =	vst v2;
	v2 =	vmul.f32 v5, v1  }
0x220: {  	v6 =	vmul.f32 v6, v1;
	v12 =	vld [tilespmem:s26+$0x6C10];
	[tilespmem:s28+$0xD000] =	vst v3  }
0x221: {  	v5 =	vld [tilespmem:s26+$0x6C20];
	v2 =	vadd.f32 v2, v0;
	[tilespmem:s28+$0xD010] =	vst v4;
	v4 =	vmul.f32 v7, v1  }
0x222: {  	v6 =	vadd.f32 v6, v0;
	v7 =	vmul.f32 v8, v1  }
0x223: {  	v9 =	vmul.f32 v9, v1;
	v3 =	vld [tilespmem:s26+$0x6C30];
	[tilespmem:s28+$0xD020] =	vst v2;
	v8 =	vadd.f32 v4, v0  }
0x224: {  	v10 =	vmul.f32 v10, v1;
	v13 =	vadd.f32 v7, v0;
	v2 =	vld [tilespmem:s26+$0x6C40];
	[tilespmem:s28+$0xD030] =	vst v6  }
0x225: {  	v9 =	vadd.f32 v9, v0;
	v7 =	vmul.f32 v11, v1;
	v4 =	vld [tilespmem:s26+$0x6C50];
	[tilespmem:s28+$0xD040] =	vst v8  }
0x226: {  	s29 =	simm.s32 $0x100;
	s30 =	simm.s32 $0x600;
	v10 =	vadd.f32 v10, v0;
	v8 =	vmul.f32 v12, v1;
	v6 =	vld [tilespmem:s26+$0x6C60];
	[tilespmem:s28+$0xD050] =	vst v13  }
.LBB2_25:
0x227: {  	p0 =	sne.s32 s30, $0x18E00;
	v11 =	vld [tilespmem:s29+$0x6C70];
	v7 =	vadd.f32 v7, v0;
	v5 =	vmul.f32 v5, v1;
	[tilespmem:s28+$0xD060] =	vst v9;
	s28 =	smov.u32 s26;
	s26 =	smov.u32 s29  }
0x228: {  	v9 =	vld [tilespmem:s26+$0x6C00];
	v8 =	vadd.f32 v8, v0;
	v3 =	vmul.f32 v3, v1;
	[tilespmem:s28+$0xD070] =	vst v10  }
0x229: {  	v10 =	vld [tilespmem:s26+$0x6C10];
	[tilespmem:s28+$0xD000] =	vst v7;
	v7 =	vadd.f32 v5, v0;
	v2 =	vmul.f32 v2, v1  }
.Ltmp11:
0x22a: {  	v5 =	vld [tilespmem:s26+$0x6C20];
	[tilespmem:s28+$0xD010] =	vst v8;
	v8 =	vadd.f32 v3, v0;
	v4 =	vmul.f32 v4, v1;
	(pc) =	sbr.rel @p0 .LBB2_25-.Ltmp11, $4  }
0x22b: {  	v3 =	vld [tilespmem:s26+$0x6C30];
	[tilespmem:s28+$0xD020] =	vst v7;
	v12 =	vadd.f32 v2, v0;
	v6 =	vmul.f32 v6, v1  }
0x22c: {  	v2 =	vld [tilespmem:s26+$0x6C40];
	v11 =	vmul.f32 v11, v1;
	[tilespmem:s28+$0xD030] =	vst v8;
	v13 =	vadd.f32 v4, v0  }
0x22d: {  	v7 =	vmul.f32 v9, v1;
	v4 =	vld [tilespmem:s26+$0x6C50];
	[tilespmem:s28+$0xD040] =	vst v12;
	v9 =	vadd.f32 v6, v0  }
0x22e: {  	s29 =	sshra.s32 s30, $0x2;
	s30 =	sadd.s32 $0x200, s30;
	v8 =	vmul.f32 v10, v1;
	v6 =	vld [tilespmem:s26+$0x6C60];
	v10 =	vadd.f32 v11, v0;
	[tilespmem:s28+$0xD050] =	vst v13  }
0x22f: {  	v11 =	vld [tilespmem:s29+$0x6C70];
	[tilespmem:s28+$0xD060] =	vst v9;
	v7 =	vadd.f32 v7, v0;
	v5 =	vmul.f32 v5, v1  }
0x230: {  	v9 =	vld [tilespmem:s29+$0x6C00];
	[tilespmem:s26+$0xD070] =	vst v10;
	v8 =	vadd.f32 v8, v0;
	v3 =	vmul.f32 v3, v1  }
0x231: {  	v10 =	vld [tilespmem:s29+$0x6C10];
	[tilespmem:s26+$0xD000] =	vst v7;
	v5 =	vadd.f32 v5, v0  }
0x232: {  	v2 =	vmul.f32 v2, v1;
	v7 =	vld [tilespmem:s29+$0x6C20];
	[tilespmem:s26+$0xD010] =	vst v8;
	v3 =	vadd.f32 v3, v0  }
0x233: {  	v4 =	vmul.f32 v4, v1;
	v8 =	vld [tilespmem:s29+$0x6C30];
	[tilespmem:s26+$0xD020] =	vst v5  }
0x234: {  	v2 =	vadd.f32 v2, v0;
	v5 =	vld [tilespmem:s29+$0x6C40];
	[tilespmem:s26+$0xD030] =	vst v3;
	v3 =	vmul.f32 v6, v1  }
0x235: {  	v11 =	vmul.f32 v11, v1;
	v4 =	vadd.f32 v4, v0  }
0x236: {  	v6 =	vld [tilespmem:s29+$0x6C50];
	[tilespmem:s26+$0xD040] =	vst v2;
	v2 =	vmul.f32 v9, v1;
	v3 =	vadd.f32 v3, v0  }
0x237: {  	v9 =	vld [tilespmem:s29+$0x6C60];
	v10 =	vmul.f32 v10, v1;
	v11 =	vadd.f32 v11, v0;
	[tilespmem:s26+$0xD050] =	vst v4  }
0x238: {  	v2 =	vadd.f32 v2, v0;
	v4 =	vmul.f32 v7, v1;
	[tilespmem:s26+$0xD060] =	vst v3  }
0x239: {  	v3 =	vadd.f32 v10, v0;
	v7 =	vmul.f32 v8, v1;
	[tilespmem:s29+$0xD070] =	vst v11  }
0x23a: {  	[tilespmem:s29+$0xD000] =	vst v2;
	v2 =	vadd.f32 v4, v0;
	v4 =	vmul.f32 v5, v1  }
0x23b: {  	[tilespmem:s29+$0xD010] =	vst v3;
	v3 =	vadd.f32 v7, v0;
	v5 =	vmul.f32 v6, v1  }
0x23c: {  	s26 =	smul.u32 $0x640000, s25;
	[tilespmem:s29+$0xD020] =	vst v2;
	v2 =	vadd.f32 v4, v0;
	v1 =	vmul.f32 v9, v1  }
0x23d: {  	[tilespmem:s29+$0xD030] =	vst v3;
	v3 =	vadd.f32 v5, v0  }
0x23e: {  	s26 =	sor.u32 s10, s26;
	[tilespmem:s29+$0xD040] =	vst v2;
	v0 =	vadd.f32 v1, v0  }
0x23f: {  	s26 =	sshrl.u32 s26, $0x3;
	[tilespmem:s29+$0xD050] =	vst v3  }
0x240: {  	s26 =	sadd.s32 s1, s26;
	[tilespmem:s29+$0xD060] =	vst v0  }
0x241: {  	[hbm4b:s26+s17] =	stream.strided.scatter [tilespmem:s20], [sflag:$0x1], $0x6400, s18, s17, $0x38;
	[tilespmem:$0x19800] =	vst v63  }
0x242: {  	_ =	swait.ge [sflag:s23], $0x6400  }
0x243: {  	s26 =	sshllo.u32 s25, $0x1;
	[sflag:s23] =	ssyncset.done $0x0  }
0x244: {  	s28 =	sshll.u32 s26, $0x4;
	[sflag:s23] =	ssyncadd.s32 $0xFFFF9C00  }
0x245: {  	v0 =	vld [tilespmem:s28+$0x0]  }
0x246: {  	s29 =	simm.s32 $0x0;
	v1 =	vld [tilespmem:s28+$0x400]  }
0x247: {  	v2 =	vld [tilespmem:s29+$0x6C70]  }
0x248: {  	v3 =	vld [tilespmem:s29+$0x6C00]  }
0x249: {  	v4 =	vld [tilespmem:s29+$0x6C10]  }
0x24a: {  	v5 =	vld [tilespmem:s29+$0x6C20]  }
0x24b: {  	v6 =	vld [tilespmem:s29+$0x6C30]  }
0x24c: {  	v7 =	vld [tilespmem:s29+$0x6C40];
	v2 =	vmul.f32 v2, v1  }
0x24d: {  	v8 =	vld [tilespmem:s29+$0x6C50];
	v3 =	vmul.f32 v3, v1  }
0x24e: {  	s28 =	simm.s32 $0x80;
	v9 =	vld [tilespmem:s29+$0x6C60];
	v4 =	vmul.f32 v4, v1;
	v2 =	vadd.f32 v2, v0  }
0x24f: {  	v10 =	vld [tilespmem:s28+$0x6C70];
	v3 =	vadd.f32 v3, v0  }
0x250: {  	v11 =	vld [tilespmem:s28+$0x6C00];
	v4 =	vadd.f32 v4, v0;
	[tilespmem:s29+$0x13470] =	vst v2;
	v2 =	vmul.f32 v5, v1  }
0x251: {  	v6 =	vmul.f32 v6, v1;
	v12 =	vld [tilespmem:s28+$0x6C10];
	[tilespmem:s29+$0x13400] =	vst v3  }
0x252: {  	v5 =	vld [tilespmem:s28+$0x6C20];
	v2 =	vadd.f32 v2, v0;
	[tilespmem:s29+$0x13410] =	vst v4;
	v4 =	vmul.f32 v7, v1  }
0x253: {  	v6 =	vadd.f32 v6, v0;
	v7 =	vmul.f32 v8, v1  }
0x254: {  	v9 =	vmul.f32 v9, v1;
	v3 =	vld [tilespmem:s28+$0x6C30];
	[tilespmem:s29+$0x13420] =	vst v2;
	v8 =	vadd.f32 v4, v0  }
0x255: {  	v10 =	vmul.f32 v10, v1;
	v13 =	vadd.f32 v7, v0;
	v2 =	vld [tilespmem:s28+$0x6C40];
	[tilespmem:s29+$0x13430] =	vst v6  }
0x256: {  	v9 =	vadd.f32 v9, v0;
	v7 =	vmul.f32 v11, v1;
	v4 =	vld [tilespmem:s28+$0x6C50];
	[tilespmem:s29+$0x13440] =	vst v8  }
0x257: {  	s30 =	simm.s32 $0x100;
	s31 =	simm.s32 $0x600;
	v10 =	vadd.f32 v10, v0;
	v8 =	vmul.f32 v12, v1;
	v6 =	vld [tilespmem:s28+$0x6C60];
	[tilespmem:s29+$0x13450] =	vst v13  }
.LBB2_27:
0x258: {  	p0 =	sne.s32 s31, $0x18E00;
	v11 =	vld [tilespmem:s30+$0x6C70];
	v7 =	vadd.f32 v7, v0;
	v5 =	vmul.f32 v5, v1;
	[tilespmem:s29+$0x13460] =	vst v9;
	s29 =	smov.u32 s28;
	s28 =	smov.u32 s30  }
0x259: {  	v9 =	vld [tilespmem:s28+$0x6C00];
	v8 =	vadd.f32 v8, v0;
	v3 =	vmul.f32 v3, v1;
	[tilespmem:s29+$0x13470] =	vst v10  }
0x25a: {  	v10 =	vld [tilespmem:s28+$0x6C10];
	[tilespmem:s29+$0x13400] =	vst v7;
	v7 =	vadd.f32 v5, v0;
	v2 =	vmul.f32 v2, v1  }
.Ltmp12:
0x25b: {  	v5 =	vld [tilespmem:s28+$0x6C20];
	[tilespmem:s29+$0x13410] =	vst v8;
	v8 =	vadd.f32 v3, v0;
	v4 =	vmul.f32 v4, v1;
	(pc) =	sbr.rel @p0 .LBB2_27-.Ltmp12, $4  }
0x25c: {  	v3 =	vld [tilespmem:s28+$0x6C30];
	[tilespmem:s29+$0x13420] =	vst v7;
	v12 =	vadd.f32 v2, v0;
	v6 =	vmul.f32 v6, v1  }
0x25d: {  	v2 =	vld [tilespmem:s28+$0x6C40];
	v11 =	vmul.f32 v11, v1;
	[tilespmem:s29+$0x13430] =	vst v8;
	v13 =	vadd.f32 v4, v0  }
0x25e: {  	v7 =	vmul.f32 v9, v1;
	v4 =	vld [tilespmem:s28+$0x6C50];
	[tilespmem:s29+$0x13440] =	vst v12;
	v9 =	vadd.f32 v6, v0  }
0x25f: {  	s30 =	sshra.s32 s31, $0x2;
	s31 =	sadd.s32 $0x200, s31;
	v8 =	vmul.f32 v10, v1;
	v6 =	vld [tilespmem:s28+$0x6C60];
	v10 =	vadd.f32 v11, v0;
	[tilespmem:s29+$0x13450] =	vst v13  }
0x260: {  	v11 =	vld [tilespmem:s30+$0x6C70];
	[tilespmem:s29+$0x13460] =	vst v9;
	v7 =	vadd.f32 v7, v0;
	v5 =	vmul.f32 v5, v1  }
0x261: {  	v9 =	vld [tilespmem:s30+$0x6C00];
	[tilespmem:s28+$0x13470] =	vst v10;
	v8 =	vadd.f32 v8, v0;
	v3 =	vmul.f32 v3, v1  }
0x262: {  	v10 =	vld [tilespmem:s30+$0x6C10];
	[tilespmem:s28+$0x13400] =	vst v7;
	v5 =	vadd.f32 v5, v0;
	v2 =	vmul.f32 v2, v1  }
0x263: {  	v7 =	vld [tilespmem:s30+$0x6C20];
	[tilespmem:s28+$0x13410] =	vst v8;
	v3 =	vadd.f32 v3, v0;
	v4 =	vmul.f32 v4, v1  }
0x264: {  	v8 =	vld [tilespmem:s30+$0x6C30];
	[tilespmem:s28+$0x13420] =	vst v5;
	v2 =	vadd.f32 v2, v0;
	v49 =	vmul.f32 v6, v1  }
0x265: {  	v5 =	vld [tilespmem:s30+$0x6C40];
	[tilespmem:s28+$0x13430] =	vst v3;
	v11 =	vmul.f32 v11, v1;
	v4 =	vadd.f32 v4, v0  }
0x266: {  	v50 =	vld [tilespmem:s30+$0x6C50];
	[tilespmem:s28+$0x13440] =	vst v2;
	v51 =	vmul.f32 v9, v1;
	v3 =	vadd.f32 v49, v0  }
0x267: {  	v52 =	vld [tilespmem:s30+$0x6C60];
	v10 =	vmul.f32 v10, v1;
	v11 =	vadd.f32 v11, v0;
	[tilespmem:s28+$0x13450] =	vst v4  }
0x268: {  	v2 =	vadd.f32 v51, v0;
	v53 =	vmul.f32 v7, v1;
	[tilespmem:s28+$0x13460] =	vst v3  }
0x269: {  	v54 =	vadd.f32 v10, v0;
	v55 =	vmul.f32 v8, v1;
	[tilespmem:s30+$0x13470] =	vst v11  }
0x26a: {  	[tilespmem:s30+$0x13400] =	vst v2;
	v56 =	vadd.f32 v53, v0;
	v57 =	vmul.f32 v5, v1  }
0x26b: {  	s25 =	sadd.s32 $0x1, s25;
	[tilespmem:s30+$0x13410] =	vst v54;
	v58 =	vadd.f32 v55, v0;
	v59 =	vmul.f32 v50, v1  }
0x26c: {  	s26 =	smul.u32 $0x320000, s26;
	p0 =	sne.s32 s25, $0x20;
	[tilespmem:s30+$0x13420] =	vst v56;
	v60 =	vadd.f32 v57, v0;
	v61 =	vmul.f32 v52, v1  }
.Ltmp13:
0x26d: {  	[tilespmem:s30+$0x13430] =	vst v58;
	v62 =	vadd.f32 v59, v0;
	(pc) =	sbr.rel @p0 .LBB2_24-.Ltmp13, $4  }
0x26e: {  	s26 =	sor.u32 s10, s26;
	[tilespmem:s30+$0x13440] =	vst v60;
	v63 =	vadd.f32 v61, v0  }
0x26f: {  	s26 =	sshrl.u32 s26, $0x3;
	[tilespmem:s30+$0x13450] =	vst v62  }
0x270: {  	s26 =	sadd.s32 s1, s26;
	[tilespmem:s30+$0x13460] =	vst v63  }
0x271: {  	[hbm4b:s26+s17] =	stream.strided.scatter [tilespmem:s21], [sflag:$0x2], $0x6400, s18, s17, $0x38;
	[tilespmem:$0x19800] =	vst v63  }
0x272: {  	[tilespmem:s19], [sflag:$0x3] =	stream.strided.gather [hbm4b:s14+s17], $0x6400, s18, s17, $0x38;
	[tilespmem:$0x19800] =	vst v63  }
0x273: {  	_ =	swait.ge [sflag:s16], $0x6400  }
0x274: {  	[sflag:s16] =	ssyncset.done $0x0  }
0x275: {  	s26 =	simm.s32 $0x0;
	[sflag:s16] =	ssyncadd.s32 $0xFFFF9C00  }
0x276: {  	v0 =	vld [tilespmem:s26+$0x870]  }
0x277: {  	v1 =	vld [tilespmem:s26+$0x800]  }
0x278: {  	v2 =	vld [tilespmem:s26+$0x810]  }
0x279: {  	v3 =	vld [tilespmem:s26+$0x820]  }
0x27a: {  	v4 =	vld [tilespmem:s26+$0x830]  }
0x27b: {  	v5 =	vld [tilespmem:s26+$0x840]  }
0x27c: {  	v6 =	vld [tilespmem:s26+$0x850];
	_ =	sdelay $0x2  }
0x27d: {  	v0 =	vadd.s32 $0xFFFFFFFF, v0;
	v1 =	vadd.s32 $0xFFFFFFFF, v1;
	v2 =	vadd.s32 $0xFFFFFFFF, v2  }
0x27e: {  	v3 =	vadd.s32 $0xFFFFFFFF, v3;
	v4 =	vadd.s32 $0xFFFFFFFF, v4;
	v5 =	vadd.s32 $0xFFFFFFFF, v5  }
0x27f: {  	v6 =	vadd.s32 $0xFFFFFFFF, v6;
	v7 =	vsub.s32 $0x0, v0;
	v8 =	vsub.s32 $0x0, v1  }
0x280: {  	v9 =	vld [tilespmem:s26+$0x860];
	v10 =	vsub.s32 $0x0, v3;
	v11 =	vsub.s32 $0x0, v4;
	v12 =	vsub.s32 $0x0, v5  }
0x281: {  	v0 =	vmin.u32 v0, v7;
	v7 =	vsub.s32 $0x0, v2;
	v4 =	vmin.u32 v4, v11  }
0x282: {  	v5 =	vmin.u32 v5, v12;
	v0 =	vsub.s32 $0x1, v0;
	v2 =	vmin.u32 v2, v7  }
0x283: {  	v7 =	vmin.u32 v3, v10;
	v4 =	vsub.s32 $0x1, v4;
	vm0 =	vgt.s32 v0, $0x0  }
0x284: {  	v2 =	vsub.s32 $0x1, v2;
	vm1 =	vgt.s32 v4, $0x0;
	v0 =	vnsel vm0, $0x0, v0  }
0x285: {  	v13 =	vcvt.s32.f32 v0;
	v0 =	vmin.u32 v1, v8;
	v8 =	vadd.s32 $0xFFFFFFFF, v9  }
0x286: {  	vm2 =	vgt.s32 v2, $0x0;
	v1 =	vsub.s32 $0x0, v6;
	v9 =	vsub.s32 $0x0, v8  }
0x287: {  	v63 =	vmin.u32 v6, v1;
	v3 =	vsub.s32 $0x1, v0;
	v6 =	vsub.s32 $0x1, v7  }
0x288: {  	v1 =	vsub.s32 $0x1, v5;
	v0 =	vmin.u32 v8, v9;
	vm0 =	vgt.s32 v3, $0x0  }
0x289: {  	s25 =	simm.s32 $0x0;
	s28 =	simm.s32 $0x80;
	s29 =	simm.s32 $0x400;
	v5 =	vsub.s32 $0x1, v63;
	[tilespmem:s26+$0x6C70] =	vst v13;
	vm3 =	vgt.s32 v6, $0x0;
	v0 =	vsub.s32 $0x1, v0  }
.LBB2_30:
0x28a: {  	p0 =	sne.s32 s29, $0x18E00;
	v7 =	vld [tilespmem:s28+$0x870];
	vm4 =	vgt.s32 v1, $0x0;
	vm5 =	vgt.s32 v5, $0x0;
	vm6 =	vgt.s32 v0, $0x0  }
0x28b: {  	v3 =	vnsel vm0, $0x0, v3;
	v2 =	vnsel vm2, $0x0, v2;
	v6 =	vnsel vm3, $0x0, v6;
	v8 =	vld [tilespmem:s28+$0x800]  }
0x28c: {  	v4 =	vnsel vm1, $0x0, v4;
	v1 =	vnsel vm4, $0x0, v1;
	v5 =	vnsel vm5, $0x0, v5;
	v9 =	vld [tilespmem:s28+$0x810]  }
0x28d: {  	v3 =	vcvt.s32.f32 v3;
	v2 =	vcvt.s32.f32 v2;
	v0 =	vnsel vm6, $0x0, v0;
	v10 =	vld [tilespmem:s28+$0x820]  }
0x28e: {  	v6 =	vcvt.s32.f32 v6;
	v4 =	vcvt.s32.f32 v4;
	v11 =	vld [tilespmem:s28+$0x830]  }
0x28f: {  	v1 =	vcvt.s32.f32 v1;
	v12 =	vld [tilespmem:s28+$0x840];
	v7 =	vadd.s32 $0xFFFFFFFF, v7;
	[tilespmem:s26+$0x6C00] =	vst v3;
	v3 =	vcvt.s32.f32 v5  }
0x290: {  	v0 =	vcvt.s32.f32 v0;
	v5 =	vadd.s32 $0xFFFFFFFF, v8;
	v8 =	vld [tilespmem:s28+$0x850];
	v13 =	vsub.s32 $0x0, v7;
	[tilespmem:s26+$0x6C10] =	vst v2  }
0x291: {  	v2 =	vsub.s32 $0x0, v5;
	v9 =	vadd.s32 $0xFFFFFFFF, v9;
	v14 =	vld [tilespmem:s28+$0x860];
	v7 =	vmin.u32 v7, v13;
	[tilespmem:s26+$0x6C20] =	vst v6  }
0x292: {  	v6 =	vsub.s32 $0x0, v9;
	v10 =	vadd.s32 $0xFFFFFFFF, v10;
	v7 =	vsub.s32 $0x1, v7;
	[tilespmem:s26+$0x6C30] =	vst v4  }
0x293: {  	v4 =	vsub.s32 $0x0, v10;
	v11 =	vadd.s32 $0xFFFFFFFF, v11;
	vm0 =	vgt.s32 v7, $0x0;
	[tilespmem:s26+$0x6C40] =	vst v1  }
0x294: {  	v1 =	vsub.s32 $0x0, v11;
	v12 =	vadd.s32 $0xFFFFFFFF, v12;
	v7 =	vnsel vm0, $0x0, v7;
	[tilespmem:s26+$0x6C50] =	vst v3  }
0x295: {  	v3 =	vsub.s32 $0x0, v12;
	v8 =	vadd.s32 $0xFFFFFFFF, v8;
	v7 =	vcvt.s32.f32 v7;
	[tilespmem:s26+$0x6C60] =	vst v0;
	s26 =	smov.u32 s28  }
0x296: {  	v0 =	vmin.u32 v5, v2;
	v2 =	vsub.s32 $0x0, v8;
	v5 =	vadd.s32 $0xFFFFFFFF, v14  }
0x297: {  	v6 =	vmin.u32 v9, v6;
	v4 =	vmin.u32 v10, v4;
	v9 =	vsub.s32 $0x0, v5;
	[tilespmem:s26+$0x6C70] =	vst v7  }
.Ltmp14:
0x298: {  	v1 =	vmin.u32 v11, v1;
	v7 =	vmin.u32 v12, v3;
	v8 =	vmin.u32 v8, v2;
	(pc) =	sbr.rel @p0 .LBB2_30-.Ltmp14, $4  }
0x299: {  	v3 =	vsub.s32 $0x1, v0;
	v2 =	vsub.s32 $0x1, v6;
	v0 =	vmin.u32 v5, v9  }
0x29a: {  	v6 =	vsub.s32 $0x1, v4;
	v4 =	vsub.s32 $0x1, v1;
	v1 =	vsub.s32 $0x1, v7  }
0x29b: {  	vm0 =	vgt.s32 v3, $0x0;
	v5 =	vsub.s32 $0x1, v8;
	v0 =	vsub.s32 $0x1, v0  }
0x29c: {  	s28 =	sshra.s32 s29, $0x2;
	s29 =	sadd.s32 $0x200, s29;
	vm2 =	vgt.s32 v2, $0x0;
	vm3 =	vgt.s32 v6, $0x0;
	vm1 =	vgt.s32 v4, $0x0  }
0x29d: {  	v7 =	vld [tilespmem:s28+$0x870]  }
0x29e: {  	v8 =	vld [tilespmem:s28+$0x800]  }
0x29f: {  	vm4 =	vgt.s32 v1, $0x0;
	v9 =	vld [tilespmem:s28+$0x810]  }
0x2a0: {  	vm5 =	vgt.s32 v5, $0x0;
	vm6 =	vgt.s32 v0, $0x0;
	v3 =	vnsel vm0, $0x0, v3;
	v10 =	vld [tilespmem:s28+$0x820]  }
0x2a1: {  	v2 =	vnsel vm2, $0x0, v2;
	v6 =	vnsel vm3, $0x0, v6;
	v4 =	vnsel vm1, $0x0, v4;
	v11 =	vld [tilespmem:s28+$0x830]  }
0x2a2: {  	v12 =	vld [tilespmem:s28+$0x840];
	v1 =	vnsel vm4, $0x0, v1;
	v3 =	vcvt.s32.f32 v3;
	v2 =	vcvt.s32.f32 v2  }
0x2a3: {  	v5 =	vnsel vm5, $0x0, v5;
	v6 =	vcvt.s32.f32 v6;
	v4 =	vcvt.s32.f32 v4  }
0x2a4: {  	v0 =	vnsel vm6, $0x0, v0;
	v1 =	vcvt.s32.f32 v1;
	v42 =	vcvt.s32.f32 v5  }
0x2a5: {  	v0 =	vcvt.s32.f32 v0;
	v7 =	vadd.s32 $0xFFFFFFFF, v7;
	v43 =	vadd.s32 $0xFFFFFFFF, v8  }
0x2a6: {  	v9 =	vadd.s32 $0xFFFFFFFF, v9;
	v10 =	vadd.s32 $0xFFFFFFFF, v10;
	v11 =	vadd.s32 $0xFFFFFFFF, v11  }
0x2a7: {  	[tilespmem:s26+$0x6C00] =	vst v3;
	v12 =	vadd.s32 $0xFFFFFFFF, v12;
	v13 =	vsub.s32 $0x0, v7;
	v45 =	vsub.s32 $0x0, v43  }
0x2a8: {  	v44 =	vld [tilespmem:s28+$0x850];
	v46 =	vsub.s32 $0x0, v9;
	v47 =	vsub.s32 $0x0, v10;
	v48 =	vsub.s32 $0x0, v11  }
0x2a9: {  	[tilespmem:s26+$0x6C10] =	vst v2;
	v49 =	vsub.s32 $0x0, v12;
	v7 =	vmin.u32 v7, v13;
	v2 =	vmin.u32 v43, v45  }
0x2aa: {  	v9 =	vmin.u32 v9, v46;
	v5 =	vmin.u32 v10, v47;
	v11 =	vmin.u32 v11, v48  }
0x2ab: {  	v14 =	vld [tilespmem:s28+$0x860];
	v10 =	vmin.u32 v12, v49;
	v7 =	vsub.s32 $0x1, v7;
	v2 =	vsub.s32 $0x1, v2  }
0x2ac: {  	v53 =	vsub.s32 $0x1, v9;
	v5 =	vsub.s32 $0x1, v5;
	v55 =	vsub.s32 $0x1, v11  }
0x2ad: {  	v56 =	vsub.s32 $0x1, v10;
	vm8 =	vgt.s32 v7, $0x0;
	v8 =	vadd.s32 $0xFFFFFFFF, v44  }
0x2ae: {  	[tilespmem:s26+$0x6C20] =	vst v6;
	vm9 =	vgt.s32 v2, $0x0;
	vm10 =	vgt.s32 v53, $0x0;
	vm11 =	vgt.s32 v5, $0x0  }
0x2af: {  	[tilespmem:s26+$0x6C30] =	vst v4;
	vm12 =	vgt.s32 v55, $0x0;
	vm13 =	vgt.s32 v56, $0x0;
	v7 =	vnsel vm8, $0x0, v7  }
0x2b0: {  	[tilespmem:s26+$0x6C40] =	vst v1;
	v14 =	vadd.s32 $0xFFFFFFFF, v14;
	v50 =	vsub.s32 $0x0, v8;
	v2 =	vnsel vm9, $0x0, v2  }
0x2b1: {  	[tilespmem:s26+$0x6C50] =	vst v42;
	v58 =	vnsel vm10, $0x0, v53;
	v59 =	vnsel vm11, $0x0, v5;
	v7 =	vcvt.s32.f32 v7  }
0x2b2: {  	[tilespmem:s26+$0x6C60] =	vst v0;
	v60 =	vnsel vm12, $0x0, v55;
	v1 =	vnsel vm13, $0x0, v56;
	v2 =	vcvt.s32.f32 v2  }
0x2b3: {  	v51 =	vsub.s32 $0x0, v14;
	v52 =	vmin.u32 v8, v50;
	v0 =	vcvt.s32.f32 v58;
	[tilespmem:s28+$0x6C70] =	vst v7  }
0x2b4: {  	v4 =	vcvt.s32.f32 v59;
	v54 =	vmin.u32 v14, v51;
	v6 =	vsub.s32 $0x1, v52;
	[tilespmem:s28+$0x6C00] =	vst v2  }
0x2b5: {  	v61 =	vcvt.s32.f32 v60;
	v57 =	vsub.s32 $0x1, v54;
	vm14 =	vgt.s32 v6, $0x0;
	[tilespmem:s28+$0x6C10] =	vst v0  }
0x2b6: {  	v1 =	vcvt.s32.f32 v1;
	[tilespmem:s28+$0x6C20] =	vst v4;
	vm15 =	vgt.s32 v57, $0x0;
	v62 =	vnsel vm14, $0x0, v6  }
0x2b7: {  	[tilespmem:s28+$0x6C30] =	vst v61;
	v3 =	vnsel vm15, $0x0, v57;
	v0 =	vcvt.s32.f32 v62  }
0x2b8: {  	[tilespmem:s28+$0x6C40] =	vst v1;
	v63 =	vcvt.s32.f32 v3  }
0x2b9: {  	[tilespmem:s28+$0x6C50] =	vst v0  }
0x2ba: {  	[tilespmem:s28+$0x6C60] =	vst v63  }
.LBB2_32:
0x2bb: {  	_ =	swait.ge [sflag:s22], $0x6400  }
0x2bc: {  	[sflag:s22] =	ssyncset.done $0x0  }
0x2bd: {  	s26 =	sshll.u32 s25, $0x5;
	[sflag:s22] =	ssyncadd.s32 $0xFFFF9C00  }
0x2be: {  	v0 =	vld [tilespmem:s26+$0x0]  }
0x2bf: {  	s28 =	simm.s32 $0x0;
	v1 =	vld [tilespmem:s26+$0x400]  }
0x2c0: {  	v2 =	vld [tilespmem:s28+$0x6C70]  }
0x2c1: {  	v3 =	vld [tilespmem:s28+$0x6C00]  }
0x2c2: {  	v4 =	vld [tilespmem:s28+$0x6C10]  }
0x2c3: {  	v5 =	vld [tilespmem:s28+$0x6C20]  }
0x2c4: {  	v6 =	vld [tilespmem:s28+$0x6C30]  }
0x2c5: {  	v7 =	vld [tilespmem:s28+$0x6C40];
	v2 =	vmul.f32 v2, v1  }
0x2c6: {  	v8 =	vld [tilespmem:s28+$0x6C50];
	v3 =	vmul.f32 v3, v1  }
0x2c7: {  	s26 =	simm.s32 $0x80;
	v9 =	vld [tilespmem:s28+$0x6C60];
	v4 =	vmul.f32 v4, v1;
	v2 =	vadd.f32 v2, v0  }
0x2c8: {  	v10 =	vld [tilespmem:s26+$0x6C70];
	v3 =	vadd.f32 v3, v0  }
0x2c9: {  	v11 =	vld [tilespmem:s26+$0x6C00];
	v4 =	vadd.f32 v4, v0;
	[tilespmem:s28+$0xD070] =	vst v2;
	v2 =	vmul.f32 v5, v1  }
0x2ca: {  	v6 =	vmul.f32 v6, v1;
	v12 =	vld [tilespmem:s26+$0x6C10];
	[tilespmem:s28+$0xD000] =	vst v3  }
0x2cb: {  	v5 =	vld [tilespmem:s26+$0x6C20];
	v2 =	vadd.f32 v2, v0;
	[tilespmem:s28+$0xD010] =	vst v4;
	v4 =	vmul.f32 v7, v1  }
0x2cc: {  	v6 =	vadd.f32 v6, v0;
	v7 =	vmul.f32 v8, v1  }
0x2cd: {  	v9 =	vmul.f32 v9, v1;
	v3 =	vld [tilespmem:s26+$0x6C30];
	[tilespmem:s28+$0xD020] =	vst v2;
	v8 =	vadd.f32 v4, v0  }
0x2ce: {  	v10 =	vmul.f32 v10, v1;
	v13 =	vadd.f32 v7, v0;
	v2 =	vld [tilespmem:s26+$0x6C40];
	[tilespmem:s28+$0xD030] =	vst v6  }
0x2cf: {  	v9 =	vadd.f32 v9, v0;
	v7 =	vmul.f32 v11, v1;
	v4 =	vld [tilespmem:s26+$0x6C50];
	[tilespmem:s28+$0xD040] =	vst v8  }
0x2d0: {  	s29 =	simm.s32 $0x100;
	s30 =	simm.s32 $0x600;
	v10 =	vadd.f32 v10, v0;
	v8 =	vmul.f32 v12, v1;
	v6 =	vld [tilespmem:s26+$0x6C60];
	[tilespmem:s28+$0xD050] =	vst v13  }
.LBB2_33:
0x2d1: {  	p0 =	sne.s32 s30, $0x18E00;
	v11 =	vld [tilespmem:s29+$0x6C70];
	v7 =	vadd.f32 v7, v0;
	v5 =	vmul.f32 v5, v1;
	[tilespmem:s28+$0xD060] =	vst v9;
	s28 =	smov.u32 s26;
	s26 =	smov.u32 s29  }
0x2d2: {  	v9 =	vld [tilespmem:s26+$0x6C00];
	v8 =	vadd.f32 v8, v0;
	v3 =	vmul.f32 v3, v1;
	[tilespmem:s28+$0xD070] =	vst v10  }
0x2d3: {  	v10 =	vld [tilespmem:s26+$0x6C10];
	[tilespmem:s28+$0xD000] =	vst v7;
	v7 =	vadd.f32 v5, v0;
	v2 =	vmul.f32 v2, v1  }
.Ltmp15:
0x2d4: {  	v5 =	vld [tilespmem:s26+$0x6C20];
	[tilespmem:s28+$0xD010] =	vst v8;
	v8 =	vadd.f32 v3, v0;
	v4 =	vmul.f32 v4, v1;
	(pc) =	sbr.rel @p0 .LBB2_33-.Ltmp15, $4  }
0x2d5: {  	v3 =	vld [tilespmem:s26+$0x6C30];
	[tilespmem:s28+$0xD020] =	vst v7;
	v12 =	vadd.f32 v2, v0;
	v6 =	vmul.f32 v6, v1  }
0x2d6: {  	v2 =	vld [tilespmem:s26+$0x6C40];
	v11 =	vmul.f32 v11, v1;
	[tilespmem:s28+$0xD030] =	vst v8;
	v13 =	vadd.f32 v4, v0  }
0x2d7: {  	v7 =	vmul.f32 v9, v1;
	v4 =	vld [tilespmem:s26+$0x6C50];
	[tilespmem:s28+$0xD040] =	vst v12;
	v9 =	vadd.f32 v6, v0  }
0x2d8: {  	s29 =	sshra.s32 s30, $0x2;
	s30 =	sadd.s32 $0x200, s30;
	v8 =	vmul.f32 v10, v1;
	v6 =	vld [tilespmem:s26+$0x6C60];
	v10 =	vadd.f32 v11, v0;
	[tilespmem:s28+$0xD050] =	vst v13  }
0x2d9: {  	v11 =	vld [tilespmem:s29+$0x6C70];
	[tilespmem:s28+$0xD060] =	vst v9;
	v7 =	vadd.f32 v7, v0;
	v5 =	vmul.f32 v5, v1  }
0x2da: {  	v9 =	vld [tilespmem:s29+$0x6C00];
	[tilespmem:s26+$0xD070] =	vst v10;
	v8 =	vadd.f32 v8, v0;
	v3 =	vmul.f32 v3, v1  }
0x2db: {  	v10 =	vld [tilespmem:s29+$0x6C10];
	[tilespmem:s26+$0xD000] =	vst v7;
	v5 =	vadd.f32 v5, v0  }
0x2dc: {  	v2 =	vmul.f32 v2, v1;
	v7 =	vld [tilespmem:s29+$0x6C20];
	[tilespmem:s26+$0xD010] =	vst v8;
	v3 =	vadd.f32 v3, v0  }
0x2dd: {  	v4 =	vmul.f32 v4, v1;
	v8 =	vld [tilespmem:s29+$0x6C30];
	[tilespmem:s26+$0xD020] =	vst v5  }
0x2de: {  	v2 =	vadd.f32 v2, v0;
	v5 =	vld [tilespmem:s29+$0x6C40];
	[tilespmem:s26+$0xD030] =	vst v3;
	v3 =	vmul.f32 v6, v1  }
0x2df: {  	v11 =	vmul.f32 v11, v1;
	v4 =	vadd.f32 v4, v0  }
0x2e0: {  	v6 =	vld [tilespmem:s29+$0x6C50];
	[tilespmem:s26+$0xD040] =	vst v2;
	v2 =	vmul.f32 v9, v1;
	v3 =	vadd.f32 v3, v0  }
0x2e1: {  	v9 =	vld [tilespmem:s29+$0x6C60];
	v10 =	vmul.f32 v10, v1;
	v11 =	vadd.f32 v11, v0;
	[tilespmem:s26+$0xD050] =	vst v4  }
0x2e2: {  	v2 =	vadd.f32 v2, v0;
	v4 =	vmul.f32 v7, v1;
	[tilespmem:s26+$0xD060] =	vst v3  }
0x2e3: {  	v3 =	vadd.f32 v10, v0;
	v7 =	vmul.f32 v8, v1;
	[tilespmem:s29+$0xD070] =	vst v11  }
0x2e4: {  	[tilespmem:s29+$0xD000] =	vst v2;
	v2 =	vadd.f32 v4, v0;
	v4 =	vmul.f32 v5, v1  }
0x2e5: {  	[tilespmem:s29+$0xD010] =	vst v3;
	v3 =	vadd.f32 v7, v0;
	v5 =	vmul.f32 v6, v1  }
0x2e6: {  	s26 =	smul.u32 $0x640000, s25;
	[tilespmem:s29+$0xD020] =	vst v2;
	v2 =	vadd.f32 v4, v0;
	v1 =	vmul.f32 v9, v1  }
0x2e7: {  	[tilespmem:s29+$0xD030] =	vst v3;
	v3 =	vadd.f32 v5, v0  }
0x2e8: {  	s26 =	sor.u32 s11, s26;
	[tilespmem:s29+$0xD040] =	vst v2;
	v0 =	vadd.f32 v1, v0  }
0x2e9: {  	s26 =	sshrl.u32 s26, $0x3;
	[tilespmem:s29+$0xD050] =	vst v3  }
0x2ea: {  	s26 =	sadd.s32 s1, s26;
	[tilespmem:s29+$0xD060] =	vst v0  }
0x2eb: {  	[hbm4b:s26+s17] =	stream.strided.scatter [tilespmem:s20], [sflag:$0x1], $0x6400, s18, s17, $0x38;
	[tilespmem:$0x19800] =	vst v63  }
0x2ec: {  	_ =	swait.ge [sflag:s23], $0x6400  }
0x2ed: {  	s26 =	sshllo.u32 s25, $0x1;
	[sflag:s23] =	ssyncset.done $0x0  }
0x2ee: {  	s28 =	sshll.u32 s26, $0x4;
	[sflag:s23] =	ssyncadd.s32 $0xFFFF9C00  }
0x2ef: {  	v0 =	vld [tilespmem:s28+$0x0]  }
0x2f0: {  	s29 =	simm.s32 $0x0;
	v1 =	vld [tilespmem:s28+$0x400]  }
0x2f1: {  	v2 =	vld [tilespmem:s29+$0x6C70]  }
0x2f2: {  	v3 =	vld [tilespmem:s29+$0x6C00]  }
0x2f3: {  	v4 =	vld [tilespmem:s29+$0x6C10]  }
0x2f4: {  	v5 =	vld [tilespmem:s29+$0x6C20]  }
0x2f5: {  	v6 =	vld [tilespmem:s29+$0x6C30]  }
0x2f6: {  	v7 =	vld [tilespmem:s29+$0x6C40];
	v2 =	vmul.f32 v2, v1  }
0x2f7: {  	v8 =	vld [tilespmem:s29+$0x6C50];
	v3 =	vmul.f32 v3, v1  }
0x2f8: {  	s28 =	simm.s32 $0x80;
	v9 =	vld [tilespmem:s29+$0x6C60];
	v4 =	vmul.f32 v4, v1;
	v2 =	vadd.f32 v2, v0  }
0x2f9: {  	v10 =	vld [tilespmem:s28+$0x6C70];
	v3 =	vadd.f32 v3, v0  }
0x2fa: {  	v11 =	vld [tilespmem:s28+$0x6C00];
	v4 =	vadd.f32 v4, v0;
	[tilespmem:s29+$0x13470] =	vst v2;
	v2 =	vmul.f32 v5, v1  }
0x2fb: {  	v6 =	vmul.f32 v6, v1;
	v12 =	vld [tilespmem:s28+$0x6C10];
	[tilespmem:s29+$0x13400] =	vst v3  }
0x2fc: {  	v5 =	vld [tilespmem:s28+$0x6C20];
	v2 =	vadd.f32 v2, v0;
	[tilespmem:s29+$0x13410] =	vst v4;
	v4 =	vmul.f32 v7, v1  }
0x2fd: {  	v6 =	vadd.f32 v6, v0;
	v7 =	vmul.f32 v8, v1  }
0x2fe: {  	v9 =	vmul.f32 v9, v1;
	v3 =	vld [tilespmem:s28+$0x6C30];
	[tilespmem:s29+$0x13420] =	vst v2;
	v8 =	vadd.f32 v4, v0  }
0x2ff: {  	v10 =	vmul.f32 v10, v1;
	v13 =	vadd.f32 v7, v0;
	v2 =	vld [tilespmem:s28+$0x6C40];
	[tilespmem:s29+$0x13430] =	vst v6  }
0x300: {  	v9 =	vadd.f32 v9, v0;
	v7 =	vmul.f32 v11, v1;
	v4 =	vld [tilespmem:s28+$0x6C50];
	[tilespmem:s29+$0x13440] =	vst v8  }
0x301: {  	s30 =	simm.s32 $0x100;
	s31 =	simm.s32 $0x600;
	v10 =	vadd.f32 v10, v0;
	v8 =	vmul.f32 v12, v1;
	v6 =	vld [tilespmem:s28+$0x6C60];
	[tilespmem:s29+$0x13450] =	vst v13  }
.LBB2_35:
0x302: {  	p0 =	sne.s32 s31, $0x18E00;
	v11 =	vld [tilespmem:s30+$0x6C70];
	v7 =	vadd.f32 v7, v0;
	v5 =	vmul.f32 v5, v1;
	[tilespmem:s29+$0x13460] =	vst v9;
	s29 =	smov.u32 s28;
	s28 =	smov.u32 s30  }
0x303: {  	v9 =	vld [tilespmem:s28+$0x6C00];
	v8 =	vadd.f32 v8, v0;
	v3 =	vmul.f32 v3, v1;
	[tilespmem:s29+$0x13470] =	vst v10  }
0x304: {  	v10 =	vld [tilespmem:s28+$0x6C10];
	[tilespmem:s29+$0x13400] =	vst v7;
	v7 =	vadd.f32 v5, v0;
	v2 =	vmul.f32 v2, v1  }
.Ltmp16:
0x305: {  	v5 =	vld [tilespmem:s28+$0x6C20];
	[tilespmem:s29+$0x13410] =	vst v8;
	v8 =	vadd.f32 v3, v0;
	v4 =	vmul.f32 v4, v1;
	(pc) =	sbr.rel @p0 .LBB2_35-.Ltmp16, $4  }
0x306: {  	v3 =	vld [tilespmem:s28+$0x6C30];
	[tilespmem:s29+$0x13420] =	vst v7;
	v12 =	vadd.f32 v2, v0;
	v6 =	vmul.f32 v6, v1  }
0x307: {  	v2 =	vld [tilespmem:s28+$0x6C40];
	v11 =	vmul.f32 v11, v1;
	[tilespmem:s29+$0x13430] =	vst v8;
	v13 =	vadd.f32 v4, v0  }
0x308: {  	v7 =	vmul.f32 v9, v1;
	v4 =	vld [tilespmem:s28+$0x6C50];
	[tilespmem:s29+$0x13440] =	vst v12;
	v9 =	vadd.f32 v6, v0  }
0x309: {  	s30 =	sshra.s32 s31, $0x2;
	s31 =	sadd.s32 $0x200, s31;
	v8 =	vmul.f32 v10, v1;
	v6 =	vld [tilespmem:s28+$0x6C60];
	v10 =	vadd.f32 v11, v0;
	[tilespmem:s29+$0x13450] =	vst v13  }
0x30a: {  	v11 =	vld [tilespmem:s30+$0x6C70];
	[tilespmem:s29+$0x13460] =	vst v9;
	v7 =	vadd.f32 v7, v0;
	v5 =	vmul.f32 v5, v1  }
0x30b: {  	v9 =	vld [tilespmem:s30+$0x6C00];
	[tilespmem:s28+$0x13470] =	vst v10;
	v8 =	vadd.f32 v8, v0;
	v3 =	vmul.f32 v3, v1  }
0x30c: {  	v10 =	vld [tilespmem:s30+$0x6C10];
	[tilespmem:s28+$0x13400] =	vst v7;
	v5 =	vadd.f32 v5, v0;
	v2 =	vmul.f32 v2, v1  }
0x30d: {  	v7 =	vld [tilespmem:s30+$0x6C20];
	[tilespmem:s28+$0x13410] =	vst v8;
	v3 =	vadd.f32 v3, v0;
	v4 =	vmul.f32 v4, v1  }
0x30e: {  	v8 =	vld [tilespmem:s30+$0x6C30];
	[tilespmem:s28+$0x13420] =	vst v5;
	v2 =	vadd.f32 v2, v0;
	v49 =	vmul.f32 v6, v1  }
0x30f: {  	v5 =	vld [tilespmem:s30+$0x6C40];
	[tilespmem:s28+$0x13430] =	vst v3;
	v11 =	vmul.f32 v11, v1;
	v4 =	vadd.f32 v4, v0  }
0x310: {  	v50 =	vld [tilespmem:s30+$0x6C50];
	[tilespmem:s28+$0x13440] =	vst v2;
	v51 =	vmul.f32 v9, v1;
	v3 =	vadd.f32 v49, v0  }
0x311: {  	v52 =	vld [tilespmem:s30+$0x6C60];
	v10 =	vmul.f32 v10, v1;
	v11 =	vadd.f32 v11, v0;
	[tilespmem:s28+$0x13450] =	vst v4  }
0x312: {  	v2 =	vadd.f32 v51, v0;
	v53 =	vmul.f32 v7, v1;
	[tilespmem:s28+$0x13460] =	vst v3  }
0x313: {  	v54 =	vadd.f32 v10, v0;
	v55 =	vmul.f32 v8, v1;
	[tilespmem:s30+$0x13470] =	vst v11  }
0x314: {  	[tilespmem:s30+$0x13400] =	vst v2;
	v56 =	vadd.f32 v53, v0;
	v57 =	vmul.f32 v5, v1  }
0x315: {  	s25 =	sadd.s32 $0x1, s25;
	[tilespmem:s30+$0x13410] =	vst v54;
	v58 =	vadd.f32 v55, v0;
	v59 =	vmul.f32 v50, v1  }
0x316: {  	s26 =	smul.u32 $0x320000, s26;
	p0 =	sne.s32 s25, $0x20;
	[tilespmem:s30+$0x13420] =	vst v56;
	v60 =	vadd.f32 v57, v0;
	v61 =	vmul.f32 v52, v1  }
.Ltmp17:
0x317: {  	[tilespmem:s30+$0x13430] =	vst v58;
	v62 =	vadd.f32 v59, v0;
	(pc) =	sbr.rel @p0 .LBB2_32-.Ltmp17, $4  }
0x318: {  	s26 =	sor.u32 s11, s26;
	[tilespmem:s30+$0x13440] =	vst v60;
	v63 =	vadd.f32 v61, v0  }
0x319: {  	s26 =	sshrl.u32 s26, $0x3;
	[tilespmem:s30+$0x13450] =	vst v62  }
0x31a: {  	s26 =	sadd.s32 s1, s26;
	[tilespmem:s30+$0x13460] =	vst v63  }
0x31b: {  	[hbm4b:s26+s17] =	stream.strided.scatter [tilespmem:s21], [sflag:$0x2], $0x6400, s18, s17, $0x38;
	[tilespmem:$0x19800] =	vst v63  }
0x31c: {  	s24 =	sadd.s32 $0x1, s24  }
0x31d: {  	_ =	swait.ge [sflag:s22], $0x6400;
	p0 =	sne.s32 s24, s15  }
.Ltmp18:
0x31e: {  	[sflag:s22] =	ssyncset.done $0x0;
	(pc) =	sbr.rel @p0 .LBB2_1-.Ltmp18, $4  }
0x31f: {  	[sflag:s22] =	ssyncadd.s32 $0xFFFF9C00  }
0x320: {  	_ =	swait.ge [sflag:s23], $0x6400  }
0x321: {  	[sflag:s23] =	ssyncset.done $0x0  }
0x322: {  	[sflag:s23] =	ssyncadd.s32 $0xFFFF9C00  }
0x323: {  	_ =	sfence.sel $0x180000  }
0x324: {  	[bflag:$0x0] =	sbarrier.arrive $0xFFFF  }
0x325: {  	p0 =	sne.s32 s3, $0x0;
	_ =	strace $0x90000047  }
0x326: {  	s0 =	sadd.s32 @!p0 $0x100000, s0;
	[bflag:$0x2] =	sbarrier.arrive $0xFFFF  }
0x327: {  	[sflag:s0] =	ssyncadd.tile.s32 @!p0 $0x1;
	_ =	shalt  }
.Lfunc_end2:
_tile_overlayer_lowered:
.L_overlay_start_2:
0x328: {  	(tag) =	ssettag $0x2  }
0x329: {  	s0 =	rddreg [dreg:$0x0];
	s2 =	stileid.u32  }
0x32a: {  	s1 =	rddreg [dreg:$0x1];
	p0 =	sne.s32 s2, $0x0  }
0x32b: {  	s3 =	rddreg [dreg:$0x2];
	[bflag:$0x3] =	sbarrier.arrive $0xFFFF;
	s2 =	simm.s32 @!p0 $0x1C03  }
0x32c: {  	[timem:s3], [sflag:s2] =	dma.local @!p0 [hbm:s0], s1  }
0x32d: {  	s0 =	simm.s32 @!p0 $0x3  }
0x32e: {  	_ =	swait.ge @!p0 [sflag:s0], s1  }
0x32f: {  	s1 =	ssub.s32 @!p0 $0x0, s1;
	[sflag:s0] =	ssyncset.done @!p0 $0x0  }
0x330: {  	[sflag:s0] =	ssyncadd.s32 @!p0 s1  }
0x331: {  	[bflag:$0x3] =	sbarrier.arrive $0xFFFF  }
0x332: {  	_ =	shalt  }

</sc_bundles>
